<compile_context>
chip_gen: v7x
topology: tpu7x:2x2x1
jax: 0.10.2.dev20260603
libtpu: 0.0.44.dev20260713+nightly
codegen_flags: <defaults>
</compile_context>

<pallas_src>
import functools

import jax
import jax.numpy as jnp
from jax import lax
from jax.experimental import pallas as pl
from jax.experimental.pallas import tpu as pltpu
from jax.experimental.pallas import tpu_sc as plsc

_EMBED_DIM = 32
_CHUNK = 128
_INFO = plsc.get_sparse_core_info()
_NC, _NS = _INFO.num_cores, _INFO.num_subcores
_NW = _NC * _NS


def _make_gather(n_rows: int):
    assert n_rows % (_NW * _CHUNK) == 0
    rows_per_w = n_rows // _NW
    chunks_per_w = rows_per_w // _CHUNK
    mesh = plsc.VectorSubcoreMesh(core_axis_name="c", subcore_axis_name="s")

    @functools.partial(
        pl.kernel,
        mesh=mesh,
        compiler_params=pltpu.CompilerParams(use_tc_tiling_on_sc=False),
        out_type=jax.ShapeDtypeStruct((n_rows, _EMBED_DIM), jnp.float32),
        scratch_types=[
            pltpu.VMEM((rows_per_w,), jnp.int32),
            pltpu.VMEM((rows_per_w, _EMBED_DIM), jnp.float32),
            pltpu.SemaphoreType.DMA,
        ],
    )
    def gather(idx_hbm, table_hbm, out_hbm, idx_v, rows_v, sem):
        wid = lax.axis_index("s") * _NC + lax.axis_index("c")
        pltpu.sync_copy(idx_hbm.at[pl.ds(wid * rows_per_w, rows_per_w)],
                        idx_v)
        copies = []
        for j in range(chunks_per_w):
            copies.append(
                pltpu.async_copy(table_hbm.at[idx_v.at[pl.ds(j * _CHUNK,
                                                             _CHUNK)]],
                                 rows_v.at[pl.ds(j * _CHUNK, _CHUNK)],
                                 sem))
        for c in copies:
            c.wait()
        pltpu.sync_copy(rows_v,
                        out_hbm.at[pl.ds(wid * rows_per_w, rows_per_w)])

    return gather


def _transpose_block(src_ref, dst_ref):
    bc = src_ref.shape[1]
    p = jax.lax.broadcasted_iota(jnp.int32, (256, 256), 0)
    j = jax.lax.broadcasted_iota(jnp.int32, (256, 256), 1)
    sel = (j == 4 * (p % 64) + p // 64).astype(jnp.float32)
    for g in range(bc // 256):
        a = src_ref[:, g * 256:(g + 1) * 256]
        t = jax.lax.dot_general(sel, a, (((1,), (1,)), ((), ())),
                                preferred_element_type=jnp.float32)
        dst_ref[g * 64:(g + 1) * 64, :] = jnp.concatenate(
            [t[m * 64:(m + 1) * 64, :] for m in range(4)], axis=1)


def _make_transpose(n_vocab: int):
    bc = 32768
    grid = (n_vocab + bc - 1) // bc
    n4 = n_vocab // 4
    return pl.pallas_call(
        _transpose_block,
        grid=(grid,),
        in_specs=[pl.BlockSpec((_EMBED_DIM, bc), lambda b: (0, b))],
        out_specs=pl.BlockSpec((bc // 4, 128), lambda b: (b, 0)),
        out_shape=jax.ShapeDtypeStruct((n4, 128), jnp.float32),
    )


def kernel(x, weight):
    b, f = x.shape
    n_rows = b * f
    n_vocab, d = weight.shape
    idx = x.astype(jnp.int32).reshape(n_rows)
    w_lin = _make_transpose(n_vocab)(weight.T)
    out = _make_gather(n_rows)(idx, w_lin.reshape(n_vocab, d))
    return out.reshape(b, f, _EMBED_DIM)

# --- scband reference (transcript-rebuilt; emitter-appended) ---
"""Pipeline reference for scband-embedding-module-38113539784739 (READ-ONLY COPY).

The authoritative reference and input builder live on the scoring server;
editing this copy changes nothing except your own understanding.
"""

import jax, jax.numpy as jnp
import numpy as np

NUM_EMBEDDING = 1000000
EMBEDDING_DIM = 32
BATCH = 4096
N_FIELDS = 26

def setup_inputs(seed: int = 0) -> dict:
    key = jax.random.key(seed)
    k_idx, k_w = jax.random.split(key)
    x = jax.random.randint(k_idx, (BATCH, N_FIELDS), 0, NUM_EMBEDDING, dtype=jnp.int64 if jax.config.jax_enable_x64 else jnp.int32)
    weight = jax.random.normal(k_w, (NUM_EMBEDDING, EMBEDDING_DIM), dtype=jnp.float32) * 0.02
    return {"x": x, "weight": weight}

def reference(x, weight):
    # Faithful translation of the nested-loop gather: out[i, j] = weight[x[i, j]]
    # which is exactly an embedding lookup (gather along axis 0).
    return jnp.take(weight, x, axis=0)

if __name__ == "__main__":
    import jax
    _d = setup_inputs()
    print(jax.jit(kernel)(*tuple(_d.values())))

</pallas_src>

<mosaic_0001>
#map = affine_map<(d0, d1) -> (0)>
#map1 = affine_map<(d0, d1) -> (0, 0)>
module attributes {stable_mosaic.version = 14 : i64} {
  func.func @gather(%arg0: i32, %arg1: i32, %arg2: memref<106496xi32, #tpu.memory_space<hbm>>, %arg3: memref<1000000x32xf32, #tpu.memory_space<hbm>>, %arg4: memref<106496x32xf32, #tpu.memory_space<hbm>>, %arg5: memref<3328xi32, #tpu.memory_space<vmem>>, %arg6: memref<3328x32xf32, #tpu.memory_space<vmem>>, %arg7: memref<!tpu.dma_semaphore, #tpu.memory_space<semaphore_mem>>) attributes {dimension_semantics = [#tpu.dimension_semantics<core_parallel>, #tpu.dimension_semantics<subcore_parallel>], iteration_bounds = array<i64: 2, 16>, scalar_prefetch = 0 : i64, scratch_operands = 3 : i64, tpu.core_type = #tpu.core_type<sc_vector_subcore>, window_params = [{transform_indices = #map}, {transform_indices = #map1}, {transform_indices = #map1}]} {
    %mul3A = arith.constant 2 : i32
    %mul3A_0 = arith.muli %arg1, %mul3A : i32
    %add3A = arith.addi %mul3A_0, %arg0 : i32
    %mul3A_1 = arith.constant 3328 : i32
    %mul3A_2 = arith.muli %add3A, %mul3A_1 : i32
    "tpu.region"() ({
      %run_scoped3A = tpu.sem_alloc : memref<!tpu.dma_semaphore, #tpu.memory_space<semaphore_mem>>
      %dma_start3A_419 = tpu.memref_slice %arg2[%mul3A_2] : memref<106496xi32, #tpu.memory_space<hbm>> -> memref<3328xi32, #tpu.memory_space<hbm>>
      %dma_start3A_420 = tpu.memref_slice %arg2[%mul3A_2] : memref<106496xi32, #tpu.memory_space<hbm>> -> memref<3328xi32, #tpu.memory_space<hbm>>
      tpu.enqueue_dma source(%dma_start3A_420 : memref<3328xi32, #tpu.memory_space<hbm>>) target(%arg5 : memref<3328xi32, #tpu.memory_space<vmem>>) target_semaphore(%run_scoped3A : memref<!tpu.dma_semaphore, #tpu.memory_space<semaphore_mem>>)
      %dma_wait3A_421 = tpu.memref_slice %arg2[%mul3A_2] : memref<106496xi32, #tpu.memory_space<hbm>> -> memref<3328xi32, #tpu.memory_space<hbm>>
      %dma_wait3A_422 = tpu.memref_slice %arg2[%mul3A_2] : memref<106496xi32, #tpu.memory_space<hbm>> -> memref<3328xi32, #tpu.memory_space<hbm>>
      tpu.wait_dma2 semaphore(%run_scoped3A : memref<!tpu.dma_semaphore, #tpu.memory_space<semaphore_mem>>) src(%dma_wait3A_422 : memref<3328xi32, #tpu.memory_space<hbm>>) dst(%arg5 : memref<3328xi32, #tpu.memory_space<vmem>>)
      tpu.yield
    }) : () -> ()
    %dma_start3A = arith.constant 0 : i32
    %dma_start3A_3 = arith.constant 0 : i32
    %dma_start3A_4 = tpu.memref_slice %arg6[%dma_start3A, %dma_start3A_3] : memref<3328x32xf32, #tpu.memory_space<vmem>> -> memref<128x32xf32, #tpu.memory_space<vmem>>
    %dma_start3A_5 = arith.constant 0 : i32
    %dma_start3A_6 = tpu.memref_slice %arg5[%dma_start3A_5] : memref<3328xi32, #tpu.memory_space<vmem>> -> memref<128xi32, #tpu.memory_space<vmem>>
    %dma_start3A_7 = arith.constant 0 : i32
    %dma_start3A_8 = arith.constant 0 : i32
    %dma_start3A_9 = tpu.memref_slice %arg3[%dma_start3A_7, %dma_start3A_8] : memref<1000000x32xf32, #tpu.memory_space<hbm>> -> memref<1000000x32xf32, #tpu.memory_space<hbm>>
    tpu.enqueue_indirect_dma source(%dma_start3A_9 : memref<1000000x32xf32, #tpu.memory_space<hbm>>) target(%dma_start3A_4 : memref<128x32xf32, #tpu.memory_space<vmem>>) offsets(%dma_start3A_6 : memref<128xi32, #tpu.memory_space<vmem>>) semaphore(%arg7 : memref<!tpu.dma_semaphore, #tpu.memory_space<semaphore_mem>>)
    %dma_start3A_10 = arith.constant 128 : i32
    %dma_start3A_11 = arith.constant 0 : i32
    %dma_start3A_12 = tpu.memref_slice %arg6[%dma_start3A_10, %dma_start3A_11] : memref<3328x32xf32, #tpu.memory_space<vmem>> -> memref<128x32xf32, #tpu.memory_space<vmem>>
    %dma_start3A_13 = arith.constant 128 : i32
    %dma_start3A_14 = tpu.memref_slice %arg5[%dma_start3A_13] : memref<3328xi32, #tpu.memory_space<vmem>> -> memref<128xi32, #tpu.memory_space<vmem>>
    %dma_start3A_15 = arith.constant 0 : i32
    %dma_start3A_16 = arith.constant 0 : i32
    %dma_start3A_17 = tpu.memref_slice %arg3[%dma_start3A_15, %dma_start3A_16] : memref<1000000x32xf32, #tpu.memory_space<hbm>> -> memref<1000000x32xf32, #tpu.memory_space<hbm>>
    tpu.enqueue_indirect_dma source(%dma_start3A_17 : memref<1000000x32xf32, #tpu.memory_space<hbm>>) target(%dma_start3A_12 : memref<128x32xf32, #tpu.memory_space<vmem>>) offsets(%dma_start3A_14 : memref<128xi32, #tpu.memory_space<vmem>>) semaphore(%arg7 : memref<!tpu.dma_semaphore, #tpu.memory_space<semaphore_mem>>)
    %dma_start3A_18 = arith.constant 256 : i32
    %dma_start3A_19 = arith.constant 0 : i32
    %dma_start3A_20 = tpu.memref_slice %arg6[%dma_start3A_18, %dma_start3A_19] : memref<3328x32xf32, #tpu.memory_space<vmem>> -> memref<128x32xf32, #tpu.memory_space<vmem>>
    %dma_start3A_21 = arith.constant 256 : i32
    %dma_start3A_22 = tpu.memref_slice %arg5[%dma_start3A_21] : memref<3328xi32, #tpu.memory_space<vmem>> -> memref<128xi32, #tpu.memory_space<vmem>>
    %dma_start3A_23 = arith.constant 0 : i32
    %dma_start3A_24 = arith.constant 0 : i32
    %dma_start3A_25 = tpu.memref_slice %arg3[%dma_start3A_23, %dma_start3A_24] : memref<1000000x32xf32, #tpu.memory_space<hbm>> -> memref<1000000x32xf32, #tpu.memory_space<hbm>>
    tpu.enqueue_indirect_dma source(%dma_start3A_25 : memref<1000000x32xf32, #tpu.memory_space<hbm>>) target(%dma_start3A_20 : memref<128x32xf32, #tpu.memory_space<vmem>>) offsets(%dma_start3A_22 : memref<128xi32, #tpu.memory_space<vmem>>) semaphore(%arg7 : memref<!tpu.dma_semaphore, #tpu.memory_space<semaphore_mem>>)
    %dma_start3A_26 = arith.constant 384 : i32
    %dma_start3A_27 = arith.constant 0 : i32
    %dma_start3A_28 = tpu.memref_slice %arg6[%dma_start3A_26, %dma_start3A_27] : memref<3328x32xf32, #tpu.memory_space<vmem>> -> memref<128x32xf32, #tpu.memory_space<vmem>>
    %dma_start3A_29 = arith.constant 384 : i32
    %dma_start3A_30 = tpu.memref_slice %arg5[%dma_start3A_29] : memref<3328xi32, #tpu.memory_space<vmem>> -> memref<128xi32, #tpu.memory_space<vmem>>
    %dma_start3A_31 = arith.constant 0 : i32
    %dma_start3A_32 = arith.constant 0 : i32
    %dma_start3A_33 = tpu.memref_slice %arg3[%dma_start3A_31, %dma_start3A_32] : memref<1000000x32xf32, #tpu.memory_space<hbm>> -> memref<1000000x32xf32, #tpu.memory_space<hbm>>
    tpu.enqueue_indirect_dma source(%dma_start3A_33 : memref<1000000x32xf32, #tpu.memory_space<hbm>>) target(%dma_start3A_28 : memref<128x32xf32, #tpu.memory_space<vmem>>) offsets(%dma_start3A_30 : memref<128xi32, #tpu.memory_space<vmem>>) semaphore(%arg7 : memref<!tpu.dma_semaphore, #tpu.memory_space<semaphore_mem>>)
    %dma_start3A_34 = arith.constant 512 : i32
    %dma_start3A_35 = arith.constant 0 : i32
    %dma_start3A_36 = tpu.memref_slice %arg6[%dma_start3A_34, %dma_start3A_35] : memref<3328x32xf32, #tpu.memory_space<vmem>> -> memref<128x32xf32, #tpu.memory_space<vmem>>
    %dma_start3A_37 = arith.constant 512 : i32
    %dma_start3A_38 = tpu.memref_slice %arg5[%dma_start3A_37] : memref<3328xi32, #tpu.memory_space<vmem>> -> memref<128xi32, #tpu.memory_space<vmem>>
    %dma_start3A_39 = arith.constant 0 : i32
    %dma_start3A_40 = arith.constant 0 : i32
    %dma_start3A_41 = tpu.memref_slice %arg3[%dma_start3A_39, %dma_start3A_40] : memref<1000000x32xf32, #tpu.memory_space<hbm>> -> memref<1000000x32xf32, #tpu.memory_space<hbm>>
    tpu.enqueue_indirect_dma source(%dma_start3A_41 : memref<1000000x32xf32, #tpu.memory_space<hbm>>) target(%dma_start3A_36 : memref<128x32xf32, #tpu.memory_space<vmem>>) offsets(%dma_start3A_38 : memref<128xi32, #tpu.memory_space<vmem>>) semaphore(%arg7 : memref<!tpu.dma_semaphore, #tpu.memory_space<semaphore_mem>>)
    %dma_start3A_42 = arith.constant 640 : i32
    %dma_start3A_43 = arith.constant 0 : i32
    %dma_start3A_44 = tpu.memref_slice %arg6[%dma_start3A_42, %dma_start3A_43] : memref<3328x32xf32, #tpu.memory_space<vmem>> -> memref<128x32xf32, #tpu.memory_space<vmem>>
    %dma_start3A_45 = arith.constant 640 : i32
    %dma_start3A_46 = tpu.memref_slice %arg5[%dma_start3A_45] : memref<3328xi32, #tpu.memory_space<vmem>> -> memref<128xi32, #tpu.memory_space<vmem>>
    %dma_start3A_47 = arith.constant 0 : i32
    %dma_start3A_48 = arith.constant 0 : i32
    %dma_start3A_49 = tpu.memref_slice %arg3[%dma_start3A_47, %dma_start3A_48] : memref<1000000x32xf32, #tpu.memory_space<hbm>> -> memref<1000000x32xf32, #tpu.memory_space<hbm>>
    tpu.enqueue_indirect_dma source(%dma_start3A_49 : memref<1000000x32xf32, #tpu.memory_space<hbm>>) target(%dma_start3A_44 : memref<128x32xf32, #tpu.memory_space<vmem>>) offsets(%dma_start3A_46 : memref<128xi32, #tpu.memory_space<vmem>>) semaphore(%arg7 : memref<!tpu.dma_semaphore, #tpu.memory_space<semaphore_mem>>)
    %dma_start3A_50 = arith.constant 768 : i32
    %dma_start3A_51 = arith.constant 0 : i32
    %dma_start3A_52 = tpu.memref_slice %arg6[%dma_start3A_50, %dma_start3A_51] : memref<3328x32xf32, #tpu.memory_space<vmem>> -> memref<128x32xf32, #tpu.memory_space<vmem>>
    %dma_start3A_53 = arith.constant 768 : i32
    %dma_start3A_54 = tpu.memref_slice %arg5[%dma_start3A_53] : memref<3328xi32, #tpu.memory_space<vmem>> -> memref<128xi32, #tpu.memory_space<vmem>>
    %dma_start3A_55 = arith.constant 0 : i32
    %dma_start3A_56 = arith.constant 0 : i32
    %dma_start3A_57 = tpu.memref_slice %arg3[%dma_start3A_55, %dma_start3A_56] : memref<1000000x32xf32, #tpu.memory_space<hbm>> -> memref<1000000x32xf32, #tpu.memory_space<hbm>>
    tpu.enqueue_indirect_dma source(%dma_start3A_57 : memref<1000000x32xf32, #tpu.memory_space<hbm>>) target(%dma_start3A_52 : memref<128x32xf32, #tpu.memory_space<vmem>>) offsets(%dma_start3A_54 : memref<128xi32, #tpu.memory_space<vmem>>) semaphore(%arg7 : memref<!tpu.dma_semaphore, #tpu.memory_space<semaphore_mem>>)
    %dma_start3A_58 = arith.constant 896 : i32
    %dma_start3A_59 = arith.constant 0 : i32
    %dma_start3A_60 = tpu.memref_slice %arg6[%dma_start3A_58, %dma_start3A_59] : memref<3328x32xf32, #tpu.memory_space<vmem>> -> memref<128x32xf32, #tpu.memory_space<vmem>>
    %dma_start3A_61 = arith.constant 896 : i32
    %dma_start3A_62 = tpu.memref_slice %arg5[%dma_start3A_61] : memref<3328xi32, #tpu.memory_space<vmem>> -> memref<128xi32, #tpu.memory_space<vmem>>
    %dma_start3A_63 = arith.constant 0 : i32
    %dma_start3A_64 = arith.constant 0 : i32
    %dma_start3A_65 = tpu.memref_slice %arg3[%dma_start3A_63, %dma_start3A_64] : memref<1000000x32xf32, #tpu.memory_space<hbm>> -> memref<1000000x32xf32, #tpu.memory_space<hbm>>
    tpu.enqueue_indirect_dma source(%dma_start3A_65 : memref<1000000x32xf32, #tpu.memory_space<hbm>>) target(%dma_start3A_60 : memref<128x32xf32, #tpu.memory_space<vmem>>) offsets(%dma_start3A_62 : memref<128xi32, #tpu.memory_space<vmem>>) semaphore(%arg7 : memref<!tpu.dma_semaphore, #tpu.memory_space<semaphore_mem>>)
    %dma_start3A_66 = arith.constant 1024 : i32
    %dma_start3A_67 = arith.constant 0 : i32
    %dma_start3A_68 = tpu.memref_slice %arg6[%dma_start3A_66, %dma_start3A_67] : memref<3328x32xf32, #tpu.memory_space<vmem>> -> memref<128x32xf32, #tpu.memory_space<vmem>>
    %dma_start3A_69 = arith.constant 1024 : i32
    %dma_start3A_70 = tpu.memref_slice %arg5[%dma_start3A_69] : memref<3328xi32, #tpu.memory_space<vmem>> -> memref<128xi32, #tpu.memory_space<vmem>>
    %dma_start3A_71 = arith.constant 0 : i32
    %dma_start3A_72 = arith.constant 0 : i32
    %dma_start3A_73 = tpu.memref_slice %arg3[%dma_start3A_71, %dma_start3A_72] : memref<1000000x32xf32, #tpu.memory_space<hbm>> -> memref<1000000x32xf32, #tpu.memory_space<hbm>>
    tpu.enqueue_indirect_dma source(%dma_start3A_73 : memref<1000000x32xf32, #tpu.memory_space<hbm>>) target(%dma_start3A_68 : memref<128x32xf32, #tpu.memory_space<vmem>>) offsets(%dma_start3A_70 : memref<128xi32, #tpu.memory_space<vmem>>) semaphore(%arg7 : memref<!tpu.dma_semaphore, #tpu.memory_space<semaphore_mem>>)
    %dma_start3A_74 = arith.constant 1152 : i32
    %dma_start3A_75 = arith.constant 0 : i32
    %dma_start3A_76 = tpu.memref_slice %arg6[%dma_start3A_74, %dma_start3A_75] : memref<3328x32xf32, #tpu.memory_space<vmem>> -> memref<128x32xf32, #tpu.memory_space<vmem>>
    %dma_start3A_77 = arith.constant 1152 : i32
    %dma_start3A_78 = tpu.memref_slice %arg5[%dma_start3A_77] : memref<3328xi32, #tpu.memory_space<vmem>> -> memref<128xi32, #tpu.memory_space<vmem>>
    %dma_start3A_79 = arith.constant 0 : i32
    %dma_start3A_80 = arith.constant 0 : i32
    %dma_start3A_81 = tpu.memref_slice %arg3[%dma_start3A_79, %dma_start3A_80] : memref<1000000x32xf32, #tpu.memory_space<hbm>> -> memref<1000000x32xf32, #tpu.memory_space<hbm>>
    tpu.enqueue_indirect_dma source(%dma_start3A_81 : memref<1000000x32xf32, #tpu.memory_space<hbm>>) target(%dma_start3A_76 : memref<128x32xf32, #tpu.memory_space<vmem>>) offsets(%dma_start3A_78 : memref<128xi32, #tpu.memory_space<vmem>>) semaphore(%arg7 : memref<!tpu.dma_semaphore, #tpu.memory_space<semaphore_mem>>)
    %dma_start3A_82 = arith.constant 1280 : i32
    %dma_start3A_83 = arith.constant 0 : i32
    %dma_start3A_84 = tpu.memref_slice %arg6[%dma_start3A_82, %dma_start3A_83] : memref<3328x32xf32, #tpu.memory_space<vmem>> -> memref<128x32xf32, #tpu.memory_space<vmem>>
    %dma_start3A_85 = arith.constant 1280 : i32
    %dma_start3A_86 = tpu.memref_slice %arg5[%dma_start3A_85] : memref<3328xi32, #tpu.memory_space<vmem>> -> memref<128xi32, #tpu.memory_space<vmem>>
    %dma_start3A_87 = arith.constant 0 : i32
    %dma_start3A_88 = arith.constant 0 : i32
    %dma_start3A_89 = tpu.memref_slice %arg3[%dma_start3A_87, %dma_start3A_88] : memref<1000000x32xf32, #tpu.memory_space<hbm>> -> memref<1000000x32xf32, #tpu.memory_space<hbm>>
    tpu.enqueue_indirect_dma source(%dma_start3A_89 : memref<1000000x32xf32, #tpu.memory_space<hbm>>) target(%dma_start3A_84 : memref<128x32xf32, #tpu.memory_space<vmem>>) offsets(%dma_start3A_86 : memref<128xi32, #tpu.memory_space<vmem>>) semaphore(%arg7 : memref<!tpu.dma_semaphore, #tpu.memory_space<semaphore_mem>>)
    %dma_start3A_90 = arith.constant 1408 : i32
    %dma_start3A_91 = arith.constant 0 : i32
    %dma_start3A_92 = tpu.memref_slice %arg6[%dma_start3A_90, %dma_start3A_91] : memref<3328x32xf32, #tpu.memory_space<vmem>> -> memref<128x32xf32, #tpu.memory_space<vmem>>
    %dma_start3A_93 = arith.constant 1408 : i32
    %dma_start3A_94 = tpu.memref_slice %arg5[%dma_start3A_93] : memref<3328xi32, #tpu.memory_space<vmem>> -> memref<128xi32, #tpu.memory_space<vmem>>
    %dma_start3A_95 = arith.constant 0 : i32
    %dma_start3A_96 = arith.constant 0 : i32
    %dma_start3A_97 = tpu.memref_slice %arg3[%dma_start3A_95, %dma_start3A_96] : memref<1000000x32xf32, #tpu.memory_space<hbm>> -> memref<1000000x32xf32, #tpu.memory_space<hbm>>
    tpu.enqueue_indirect_dma source(%dma_start3A_97 : memref<1000000x32xf32, #tpu.memory_space<hbm>>) target(%dma_start3A_92 : memref<128x32xf32, #tpu.memory_space<vmem>>) offsets(%dma_start3A_94 : memref<128xi32, #tpu.memory_space<vmem>>) semaphore(%arg7 : memref<!tpu.dma_semaphore, #tpu.memory_space<semaphore_mem>>)
    %dma_start3A_98 = arith.constant 1536 : i32
    %dma_start3A_99 = arith.constant 0 : i32
    %dma_start3A_100 = tpu.memref_slice %arg6[%dma_start3A_98, %dma_start3A_99] : memref<3328x32xf32, #tpu.memory_space<vmem>> -> memref<128x32xf32, #tpu.memory_space<vmem>>
    %dma_start3A_101 = arith.constant 1536 : i32
    %dma_start3A_102 = tpu.memref_slice %arg5[%dma_start3A_101] : memref<3328xi32, #tpu.memory_space<vmem>> -> memref<128xi32, #tpu.memory_space<vmem>>
    %dma_start3A_103 = arith.constant 0 : i32
    %dma_start3A_104 = arith.constant 0 : i32
    %dma_start3A_105 = tpu.memref_slice %arg3[%dma_start3A_103, %dma_start3A_104] : memref<1000000x32xf32, #tpu.memory_space<hbm>> -> memref<1000000x32xf32, #tpu.memory_space<hbm>>
    tpu.enqueue_indirect_dma source(%dma_start3A_105 : memref<1000000x32xf32, #tpu.memory_space<hbm>>) target(%dma_start3A_100 : memref<128x32xf32, #tpu.memory_space<vmem>>) offsets(%dma_start3A_102 : memref<128xi32, #tpu.memory_space<vmem>>) semaphore(%arg7 : memref<!tpu.dma_semaphore, #tpu.memory_space<semaphore_mem>>)
    %dma_start3A_106 = arith.constant 1664 : i32
    %dma_start3A_107 = arith.constant 0 : i32
    %dma_start3A_108 = tpu.memref_slice %arg6[%dma_start3A_106, %dma_start3A_107] : memref<3328x32xf32, #tpu.memory_space<vmem>> -> memref<128x32xf32, #tpu.memory_space<vmem>>
    %dma_start3A_109 = arith.constant 1664 : i32
    %dma_start3A_110 = tpu.memref_slice %arg5[%dma_start3A_109] : memref<3328xi32, #tpu.memory_space<vmem>> -> memref<128xi32, #tpu.memory_space<vmem>>
    %dma_start3A_111 = arith.constant 0 : i32
    %dma_start3A_112 = arith.constant 0 : i32
    %dma_start3A_113 = tpu.memref_slice %arg3[%dma_start3A_111, %dma_start3A_112] : memref<1000000x32xf32, #tpu.memory_space<hbm>> -> memref<1000000x32xf32, #tpu.memory_space<hbm>>
    tpu.enqueue_indirect_dma source(%dma_start3A_113 : memref<1000000x32xf32, #tpu.memory_space<hbm>>) target(%dma_start3A_108 : memref<128x32xf32, #tpu.memory_space<vmem>>) offsets(%dma_start3A_110 : memref<128xi32, #tpu.memory_space<vmem>>) semaphore(%arg7 : memref<!tpu.dma_semaphore, #tpu.memory_space<semaphore_mem>>)
    %dma_start3A_114 = arith.constant 1792 : i32
    %dma_start3A_115 = arith.constant 0 : i32
    %dma_start3A_116 = tpu.memref_slice %arg6[%dma_start3A_114, %dma_start3A_115] : memref<3328x32xf32, #tpu.memory_space<vmem>> -> memref<128x32xf32, #tpu.memory_space<vmem>>
    %dma_start3A_117 = arith.constant 1792 : i32
    %dma_start3A_118 = tpu.memref_slice %arg5[%dma_start3A_117] : memref<3328xi32, #tpu.memory_space<vmem>> -> memref<128xi32, #tpu.memory_space<vmem>>
    %dma_start3A_119 = arith.constant 0 : i32
    %dma_start3A_120 = arith.constant 0 : i32
    %dma_start3A_121 = tpu.memref_slice %arg3[%dma_start3A_119, %dma_start3A_120] : memref<1000000x32xf32, #tpu.memory_space<hbm>> -> memref<1000000x32xf32, #tpu.memory_space<hbm>>
    tpu.enqueue_indirect_dma source(%dma_start3A_121 : memref<1000000x32xf32, #tpu.memory_space<hbm>>) target(%dma_start3A_116 : memref<128x32xf32, #tpu.memory_space<vmem>>) offsets(%dma_start3A_118 : memref<128xi32, #tpu.memory_space<vmem>>) semaphore(%arg7 : memref<!tpu.dma_semaphore, #tpu.memory_space<semaphore_mem>>)
    %dma_start3A_122 = arith.constant 1920 : i32
    %dma_start3A_123 = arith.constant 0 : i32
    %dma_start3A_124 = tpu.memref_slice %arg6[%dma_start3A_122, %dma_start3A_123] : memref<3328x32xf32, #tpu.memory_space<vmem>> -> memref<128x32xf32, #tpu.memory_space<vmem>>
    %dma_start3A_125 = arith.constant 1920 : i32
    %dma_start3A_126 = tpu.memref_slice %arg5[%dma_start3A_125] : memref<3328xi32, #tpu.memory_space<vmem>> -> memref<128xi32, #tpu.memory_space<vmem>>
    %dma_start3A_127 = arith.constant 0 : i32
    %dma_start3A_128 = arith.constant 0 : i32
    %dma_start3A_129 = tpu.memref_slice %arg3[%dma_start3A_127, %dma_start3A_128] : memref<1000000x32xf32, #tpu.memory_space<hbm>> -> memref<1000000x32xf32, #tpu.memory_space<hbm>>
    tpu.enqueue_indirect_dma source(%dma_start3A_129 : memref<1000000x32xf32, #tpu.memory_space<hbm>>) target(%dma_start3A_124 : memref<128x32xf32, #tpu.memory_space<vmem>>) offsets(%dma_start3A_126 : memref<128xi32, #tpu.memory_space<vmem>>) semaphore(%arg7 : memref<!tpu.dma_semaphore, #tpu.memory_space<semaphore_mem>>)
    %dma_start3A_130 = arith.constant 2048 : i32
    %dma_start3A_131 = arith.constant 0 : i32
    %dma_start3A_132 = tpu.memref_slice %arg6[%dma_start3A_130, %dma_start3A_131] : memref<3328x32xf32, #tpu.memory_space<vmem>> -> memref<128x32xf32, #tpu.memory_space<vmem>>
    %dma_start3A_133 = arith.constant 2048 : i32
    %dma_start3A_134 = tpu.memref_slice %arg5[%dma_start3A_133] : memref<3328xi32, #tpu.memory_space<vmem>> -> memref<128xi32, #tpu.memory_space<vmem>>
    %dma_start3A_135 = arith.constant 0 : i32
    %dma_start3A_136 = arith.constant 0 : i32
    %dma_start3A_137 = tpu.memref_slice %arg3[%dma_start3A_135, %dma_start3A_136] : memref<1000000x32xf32, #tpu.memory_space<hbm>> -> memref<1000000x32xf32, #tpu.memory_space<hbm>>
    tpu.enqueue_indirect_dma source(%dma_start3A_137 : memref<1000000x32xf32, #tpu.memory_space<hbm>>) target(%dma_start3A_132 : memref<128x32xf32, #tpu.memory_space<vmem>>) offsets(%dma_start3A_134 : memref<128xi32, #tpu.memory_space<vmem>>) semaphore(%arg7 : memref<!tpu.dma_semaphore, #tpu.memory_space<semaphore_mem>>)
    %dma_start3A_138 = arith.constant 2176 : i32
    %dma_start3A_139 = arith.constant 0 : i32
    %dma_start3A_140 = tpu.memref_slice %arg6[%dma_start3A_138, %dma_start3A_139] : memref<3328x32xf32, #tpu.memory_space<vmem>> -> memref<128x32xf32, #tpu.memory_space<vmem>>
    %dma_start3A_141 = arith.constant 2176 : i32
    %dma_start3A_142 = tpu.memref_slice %arg5[%dma_start3A_141] : memref<3328xi32, #tpu.memory_space<vmem>> -> memref<128xi32, #tpu.memory_space<vmem>>
    %dma_start3A_143 = arith.constant 0 : i32
    %dma_start3A_144 = arith.constant 0 : i32
    %dma_start3A_145 = tpu.memref_slice %arg3[%dma_start3A_143, %dma_start3A_144] : memref<1000000x32xf32, #tpu.memory_space<hbm>> -> memref<1000000x32xf32, #tpu.memory_space<hbm>>
    tpu.enqueue_indirect_dma source(%dma_start3A_145 : memref<1000000x32xf32, #tpu.memory_space<hbm>>) target(%dma_start3A_140 : memref<128x32xf32, #tpu.memory_space<vmem>>) offsets(%dma_start3A_142 : memref<128xi32, #tpu.memory_space<vmem>>) semaphore(%arg7 : memref<!tpu.dma_semaphore, #tpu.memory_space<semaphore_mem>>)
    %dma_start3A_146 = arith.constant 2304 : i32
    %dma_start3A_147 = arith.constant 0 : i32
    %dma_start3A_148 = tpu.memref_slice %arg6[%dma_start3A_146, %dma_start3A_147] : memref<3328x32xf32, #tpu.memory_space<vmem>> -> memref<128x32xf32, #tpu.memory_space<vmem>>
    %dma_start3A_149 = arith.constant 2304 : i32
    %dma_start3A_150 = tpu.memref_slice %arg5[%dma_start3A_149] : memref<3328xi32, #tpu.memory_space<vmem>> -> memref<128xi32, #tpu.memory_space<vmem>>
    %dma_start3A_151 = arith.constant 0 : i32
    %dma_start3A_152 = arith.constant 0 : i32
    %dma_start3A_153 = tpu.memref_slice %arg3[%dma_start3A_151, %dma_start3A_152] : memref<1000000x32xf32, #tpu.memory_space<hbm>> -> memref<1000000x32xf32, #tpu.memory_space<hbm>>
    tpu.enqueue_indirect_dma source(%dma_start3A_153 : memref<1000000x32xf32, #tpu.memory_space<hbm>>) target(%dma_start3A_148 : memref<128x32xf32, #tpu.memory_space<vmem>>) offsets(%dma_start3A_150 : memref<128xi32, #tpu.memory_space<vmem>>) semaphore(%arg7 : memref<!tpu.dma_semaphore, #tpu.memory_space<semaphore_mem>>)
    %dma_start3A_154 = arith.constant 2432 : i32
    %dma_start3A_155 = arith.constant 0 : i32
    %dma_start3A_156 = tpu.memref_slice %arg6[%dma_start3A_154, %dma_start3A_155] : memref<3328x32xf32, #tpu.memory_space<vmem>> -> memref<128x32xf32, #tpu.memory_space<vmem>>
    %dma_start3A_157 = arith.constant 2432 : i32
    %dma_start3A_158 = tpu.memref_slice %arg5[%dma_start3A_157] : memref<3328xi32, #tpu.memory_space<vmem>> -> memref<128xi32, #tpu.memory_space<vmem>>
    %dma_start3A_159 = arith.constant 0 : i32
    %dma_start3A_160 = arith.constant 0 : i32
    %dma_start3A_161 = tpu.memref_slice %arg3[%dma_start3A_159, %dma_start3A_160] : memref<1000000x32xf32, #tpu.memory_space<hbm>> -> memref<1000000x32xf32, #tpu.memory_space<hbm>>
    tpu.enqueue_indirect_dma source(%dma_start3A_161 : memref<1000000x32xf32, #tpu.memory_space<hbm>>) target(%dma_start3A_156 : memref<128x32xf32, #tpu.memory_space<vmem>>) offsets(%dma_start3A_158 : memref<128xi32, #tpu.memory_space<vmem>>) semaphore(%arg7 : memref<!tpu.dma_semaphore, #tpu.memory_space<semaphore_mem>>)
    %dma_start3A_162 = arith.constant 2560 : i32
    %dma_start3A_163 = arith.constant 0 : i32
    %dma_start3A_164 = tpu.memref_slice %arg6[%dma_start3A_162, %dma_start3A_163] : memref<3328x32xf32, #tpu.memory_space<vmem>> -> memref<128x32xf32, #tpu.memory_space<vmem>>
    %dma_start3A_165 = arith.constant 2560 : i32
    %dma_start3A_166 = tpu.memref_slice %arg5[%dma_start3A_165] : memref<3328xi32, #tpu.memory_space<vmem>> -> memref<128xi32, #tpu.memory_space<vmem>>
    %dma_start3A_167 = arith.constant 0 : i32
    %dma_start3A_168 = arith.constant 0 : i32
    %dma_start3A_169 = tpu.memref_slice %arg3[%dma_start3A_167, %dma_start3A_168] : memref<1000000x32xf32, #tpu.memory_space<hbm>> -> memref<1000000x32xf32, #tpu.memory_space<hbm>>
    tpu.enqueue_indirect_dma source(%dma_start3A_169 : memref<1000000x32xf32, #tpu.memory_space<hbm>>) target(%dma_start3A_164 : memref<128x32xf32, #tpu.memory_space<vmem>>) offsets(%dma_start3A_166 : memref<128xi32, #tpu.memory_space<vmem>>) semaphore(%arg7 : memref<!tpu.dma_semaphore, #tpu.memory_space<semaphore_mem>>)
    %dma_start3A_170 = arith.constant 2688 : i32
    %dma_start3A_171 = arith.constant 0 : i32
    %dma_start3A_172 = tpu.memref_slice %arg6[%dma_start3A_170, %dma_start3A_171] : memref<3328x32xf32, #tpu.memory_space<vmem>> -> memref<128x32xf32, #tpu.memory_space<vmem>>
    %dma_start3A_173 = arith.constant 2688 : i32
    %dma_start3A_174 = tpu.memref_slice %arg5[%dma_start3A_173] : memref<3328xi32, #tpu.memory_space<vmem>> -> memref<128xi32, #tpu.memory_space<vmem>>
    %dma_start3A_175 = arith.constant 0 : i32
    %dma_start3A_176 = arith.constant 0 : i32
    %dma_start3A_177 = tpu.memref_slice %arg3[%dma_start3A_175, %dma_start3A_176] : memref<1000000x32xf32, #tpu.memory_space<hbm>> -> memref<1000000x32xf32, #tpu.memory_space<hbm>>
    tpu.enqueue_indirect_dma source(%dma_start3A_177 : memref<1000000x32xf32, #tpu.memory_space<hbm>>) target(%dma_start3A_172 : memref<128x32xf32, #tpu.memory_space<vmem>>) offsets(%dma_start3A_174 : memref<128xi32, #tpu.memory_space<vmem>>) semaphore(%arg7 : memref<!tpu.dma_semaphore, #tpu.memory_space<semaphore_mem>>)
    %dma_start3A_178 = arith.constant 2816 : i32
    %dma_start3A_179 = arith.constant 0 : i32
    %dma_start3A_180 = tpu.memref_slice %arg6[%dma_start3A_178, %dma_start3A_179] : memref<3328x32xf32, #tpu.memory_space<vmem>> -> memref<128x32xf32, #tpu.memory_space<vmem>>
    %dma_start3A_181 = arith.constant 2816 : i32
    %dma_start3A_182 = tpu.memref_slice %arg5[%dma_start3A_181] : memref<3328xi32, #tpu.memory_space<vmem>> -> memref<128xi32, #tpu.memory_space<vmem>>
    %dma_start3A_183 = arith.constant 0 : i32
    %dma_start3A_184 = arith.constant 0 : i32
    %dma_start3A_185 = tpu.memref_slice %arg3[%dma_start3A_183, %dma_start3A_184] : memref<1000000x32xf32, #tpu.memory_space<hbm>> -> memref<1000000x32xf32, #tpu.memory_space<hbm>>
    tpu.enqueue_indirect_dma source(%dma_start3A_185 : memref<1000000x32xf32, #tpu.memory_space<hbm>>) target(%dma_start3A_180 : memref<128x32xf32, #tpu.memory_space<vmem>>) offsets(%dma_start3A_182 : memref<128xi32, #tpu.memory_space<vmem>>) semaphore(%arg7 : memref<!tpu.dma_semaphore, #tpu.memory_space<semaphore_mem>>)
    %dma_start3A_186 = arith.constant 2944 : i32
    %dma_start3A_187 = arith.constant 0 : i32
    %dma_start3A_188 = tpu.memref_slice %arg6[%dma_start3A_186, %dma_start3A_187] : memref<3328x32xf32, #tpu.memory_space<vmem>> -> memref<128x32xf32, #tpu.memory_space<vmem>>
    %dma_start3A_189 = arith.constant 2944 : i32
    %dma_start3A_190 = tpu.memref_slice %arg5[%dma_start3A_189] : memref<3328xi32, #tpu.memory_space<vmem>> -> memref<128xi32, #tpu.memory_space<vmem>>
    %dma_start3A_191 = arith.constant 0 : i32
    %dma_start3A_192 = arith.constant 0 : i32
    %dma_start3A_193 = tpu.memref_slice %arg3[%dma_start3A_191, %dma_start3A_192] : memref<1000000x32xf32, #tpu.memory_space<hbm>> -> memref<1000000x32xf32, #tpu.memory_space<hbm>>
    tpu.enqueue_indirect_dma source(%dma_start3A_193 : memref<1000000x32xf32, #tpu.memory_space<hbm>>) target(%dma_start3A_188 : memref<128x32xf32, #tpu.memory_space<vmem>>) offsets(%dma_start3A_190 : memref<128xi32, #tpu.memory_space<vmem>>) semaphore(%arg7 : memref<!tpu.dma_semaphore, #tpu.memory_space<semaphore_mem>>)
    %dma_start3A_194 = arith.constant 3072 : i32
    %dma_start3A_195 = arith.constant 0 : i32
    %dma_start3A_196 = tpu.memref_slice %arg6[%dma_start3A_194, %dma_start3A_195] : memref<3328x32xf32, #tpu.memory_space<vmem>> -> memref<128x32xf32, #tpu.memory_space<vmem>>
    %dma_start3A_197 = arith.constant 3072 : i32
    %dma_start3A_198 = tpu.memref_slice %arg5[%dma_start3A_197] : memref<3328xi32, #tpu.memory_space<vmem>> -> memref<128xi32, #tpu.memory_space<vmem>>
    %dma_start3A_199 = arith.constant 0 : i32
    %dma_start3A_200 = arith.constant 0 : i32
    %dma_start3A_201 = tpu.memref_slice %arg3[%dma_start3A_199, %dma_start3A_200] : memref<1000000x32xf32, #tpu.memory_space<hbm>> -> memref<1000000x32xf32, #tpu.memory_space<hbm>>
    tpu.enqueue_indirect_dma source(%dma_start3A_201 : memref<1000000x32xf32, #tpu.memory_space<hbm>>) target(%dma_start3A_196 : memref<128x32xf32, #tpu.memory_space<vmem>>) offsets(%dma_start3A_198 : memref<128xi32, #tpu.memory_space<vmem>>) semaphore(%arg7 : memref<!tpu.dma_semaphore, #tpu.memory_space<semaphore_mem>>)
    %dma_start3A_202 = arith.constant 3200 : i32
    %dma_start3A_203 = arith.constant 0 : i32
    %dma_start3A_204 = tpu.memref_slice %arg6[%dma_start3A_202, %dma_start3A_203] : memref<3328x32xf32, #tpu.memory_space<vmem>> -> memref<128x32xf32, #tpu.memory_space<vmem>>
    %dma_start3A_205 = arith.constant 3200 : i32
    %dma_start3A_206 = tpu.memref_slice %arg5[%dma_start3A_205] : memref<3328xi32, #tpu.memory_space<vmem>> -> memref<128xi32, #tpu.memory_space<vmem>>
    %dma_start3A_207 = arith.constant 0 : i32
    %dma_start3A_208 = arith.constant 0 : i32
    %dma_start3A_209 = tpu.memref_slice %arg3[%dma_start3A_207, %dma_start3A_208] : memref<1000000x32xf32, #tpu.memory_space<hbm>> -> memref<1000000x32xf32, #tpu.memory_space<hbm>>
    tpu.enqueue_indirect_dma source(%dma_start3A_209 : memref<1000000x32xf32, #tpu.memory_space<hbm>>) target(%dma_start3A_204 : memref<128x32xf32, #tpu.memory_space<vmem>>) offsets(%dma_start3A_206 : memref<128xi32, #tpu.memory_space<vmem>>) semaphore(%arg7 : memref<!tpu.dma_semaphore, #tpu.memory_space<semaphore_mem>>)
    %dma_wait3A = arith.constant 0 : i32
    %dma_wait3A_210 = arith.constant 0 : i32
    %dma_wait3A_211 = tpu.memref_slice %arg6[%dma_wait3A, %dma_wait3A_210] : memref<3328x32xf32, #tpu.memory_space<vmem>> -> memref<128x32xf32, #tpu.memory_space<vmem>>
    %dma_wait3A_212 = arith.constant 0 : i32
    %dma_wait3A_213 = tpu.memref_slice %arg5[%dma_wait3A_212] : memref<3328xi32, #tpu.memory_space<vmem>> -> memref<128xi32, #tpu.memory_space<vmem>>
    %dma_wait3A_214 = arith.constant 0 : i32
    %dma_wait3A_215 = arith.constant 0 : i32
    %dma_wait3A_216 = tpu.memref_slice %arg3[%dma_wait3A_214, %dma_wait3A_215] : memref<1000000x32xf32, #tpu.memory_space<hbm>> -> memref<1000000x32xf32, #tpu.memory_space<hbm>>
    tpu.wait_indirect_dma semaphore(%arg7 : memref<!tpu.dma_semaphore, #tpu.memory_space<semaphore_mem>>) src(%dma_wait3A_216 : memref<1000000x32xf32, #tpu.memory_space<hbm>>) dst(%dma_wait3A_211 : memref<128x32xf32, #tpu.memory_space<vmem>>)
    %dma_wait3A_217 = arith.constant 128 : i32
    %dma_wait3A_218 = arith.constant 0 : i32
    %dma_wait3A_219 = tpu.memref_slice %arg6[%dma_wait3A_217, %dma_wait3A_218] : memref<3328x32xf32, #tpu.memory_space<vmem>> -> memref<128x32xf32, #tpu.memory_space<vmem>>
    %dma_wait3A_220 = arith.constant 128 : i32
    %dma_wait3A_221 = tpu.memref_slice %arg5[%dma_wait3A_220] : memref<3328xi32, #tpu.memory_space<vmem>> -> memref<128xi32, #tpu.memory_space<vmem>>
    %dma_wait3A_222 = arith.constant 0 : i32
    %dma_wait3A_223 = arith.constant 0 : i32
    %dma_wait3A_224 = tpu.memref_slice %arg3[%dma_wait3A_222, %dma_wait3A_223] : memref<1000000x32xf32, #tpu.memory_space<hbm>> -> memref<1000000x32xf32, #tpu.memory_space<hbm>>
    tpu.wait_indirect_dma semaphore(%arg7 : memref<!tpu.dma_semaphore, #tpu.memory_space<semaphore_mem>>) src(%dma_wait3A_224 : memref<1000000x32xf32, #tpu.memory_space<hbm>>) dst(%dma_wait3A_219 : memref<128x32xf32, #tpu.memory_space<vmem>>)
    %dma_wait3A_225 = arith.constant 256 : i32
    %dma_wait3A_226 = arith.constant 0 : i32
    %dma_wait3A_227 = tpu.memref_slice %arg6[%dma_wait3A_225, %dma_wait3A_226] : memref<3328x32xf32, #tpu.memory_space<vmem>> -> memref<128x32xf32, #tpu.memory_space<vmem>>
    %dma_wait3A_228 = arith.constant 256 : i32
    %dma_wait3A_229 = tpu.memref_slice %arg5[%dma_wait3A_228] : memref<3328xi32, #tpu.memory_space<vmem>> -> memref<128xi32, #tpu.memory_space<vmem>>
    %dma_wait3A_230 = arith.constant 0 : i32
    %dma_wait3A_231 = arith.constant 0 : i32
    %dma_wait3A_232 = tpu.memref_slice %arg3[%dma_wait3A_230, %dma_wait3A_231] : memref<1000000x32xf32, #tpu.memory_space<hbm>> -> memref<1000000x32xf32, #tpu.memory_space<hbm>>
    tpu.wait_indirect_dma semaphore(%arg7 : memref<!tpu.dma_semaphore, #tpu.memory_space<semaphore_mem>>) src(%dma_wait3A_232 : memref<1000000x32xf32, #tpu.memory_space<hbm>>) dst(%dma_wait3A_227 : memref<128x32xf32, #tpu.memory_space<vmem>>)
    %dma_wait3A_233 = arith.constant 384 : i32
    %dma_wait3A_234 = arith.constant 0 : i32
    %dma_wait3A_235 = tpu.memref_slice %arg6[%dma_wait3A_233, %dma_wait3A_234] : memref<3328x32xf32, #tpu.memory_space<vmem>> -> memref<128x32xf32, #tpu.memory_space<vmem>>
    %dma_wait3A_236 = arith.constant 384 : i32
    %dma_wait3A_237 = tpu.memref_slice %arg5[%dma_wait3A_236] : memref<3328xi32, #tpu.memory_space<vmem>> -> memref<128xi32, #tpu.memory_space<vmem>>
    %dma_wait3A_238 = arith.constant 0 : i32
    %dma_wait3A_239 = arith.constant 0 : i32
    %dma_wait3A_240 = tpu.memref_slice %arg3[%dma_wait3A_238, %dma_wait3A_239] : memref<1000000x32xf32, #tpu.memory_space<hbm>> -> memref<1000000x32xf32, #tpu.memory_space<hbm>>
    tpu.wait_indirect_dma semaphore(%arg7 : memref<!tpu.dma_semaphore, #tpu.memory_space<semaphore_mem>>) src(%dma_wait3A_240 : memref<1000000x32xf32, #tpu.memory_space<hbm>>) dst(%dma_wait3A_235 : memref<128x32xf32, #tpu.memory_space<vmem>>)
    %dma_wait3A_241 = arith.constant 512 : i32
    %dma_wait3A_242 = arith.constant 0 : i32
    %dma_wait3A_243 = tpu.memref_slice %arg6[%dma_wait3A_241, %dma_wait3A_242] : memref<3328x32xf32, #tpu.memory_space<vmem>> -> memref<128x32xf32, #tpu.memory_space<vmem>>
    %dma_wait3A_244 = arith.constant 512 : i32
    %dma_wait3A_245 = tpu.memref_slice %arg5[%dma_wait3A_244] : memref<3328xi32, #tpu.memory_space<vmem>> -> memref<128xi32, #tpu.memory_space<vmem>>
    %dma_wait3A_246 = arith.constant 0 : i32
    %dma_wait3A_247 = arith.constant 0 : i32
    %dma_wait3A_248 = tpu.memref_slice %arg3[%dma_wait3A_246, %dma_wait3A_247] : memref<1000000x32xf32, #tpu.memory_space<hbm>> -> memref<1000000x32xf32, #tpu.memory_space<hbm>>
    tpu.wait_indirect_dma semaphore(%arg7 : memref<!tpu.dma_semaphore, #tpu.memory_space<semaphore_mem>>) src(%dma_wait3A_248 : memref<1000000x32xf32, #tpu.memory_space<hbm>>) dst(%dma_wait3A_243 : memref<128x32xf32, #tpu.memory_space<vmem>>)
    %dma_wait3A_249 = arith.constant 640 : i32
    %dma_wait3A_250 = arith.constant 0 : i32
    %dma_wait3A_251 = tpu.memref_slice %arg6[%dma_wait3A_249, %dma_wait3A_250] : memref<3328x32xf32, #tpu.memory_space<vmem>> -> memref<128x32xf32, #tpu.memory_space<vmem>>
    %dma_wait3A_252 = arith.constant 640 : i32
    %dma_wait3A_253 = tpu.memref_slice %arg5[%dma_wait3A_252] : memref<3328xi32, #tpu.memory_space<vmem>> -> memref<128xi32, #tpu.memory_space<vmem>>
    %dma_wait3A_254 = arith.constant 0 : i32
    %dma_wait3A_255 = arith.constant 0 : i32
    %dma_wait3A_256 = tpu.memref_slice %arg3[%dma_wait3A_254, %dma_wait3A_255] : memref<1000000x32xf32, #tpu.memory_space<hbm>> -> memref<1000000x32xf32, #tpu.memory_space<hbm>>
    tpu.wait_indirect_dma semaphore(%arg7 : memref<!tpu.dma_semaphore, #tpu.memory_space<semaphore_mem>>) src(%dma_wait3A_256 : memref<1000000x32xf32, #tpu.memory_space<hbm>>) dst(%dma_wait3A_251 : memref<128x32xf32, #tpu.memory_space<vmem>>)
    %dma_wait3A_257 = arith.constant 768 : i32
    %dma_wait3A_258 = arith.constant 0 : i32
    %dma_wait3A_259 = tpu.memref_slice %arg6[%dma_wait3A_257, %dma_wait3A_258] : memref<3328x32xf32, #tpu.memory_space<vmem>> -> memref<128x32xf32, #tpu.memory_space<vmem>>
    %dma_wait3A_260 = arith.constant 768 : i32
    %dma_wait3A_261 = tpu.memref_slice %arg5[%dma_wait3A_260] : memref<3328xi32, #tpu.memory_space<vmem>> -> memref<128xi32, #tpu.memory_space<vmem>>
    %dma_wait3A_262 = arith.constant 0 : i32
    %dma_wait3A_263 = arith.constant 0 : i32
    %dma_wait3A_264 = tpu.memref_slice %arg3[%dma_wait3A_262, %dma_wait3A_263] : memref<1000000x32xf32, #tpu.memory_space<hbm>> -> memref<1000000x32xf32, #tpu.memory_space<hbm>>
    tpu.wait_indirect_dma semaphore(%arg7 : memref<!tpu.dma_semaphore, #tpu.memory_space<semaphore_mem>>) src(%dma_wait3A_264 : memref<1000000x32xf32, #tpu.memory_space<hbm>>) dst(%dma_wait3A_259 : memref<128x32xf32, #tpu.memory_space<vmem>>)
    %dma_wait3A_265 = arith.constant 896 : i32
    %dma_wait3A_266 = arith.constant 0 : i32
    %dma_wait3A_267 = tpu.memref_slice %arg6[%dma_wait3A_265, %dma_wait3A_266] : memref<3328x32xf32, #tpu.memory_space<vmem>> -> memref<128x32xf32, #tpu.memory_space<vmem>>
    %dma_wait3A_268 = arith.constant 896 : i32
    %dma_wait3A_269 = tpu.memref_slice %arg5[%dma_wait3A_268] : memref<3328xi32, #tpu.memory_space<vmem>> -> memref<128xi32, #tpu.memory_space<vmem>>
    %dma_wait3A_270 = arith.constant 0 : i32
    %dma_wait3A_271 = arith.constant 0 : i32
    %dma_wait3A_272 = tpu.memref_slice %arg3[%dma_wait3A_270, %dma_wait3A_271] : memref<1000000x32xf32, #tpu.memory_space<hbm>> -> memref<1000000x32xf32, #tpu.memory_space<hbm>>
    tpu.wait_indirect_dma semaphore(%arg7 : memref<!tpu.dma_semaphore, #tpu.memory_space<semaphore_mem>>) src(%dma_wait3A_272 : memref<1000000x32xf32, #tpu.memory_space<hbm>>) dst(%dma_wait3A_267 : memref<128x32xf32, #tpu.memory_space<vmem>>)
    %dma_wait3A_273 = arith.constant 1024 : i32
    %dma_wait3A_274 = arith.constant 0 : i32
    %dma_wait3A_275 = tpu.memref_slice %arg6[%dma_wait3A_273, %dma_wait3A_274] : memref<3328x32xf32, #tpu.memory_space<vmem>> -> memref<128x32xf32, #tpu.memory_space<vmem>>
    %dma_wait3A_276 = arith.constant 1024 : i32
    %dma_wait3A_277 = tpu.memref_slice %arg5[%dma_wait3A_276] : memref<3328xi32, #tpu.memory_space<vmem>> -> memref<128xi32, #tpu.memory_space<vmem>>
    %dma_wait3A_278 = arith.constant 0 : i32
    %dma_wait3A_279 = arith.constant 0 : i32
    %dma_wait3A_280 = tpu.memref_slice %arg3[%dma_wait3A_278, %dma_wait3A_279] : memref<1000000x32xf32, #tpu.memory_space<hbm>> -> memref<1000000x32xf32, #tpu.memory_space<hbm>>
    tpu.wait_indirect_dma semaphore(%arg7 : memref<!tpu.dma_semaphore, #tpu.memory_space<semaphore_mem>>) src(%dma_wait3A_280 : memref<1000000x32xf32, #tpu.memory_space<hbm>>) dst(%dma_wait3A_275 : memref<128x32xf32, #tpu.memory_space<vmem>>)
    %dma_wait3A_281 = arith.constant 1152 : i32
    %dma_wait3A_282 = arith.constant 0 : i32
    %dma_wait3A_283 = tpu.memref_slice %arg6[%dma_wait3A_281, %dma_wait3A_282] : memref<3328x32xf32, #tpu.memory_space<vmem>> -> memref<128x32xf32, #tpu.memory_space<vmem>>
    %dma_wait3A_284 = arith.constant 1152 : i32
    %dma_wait3A_285 = tpu.memref_slice %arg5[%dma_wait3A_284] : memref<3328xi32, #tpu.memory_space<vmem>> -> memref<128xi32, #tpu.memory_space<vmem>>
    %dma_wait3A_286 = arith.constant 0 : i32
    %dma_wait3A_287 = arith.constant 0 : i32
    %dma_wait3A_288 = tpu.memref_slice %arg3[%dma_wait3A_286, %dma_wait3A_287] : memref<1000000x32xf32, #tpu.memory_space<hbm>> -> memref<1000000x32xf32, #tpu.memory_space<hbm>>
    tpu.wait_indirect_dma semaphore(%arg7 : memref<!tpu.dma_semaphore, #tpu.memory_space<semaphore_mem>>) src(%dma_wait3A_288 : memref<1000000x32xf32, #tpu.memory_space<hbm>>) dst(%dma_wait3A_283 : memref<128x32xf32, #tpu.memory_space<vmem>>)
    %dma_wait3A_289 = arith.constant 1280 : i32
    %dma_wait3A_290 = arith.constant 0 : i32
    %dma_wait3A_291 = tpu.memref_slice %arg6[%dma_wait3A_289, %dma_wait3A_290] : memref<3328x32xf32, #tpu.memory_space<vmem>> -> memref<128x32xf32, #tpu.memory_space<vmem>>
    %dma_wait3A_292 = arith.constant 1280 : i32
    %dma_wait3A_293 = tpu.memref_slice %arg5[%dma_wait3A_292] : memref<3328xi32, #tpu.memory_space<vmem>> -> memref<128xi32, #tpu.memory_space<vmem>>
    %dma_wait3A_294 = arith.constant 0 : i32
    %dma_wait3A_295 = arith.constant 0 : i32
    %dma_wait3A_296 = tpu.memref_slice %arg3[%dma_wait3A_294, %dma_wait3A_295] : memref<1000000x32xf32, #tpu.memory_space<hbm>> -> memref<1000000x32xf32, #tpu.memory_space<hbm>>
    tpu.wait_indirect_dma semaphore(%arg7 : memref<!tpu.dma_semaphore, #tpu.memory_space<semaphore_mem>>) src(%dma_wait3A_296 : memref<1000000x32xf32, #tpu.memory_space<hbm>>) dst(%dma_wait3A_291 : memref<128x32xf32, #tpu.memory_space<vmem>>)
    %dma_wait3A_297 = arith.constant 1408 : i32
    %dma_wait3A_298 = arith.constant 0 : i32
    %dma_wait3A_299 = tpu.memref_slice %arg6[%dma_wait3A_297, %dma_wait3A_298] : memref<3328x32xf32, #tpu.memory_space<vmem>> -> memref<128x32xf32, #tpu.memory_space<vmem>>
    %dma_wait3A_300 = arith.constant 1408 : i32
    %dma_wait3A_301 = tpu.memref_slice %arg5[%dma_wait3A_300] : memref<3328xi32, #tpu.memory_space<vmem>> -> memref<128xi32, #tpu.memory_space<vmem>>
    %dma_wait3A_302 = arith.constant 0 : i32
    %dma_wait3A_303 = arith.constant 0 : i32
    %dma_wait3A_304 = tpu.memref_slice %arg3[%dma_wait3A_302, %dma_wait3A_303] : memref<1000000x32xf32, #tpu.memory_space<hbm>> -> memref<1000000x32xf32, #tpu.memory_space<hbm>>
    tpu.wait_indirect_dma semaphore(%arg7 : memref<!tpu.dma_semaphore, #tpu.memory_space<semaphore_mem>>) src(%dma_wait3A_304 : memref<1000000x32xf32, #tpu.memory_space<hbm>>) dst(%dma_wait3A_299 : memref<128x32xf32, #tpu.memory_space<vmem>>)
    %dma_wait3A_305 = arith.constant 1536 : i32
    %dma_wait3A_306 = arith.constant 0 : i32
    %dma_wait3A_307 = tpu.memref_slice %arg6[%dma_wait3A_305, %dma_wait3A_306] : memref<3328x32xf32, #tpu.memory_space<vmem>> -> memref<128x32xf32, #tpu.memory_space<vmem>>
    %dma_wait3A_308 = arith.constant 1536 : i32
    %dma_wait3A_309 = tpu.memref_slice %arg5[%dma_wait3A_308] : memref<3328xi32, #tpu.memory_space<vmem>> -> memref<128xi32, #tpu.memory_space<vmem>>
    %dma_wait3A_310 = arith.constant 0 : i32
    %dma_wait3A_311 = arith.constant 0 : i32
    %dma_wait3A_312 = tpu.memref_slice %arg3[%dma_wait3A_310, %dma_wait3A_311] : memref<1000000x32xf32, #tpu.memory_space<hbm>> -> memref<1000000x32xf32, #tpu.memory_space<hbm>>
    tpu.wait_indirect_dma semaphore(%arg7 : memref<!tpu.dma_semaphore, #tpu.memory_space<semaphore_mem>>) src(%dma_wait3A_312 : memref<1000000x32xf32, #tpu.memory_space<hbm>>) dst(%dma_wait3A_307 : memref<128x32xf32, #tpu.memory_space<vmem>>)
    %dma_wait3A_313 = arith.constant 1664 : i32
    %dma_wait3A_314 = arith.constant 0 : i32
    %dma_wait3A_315 = tpu.memref_slice %arg6[%dma_wait3A_313, %dma_wait3A_314] : memref<3328x32xf32, #tpu.memory_space<vmem>> -> memref<128x32xf32, #tpu.memory_space<vmem>>
    %dma_wait3A_316 = arith.constant 1664 : i32
    %dma_wait3A_317 = tpu.memref_slice %arg5[%dma_wait3A_316] : memref<3328xi32, #tpu.memory_space<vmem>> -> memref<128xi32, #tpu.memory_space<vmem>>
    %dma_wait3A_318 = arith.constant 0 : i32
    %dma_wait3A_319 = arith.constant 0 : i32
    %dma_wait3A_320 = tpu.memref_slice %arg3[%dma_wait3A_318, %dma_wait3A_319] : memref<1000000x32xf32, #tpu.memory_space<hbm>> -> memref<1000000x32xf32, #tpu.memory_space<hbm>>
    tpu.wait_indirect_dma semaphore(%arg7 : memref<!tpu.dma_semaphore, #tpu.memory_space<semaphore_mem>>) src(%dma_wait3A_320 : memref<1000000x32xf32, #tpu.memory_space<hbm>>) dst(%dma_wait3A_315 : memref<128x32xf32, #tpu.memory_space<vmem>>)
    %dma_wait3A_321 = arith.constant 1792 : i32
    %dma_wait3A_322 = arith.constant 0 : i32
    %dma_wait3A_323 = tpu.memref_slice %arg6[%dma_wait3A_321, %dma_wait3A_322] : memref<3328x32xf32, #tpu.memory_space<vmem>> -> memref<128x32xf32, #tpu.memory_space<vmem>>
    %dma_wait3A_324 = arith.constant 1792 : i32
    %dma_wait3A_325 = tpu.memref_slice %arg5[%dma_wait3A_324] : memref<3328xi32, #tpu.memory_space<vmem>> -> memref<128xi32, #tpu.memory_space<vmem>>
    %dma_wait3A_326 = arith.constant 0 : i32
    %dma_wait3A_327 = arith.constant 0 : i32
    %dma_wait3A_328 = tpu.memref_slice %arg3[%dma_wait3A_326, %dma_wait3A_327] : memref<1000000x32xf32, #tpu.memory_space<hbm>> -> memref<1000000x32xf32, #tpu.memory_space<hbm>>
    tpu.wait_indirect_dma semaphore(%arg7 : memref<!tpu.dma_semaphore, #tpu.memory_space<semaphore_mem>>) src(%dma_wait3A_328 : memref<1000000x32xf32, #tpu.memory_space<hbm>>) dst(%dma_wait3A_323 : memref<128x32xf32, #tpu.memory_space<vmem>>)
    %dma_wait3A_329 = arith.constant 1920 : i32
    %dma_wait3A_330 = arith.constant 0 : i32
    %dma_wait3A_331 = tpu.memref_slice %arg6[%dma_wait3A_329, %dma_wait3A_330] : memref<3328x32xf32, #tpu.memory_space<vmem>> -> memref<128x32xf32, #tpu.memory_space<vmem>>
    %dma_wait3A_332 = arith.constant 1920 : i32
    %dma_wait3A_333 = tpu.memref_slice %arg5[%dma_wait3A_332] : memref<3328xi32, #tpu.memory_space<vmem>> -> memref<128xi32, #tpu.memory_space<vmem>>
    %dma_wait3A_334 = arith.constant 0 : i32
    %dma_wait3A_335 = arith.constant 0 : i32
    %dma_wait3A_336 = tpu.memref_slice %arg3[%dma_wait3A_334, %dma_wait3A_335] : memref<1000000x32xf32, #tpu.memory_space<hbm>> -> memref<1000000x32xf32, #tpu.memory_space<hbm>>
    tpu.wait_indirect_dma semaphore(%arg7 : memref<!tpu.dma_semaphore, #tpu.memory_space<semaphore_mem>>) src(%dma_wait3A_336 : memref<1000000x32xf32, #tpu.memory_space<hbm>>) dst(%dma_wait3A_331 : memref<128x32xf32, #tpu.memory_space<vmem>>)
    %dma_wait3A_337 = arith.constant 2048 : i32
    %dma_wait3A_338 = arith.constant 0 : i32
    %dma_wait3A_339 = tpu.memref_slice %arg6[%dma_wait3A_337, %dma_wait3A_338] : memref<3328x32xf32, #tpu.memory_space<vmem>> -> memref<128x32xf32, #tpu.memory_space<vmem>>
    %dma_wait3A_340 = arith.constant 2048 : i32
    %dma_wait3A_341 = tpu.memref_slice %arg5[%dma_wait3A_340] : memref<3328xi32, #tpu.memory_space<vmem>> -> memref<128xi32, #tpu.memory_space<vmem>>
    %dma_wait3A_342 = arith.constant 0 : i32
    %dma_wait3A_343 = arith.constant 0 : i32
    %dma_wait3A_344 = tpu.memref_slice %arg3[%dma_wait3A_342, %dma_wait3A_343] : memref<1000000x32xf32, #tpu.memory_space<hbm>> -> memref<1000000x32xf32, #tpu.memory_space<hbm>>
    tpu.wait_indirect_dma semaphore(%arg7 : memref<!tpu.dma_semaphore, #tpu.memory_space<semaphore_mem>>) src(%dma_wait3A_344 : memref<1000000x32xf32, #tpu.memory_space<hbm>>) dst(%dma_wait3A_339 : memref<128x32xf32, #tpu.memory_space<vmem>>)
    %dma_wait3A_345 = arith.constant 2176 : i32
    %dma_wait3A_346 = arith.constant 0 : i32
    %dma_wait3A_347 = tpu.memref_slice %arg6[%dma_wait3A_345, %dma_wait3A_346] : memref<3328x32xf32, #tpu.memory_space<vmem>> -> memref<128x32xf32, #tpu.memory_space<vmem>>
    %dma_wait3A_348 = arith.constant 2176 : i32
    %dma_wait3A_349 = tpu.memref_slice %arg5[%dma_wait3A_348] : memref<3328xi32, #tpu.memory_space<vmem>> -> memref<128xi32, #tpu.memory_space<vmem>>
    %dma_wait3A_350 = arith.constant 0 : i32
    %dma_wait3A_351 = arith.constant 0 : i32
    %dma_wait3A_352 = tpu.memref_slice %arg3[%dma_wait3A_350, %dma_wait3A_351] : memref<1000000x32xf32, #tpu.memory_space<hbm>> -> memref<1000000x32xf32, #tpu.memory_space<hbm>>
    tpu.wait_indirect_dma semaphore(%arg7 : memref<!tpu.dma_semaphore, #tpu.memory_space<semaphore_mem>>) src(%dma_wait3A_352 : memref<1000000x32xf32, #tpu.memory_space<hbm>>) dst(%dma_wait3A_347 : memref<128x32xf32, #tpu.memory_space<vmem>>)
    %dma_wait3A_353 = arith.constant 2304 : i32
    %dma_wait3A_354 = arith.constant 0 : i32
    %dma_wait3A_355 = tpu.memref_slice %arg6[%dma_wait3A_353, %dma_wait3A_354] : memref<3328x32xf32, #tpu.memory_space<vmem>> -> memref<128x32xf32, #tpu.memory_space<vmem>>
    %dma_wait3A_356 = arith.constant 2304 : i32
    %dma_wait3A_357 = tpu.memref_slice %arg5[%dma_wait3A_356] : memref<3328xi32, #tpu.memory_space<vmem>> -> memref<128xi32, #tpu.memory_space<vmem>>
    %dma_wait3A_358 = arith.constant 0 : i32
    %dma_wait3A_359 = arith.constant 0 : i32
    %dma_wait3A_360 = tpu.memref_slice %arg3[%dma_wait3A_358, %dma_wait3A_359] : memref<1000000x32xf32, #tpu.memory_space<hbm>> -> memref<1000000x32xf32, #tpu.memory_space<hbm>>
    tpu.wait_indirect_dma semaphore(%arg7 : memref<!tpu.dma_semaphore, #tpu.memory_space<semaphore_mem>>) src(%dma_wait3A_360 : memref<1000000x32xf32, #tpu.memory_space<hbm>>) dst(%dma_wait3A_355 : memref<128x32xf32, #tpu.memory_space<vmem>>)
    %dma_wait3A_361 = arith.constant 2432 : i32
    %dma_wait3A_362 = arith.constant 0 : i32
    %dma_wait3A_363 = tpu.memref_slice %arg6[%dma_wait3A_361, %dma_wait3A_362] : memref<3328x32xf32, #tpu.memory_space<vmem>> -> memref<128x32xf32, #tpu.memory_space<vmem>>
    %dma_wait3A_364 = arith.constant 2432 : i32
    %dma_wait3A_365 = tpu.memref_slice %arg5[%dma_wait3A_364] : memref<3328xi32, #tpu.memory_space<vmem>> -> memref<128xi32, #tpu.memory_space<vmem>>
    %dma_wait3A_366 = arith.constant 0 : i32
    %dma_wait3A_367 = arith.constant 0 : i32
    %dma_wait3A_368 = tpu.memref_slice %arg3[%dma_wait3A_366, %dma_wait3A_367] : memref<1000000x32xf32, #tpu.memory_space<hbm>> -> memref<1000000x32xf32, #tpu.memory_space<hbm>>
    tpu.wait_indirect_dma semaphore(%arg7 : memref<!tpu.dma_semaphore, #tpu.memory_space<semaphore_mem>>) src(%dma_wait3A_368 : memref<1000000x32xf32, #tpu.memory_space<hbm>>) dst(%dma_wait3A_363 : memref<128x32xf32, #tpu.memory_space<vmem>>)
    %dma_wait3A_369 = arith.constant 2560 : i32
    %dma_wait3A_370 = arith.constant 0 : i32
    %dma_wait3A_371 = tpu.memref_slice %arg6[%dma_wait3A_369, %dma_wait3A_370] : memref<3328x32xf32, #tpu.memory_space<vmem>> -> memref<128x32xf32, #tpu.memory_space<vmem>>
    %dma_wait3A_372 = arith.constant 2560 : i32
    %dma_wait3A_373 = tpu.memref_slice %arg5[%dma_wait3A_372] : memref<3328xi32, #tpu.memory_space<vmem>> -> memref<128xi32, #tpu.memory_space<vmem>>
    %dma_wait3A_374 = arith.constant 0 : i32
    %dma_wait3A_375 = arith.constant 0 : i32
    %dma_wait3A_376 = tpu.memref_slice %arg3[%dma_wait3A_374, %dma_wait3A_375] : memref<1000000x32xf32, #tpu.memory_space<hbm>> -> memref<1000000x32xf32, #tpu.memory_space<hbm>>
    tpu.wait_indirect_dma semaphore(%arg7 : memref<!tpu.dma_semaphore, #tpu.memory_space<semaphore_mem>>) src(%dma_wait3A_376 : memref<1000000x32xf32, #tpu.memory_space<hbm>>) dst(%dma_wait3A_371 : memref<128x32xf32, #tpu.memory_space<vmem>>)
    %dma_wait3A_377 = arith.constant 2688 : i32
    %dma_wait3A_378 = arith.constant 0 : i32
    %dma_wait3A_379 = tpu.memref_slice %arg6[%dma_wait3A_377, %dma_wait3A_378] : memref<3328x32xf32, #tpu.memory_space<vmem>> -> memref<128x32xf32, #tpu.memory_space<vmem>>
    %dma_wait3A_380 = arith.constant 2688 : i32
    %dma_wait3A_381 = tpu.memref_slice %arg5[%dma_wait3A_380] : memref<3328xi32, #tpu.memory_space<vmem>> -> memref<128xi32, #tpu.memory_space<vmem>>
    %dma_wait3A_382 = arith.constant 0 : i32
    %dma_wait3A_383 = arith.constant 0 : i32
    %dma_wait3A_384 = tpu.memref_slice %arg3[%dma_wait3A_382, %dma_wait3A_383] : memref<1000000x32xf32, #tpu.memory_space<hbm>> -> memref<1000000x32xf32, #tpu.memory_space<hbm>>
    tpu.wait_indirect_dma semaphore(%arg7 : memref<!tpu.dma_semaphore, #tpu.memory_space<semaphore_mem>>) src(%dma_wait3A_384 : memref<1000000x32xf32, #tpu.memory_space<hbm>>) dst(%dma_wait3A_379 : memref<128x32xf32, #tpu.memory_space<vmem>>)
    %dma_wait3A_385 = arith.constant 2816 : i32
    %dma_wait3A_386 = arith.constant 0 : i32
    %dma_wait3A_387 = tpu.memref_slice %arg6[%dma_wait3A_385, %dma_wait3A_386] : memref<3328x32xf32, #tpu.memory_space<vmem>> -> memref<128x32xf32, #tpu.memory_space<vmem>>
    %dma_wait3A_388 = arith.constant 2816 : i32
    %dma_wait3A_389 = tpu.memref_slice %arg5[%dma_wait3A_388] : memref<3328xi32, #tpu.memory_space<vmem>> -> memref<128xi32, #tpu.memory_space<vmem>>
    %dma_wait3A_390 = arith.constant 0 : i32
    %dma_wait3A_391 = arith.constant 0 : i32
    %dma_wait3A_392 = tpu.memref_slice %arg3[%dma_wait3A_390, %dma_wait3A_391] : memref<1000000x32xf32, #tpu.memory_space<hbm>> -> memref<1000000x32xf32, #tpu.memory_space<hbm>>
    tpu.wait_indirect_dma semaphore(%arg7 : memref<!tpu.dma_semaphore, #tpu.memory_space<semaphore_mem>>) src(%dma_wait3A_392 : memref<1000000x32xf32, #tpu.memory_space<hbm>>) dst(%dma_wait3A_387 : memref<128x32xf32, #tpu.memory_space<vmem>>)
    %dma_wait3A_393 = arith.constant 2944 : i32
    %dma_wait3A_394 = arith.constant 0 : i32
    %dma_wait3A_395 = tpu.memref_slice %arg6[%dma_wait3A_393, %dma_wait3A_394] : memref<3328x32xf32, #tpu.memory_space<vmem>> -> memref<128x32xf32, #tpu.memory_space<vmem>>
    %dma_wait3A_396 = arith.constant 2944 : i32
    %dma_wait3A_397 = tpu.memref_slice %arg5[%dma_wait3A_396] : memref<3328xi32, #tpu.memory_space<vmem>> -> memref<128xi32, #tpu.memory_space<vmem>>
    %dma_wait3A_398 = arith.constant 0 : i32
    %dma_wait3A_399 = arith.constant 0 : i32
    %dma_wait3A_400 = tpu.memref_slice %arg3[%dma_wait3A_398, %dma_wait3A_399] : memref<1000000x32xf32, #tpu.memory_space<hbm>> -> memref<1000000x32xf32, #tpu.memory_space<hbm>>
    tpu.wait_indirect_dma semaphore(%arg7 : memref<!tpu.dma_semaphore, #tpu.memory_space<semaphore_mem>>) src(%dma_wait3A_400 : memref<1000000x32xf32, #tpu.memory_space<hbm>>) dst(%dma_wait3A_395 : memref<128x32xf32, #tpu.memory_space<vmem>>)
    %dma_wait3A_401 = arith.constant 3072 : i32
    %dma_wait3A_402 = arith.constant 0 : i32
    %dma_wait3A_403 = tpu.memref_slice %arg6[%dma_wait3A_401, %dma_wait3A_402] : memref<3328x32xf32, #tpu.memory_space<vmem>> -> memref<128x32xf32, #tpu.memory_space<vmem>>
    %dma_wait3A_404 = arith.constant 3072 : i32
    %dma_wait3A_405 = tpu.memref_slice %arg5[%dma_wait3A_404] : memref<3328xi32, #tpu.memory_space<vmem>> -> memref<128xi32, #tpu.memory_space<vmem>>
    %dma_wait3A_406 = arith.constant 0 : i32
    %dma_wait3A_407 = arith.constant 0 : i32
    %dma_wait3A_408 = tpu.memref_slice %arg3[%dma_wait3A_406, %dma_wait3A_407] : memref<1000000x32xf32, #tpu.memory_space<hbm>> -> memref<1000000x32xf32, #tpu.memory_space<hbm>>
    tpu.wait_indirect_dma semaphore(%arg7 : memref<!tpu.dma_semaphore, #tpu.memory_space<semaphore_mem>>) src(%dma_wait3A_408 : memref<1000000x32xf32, #tpu.memory_space<hbm>>) dst(%dma_wait3A_403 : memref<128x32xf32, #tpu.memory_space<vmem>>)
    %dma_wait3A_409 = arith.constant 3200 : i32
    %dma_wait3A_410 = arith.constant 0 : i32
    %dma_wait3A_411 = tpu.memref_slice %arg6[%dma_wait3A_409, %dma_wait3A_410] : memref<3328x32xf32, #tpu.memory_space<vmem>> -> memref<128x32xf32, #tpu.memory_space<vmem>>
    %dma_wait3A_412 = arith.constant 3200 : i32
    %dma_wait3A_413 = tpu.memref_slice %arg5[%dma_wait3A_412] : memref<3328xi32, #tpu.memory_space<vmem>> -> memref<128xi32, #tpu.memory_space<vmem>>
    %dma_wait3A_414 = arith.constant 0 : i32
    %dma_wait3A_415 = arith.constant 0 : i32
    %dma_wait3A_416 = tpu.memref_slice %arg3[%dma_wait3A_414, %dma_wait3A_415] : memref<1000000x32xf32, #tpu.memory_space<hbm>> -> memref<1000000x32xf32, #tpu.memory_space<hbm>>
    tpu.wait_indirect_dma semaphore(%arg7 : memref<!tpu.dma_semaphore, #tpu.memory_space<semaphore_mem>>) src(%dma_wait3A_416 : memref<1000000x32xf32, #tpu.memory_space<hbm>>) dst(%dma_wait3A_411 : memref<128x32xf32, #tpu.memory_space<vmem>>)
    %mul3A_417 = arith.constant 3328 : i32
    %mul3A_418 = arith.muli %add3A, %mul3A_417 : i32
    "tpu.region"() ({
      %run_scoped3A = tpu.sem_alloc : memref<!tpu.dma_semaphore, #tpu.memory_space<semaphore_mem>>
      %dma_start3A_419 = arith.constant 0 : i32
      %dma_start3A_420 = tpu.memref_slice %arg4[%mul3A_418, %dma_start3A_419] : memref<106496x32xf32, #tpu.memory_space<hbm>> -> memref<3328x32xf32, #tpu.memory_space<hbm>>
      %dma_start3A_421 = arith.constant 0 : i32
      %dma_start3A_422 = tpu.memref_slice %arg4[%mul3A_418, %dma_start3A_421] : memref<106496x32xf32, #tpu.memory_space<hbm>> -> memref<3328x32xf32, #tpu.memory_space<hbm>>
      tpu.enqueue_dma source(%arg6 : memref<3328x32xf32, #tpu.memory_space<vmem>>) target(%dma_start3A_422 : memref<3328x32xf32, #tpu.memory_space<hbm>>) target_semaphore(%run_scoped3A : memref<!tpu.dma_semaphore, #tpu.memory_space<semaphore_mem>>)
      %dma_wait3A_423 = arith.constant 0 : i32
      %dma_wait3A_424 = tpu.memref_slice %arg4[%mul3A_418, %dma_wait3A_423] : memref<106496x32xf32, #tpu.memory_space<hbm>> -> memref<3328x32xf32, #tpu.memory_space<hbm>>
      %dma_wait3A_425 = arith.constant 0 : i32
      %dma_wait3A_426 = tpu.memref_slice %arg4[%mul3A_418, %dma_wait3A_425] : memref<106496x32xf32, #tpu.memory_space<hbm>> -> memref<3328x32xf32, #tpu.memory_space<hbm>>
      tpu.wait_dma2 semaphore(%run_scoped3A : memref<!tpu.dma_semaphore, #tpu.memory_space<semaphore_mem>>) src(%arg6 : memref<3328x32xf32, #tpu.memory_space<vmem>>) dst(%dma_wait3A_426 : memref<3328x32xf32, #tpu.memory_space<hbm>>)
      tpu.yield
    }) : () -> ()
    return
  }
}

module attributes {stable_mosaic.version = 14 : i64} {
  func.func @_transpose_block(%arg0: i32, %arg1: memref<32x32768xf32, #tpu.memory_space<vmem>>, %arg2: memref<8192x128xf32, #tpu.memory_space<vmem>>) attributes {dimension_semantics = [#tpu.dimension_semantics<arbitrary>], iteration_bounds = array<i64: 31>, scalar_prefetch = 0 : i64, scratch_operands = 0 : i64, tpu.core_type = #tpu.core_type<tc>, window_params = [{transform_indices = @transform_0, window_bounds = array<i64: 32, 32768>}, {transform_indices = @transform_1, window_bounds = array<i64: 8192, 128>}]} {
    %iota3A = tpu.iota {dimensions = array<i32: 0>} : vector<256x256xi32>
    %iota3A_0 = tpu.iota {dimensions = array<i32: 1>} : vector<256x256xi32>
    %jit3A = arith.constant 64 : i32
    %eq3A = arith.constant 0 : i32
    %eq3A_1 = arith.cmpi eq, %jit3A, %eq3A : i32
    %jit3A_2 = arith.constant 1 : i32
    %select_n3A = arith.select %eq3A_1, %jit3A_2, %jit3A : i32
    %rem3A = vector.broadcast %select_n3A : i32 to vector<256x256xi32>
    %rem3A_3 = arith.remsi %iota3A, %rem3A : vector<256x256xi32>
    %ne3A = arith.constant 0 : i32
    %ne3A_4 = vector.broadcast %ne3A : i32 to vector<256x256xi32>
    %ne3A_5 = arith.cmpi ne, %rem3A_3, %ne3A_4 : vector<256x256xi32>
    %lt3A = arith.constant 0 : i32
    %lt3A_6 = vector.broadcast %lt3A : i32 to vector<256x256xi32>
    %lt3A_7 = arith.cmpi slt, %rem3A_3, %lt3A_6 : vector<256x256xi32>
    %lt3A_8 = arith.constant 0 : i32
    %lt3A_9 = arith.cmpi slt, %select_n3A, %lt3A_8 : i32
    %ne3A_10 = vector.broadcast %lt3A_9 : i1 to vector<256x256xi1>
    %ne3A_11 = vector.broadcast %ne3A_10 : vector<256x256xi1> to vector<256x256xi1>
    %ne3A_12 = arith.xori %lt3A_7, %ne3A_11 : vector<256x256xi1>
    %and3A = arith.andi %ne3A_12, %ne3A_5 : vector<256x256xi1>
    %add3A = vector.broadcast %select_n3A : i32 to vector<256x256xi32>
    %add3A_13 = arith.addi %rem3A_3, %add3A : vector<256x256xi32>
    %select_n3A_14 = arith.select %and3A, %add3A_13, %rem3A_3 : vector<256x256xi1>, vector<256x256xi32>
    %mul3A = arith.constant 4 : i32
    %mul3A_15 = vector.broadcast %mul3A : i32 to vector<256x256xi32>
    %mul3A_16 = arith.muli %mul3A_15, %select_n3A_14 : vector<256x256xi32>
    %jit3A_17 = arith.constant 64 : i32
    %div3A = vector.broadcast %jit3A_17 : i32 to vector<256x256xi32>
    %div3A_18 = arith.divsi %iota3A, %div3A : vector<256x256xi32>
    %sign3A = arith.constant 0 : i32
    %sign3A_19 = vector.broadcast %sign3A : i32 to vector<256x256xi32>
    %sign3A_20 = arith.cmpi sgt, %iota3A, %sign3A_19 : vector<256x256xi32>
    %sign3A_21 = arith.extui %sign3A_20 : vector<256x256xi1> to vector<256x256xi32>
    %sign3A_22 = arith.constant 0 : i32
    %sign3A_23 = vector.broadcast %sign3A_22 : i32 to vector<256x256xi32>
    %sign3A_24 = arith.cmpi slt, %iota3A, %sign3A_23 : vector<256x256xi32>
    %sign3A_25 = arith.extui %sign3A_24 : vector<256x256xi1> to vector<256x256xi32>
    %sign3A_26 = arith.subi %sign3A_21, %sign3A_25 : vector<256x256xi32>
    %sign3A_27 = arith.constant 0 : i32
    %sign3A_28 = arith.cmpi sgt, %jit3A_17, %sign3A_27 : i32
    %sign3A_29 = arith.extui %sign3A_28 : i1 to i32
    %sign3A_30 = arith.constant 0 : i32
    %sign3A_31 = arith.cmpi slt, %jit3A_17, %sign3A_30 : i32
    %sign3A_32 = arith.extui %sign3A_31 : i1 to i32
    %sign3A_33 = arith.subi %sign3A_29, %sign3A_32 : i32
    %ne3A_34 = vector.broadcast %sign3A_33 : i32 to vector<256x256xi32>
    %ne3A_35 = arith.cmpi ne, %sign3A_26, %ne3A_34 : vector<256x256xi32>
    %rem3A_36 = vector.broadcast %jit3A_17 : i32 to vector<256x256xi32>
    %rem3A_37 = arith.remsi %iota3A, %rem3A_36 : vector<256x256xi32>
    %ne3A_38 = arith.constant 0 : i32
    %ne3A_39 = vector.broadcast %ne3A_38 : i32 to vector<256x256xi32>
    %ne3A_40 = arith.cmpi ne, %rem3A_37, %ne3A_39 : vector<256x256xi32>
    %and3A_41 = arith.andi %ne3A_35, %ne3A_40 : vector<256x256xi1>
    %sub3A = arith.constant 1 : i32
    %sub3A_42 = vector.broadcast %sub3A : i32 to vector<256x256xi32>
    %sub3A_43 = arith.subi %div3A_18, %sub3A_42 : vector<256x256xi32>
    %select_n3A_44 = arith.select %and3A_41, %sub3A_43, %div3A_18 : vector<256x256xi1>, vector<256x256xi32>
    %add3A_45 = arith.addi %mul3A_16, %select_n3A_44 : vector<256x256xi32>
    %eq3A_46 = arith.cmpi eq, %iota3A_0, %add3A_45 : vector<256x256xi32>
    %convert_element_type3A = arith.extui %eq3A_46 : vector<256x256xi1> to vector<256x256xi32>
    %convert_element_type3A_47 = arith.sitofp %convert_element_type3A : vector<256x256xi32> to vector<256x256xf32>
    %get3A = arith.constant 0 : index
    %get3A_48 = arith.constant 0 : index
    %get3A_49 = vector.load %arg1[%get3A, %get3A_48] : memref<32x32768xf32, #tpu.memory_space<vmem>>, vector<32x256xf32>
    %dot_general3A = arith.constant dense<0.000000e+00> : vector<256x32xf32>
    %dot_general3A_50 = tpu.matmul %convert_element_type3A_47, %get3A_49, %dot_general3A {dimension_numbers = #tpu.dot_dimension_numbers<[1], [1], [0], [0], [0, 0, 1, 0], [], []>, transpose_lhs_hint = false} : vector<256x256xf32>, vector<32x256xf32>, vector<256x32xf32> -> vector<256x32xf32>
    %slice3A = vector.extract_strided_slice %dot_general3A_50 {offsets = [0, 0], sizes = [64, 32], strides = [1, 1]} : vector<256x32xf32> to vector<64x32xf32>
    %slice3A_51 = vector.extract_strided_slice %dot_general3A_50 {offsets = [64, 0], sizes = [64, 32], strides = [1, 1]} : vector<256x32xf32> to vector<64x32xf32>
    %slice3A_52 = vector.extract_strided_slice %dot_general3A_50 {offsets = [128, 0], sizes = [64, 32], strides = [1, 1]} : vector<256x32xf32> to vector<64x32xf32>
    %slice3A_53 = vector.extract_strided_slice %dot_general3A_50 {offsets = [192, 0], sizes = [64, 32], strides = [1, 1]} : vector<256x32xf32> to vector<64x32xf32>
    %concatenate3A = tpu.concatenate %slice3A, %slice3A_51, %slice3A_52, %slice3A_53 in 1 : vector<64x32xf32>, vector<64x32xf32>, vector<64x32xf32>, vector<64x32xf32> -> vector<64x128xf32>
    %swap3A = arith.constant 0 : index
    %swap3A_54 = arith.constant 0 : index
    %swap3A_55 = vector.load %arg2[%swap3A, %swap3A_54] : memref<8192x128xf32, #tpu.memory_space<vmem>>, vector<64x128xf32>
    tpu.vector_store %arg2[%swap3A, %swap3A_54], %concatenate3A {strides = array<i32>} : memref<8192x128xf32, #tpu.memory_space<vmem>>, vector<64x128xf32>,
    %get3A_56 = arith.constant 0 : index
    %get3A_57 = arith.constant 256 : index
    %get3A_58 = vector.load %arg1[%get3A_56, %get3A_57] : memref<32x32768xf32, #tpu.memory_space<vmem>>, vector<32x256xf32>
    %dot_general3A_59 = arith.constant dense<0.000000e+00> : vector<256x32xf32>
    %dot_general3A_60 = tpu.matmul %convert_element_type3A_47, %get3A_58, %dot_general3A_59 {dimension_numbers = #tpu.dot_dimension_numbers<[1], [1], [0], [0], [0, 0, 1, 0], [], []>, transpose_lhs_hint = false} : vector<256x256xf32>, vector<32x256xf32>, vector<256x32xf32> -> vector<256x32xf32>
    %slice3A_61 = vector.extract_strided_slice %dot_general3A_60 {offsets = [0, 0], sizes = [64, 32], strides = [1, 1]} : vector<256x32xf32> to vector<64x32xf32>
    %slice3A_62 = vector.extract_strided_slice %dot_general3A_60 {offsets = [64, 0], sizes = [64, 32], strides = [1, 1]} : vector<256x32xf32> to vector<64x32xf32>
    %slice3A_63 = vector.extract_strided_slice %dot_general3A_60 {offsets = [128, 0], sizes = [64, 32], strides = [1, 1]} : vector<256x32xf32> to vector<64x32xf32>
    %slice3A_64 = vector.extract_strided_slice %dot_general3A_60 {offsets = [192, 0], sizes = [64, 32], strides = [1, 1]} : vector<256x32xf32> to vector<64x32xf32>
    %concatenate3A_65 = tpu.concatenate %slice3A_61, %slice3A_62, %slice3A_63, %slice3A_64 in 1 : vector<64x32xf32>, vector<64x32xf32>, vector<64x32xf32>, vector<64x32xf32> -> vector<64x128xf32>
    %swap3A_66 = arith.constant 64 : index
    %swap3A_67 = arith.constant 0 : index
    %swap3A_68 = vector.load %arg2[%swap3A_66, %swap3A_67] : memref<8192x128xf32, #tpu.memory_space<vmem>>, vector<64x128xf32>
    tpu.vector_store %arg2[%swap3A_66, %swap3A_67], %concatenate3A_65 {strides = array<i32>} : memref<8192x128xf32, #tpu.memory_space<vmem>>, vector<64x128xf32>,
    %get3A_69 = arith.constant 0 : index
    %get3A_70 = arith.constant 512 : index
    %get3A_71 = vector.load %arg1[%get3A_69, %get3A_70] : memref<32x32768xf32, #tpu.memory_space<vmem>>, vector<32x256xf32>
    %dot_general3A_72 = arith.constant dense<0.000000e+00> : vector<256x32xf32>
    %dot_general3A_73 = tpu.matmul %convert_element_type3A_47, %get3A_71, %dot_general3A_72 {dimension_numbers = #tpu.dot_dimension_numbers<[1], [1], [0], [0], [0, 0, 1, 0], [], []>, transpose_lhs_hint = false} : vector<256x256xf32>, vector<32x256xf32>, vector<256x32xf32> -> vector<256x32xf32>
    %slice3A_74 = vector.extract_strided_slice %dot_general3A_73 {offsets = [0, 0], sizes = [64, 32], strides = [1, 1]} : vector<256x32xf32> to vector<64x32xf32>
    %slice3A_75 = vector.extract_strided_slice %dot_general3A_73 {offsets = [64, 0], sizes = [64, 32], strides = [1, 1]} : vector<256x32xf32> to vector<64x32xf32>
    %slice3A_76 = vector.extract_strided_slice %dot_general3A_73 {offsets = [128, 0], sizes = [64, 32], strides = [1, 1]} : vector<256x32xf32> to vector<64x32xf32>
    %slice3A_77 = vector.extract_strided_slice %dot_general3A_73 {offsets = [192, 0], sizes = [64, 32], strides = [1, 1]} : vector<256x32xf32> to vector<64x32xf32>
    %concatenate3A_78 = tpu.concatenate %slice3A_74, %slice3A_75, %slice3A_76, %slice3A_77 in 1 : vector<64x32xf32>, vector<64x32xf32>, vector<64x32xf32>, vector<64x32xf32> -> vector<64x128xf32>
    %swap3A_79 = arith.constant 128 : index
    %swap3A_80 = arith.constant 0 : index
    %swap3A_81 = vector.load %arg2[%swap3A_79, %swap3A_80] : memref<8192x128xf32, #tpu.memory_space<vmem>>, vector<64x128xf32>
    tpu.vector_store %arg2[%swap3A_79, %swap3A_80], %concatenate3A_78 {strides = array<i32>} : memref<8192x128xf32, #tpu.memory_space<vmem>>, vector<64x128xf32>,
    %get3A_82 = arith.constant 0 : index
    %get3A_83 = arith.constant 768 : index
    %get3A_84 = vector.load %arg1[%get3A_82, %get3A_83] : memref<32x32768xf32, #tpu.memory_space<vmem>>, vector<32x256xf32>
    %dot_general3A_85 = arith.constant dense<0.000000e+00> : vector<256x32xf32>
    %dot_general3A_86 = tpu.matmul %convert_element_type3A_47, %get3A_84, %dot_general3A_85 {dimension_numbers = #tpu.dot_dimension_numbers<[1], [1], [0], [0], [0, 0, 1, 0], [], []>, transpose_lhs_hint = false} : vector<256x256xf32>, vector<32x256xf32>, vector<256x32xf32> -> vector<256x32xf32>
    %slice3A_87 = vector.extract_strided_slice %dot_general3A_86 {offsets = [0, 0], sizes = [64, 32], strides = [1, 1]} : vector<256x32xf32> to vector<64x32xf32>
    %slice3A_88 = vector.extract_strided_slice %dot_general3A_86 {offsets = [64, 0], sizes = [64, 32], strides = [1, 1]} : vector<256x32xf32> to vector<64x32xf32>
    %slice3A_89 = vector.extract_strided_slice %dot_general3A_86 {offsets = [128, 0], sizes = [64, 32], strides = [1, 1]} : vector<256x32xf32> to vector<64x32xf32>
    %slice3A_90 = vector.extract_strided_slice %dot_general3A_86 {offsets = [192, 0], sizes = [64, 32], strides = [1, 1]} : vector<256x32xf32> to vector<64x32xf32>
    %concatenate3A_91 = tpu.concatenate %slice3A_87, %slice3A_88, %slice3A_89, %slice3A_90 in 1 : vector<64x32xf32>, vector<64x32xf32>, vector<64x32xf32>, vector<64x32xf32> -> vector<64x128xf32>
    %swap3A_92 = arith.constant 192 : index
    %swap3A_93 = arith.constant 0 : index
    %swap3A_94 = vector.load %arg2[%swap3A_92, %swap3A_93] : memref<8192x128xf32, #tpu.memory_space<vmem>>, vector<64x128xf32>
    tpu.vector_store %arg2[%swap3A_92, %swap3A_93], %concatenate3A_91 {strides = array<i32>} : memref<8192x128xf32, #tpu.memory_space<vmem>>, vector<64x128xf32>,
    %get3A_95 = arith.constant 0 : index
    %get3A_96 = arith.constant 1024 : index
    %get3A_97 = vector.load %arg1[%get3A_95, %get3A_96] : memref<32x32768xf32, #tpu.memory_space<vmem>>, vector<32x256xf32>
    %dot_general3A_98 = arith.constant dense<0.000000e+00> : vector<256x32xf32>
    %dot_general3A_99 = tpu.matmul %convert_element_type3A_47, %get3A_97, %dot_general3A_98 {dimension_numbers = #tpu.dot_dimension_numbers<[1], [1], [0], [0], [0, 0, 1, 0], [], []>, transpose_lhs_hint = false} : vector<256x256xf32>, vector<32x256xf32>, vector<256x32xf32> -> vector<256x32xf32>
    %slice3A_100 = vector.extract_strided_slice %dot_general3A_99 {offsets = [0, 0], sizes = [64, 32], strides = [1, 1]} : vector<256x32xf32> to vector<64x32xf32>
    %slice3A_101 = vector.extract_strided_slice %dot_general3A_99 {offsets = [64, 0], sizes = [64, 32], strides = [1, 1]} : vector<256x32xf32> to vector<64x32xf32>
    %slice3A_102 = vector.extract_strided_slice %dot_general3A_99 {offsets = [128, 0], sizes = [64, 32], strides = [1, 1]} : vector<256x32xf32> to vector<64x32xf32>
    %slice3A_103 = vector.extract_strided_slice %dot_general3A_99 {offsets = [192, 0], sizes = [64, 32], strides = [1, 1]} : vector<256x32xf32> to vector<64x32xf32>
    %concatenate3A_104 = tpu.concatenate %slice3A_100, %slice3A_101, %slice3A_102, %slice3A_103 in 1 : vector<64x32xf32>, vector<64x32xf32>, vector<64x32xf32>, vector<64x32xf32> -> vector<64x128xf32>
    %swap3A_105 = arith.constant 256 : index
    %swap3A_106 = arith.constant 0 : index
    %swap3A_107 = vector.load %arg2[%swap3A_105, %swap3A_106] : memref<8192x128xf32, #tpu.memory_space<vmem>>, vector<64x128xf32>
    tpu.vector_store %arg2[%swap3A_105, %swap3A_106], %concatenate3A_104 {strides = array<i32>} : memref<8192x128xf32, #tpu.memory_space<vmem>>, vector<64x128xf32>,
    %get3A_108 = arith.constant 0 : index
    %get3A_109 = arith.constant 1280 : index
    %get3A_110 = vector.load %arg1[%get3A_108, %get3A_109] : memref<32x32768xf32, #tpu.memory_space<vmem>>, vector<32x256xf32>
    %dot_general3A_111 = arith.constant dense<0.000000e+00> : vector<256x32xf32>
    %dot_general3A_112 = tpu.matmul %convert_element_type3A_47, %get3A_110, %dot_general3A_111 {dimension_numbers = #tpu.dot_dimension_numbers<[1], [1], [0], [0], [0, 0, 1, 0], [], []>, transpose_lhs_hint = false} : vector<256x256xf32>, vector<32x256xf32>, vector<256x32xf32> -> vector<256x32xf32>
    %slice3A_113 = vector.extract_strided_slice %dot_general3A_112 {offsets = [0, 0], sizes = [64, 32], strides = [1, 1]} : vector<256x32xf32> to vector<64x32xf32>
    %slice3A_114 = vector.extract_strided_slice %dot_general3A_112 {offsets = [64, 0], sizes = [64, 32], strides = [1, 1]} : vector<256x32xf32> to vector<64x32xf32>
    %slice3A_115 = vector.extract_strided_slice %dot_general3A_112 {offsets = [128, 0], sizes = [64, 32], strides = [1, 1]} : vector<256x32xf32> to vector<64x32xf32>
    %slice3A_116 = vector.extract_strided_slice %dot_general3A_112 {offsets = [192, 0], sizes = [64, 32], strides = [1, 1]} : vector<256x32xf32> to vector<64x32xf32>
    %concatenate3A_117 = tpu.concatenate %slice3A_113, %slice3A_114, %slice3A_115, %slice3A_116 in 1 : vector<64x32xf32>, vector<64x32xf32>, vector<64x32xf32>, vector<64x32xf32> -> vector<64x128xf32>
    %swap3A_118 = arith.constant 320 : index
    %swap3A_119 = arith.constant 0 : index
    %swap3A_120 = vector.load %arg2[%swap3A_118, %swap3A_119] : memref<8192x128xf32, #tpu.memory_space<vmem>>, vector<64x128xf32>
    tpu.vector_store %arg2[%swap3A_118, %swap3A_119], %concatenate3A_117 {strides = array<i32>} : memref<8192x128xf32, #tpu.memory_space<vmem>>, vector<64x128xf32>,
    %get3A_121 = arith.constant 0 : index
    %get3A_122 = arith.constant 1536 : index
    %get3A_123 = vector.load %arg1[%get3A_121, %get3A_122] : memref<32x32768xf32, #tpu.memory_space<vmem>>, vector<32x256xf32>
    %dot_general3A_124 = arith.constant dense<0.000000e+00> : vector<256x32xf32>
    %dot_general3A_125 = tpu.matmul %convert_element_type3A_47, %get3A_123, %dot_general3A_124 {dimension_numbers = #tpu.dot_dimension_numbers<[1], [1], [0], [0], [0, 0, 1, 0], [], []>, transpose_lhs_hint = false} : vector<256x256xf32>, vector<32x256xf32>, vector<256x32xf32> -> vector<256x32xf32>
    %slice3A_126 = vector.extract_strided_slice %dot_general3A_125 {offsets = [0, 0], sizes = [64, 32], strides = [1, 1]} : vector<256x32xf32> to vector<64x32xf32>
    %slice3A_127 = vector.extract_strided_slice %dot_general3A_125 {offsets = [64, 0], sizes = [64, 32], strides = [1, 1]} : vector<256x32xf32> to vector<64x32xf32>
    %slice3A_128 = vector.extract_strided_slice %dot_general3A_125 {offsets = [128, 0], sizes = [64, 32], strides = [1, 1]} : vector<256x32xf32> to vector<64x32xf32>
    %slice3A_129 = vector.extract_strided_slice %dot_general3A_125 {offsets = [192, 0], sizes = [64, 32], strides = [1, 1]} : vector<256x32xf32> to vector<64x32xf32>
    %concatenate3A_130 = tpu.concatenate %slice3A_126, %slice3A_127, %slice3A_128, %slice3A_129 in 1 : vector<64x32xf32>, vector<64x32xf32>, vector<64x32xf32>, vector<64x32xf32> -> vector<64x128xf32>
    %swap3A_131 = arith.constant 384 : index
    %swap3A_132 = arith.constant 0 : index
    %swap3A_133 = vector.load %arg2[%swap3A_131, %swap3A_132] : memref<8192x128xf32, #tpu.memory_space<vmem>>, vector<64x128xf32>
    tpu.vector_store %arg2[%swap3A_131, %swap3A_132], %concatenate3A_130 {strides = array<i32>} : memref<8192x128xf32, #tpu.memory_space<vmem>>, vector<64x128xf32>,
    %get3A_134 = arith.constant 0 : index
    %get3A_135 = arith.constant 1792 : index
    %get3A_136 = vector.load %arg1[%get3A_134, %get3A_135] : memref<32x32768xf32, #tpu.memory_space<vmem>>, vector<32x256xf32>
    %dot_general3A_137 = arith.constant dense<0.000000e+00> : vector<256x32xf32>
    %dot_general3A_138 = tpu.matmul %convert_element_type3A_47, %get3A_136, %dot_general3A_137 {dimension_numbers = #tpu.dot_dimension_numbers<[1], [1], [0], [0], [0, 0, 1, 0], [], []>, transpose_lhs_hint = false} : vector<256x256xf32>, vector<32x256xf32>, vector<256x32xf32> -> vector<256x32xf32>
    %slice3A_139 = vector.extract_strided_slice %dot_general3A_138 {offsets = [0, 0], sizes = [64, 32], strides = [1, 1]} : vector<256x32xf32> to vector<64x32xf32>
    %slice3A_140 = vector.extract_strided_slice %dot_general3A_138 {offsets = [64, 0], sizes = [64, 32], strides = [1, 1]} : vector<256x32xf32> to vector<64x32xf32>
    %slice3A_141 = vector.extract_strided_slice %dot_general3A_138 {offsets = [128, 0], sizes = [64, 32], strides = [1, 1]} : vector<256x32xf32> to vector<64x32xf32>
    %slice3A_142 = vector.extract_strided_slice %dot_general3A_138 {offsets = [192, 0], sizes = [64, 32], strides = [1, 1]} : vector<256x32xf32> to vector<64x32xf32>
    %concatenate3A_143 = tpu.concatenate %slice3A_139, %slice3A_140, %slice3A_141, %slice3A_142 in 1 : vector<64x32xf32>, vector<64x32xf32>, vector<64x32xf32>, vector<64x32xf32> -> vector<64x128xf32>
    %swap3A_144 = arith.constant 448 : index
    %swap3A_145 = arith.constant 0 : index
    %swap3A_146 = vector.load %arg2[%swap3A_144, %swap3A_145] : memref<8192x128xf32, #tpu.memory_space<vmem>>, vector<64x128xf32>
    tpu.vector_store %arg2[%swap3A_144, %swap3A_145], %concatenate3A_143 {strides = array<i32>} : memref<8192x128xf32, #tpu.memory_space<vmem>>, vector<64x128xf32>,
    %get3A_147 = arith.constant 0 : index
    %get3A_148 = arith.constant 2048 : index
    %get3A_149 = vector.load %arg1[%get3A_147, %get3A_148] : memref<32x32768xf32, #tpu.memory_space<vmem>>, vector<32x256xf32>
    %dot_general3A_150 = arith.constant dense<0.000000e+00> : vector<256x32xf32>
    %dot_general3A_151 = tpu.matmul %convert_element_type3A_47, %get3A_149, %dot_general3A_150 {dimension_numbers = #tpu.dot_dimension_numbers<[1], [1], [0], [0], [0, 0, 1, 0], [], []>, transpose_lhs_hint = false} : vector<256x256xf32>, vector<32x256xf32>, vector<256x32xf32> -> vector<256x32xf32>
    %slice3A_152 = vector.extract_strided_slice %dot_general3A_151 {offsets = [0, 0], sizes = [64, 32], strides = [1, 1]} : vector<256x32xf32> to vector<64x32xf32>
    %slice3A_153 = vector.extract_strided_slice %dot_general3A_151 {offsets = [64, 0], sizes = [64, 32], strides = [1, 1]} : vector<256x32xf32> to vector<64x32xf32>
    %slice3A_154 = vector.extract_strided_slice %dot_general3A_151 {offsets = [128, 0], sizes = [64, 32], strides = [1, 1]} : vector<256x32xf32> to vector<64x32xf32>
    %slice3A_155 = vector.extract_strided_slice %dot_general3A_151 {offsets = [192, 0], sizes = [64, 32], strides = [1, 1]} : vector<256x32xf32> to vector<64x32xf32>
    %concatenate3A_156 = tpu.concatenate %slice3A_152, %slice3A_153, %slice3A_154, %slice3A_155 in 1 : vector<64x32xf32>, vector<64x32xf32>, vector<64x32xf32>, vector<64x32xf32> -> vector<64x128xf32>
    %swap3A_157 = arith.constant 512 : index
    %swap3A_158 = arith.constant 0 : index
    %swap3A_159 = vector.load %arg2[%swap3A_157, %swap3A_158] : memref<8192x128xf32, #tpu.memory_space<vmem>>, vector<64x128xf32>
    tpu.vector_store %arg2[%swap3A_157, %swap3A_158], %concatenate3A_156 {strides = array<i32>} : memref<8192x128xf32, #tpu.memory_space<vmem>>, vector<64x128xf32>,
    %get3A_160 = arith.constant 0 : index
    %get3A_161 = arith.constant 2304 : index
    %get3A_162 = vector.load %arg1[%get3A_160, %get3A_161] : memref<32x32768xf32, #tpu.memory_space<vmem>>, vector<32x256xf32>
    %dot_general3A_163 = arith.constant dense<0.000000e+00> : vector<256x32xf32>
    %dot_general3A_164 = tpu.matmul %convert_element_type3A_47, %get3A_162, %dot_general3A_163 {dimension_numbers = #tpu.dot_dimension_numbers<[1], [1], [0], [0], [0, 0, 1, 0], [], []>, transpose_lhs_hint = false} : vector<256x256xf32>, vector<32x256xf32>, vector<256x32xf32> -> vector<256x32xf32>
    %slice3A_165 = vector.extract_strided_slice %dot_general3A_164 {offsets = [0, 0], sizes = [64, 32], strides = [1, 1]} : vector<256x32xf32> to vector<64x32xf32>
    %slice3A_166 = vector.extract_strided_slice %dot_general3A_164 {offsets = [64, 0], sizes = [64, 32], strides = [1, 1]} : vector<256x32xf32> to vector<64x32xf32>
    %slice3A_167 = vector.extract_strided_slice %dot_general3A_164 {offsets = [128, 0], sizes = [64, 32], strides = [1, 1]} : vector<256x32xf32> to vector<64x32xf32>
    %slice3A_168 = vector.extract_strided_slice %dot_general3A_164 {offsets = [192, 0], sizes = [64, 32], strides = [1, 1]} : vector<256x32xf32> to vector<64x32xf32>
    %concatenate3A_169 = tpu.concatenate %slice3A_165, %slice3A_166, %slice3A_167, %slice3A_168 in 1 : vector<64x32xf32>, vector<64x32xf32>, vector<64x32xf32>, vector<64x32xf32> -> vector<64x128xf32>
    %swap3A_170 = arith.constant 576 : index
    %swap3A_171 = arith.constant 0 : index
    %swap3A_172 = vector.load %arg2[%swap3A_170, %swap3A_171] : memref<8192x128xf32, #tpu.memory_space<vmem>>, vector<64x128xf32>
    tpu.vector_store %arg2[%swap3A_170, %swap3A_171], %concatenate3A_169 {strides = array<i32>} : memref<8192x128xf32, #tpu.memory_space<vmem>>, vector<64x128xf32>,
    %get3A_173 = arith.constant 0 : index
    %get3A_174 = arith.constant 2560 : index
    %get3A_175 = vector.load %arg1[%get3A_173, %get3A_174] : memref<32x32768xf32, #tpu.memory_space<vmem>>, vector<32x256xf32>
    %dot_general3A_176 = arith.constant dense<0.000000e+00> : vector<256x32xf32>
    %dot_general3A_177 = tpu.matmul %convert_element_type3A_47, %get3A_175, %dot_general3A_176 {dimension_numbers = #tpu.dot_dimension_numbers<[1], [1], [0], [0], [0, 0, 1, 0], [], []>, transpose_lhs_hint = false} : vector<256x256xf32>, vector<32x256xf32>, vector<256x32xf32> -> vector<256x32xf32>
    %slice3A_178 = vector.extract_strided_slice %dot_general3A_177 {offsets = [0, 0], sizes = [64, 32], strides = [1, 1]} : vector<256x32xf32> to vector<64x32xf32>
    %slice3A_179 = vector.extract_strided_slice %dot_general3A_177 {offsets = [64, 0], sizes = [64, 32], strides = [1, 1]} : vector<256x32xf32> to vector<64x32xf32>
    %slice3A_180 = vector.extract_strided_slice %dot_general3A_177 {offsets = [128, 0], sizes = [64, 32], strides = [1, 1]} : vector<256x32xf32> to vector<64x32xf32>
    %slice3A_181 = vector.extract_strided_slice %dot_general3A_177 {offsets = [192, 0], sizes = [64, 32], strides = [1, 1]} : vector<256x32xf32> to vector<64x32xf32>
    %concatenate3A_182 = tpu.concatenate %slice3A_178, %slice3A_179, %slice3A_180, %slice3A_181 in 1 : vector<64x32xf32>, vector<64x32xf32>, vector<64x32xf32>, vector<64x32xf32> -> vector<64x128xf32>
    %swap3A_183 = arith.constant 640 : index
    %swap3A_184 = arith.constant 0 : index
    %swap3A_185 = vector.load %arg2[%swap3A_183, %swap3A_184] : memref<8192x128xf32, #tpu.memory_space<vmem>>, vector<64x128xf32>
    tpu.vector_store %arg2[%swap3A_183, %swap3A_184], %concatenate3A_182 {strides = array<i32>} : memref<8192x128xf32, #tpu.memory_space<vmem>>, vector<64x128xf32>,
    %get3A_186 = arith.constant 0 : index
    %get3A_187 = arith.constant 2816 : index
    %get3A_188 = vector.load %arg1[%get3A_186, %get3A_187] : memref<32x32768xf32, #tpu.memory_space<vmem>>, vector<32x256xf32>
    %dot_general3A_189 = arith.constant dense<0.000000e+00> : vector<256x32xf32>
    %dot_general3A_190 = tpu.matmul %convert_element_type3A_47, %get3A_188, %dot_general3A_189 {dimension_numbers = #tpu.dot_dimension_numbers<[1], [1], [0], [0], [0, 0, 1, 0], [], []>, transpose_lhs_hint = false} : vector<256x256xf32>, vector<32x256xf32>, vector<256x32xf32> -> vector<256x32xf32>
    %slice3A_191 = vector.extract_strided_slice %dot_general3A_190 {offsets = [0, 0], sizes = [64, 32], strides = [1, 1]} : vector<256x32xf32> to vector<64x32xf32>
    %slice3A_192 = vector.extract_strided_slice %dot_general3A_190 {offsets = [64, 0], sizes = [64, 32], strides = [1, 1]} : vector<256x32xf32> to vector<64x32xf32>
    %slice3A_193 = vector.extract_strided_slice %dot_general3A_190 {offsets = [128, 0], sizes = [64, 32], strides = [1, 1]} : vector<256x32xf32> to vector<64x32xf32>
    %slice3A_194 = vector.extract_strided_slice %dot_general3A_190 {offsets = [192, 0], sizes = [64, 32], strides = [1, 1]} : vector<256x32xf32> to vector<64x32xf32>
    %concatenate3A_195 = tpu.concatenate %slice3A_191, %slice3A_192, %slice3A_193, %slice3A_194 in 1 : vector<64x32xf32>, vector<64x32xf32>, vector<64x32xf32>, vector<64x32xf32> -> vector<64x128xf32>
    %swap3A_196 = arith.constant 704 : index
    %swap3A_197 = arith.constant 0 : index
    %swap3A_198 = vector.load %arg2[%swap3A_196, %swap3A_197] : memref<8192x128xf32, #tpu.memory_space<vmem>>, vector<64x128xf32>
    tpu.vector_store %arg2[%swap3A_196, %swap3A_197], %concatenate3A_195 {strides = array<i32>} : memref<8192x128xf32, #tpu.memory_space<vmem>>, vector<64x128xf32>,
    %get3A_199 = arith.constant 0 : index
    %get3A_200 = arith.constant 3072 : index
    %get3A_201 = vector.load %arg1[%get3A_199, %get3A_200] : memref<32x32768xf32, #tpu.memory_space<vmem>>, vector<32x256xf32>
    %dot_general3A_202 = arith.constant dense<0.000000e+00> : vector<256x32xf32>
    %dot_general3A_203 = tpu.matmul %convert_element_type3A_47, %get3A_201, %dot_general3A_202 {dimension_numbers = #tpu.dot_dimension_numbers<[1], [1], [0], [0], [0, 0, 1, 0], [], []>, transpose_lhs_hint = false} : vector<256x256xf32>, vector<32x256xf32>, vector<256x32xf32> -> vector<256x32xf32>
    %slice3A_204 = vector.extract_strided_slice %dot_general3A_203 {offsets = [0, 0], sizes = [64, 32], strides = [1, 1]} : vector<256x32xf32> to vector<64x32xf32>
    %slice3A_205 = vector.extract_strided_slice %dot_general3A_203 {offsets = [64, 0], sizes = [64, 32], strides = [1, 1]} : vector<256x32xf32> to vector<64x32xf32>
    %slice3A_206 = vector.extract_strided_slice %dot_general3A_203 {offsets = [128, 0], sizes = [64, 32], strides = [1, 1]} : vector<256x32xf32> to vector<64x32xf32>
    %slice3A_207 = vector.extract_strided_slice %dot_general3A_203 {offsets = [192, 0], sizes = [64, 32], strides = [1, 1]} : vector<256x32xf32> to vector<64x32xf32>
    %concatenate3A_208 = tpu.concatenate %slice3A_204, %slice3A_205, %slice3A_206, %slice3A_207 in 1 : vector<64x32xf32>, vector<64x32xf32>, vector<64x32xf32>, vector<64x32xf32> -> vector<64x128xf32>
    %swap3A_209 = arith.constant 768 : index
    %swap3A_210 = arith.constant 0 : index
    %swap3A_211 = vector.load %arg2[%swap3A_209, %swap3A_210] : memref<8192x128xf32, #tpu.memory_space<vmem>>, vector<64x128xf32>
    tpu.vector_store %arg2[%swap3A_209, %swap3A_210], %concatenate3A_208 {strides = array<i32>} : memref<8192x128xf32, #tpu.memory_space<vmem>>, vector<64x128xf32>,
    %get3A_212 = arith.constant 0 : index
    %get3A_213 = arith.constant 3328 : index
    %get3A_214 = vector.load %arg1[%get3A_212, %get3A_213] : memref<32x32768xf32, #tpu.memory_space<vmem>>, vector<32x256xf32>
    %dot_general3A_215 = arith.constant dense<0.000000e+00> : vector<256x32xf32>
    %dot_general3A_216 = tpu.matmul %convert_element_type3A_47, %get3A_214, %dot_general3A_215 {dimension_numbers = #tpu.dot_dimension_numbers<[1], [1], [0], [0], [0, 0, 1, 0], [], []>, transpose_lhs_hint = false} : vector<256x256xf32>, vector<32x256xf32>, vector<256x32xf32> -> vector<256x32xf32>
    %slice3A_217 = vector.extract_strided_slice %dot_general3A_216 {offsets = [0, 0], sizes = [64, 32], strides = [1, 1]} : vector<256x32xf32> to vector<64x32xf32>
    %slice3A_218 = vector.extract_strided_slice %dot_general3A_216 {offsets = [64, 0], sizes = [64, 32], strides = [1, 1]} : vector<256x32xf32> to vector<64x32xf32>
    %slice3A_219 = vector.extract_strided_slice %dot_general3A_216 {offsets = [128, 0], sizes = [64, 32], strides = [1, 1]} : vector<256x32xf32> to vector<64x32xf32>
    %slice3A_220 = vector.extract_strided_slice %dot_general3A_216 {offsets = [192, 0], sizes = [64, 32], strides = [1, 1]} : vector<256x32xf32> to vector<64x32xf32>
    %concatenate3A_221 = tpu.concatenate %slice3A_217, %slice3A_218, %slice3A_219, %slice3A_220 in 1 : vector<64x32xf32>, vector<64x32xf32>, vector<64x32xf32>, vector<64x32xf32> -> vector<64x128xf32>
    %swap3A_222 = arith.constant 832 : index
    %swap3A_223 = arith.constant 0 : index
    %swap3A_224 = vector.load %arg2[%swap3A_222, %swap3A_223] : memref<8192x128xf32, #tpu.memory_space<vmem>>, vector<64x128xf32>
    tpu.vector_store %arg2[%swap3A_222, %swap3A_223], %concatenate3A_221 {strides = array<i32>} : memref<8192x128xf32, #tpu.memory_space<vmem>>, vector<64x128xf32>,
    %get3A_225 = arith.constant 0 : index
    %get3A_226 = arith.constant 3584 : index
    %get3A_227 = vector.load %arg1[%get3A_225, %get3A_226] : memref<32x32768xf32, #tpu.memory_space<vmem>>, vector<32x256xf32>
    %dot_general3A_228 = arith.constant dense<0.000000e+00> : vector<256x32xf32>
    %dot_general3A_229 = tpu.matmul %convert_element_type3A_47, %get3A_227, %dot_general3A_228 {dimension_numbers = #tpu.dot_dimension_numbers<[1], [1], [0], [0], [0, 0, 1, 0], [], []>, transpose_lhs_hint = false} : vector<256x256xf32>, vector<32x256xf32>, vector<256x32xf32> -> vector<256x32xf32>
    %slice3A_230 = vector.extract_strided_slice %dot_general3A_229 {offsets = [0, 0], sizes = [64, 32], strides = [1, 1]} : vector<256x32xf32> to vector<64x32xf32>
    %slice3A_231 = vector.extract_strided_slice %dot_general3A_229 {offsets = [64, 0], sizes = [64, 32], strides = [1, 1]} : vector<256x32xf32> to vector<64x32xf32>
    %slice3A_232 = vector.extract_strided_slice %dot_general3A_229 {offsets = [128, 0], sizes = [64, 32], strides = [1, 1]} : vector<256x32xf32> to vector<64x32xf32>
    %slice3A_233 = vector.extract_strided_slice %dot_general3A_229 {offsets = [192, 0], sizes = [64, 32], strides = [1, 1]} : vector<256x32xf32> to vector<64x32xf32>
    %concatenate3A_234 = tpu.concatenate %slice3A_230, %slice3A_231, %slice3A_232, %slice3A_233 in 1 : vector<64x32xf32>, vector<64x32xf32>, vector<64x32xf32>, vector<64x32xf32> -> vector<64x128xf32>
    %swap3A_235 = arith.constant 896 : index
    %swap3A_236 = arith.constant 0 : index
    %swap3A_237 = vector.load %arg2[%swap3A_235, %swap3A_236] : memref<8192x128xf32, #tpu.memory_space<vmem>>, vector<64x128xf32>
    tpu.vector_store %arg2[%swap3A_235, %swap3A_236], %concatenate3A_234 {strides = array<i32>} : memref<8192x128xf32, #tpu.memory_space<vmem>>, vector<64x128xf32>,
    %get3A_238 = arith.constant 0 : index
    %get3A_239 = arith.constant 3840 : index
    %get3A_240 = vector.load %arg1[%get3A_238, %get3A_239] : memref<32x32768xf32, #tpu.memory_space<vmem>>, vector<32x256xf32>
    %dot_general3A_241 = arith.constant dense<0.000000e+00> : vector<256x32xf32>
    %dot_general3A_242 = tpu.matmul %convert_element_type3A_47, %get3A_240, %dot_general3A_241 {dimension_numbers = #tpu.dot_dimension_numbers<[1], [1], [0], [0], [0, 0, 1, 0], [], []>, transpose_lhs_hint = false} : vector<256x256xf32>, vector<32x256xf32>, vector<256x32xf32> -> vector<256x32xf32>
    %slice3A_243 = vector.extract_strided_slice %dot_general3A_242 {offsets = [0, 0], sizes = [64, 32], strides = [1, 1]} : vector<256x32xf32> to vector<64x32xf32>
    %slice3A_244 = vector.extract_strided_slice %dot_general3A_242 {offsets = [64, 0], sizes = [64, 32], strides = [1, 1]} : vector<256x32xf32> to vector<64x32xf32>
    %slice3A_245 = vector.extract_strided_slice %dot_general3A_242 {offsets = [128, 0], sizes = [64, 32], strides = [1, 1]} : vector<256x32xf32> to vector<64x32xf32>
    %slice3A_246 = vector.extract_strided_slice %dot_general3A_242 {offsets = [192, 0], sizes = [64, 32], strides = [1, 1]} : vector<256x32xf32> to vector<64x32xf32>
    %concatenate3A_247 = tpu.concatenate %slice3A_243, %slice3A_244, %slice3A_245, %slice3A_246 in 1 : vector<64x32xf32>, vector<64x32xf32>, vector<64x32xf32>, vector<64x32xf32> -> vector<64x128xf32>
    %swap3A_248 = arith.constant 960 : index
    %swap3A_249 = arith.constant 0 : index
    %swap3A_250 = vector.load %arg2[%swap3A_248, %swap3A_249] : memref<8192x128xf32, #tpu.memory_space<vmem>>, vector<64x128xf32>
    tpu.vector_store %arg2[%swap3A_248, %swap3A_249], %concatenate3A_247 {strides = array<i32>} : memref<8192x128xf32, #tpu.memory_space<vmem>>, vector<64x128xf32>,
    %get3A_251 = arith.constant 0 : index
    %get3A_252 = arith.constant 4096 : index
    %get3A_253 = vector.load %arg1[%get3A_251, %get3A_252] : memref<32x32768xf32, #tpu.memory_space<vmem>>, vector<32x256xf32>
    %dot_general3A_254 = arith.constant dense<0.000000e+00> : vector<256x32xf32>
    %dot_general3A_255 = tpu.matmul %convert_element_type3A_47, %get3A_253, %dot_general3A_254 {dimension_numbers = #tpu.dot_dimension_numbers<[1], [1], [0], [0], [0, 0, 1, 0], [], []>, transpose_lhs_hint = false} : vector<256x256xf32>, vector<32x256xf32>, vector<256x32xf32> -> vector<256x32xf32>
    %slice3A_256 = vector.extract_strided_slice %dot_general3A_255 {offsets = [0, 0], sizes = [64, 32], strides = [1, 1]} : vector<256x32xf32> to vector<64x32xf32>
    %slice3A_257 = vector.extract_strided_slice %dot_general3A_255 {offsets = [64, 0], sizes = [64, 32], strides = [1, 1]} : vector<256x32xf32> to vector<64x32xf32>
    %slice3A_258 = vector.extract_strided_slice %dot_general3A_255 {offsets = [128, 0], sizes = [64, 32], strides = [1, 1]} : vector<256x32xf32> to vector<64x32xf32>
    %slice3A_259 = vector.extract_strided_slice %dot_general3A_255 {offsets = [192, 0], sizes = [64, 32], strides = [1, 1]} : vector<256x32xf32> to vector<64x32xf32>
    %concatenate3A_260 = tpu.concatenate %slice3A_256, %slice3A_257, %slice3A_258, %slice3A_259 in 1 : vector<64x32xf32>, vector<64x32xf32>, vector<64x32xf32>, vector<64x32xf32> -> vector<64x128xf32>
    %swap3A_261 = arith.constant 1024 : index
    %swap3A_262 = arith.constant 0 : index
    %swap3A_263 = vector.load %arg2[%swap3A_261, %swap3A_262] : memref<8192x128xf32, #tpu.memory_space<vmem>>, vector<64x128xf32>
    tpu.vector_store %arg2[%swap3A_261, %swap3A_262], %concatenate3A_260 {strides = array<i32>} : memref<8192x128xf32, #tpu.memory_space<vmem>>, vector<64x128xf32>,
    %get3A_264 = arith.constant 0 : index
    %get3A_265 = arith.constant 4352 : index
    %get3A_266 = vector.load %arg1[%get3A_264, %get3A_265] : memref<32x32768xf32, #tpu.memory_space<vmem>>, vector<32x256xf32>
    %dot_general3A_267 = arith.constant dense<0.000000e+00> : vector<256x32xf32>
    %dot_general3A_268 = tpu.matmul %convert_element_type3A_47, %get3A_266, %dot_general3A_267 {dimension_numbers = #tpu.dot_dimension_numbers<[1], [1], [0], [0], [0, 0, 1, 0], [], []>, transpose_lhs_hint = false} : vector<256x256xf32>, vector<32x256xf32>, vector<256x32xf32> -> vector<256x32xf32>
    %slice3A_269 = vector.extract_strided_slice %dot_general3A_268 {offsets = [0, 0], sizes = [64, 32], strides = [1, 1]} : vector<256x32xf32> to vector<64x32xf32>
    %slice3A_270 = vector.extract_strided_slice %dot_general3A_268 {offsets = [64, 0], sizes = [64, 32], strides = [1, 1]} : vector<256x32xf32> to vector<64x32xf32>
    %slice3A_271 = vector.extract_strided_slice %dot_general3A_268 {offsets = [128, 0], sizes = [64, 32], strides = [1, 1]} : vector<256x32xf32> to vector<64x32xf32>
    %slice3A_272 = vector.extract_strided_slice %dot_general3A_268 {offsets = [192, 0], sizes = [64, 32], strides = [1, 1]} : vector<256x32xf32> to vector<64x32xf32>
    %concatenate3A_273 = tpu.concatenate %slice3A_269, %slice3A_270, %slice3A_271, %slice3A_272 in 1 : vector<64x32xf32>, vector<64x32xf32>, vector<64x32xf32>, vector<64x32xf32> -> vector<64x128xf32>
    %swap3A_274 = arith.constant 1088 : index
    %swap3A_275 = arith.constant 0 : index
    %swap3A_276 = vector.load %arg2[%swap3A_274, %swap3A_275] : memref<8192x128xf32, #tpu.memory_space<vmem>>, vector<64x128xf32>
    tpu.vector_store %arg2[%swap3A_274, %swap3A_275], %concatenate3A_273 {strides = array<i32>} : memref<8192x128xf32, #tpu.memory_space<vmem>>, vector<64x128xf32>,
    %get3A_277 = arith.constant 0 : index
    %get3A_278 = arith.constant 4608 : index
    %get3A_279 = vector.load %arg1[%get3A_277, %get3A_278] : memref<32x32768xf32, #tpu.memory_space<vmem>>, vector<32x256xf32>
    %dot_general3A_280 = arith.constant dense<0.000000e+00> : vector<256x32xf32>
    %dot_general3A_281 = tpu.matmul %convert_element_type3A_47, %get3A_279, %dot_general3A_280 {dimension_numbers = #tpu.dot_dimension_numbers<[1], [1], [0], [0], [0, 0, 1, 0], [], []>, transpose_lhs_hint = false} : vector<256x256xf32>, vector<32x256xf32>, vector<256x32xf32> -> vector<256x32xf32>
    %slice3A_282 = vector.extract_strided_slice %dot_general3A_281 {offsets = [0, 0], sizes = [64, 32], strides = [1, 1]} : vector<256x32xf32> to vector<64x32xf32>
    %slice3A_283 = vector.extract_strided_slice %dot_general3A_281 {offsets = [64, 0], sizes = [64, 32], strides = [1, 1]} : vector<256x32xf32> to vector<64x32xf32>
    %slice3A_284 = vector.extract_strided_slice %dot_general3A_281 {offsets = [128, 0], sizes = [64, 32], strides = [1, 1]} : vector<256x32xf32> to vector<64x32xf32>
    %slice3A_285 = vector.extract_strided_slice %dot_general3A_281 {offsets = [192, 0], sizes = [64, 32], strides = [1, 1]} : vector<256x32xf32> to vector<64x32xf32>
    %concatenate3A_286 = tpu.concatenate %slice3A_282, %slice3A_283, %slice3A_284, %slice3A_285 in 1 : vector<64x32xf32>, vector<64x32xf32>, vector<64x32xf32>, vector<64x32xf32> -> vector<64x128xf32>
    %swap3A_287 = arith.constant 1152 : index
    %swap3A_288 = arith.constant 0 : index
    %swap3A_289 = vector.load %arg2[%swap3A_287, %swap3A_288] : memref<8192x128xf32, #tpu.memory_space<vmem>>, vector<64x128xf32>
    tpu.vector_store %arg2[%swap3A_287, %swap3A_288], %concatenate3A_286 {strides = array<i32>} : memref<8192x128xf32, #tpu.memory_space<vmem>>, vector<64x128xf32>,
    %get3A_290 = arith.constant 0 : index
    %get3A_291 = arith.constant 4864 : index
    %get3A_292 = vector.load %arg1[%get3A_290, %get3A_291] : memref<32x32768xf32, #tpu.memory_space<vmem>>, vector<32x256xf32>
    %dot_general3A_293 = arith.constant dense<0.000000e+00> : vector<256x32xf32>
    %dot_general3A_294 = tpu.matmul %convert_element_type3A_47, %get3A_292, %dot_general3A_293 {dimension_numbers = #tpu.dot_dimension_numbers<[1], [1], [0], [0], [0, 0, 1, 0], [], []>, transpose_lhs_hint = false} : vector<256x256xf32>, vector<32x256xf32>, vector<256x32xf32> -> vector<256x32xf32>
    %slice3A_295 = vector.extract_strided_slice %dot_general3A_294 {offsets = [0, 0], sizes = [64, 32], strides = [1, 1]} : vector<256x32xf32> to vector<64x32xf32>
    %slice3A_296 = vector.extract_strided_slice %dot_general3A_294 {offsets = [64, 0], sizes = [64, 32], strides = [1, 1]} : vector<256x32xf32> to vector<64x32xf32>
    %slice3A_297 = vector.extract_strided_slice %dot_general3A_294 {offsets = [128, 0], sizes = [64, 32], strides = [1, 1]} : vector<256x32xf32> to vector<64x32xf32>
    %slice3A_298 = vector.extract_strided_slice %dot_general3A_294 {offsets = [192, 0], sizes = [64, 32], strides = [1, 1]} : vector<256x32xf32> to vector<64x32xf32>
    %concatenate3A_299 = tpu.concatenate %slice3A_295, %slice3A_296, %slice3A_297, %slice3A_298 in 1 : vector<64x32xf32>, vector<64x32xf32>, vector<64x32xf32>, vector<64x32xf32> -> vector<64x128xf32>
    %swap3A_300 = arith.constant 1216 : index
    %swap3A_301 = arith.constant 0 : index
    %swap3A_302 = vector.load %arg2[%swap3A_300, %swap3A_301] : memref<8192x128xf32, #tpu.memory_space<vmem>>, vector<64x128xf32>
    tpu.vector_store %arg2[%swap3A_300, %swap3A_301], %concatenate3A_299 {strides = array<i32>} : memref<8192x128xf32, #tpu.memory_space<vmem>>, vector<64x128xf32>,
    %get3A_303 = arith.constant 0 : index
    %get3A_304 = arith.constant 5120 : index
    %get3A_305 = vector.load %arg1[%get3A_303, %get3A_304] : memref<32x32768xf32, #tpu.memory_space<vmem>>, vector<32x256xf32>
    %dot_general3A_306 = arith.constant dense<0.000000e+00> : vector<256x32xf32>
    %dot_general3A_307 = tpu.matmul %convert_element_type3A_47, %get3A_305, %dot_general3A_306 {dimension_numbers = #tpu.dot_dimension_numbers<[1], [1], [0], [0], [0, 0, 1, 0], [], []>, transpose_lhs_hint = false} : vector<256x256xf32>, vector<32x256xf32>, vector<256x32xf32> -> vector<256x32xf32>
    %slice3A_308 = vector.extract_strided_slice %dot_general3A_307 {offsets = [0, 0], sizes = [64, 32], strides = [1, 1]} : vector<256x32xf32> to vector<64x32xf32>
    %slice3A_309 = vector.extract_strided_slice %dot_general3A_307 {offsets = [64, 0], sizes = [64, 32], strides = [1, 1]} : vector<256x32xf32> to vector<64x32xf32>
    %slice3A_310 = vector.extract_strided_slice %dot_general3A_307 {offsets = [128, 0], sizes = [64, 32], strides = [1, 1]} : vector<256x32xf32> to vector<64x32xf32>
    %slice3A_311 = vector.extract_strided_slice %dot_general3A_307 {offsets = [192, 0], sizes = [64, 32], strides = [1, 1]} : vector<256x32xf32> to vector<64x32xf32>
    %concatenate3A_312 = tpu.concatenate %slice3A_308, %slice3A_309, %slice3A_310, %slice3A_311 in 1 : vector<64x32xf32>, vector<64x32xf32>, vector<64x32xf32>, vector<64x32xf32> -> vector<64x128xf32>
    %swap3A_313 = arith.constant 1280 : index
    %swap3A_314 = arith.constant 0 : index
    %swap3A_315 = vector.load %arg2[%swap3A_313, %swap3A_314] : memref<8192x128xf32, #tpu.memory_space<vmem>>, vector<64x128xf32>
    tpu.vector_store %arg2[%swap3A_313, %swap3A_314], %concatenate3A_312 {strides = array<i32>} : memref<8192x128xf32, #tpu.memory_space<vmem>>, vector<64x128xf32>,
    %get3A_316 = arith.constant 0 : index
    %get3A_317 = arith.constant 5376 : index
    %get3A_318 = vector.load %arg1[%get3A_316, %get3A_317] : memref<32x32768xf32, #tpu.memory_space<vmem>>, vector<32x256xf32>
    %dot_general3A_319 = arith.constant dense<0.000000e+00> : vector<256x32xf32>
    %dot_general3A_320 = tpu.matmul %convert_element_type3A_47, %get3A_318, %dot_general3A_319 {dimension_numbers = #tpu.dot_dimension_numbers<[1], [1], [0], [0], [0, 0, 1, 0], [], []>, transpose_lhs_hint = false} : vector<256x256xf32>, vector<32x256xf32>, vector<256x32xf32> -> vector<256x32xf32>
    %slice3A_321 = vector.extract_strided_slice %dot_general3A_320 {offsets = [0, 0], sizes = [64, 32], strides = [1, 1]} : vector<256x32xf32> to vector<64x32xf32>
    %slice3A_322 = vector.extract_strided_slice %dot_general3A_320 {offsets = [64, 0], sizes = [64, 32], strides = [1, 1]} : vector<256x32xf32> to vector<64x32xf32>
    %slice3A_323 = vector.extract_strided_slice %dot_general3A_320 {offsets = [128, 0], sizes = [64, 32], strides = [1, 1]} : vector<256x32xf32> to vector<64x32xf32>
    %slice3A_324 = vector.extract_strided_slice %dot_general3A_320 {offsets = [192, 0], sizes = [64, 32], strides = [1, 1]} : vector<256x32xf32> to vector<64x32xf32>
    %concatenate3A_325 = tpu.concatenate %slice3A_321, %slice3A_322, %slice3A_323, %slice3A_324 in 1 : vector<64x32xf32>, vector<64x32xf32>, vector<64x32xf32>, vector<64x32xf32> -> vector<64x128xf32>
    %swap3A_326 = arith.constant 1344 : index
    %swap3A_327 = arith.constant 0 : index
    %swap3A_328 = vector.load %arg2[%swap3A_326, %swap3A_327] : memref<8192x128xf32, #tpu.memory_space<vmem>>, vector<64x128xf32>
    tpu.vector_store %arg2[%swap3A_326, %swap3A_327], %concatenate3A_325 {strides = array<i32>} : memref<8192x128xf32, #tpu.memory_space<vmem>>, vector<64x128xf32>,
    %get3A_329 = arith.constant 0 : index
    %get3A_330 = arith.constant 5632 : index
    %get3A_331 = vector.load %arg1[%get3A_329, %get3A_330] : memref<32x32768xf32, #tpu.memory_space<vmem>>, vector<32x256xf32>
    %dot_general3A_332 = arith.constant dense<0.000000e+00> : vector<256x32xf32>
    %dot_general3A_333 = tpu.matmul %convert_element_type3A_47, %get3A_331, %dot_general3A_332 {dimension_numbers = #tpu.dot_dimension_numbers<[1], [1], [0], [0], [0, 0, 1, 0], [], []>, transpose_lhs_hint = false} : vector<256x256xf32>, vector<32x256xf32>, vector<256x32xf32> -> vector<256x32xf32>
    %slice3A_334 = vector.extract_strided_slice %dot_general3A_333 {offsets = [0, 0], sizes = [64, 32], strides = [1, 1]} : vector<256x32xf32> to vector<64x32xf32>
    %slice3A_335 = vector.extract_strided_slice %dot_general3A_333 {offsets = [64, 0], sizes = [64, 32], strides = [1, 1]} : vector<256x32xf32> to vector<64x32xf32>
    %slice3A_336 = vector.extract_strided_slice %dot_general3A_333 {offsets = [128, 0], sizes = [64, 32], strides = [1, 1]} : vector<256x32xf32> to vector<64x32xf32>
    %slice3A_337 = vector.extract_strided_slice %dot_general3A_333 {offsets = [192, 0], sizes = [64, 32], strides = [1, 1]} : vector<256x32xf32> to vector<64x32xf32>
    %concatenate3A_338 = tpu.concatenate %slice3A_334, %slice3A_335, %slice3A_336, %slice3A_337 in 1 : vector<64x32xf32>, vector<64x32xf32>, vector<64x32xf32>, vector<64x32xf32> -> vector<64x128xf32>
    %swap3A_339 = arith.constant 1408 : index
    %swap3A_340 = arith.constant 0 : index
    %swap3A_341 = vector.load %arg2[%swap3A_339, %swap3A_340] : memref<8192x128xf32, #tpu.memory_space<vmem>>, vector<64x128xf32>
    tpu.vector_store %arg2[%swap3A_339, %swap3A_340], %concatenate3A_338 {strides = array<i32>} : memref<8192x128xf32, #tpu.memory_space<vmem>>, vector<64x128xf32>,
    %get3A_342 = arith.constant 0 : index
    %get3A_343 = arith.constant 5888 : index
    %get3A_344 = vector.load %arg1[%get3A_342, %get3A_343] : memref<32x32768xf32, #tpu.memory_space<vmem>>, vector<32x256xf32>
    %dot_general3A_345 = arith.constant dense<0.000000e+00> : vector<256x32xf32>
    %dot_general3A_346 = tpu.matmul %convert_element_type3A_47, %get3A_344, %dot_general3A_345 {dimension_numbers = #tpu.dot_dimension_numbers<[1], [1], [0], [0], [0, 0, 1, 0], [], []>, transpose_lhs_hint = false} : vector<256x256xf32>, vector<32x256xf32>, vector<256x32xf32> -> vector<256x32xf32>
    %slice3A_347 = vector.extract_strided_slice %dot_general3A_346 {offsets = [0, 0], sizes = [64, 32], strides = [1, 1]} : vector<256x32xf32> to vector<64x32xf32>
    %slice3A_348 = vector.extract_strided_slice %dot_general3A_346 {offsets = [64, 0], sizes = [64, 32], strides = [1, 1]} : vector<256x32xf32> to vector<64x32xf32>
    %slice3A_349 = vector.extract_strided_slice %dot_general3A_346 {offsets = [128, 0], sizes = [64, 32], strides = [1, 1]} : vector<256x32xf32> to vector<64x32xf32>
    %slice3A_350 = vector.extract_strided_slice %dot_general3A_346 {offsets = [192, 0], sizes = [64, 32], strides = [1, 1]} : vector<256x32xf32> to vector<64x32xf32>
    %concatenate3A_351 = tpu.concatenate %slice3A_347, %slice3A_348, %slice3A_349, %slice3A_350 in 1 : vector<64x32xf32>, vector<64x32xf32>, vector<64x32xf32>, vector<64x32xf32> -> vector<64x128xf32>
    %swap3A_352 = arith.constant 1472 : index
    %swap3A_353 = arith.constant 0 : index
    %swap3A_354 = vector.load %arg2[%swap3A_352, %swap3A_353] : memref<8192x128xf32, #tpu.memory_space<vmem>>, vector<64x128xf32>
    tpu.vector_store %arg2[%swap3A_352, %swap3A_353], %concatenate3A_351 {strides = array<i32>} : memref<8192x128xf32, #tpu.memory_space<vmem>>, vector<64x128xf32>,
    %get3A_355 = arith.constant 0 : index
    %get3A_356 = arith.constant 6144 : index
    %get3A_357 = vector.load %arg1[%get3A_355, %get3A_356] : memref<32x32768xf32, #tpu.memory_space<vmem>>, vector<32x256xf32>
    %dot_general3A_358 = arith.constant dense<0.000000e+00> : vector<256x32xf32>
    %dot_general3A_359 = tpu.matmul %convert_element_type3A_47, %get3A_357, %dot_general3A_358 {dimension_numbers = #tpu.dot_dimension_numbers<[1], [1], [0], [0], [0, 0, 1, 0], [], []>, transpose_lhs_hint = false} : vector<256x256xf32>, vector<32x256xf32>, vector<256x32xf32> -> vector<256x32xf32>
    %slice3A_360 = vector.extract_strided_slice %dot_general3A_359 {offsets = [0, 0], sizes = [64, 32], strides = [1, 1]} : vector<256x32xf32> to vector<64x32xf32>
    %slice3A_361 = vector.extract_strided_slice %dot_general3A_359 {offsets = [64, 0], sizes = [64, 32], strides = [1, 1]} : vector<256x32xf32> to vector<64x32xf32>
    %slice3A_362 = vector.extract_strided_slice %dot_general3A_359 {offsets = [128, 0], sizes = [64, 32], strides = [1, 1]} : vector<256x32xf32> to vector<64x32xf32>
    %slice3A_363 = vector.extract_strided_slice %dot_general3A_359 {offsets = [192, 0], sizes = [64, 32], strides = [1, 1]} : vector<256x32xf32> to vector<64x32xf32>
    %concatenate3A_364 = tpu.concatenate %slice3A_360, %slice3A_361, %slice3A_362, %slice3A_363 in 1 : vector<64x32xf32>, vector<64x32xf32>, vector<64x32xf32>, vector<64x32xf32> -> vector<64x128xf32>
    %swap3A_365 = arith.constant 1536 : index
    %swap3A_366 = arith.constant 0 : index
    %swap3A_367 = vector.load %arg2[%swap3A_365, %swap3A_366] : memref<8192x128xf32, #tpu.memory_space<vmem>>, vector<64x128xf32>
    tpu.vector_store %arg2[%swap3A_365, %swap3A_366], %concatenate3A_364 {strides = array<i32>} : memref<8192x128xf32, #tpu.memory_space<vmem>>, vector<64x128xf32>,
    %get3A_368 = arith.constant 0 : index
    %get3A_369 = arith.constant 6400 : index
    %get3A_370 = vector.load %arg1[%get3A_368, %get3A_369] : memref<32x32768xf32, #tpu.memory_space<vmem>>, vector<32x256xf32>
    %dot_general3A_371 = arith.constant dense<0.000000e+00> : vector<256x32xf32>
    %dot_general3A_372 = tpu.matmul %convert_element_type3A_47, %get3A_370, %dot_general3A_371 {dimension_numbers = #tpu.dot_dimension_numbers<[1], [1], [0], [0], [0, 0, 1, 0], [], []>, transpose_lhs_hint = false} : vector<256x256xf32>, vector<32x256xf32>, vector<256x32xf32> -> vector<256x32xf32>
    %slice3A_373 = vector.extract_strided_slice %dot_general3A_372 {offsets = [0, 0], sizes = [64, 32], strides = [1, 1]} : vector<256x32xf32> to vector<64x32xf32>
    %slice3A_374 = vector.extract_strided_slice %dot_general3A_372 {offsets = [64, 0], sizes = [64, 32], strides = [1, 1]} : vector<256x32xf32> to vector<64x32xf32>
    %slice3A_375 = vector.extract_strided_slice %dot_general3A_372 {offsets = [128, 0], sizes = [64, 32], strides = [1, 1]} : vector<256x32xf32> to vector<64x32xf32>
    %slice3A_376 = vector.extract_strided_slice %dot_general3A_372 {offsets = [192, 0], sizes = [64, 32], strides = [1, 1]} : vector<256x32xf32> to vector<64x32xf32>
    %concatenate3A_377 = tpu.concatenate %slice3A_373, %slice3A_374, %slice3A_375, %slice3A_376 in 1 : vector<64x32xf32>, vector<64x32xf32>, vector<64x32xf32>, vector<64x32xf32> -> vector<64x128xf32>
    %swap3A_378 = arith.constant 1600 : index
    %swap3A_379 = arith.constant 0 : index
    %swap3A_380 = vector.load %arg2[%swap3A_378, %swap3A_379] : memref<8192x128xf32, #tpu.memory_space<vmem>>, vector<64x128xf32>
    tpu.vector_store %arg2[%swap3A_378, %swap3A_379], %concatenate3A_377 {strides = array<i32>} : memref<8192x128xf32, #tpu.memory_space<vmem>>, vector<64x128xf32>,
    %get3A_381 = arith.constant 0 : index
    %get3A_382 = arith.constant 6656 : index
    %get3A_383 = vector.load %arg1[%get3A_381, %get3A_382] : memref<32x32768xf32, #tpu.memory_space<vmem>>, vector<32x256xf32>
    %dot_general3A_384 = arith.constant dense<0.000000e+00> : vector<256x32xf32>
    %dot_general3A_385 = tpu.matmul %convert_element_type3A_47, %get3A_383, %dot_general3A_384 {dimension_numbers = #tpu.dot_dimension_numbers<[1], [1], [0], [0], [0, 0, 1, 0], [], []>, transpose_lhs_hint = false} : vector<256x256xf32>, vector<32x256xf32>, vector<256x32xf32> -> vector<256x32xf32>
    %slice3A_386 = vector.extract_strided_slice %dot_general3A_385 {offsets = [0, 0], sizes = [64, 32], strides = [1, 1]} : vector<256x32xf32> to vector<64x32xf32>
    %slice3A_387 = vector.extract_strided_slice %dot_general3A_385 {offsets = [64, 0], sizes = [64, 32], strides = [1, 1]} : vector<256x32xf32> to vector<64x32xf32>
    %slice3A_388 = vector.extract_strided_slice %dot_general3A_385 {offsets = [128, 0], sizes = [64, 32], strides = [1, 1]} : vector<256x32xf32> to vector<64x32xf32>
    %slice3A_389 = vector.extract_strided_slice %dot_general3A_385 {offsets = [192, 0], sizes = [64, 32], strides = [1, 1]} : vector<256x32xf32> to vector<64x32xf32>
    %concatenate3A_390 = tpu.concatenate %slice3A_386, %slice3A_387, %slice3A_388, %slice3A_389 in 1 : vector<64x32xf32>, vector<64x32xf32>, vector<64x32xf32>, vector<64x32xf32> -> vector<64x128xf32>
    %swap3A_391 = arith.constant 1664 : index
    %swap3A_392 = arith.constant 0 : index
    %swap3A_393 = vector.load %arg2[%swap3A_391, %swap3A_392] : memref<8192x128xf32, #tpu.memory_space<vmem>>, vector<64x128xf32>
    tpu.vector_store %arg2[%swap3A_391, %swap3A_392], %concatenate3A_390 {strides = array<i32>} : memref<8192x128xf32, #tpu.memory_space<vmem>>, vector<64x128xf32>,
    %get3A_394 = arith.constant 0 : index
    %get3A_395 = arith.constant 6912 : index
    %get3A_396 = vector.load %arg1[%get3A_394, %get3A_395] : memref<32x32768xf32, #tpu.memory_space<vmem>>, vector<32x256xf32>
    %dot_general3A_397 = arith.constant dense<0.000000e+00> : vector<256x32xf32>
    %dot_general3A_398 = tpu.matmul %convert_element_type3A_47, %get3A_396, %dot_general3A_397 {dimension_numbers = #tpu.dot_dimension_numbers<[1], [1], [0], [0], [0, 0, 1, 0], [], []>, transpose_lhs_hint = false} : vector<256x256xf32>, vector<32x256xf32>, vector<256x32xf32> -> vector<256x32xf32>
    %slice3A_399 = vector.extract_strided_slice %dot_general3A_398 {offsets = [0, 0], sizes = [64, 32], strides = [1, 1]} : vector<256x32xf32> to vector<64x32xf32>
    %slice3A_400 = vector.extract_strided_slice %dot_general3A_398 {offsets = [64, 0], sizes = [64, 32], strides = [1, 1]} : vector<256x32xf32> to vector<64x32xf32>
    %slice3A_401 = vector.extract_strided_slice %dot_general3A_398 {offsets = [128, 0], sizes = [64, 32], strides = [1, 1]} : vector<256x32xf32> to vector<64x32xf32>
    %slice3A_402 = vector.extract_strided_slice %dot_general3A_398 {offsets = [192, 0], sizes = [64, 32], strides = [1, 1]} : vector<256x32xf32> to vector<64x32xf32>
    %concatenate3A_403 = tpu.concatenate %slice3A_399, %slice3A_400, %slice3A_401, %slice3A_402 in 1 : vector<64x32xf32>, vector<64x32xf32>, vector<64x32xf32>, vector<64x32xf32> -> vector<64x128xf32>
    %swap3A_404 = arith.constant 1728 : index
    %swap3A_405 = arith.constant 0 : index
    %swap3A_406 = vector.load %arg2[%swap3A_404, %swap3A_405] : memref<8192x128xf32, #tpu.memory_space<vmem>>, vector<64x128xf32>
    tpu.vector_store %arg2[%swap3A_404, %swap3A_405], %concatenate3A_403 {strides = array<i32>} : memref<8192x128xf32, #tpu.memory_space<vmem>>, vector<64x128xf32>,
    %get3A_407 = arith.constant 0 : index
    %get3A_408 = arith.constant 7168 : index
    %get3A_409 = vector.load %arg1[%get3A_407, %get3A_408] : memref<32x32768xf32, #tpu.memory_space<vmem>>, vector<32x256xf32>
    %dot_general3A_410 = arith.constant dense<0.000000e+00> : vector<256x32xf32>
    %dot_general3A_411 = tpu.matmul %convert_element_type3A_47, %get3A_409, %dot_general3A_410 {dimension_numbers = #tpu.dot_dimension_numbers<[1], [1], [0], [0], [0, 0, 1, 0], [], []>, transpose_lhs_hint = false} : vector<256x256xf32>, vector<32x256xf32>, vector<256x32xf32> -> vector<256x32xf32>
    %slice3A_412 = vector.extract_strided_slice %dot_general3A_411 {offsets = [0, 0], sizes = [64, 32], strides = [1, 1]} : vector<256x32xf32> to vector<64x32xf32>
    %slice3A_413 = vector.extract_strided_slice %dot_general3A_411 {offsets = [64, 0], sizes = [64, 32], strides = [1, 1]} : vector<256x32xf32> to vector<64x32xf32>
    %slice3A_414 = vector.extract_strided_slice %dot_general3A_411 {offsets = [128, 0], sizes = [64, 32], strides = [1, 1]} : vector<256x32xf32> to vector<64x32xf32>
    %slice3A_415 = vector.extract_strided_slice %dot_general3A_411 {offsets = [192, 0], sizes = [64, 32], strides = [1, 1]} : vector<256x32xf32> to vector<64x32xf32>
    %concatenate3A_416 = tpu.concatenate %slice3A_412, %slice3A_413, %slice3A_414, %slice3A_415 in 1 : vector<64x32xf32>, vector<64x32xf32>, vector<64x32xf32>, vector<64x32xf32> -> vector<64x128xf32>
    %swap3A_417 = arith.constant 1792 : index
    %swap3A_418 = arith.constant 0 : index
    %swap3A_419 = vector.load %arg2[%swap3A_417, %swap3A_418] : memref<8192x128xf32, #tpu.memory_space<vmem>>, vector<64x128xf32>
    tpu.vector_store %arg2[%swap3A_417, %swap3A_418], %concatenate3A_416 {strides = array<i32>} : memref<8192x128xf32, #tpu.memory_space<vmem>>, vector<64x128xf32>,
    %get3A_420 = arith.constant 0 : index
    %get3A_421 = arith.constant 7424 : index
    %get3A_422 = vector.load %arg1[%get3A_420, %get3A_421] : memref<32x32768xf32, #tpu.memory_space<vmem>>, vector<32x256xf32>
    %dot_general3A_423 = arith.constant dense<0.000000e+00> : vector<256x32xf32>
    %dot_general3A_424 = tpu.matmul %convert_element_type3A_47, %get3A_422, %dot_general3A_423 {dimension_numbers = #tpu.dot_dimension_numbers<[1], [1], [0], [0], [0, 0, 1, 0], [], []>, transpose_lhs_hint = false} : vector<256x256xf32>, vector<32x256xf32>, vector<256x32xf32> -> vector<256x32xf32>
    %slice3A_425 = vector.extract_strided_slice %dot_general3A_424 {offsets = [0, 0], sizes = [64, 32], strides = [1, 1]} : vector<256x32xf32> to vector<64x32xf32>
    %slice3A_426 = vector.extract_strided_slice %dot_general3A_424 {offsets = [64, 0], sizes = [64, 32], strides = [1, 1]} : vector<256x32xf32> to vector<64x32xf32>
    %slice3A_427 = vector.extract_strided_slice %dot_general3A_424 {offsets = [128, 0], sizes = [64, 32], strides = [1, 1]} : vector<256x32xf32> to vector<64x32xf32>
    %slice3A_428 = vector.extract_strided_slice %dot_general3A_424 {offsets = [192, 0], sizes = [64, 32], strides = [1, 1]} : vector<256x32xf32> to vector<64x32xf32>
    %concatenate3A_429 = tpu.concatenate %slice3A_425, %slice3A_426, %slice3A_427, %slice3A_428 in 1 : vector<64x32xf32>, vector<64x32xf32>, vector<64x32xf32>, vector<64x32xf32> -> vector<64x128xf32>
    %swap3A_430 = arith.constant 1856 : index
    %swap3A_431 = arith.constant 0 : index
    %swap3A_432 = vector.load %arg2[%swap3A_430, %swap3A_431] : memref<8192x128xf32, #tpu.memory_space<vmem>>, vector<64x128xf32>
    tpu.vector_store %arg2[%swap3A_430, %swap3A_431], %concatenate3A_429 {strides = array<i32>} : memref<8192x128xf32, #tpu.memory_space<vmem>>, vector<64x128xf32>,
    %get3A_433 = arith.constant 0 : index
    %get3A_434 = arith.constant 7680 : index
    %get3A_435 = vector.load %arg1[%get3A_433, %get3A_434] : memref<32x32768xf32, #tpu.memory_space<vmem>>, vector<32x256xf32>
    %dot_general3A_436 = arith.constant dense<0.000000e+00> : vector<256x32xf32>
    %dot_general3A_437 = tpu.matmul %convert_element_type3A_47, %get3A_435, %dot_general3A_436 {dimension_numbers = #tpu.dot_dimension_numbers<[1], [1], [0], [0], [0, 0, 1, 0], [], []>, transpose_lhs_hint = false} : vector<256x256xf32>, vector<32x256xf32>, vector<256x32xf32> -> vector<256x32xf32>
    %slice3A_438 = vector.extract_strided_slice %dot_general3A_437 {offsets = [0, 0], sizes = [64, 32], strides = [1, 1]} : vector<256x32xf32> to vector<64x32xf32>
    %slice3A_439 = vector.extract_strided_slice %dot_general3A_437 {offsets = [64, 0], sizes = [64, 32], strides = [1, 1]} : vector<256x32xf32> to vector<64x32xf32>
    %slice3A_440 = vector.extract_strided_slice %dot_general3A_437 {offsets = [128, 0], sizes = [64, 32], strides = [1, 1]} : vector<256x32xf32> to vector<64x32xf32>
    %slice3A_441 = vector.extract_strided_slice %dot_general3A_437 {offsets = [192, 0], sizes = [64, 32], strides = [1, 1]} : vector<256x32xf32> to vector<64x32xf32>
    %concatenate3A_442 = tpu.concatenate %slice3A_438, %slice3A_439, %slice3A_440, %slice3A_441 in 1 : vector<64x32xf32>, vector<64x32xf32>, vector<64x32xf32>, vector<64x32xf32> -> vector<64x128xf32>
    %swap3A_443 = arith.constant 1920 : index
    %swap3A_444 = arith.constant 0 : index
    %swap3A_445 = vector.load %arg2[%swap3A_443, %swap3A_444] : memref<8192x128xf32, #tpu.memory_space<vmem>>, vector<64x128xf32>
    tpu.vector_store %arg2[%swap3A_443, %swap3A_444], %concatenate3A_442 {strides = array<i32>} : memref<8192x128xf32, #tpu.memory_space<vmem>>, vector<64x128xf32>,
    %get3A_446 = arith.constant 0 : index
    %get3A_447 = arith.constant 7936 : index
    %get3A_448 = vector.load %arg1[%get3A_446, %get3A_447] : memref<32x32768xf32, #tpu.memory_space<vmem>>, vector<32x256xf32>
    %dot_general3A_449 = arith.constant dense<0.000000e+00> : vector<256x32xf32>
    %dot_general3A_450 = tpu.matmul %convert_element_type3A_47, %get3A_448, %dot_general3A_449 {dimension_numbers = #tpu.dot_dimension_numbers<[1], [1], [0], [0], [0, 0, 1, 0], [], []>, transpose_lhs_hint = false} : vector<256x256xf32>, vector<32x256xf32>, vector<256x32xf32> -> vector<256x32xf32>
    %slice3A_451 = vector.extract_strided_slice %dot_general3A_450 {offsets = [0, 0], sizes = [64, 32], strides = [1, 1]} : vector<256x32xf32> to vector<64x32xf32>
    %slice3A_452 = vector.extract_strided_slice %dot_general3A_450 {offsets = [64, 0], sizes = [64, 32], strides = [1, 1]} : vector<256x32xf32> to vector<64x32xf32>
    %slice3A_453 = vector.extract_strided_slice %dot_general3A_450 {offsets = [128, 0], sizes = [64, 32], strides = [1, 1]} : vector<256x32xf32> to vector<64x32xf32>
    %slice3A_454 = vector.extract_strided_slice %dot_general3A_450 {offsets = [192, 0], sizes = [64, 32], strides = [1, 1]} : vector<256x32xf32> to vector<64x32xf32>
    %concatenate3A_455 = tpu.concatenate %slice3A_451, %slice3A_452, %slice3A_453, %slice3A_454 in 1 : vector<64x32xf32>, vector<64x32xf32>, vector<64x32xf32>, vector<64x32xf32> -> vector<64x128xf32>
    %swap3A_456 = arith.constant 1984 : index
    %swap3A_457 = arith.constant 0 : index
    %swap3A_458 = vector.load %arg2[%swap3A_456, %swap3A_457] : memref<8192x128xf32, #tpu.memory_space<vmem>>, vector<64x128xf32>
    tpu.vector_store %arg2[%swap3A_456, %swap3A_457], %concatenate3A_455 {strides = array<i32>} : memref<8192x128xf32, #tpu.memory_space<vmem>>, vector<64x128xf32>,
    %get3A_459 = arith.constant 0 : index
    %get3A_460 = arith.constant 8192 : index
    %get3A_461 = vector.load %arg1[%get3A_459, %get3A_460] : memref<32x32768xf32, #tpu.memory_space<vmem>>, vector<32x256xf32>
    %dot_general3A_462 = arith.constant dense<0.000000e+00> : vector<256x32xf32>
    %dot_general3A_463 = tpu.matmul %convert_element_type3A_47, %get3A_461, %dot_general3A_462 {dimension_numbers = #tpu.dot_dimension_numbers<[1], [1], [0], [0], [0, 0, 1, 0], [], []>, transpose_lhs_hint = false} : vector<256x256xf32>, vector<32x256xf32>, vector<256x32xf32> -> vector<256x32xf32>
    %slice3A_464 = vector.extract_strided_slice %dot_general3A_463 {offsets = [0, 0], sizes = [64, 32], strides = [1, 1]} : vector<256x32xf32> to vector<64x32xf32>
    %slice3A_465 = vector.extract_strided_slice %dot_general3A_463 {offsets = [64, 0], sizes = [64, 32], strides = [1, 1]} : vector<256x32xf32> to vector<64x32xf32>
    %slice3A_466 = vector.extract_strided_slice %dot_general3A_463 {offsets = [128, 0], sizes = [64, 32], strides = [1, 1]} : vector<256x32xf32> to vector<64x32xf32>
    %slice3A_467 = vector.extract_strided_slice %dot_general3A_463 {offsets = [192, 0], sizes = [64, 32], strides = [1, 1]} : vector<256x32xf32> to vector<64x32xf32>
    %concatenate3A_468 = tpu.concatenate %slice3A_464, %slice3A_465, %slice3A_466, %slice3A_467 in 1 : vector<64x32xf32>, vector<64x32xf32>, vector<64x32xf32>, vector<64x32xf32> -> vector<64x128xf32>
    %swap3A_469 = arith.constant 2048 : index
    %swap3A_470 = arith.constant 0 : index
    %swap3A_471 = vector.load %arg2[%swap3A_469, %swap3A_470] : memref<8192x128xf32, #tpu.memory_space<vmem>>, vector<64x128xf32>
    tpu.vector_store %arg2[%swap3A_469, %swap3A_470], %concatenate3A_468 {strides = array<i32>} : memref<8192x128xf32, #tpu.memory_space<vmem>>, vector<64x128xf32>,
    %get3A_472 = arith.constant 0 : index
    %get3A_473 = arith.constant 8448 : index
    %get3A_474 = vector.load %arg1[%get3A_472, %get3A_473] : memref<32x32768xf32, #tpu.memory_space<vmem>>, vector<32x256xf32>
    %dot_general3A_475 = arith.constant dense<0.000000e+00> : vector<256x32xf32>
    %dot_general3A_476 = tpu.matmul %convert_element_type3A_47, %get3A_474, %dot_general3A_475 {dimension_numbers = #tpu.dot_dimension_numbers<[1], [1], [0], [0], [0, 0, 1, 0], [], []>, transpose_lhs_hint = false} : vector<256x256xf32>, vector<32x256xf32>, vector<256x32xf32> -> vector<256x32xf32>
    %slice3A_477 = vector.extract_strided_slice %dot_general3A_476 {offsets = [0, 0], sizes = [64, 32], strides = [1, 1]} : vector<256x32xf32> to vector<64x32xf32>
    %slice3A_478 = vector.extract_strided_slice %dot_general3A_476 {offsets = [64, 0], sizes = [64, 32], strides = [1, 1]} : vector<256x32xf32> to vector<64x32xf32>
    %slice3A_479 = vector.extract_strided_slice %dot_general3A_476 {offsets = [128, 0], sizes = [64, 32], strides = [1, 1]} : vector<256x32xf32> to vector<64x32xf32>
    %slice3A_480 = vector.extract_strided_slice %dot_general3A_476 {offsets = [192, 0], sizes = [64, 32], strides = [1, 1]} : vector<256x32xf32> to vector<64x32xf32>
    %concatenate3A_481 = tpu.concatenate %slice3A_477, %slice3A_478, %slice3A_479, %slice3A_480 in 1 : vector<64x32xf32>, vector<64x32xf32>, vector<64x32xf32>, vector<64x32xf32> -> vector<64x128xf32>
    %swap3A_482 = arith.constant 2112 : index
    %swap3A_483 = arith.constant 0 : index
    %swap3A_484 = vector.load %arg2[%swap3A_482, %swap3A_483] : memref<8192x128xf32, #tpu.memory_space<vmem>>, vector<64x128xf32>
    tpu.vector_store %arg2[%swap3A_482, %swap3A_483], %concatenate3A_481 {strides = array<i32>} : memref<8192x128xf32, #tpu.memory_space<vmem>>, vector<64x128xf32>,
    %get3A_485 = arith.constant 0 : index
    %get3A_486 = arith.constant 8704 : index
    %get3A_487 = vector.load %arg1[%get3A_485, %get3A_486] : memref<32x32768xf32, #tpu.memory_space<vmem>>, vector<32x256xf32>
    %dot_general3A_488 = arith.constant dense<0.000000e+00> : vector<256x32xf32>
    %dot_general3A_489 = tpu.matmul %convert_element_type3A_47, %get3A_487, %dot_general3A_488 {dimension_numbers = #tpu.dot_dimension_numbers<[1], [1], [0], [0], [0, 0, 1, 0], [], []>, transpose_lhs_hint = false} : vector<256x256xf32>, vector<32x256xf32>, vector<256x32xf32> -> vector<256x32xf32>
    %slice3A_490 = vector.extract_strided_slice %dot_general3A_489 {offsets = [0, 0], sizes = [64, 32], strides = [1, 1]} : vector<256x32xf32> to vector<64x32xf32>
    %slice3A_491 = vector.extract_strided_slice %dot_general3A_489 {offsets = [64, 0], sizes = [64, 32], strides = [1, 1]} : vector<256x32xf32> to vector<64x32xf32>
    %slice3A_492 = vector.extract_strided_slice %dot_general3A_489 {offsets = [128, 0], sizes = [64, 32], strides = [1, 1]} : vector<256x32xf32> to vector<64x32xf32>
    %slice3A_493 = vector.extract_strided_slice %dot_general3A_489 {offsets = [192, 0], sizes = [64, 32], strides = [1, 1]} : vector<256x32xf32> to vector<64x32xf32>
    %concatenate3A_494 = tpu.concatenate %slice3A_490, %slice3A_491, %slice3A_492, %slice3A_493 in 1 : vector<64x32xf32>, vector<64x32xf32>, vector<64x32xf32>, vector<64x32xf32> -> vector<64x128xf32>
    %swap3A_495 = arith.constant 2176 : index
    %swap3A_496 = arith.constant 0 : index
    %swap3A_497 = vector.load %arg2[%swap3A_495, %swap3A_496] : memref<8192x128xf32, #tpu.memory_space<vmem>>, vector<64x128xf32>
    tpu.vector_store %arg2[%swap3A_495, %swap3A_496], %concatenate3A_494 {strides = array<i32>} : memref<8192x128xf32, #tpu.memory_space<vmem>>, vector<64x128xf32>,
    %get3A_498 = arith.constant 0 : index
    %get3A_499 = arith.constant 8960 : index
    %get3A_500 = vector.load %arg1[%get3A_498, %get3A_499] : memref<32x32768xf32, #tpu.memory_space<vmem>>, vector<32x256xf32>
    %dot_general3A_501 = arith.constant dense<0.000000e+00> : vector<256x32xf32>
    %dot_general3A_502 = tpu.matmul %convert_element_type3A_47, %get3A_500, %dot_general3A_501 {dimension_numbers = #tpu.dot_dimension_numbers<[1], [1], [0], [0], [0, 0, 1, 0], [], []>, transpose_lhs_hint = false} : vector<256x256xf32>, vector<32x256xf32>, vector<256x32xf32> -> vector<256x32xf32>
    %slice3A_503 = vector.extract_strided_slice %dot_general3A_502 {offsets = [0, 0], sizes = [64, 32], strides = [1, 1]} : vector<256x32xf32> to vector<64x32xf32>
    %slice3A_504 = vector.extract_strided_slice %dot_general3A_502 {offsets = [64, 0], sizes = [64, 32], strides = [1, 1]} : vector<256x32xf32> to vector<64x32xf32>
    %slice3A_505 = vector.extract_strided_slice %dot_general3A_502 {offsets = [128, 0], sizes = [64, 32], strides = [1, 1]} : vector<256x32xf32> to vector<64x32xf32>
    %slice3A_506 = vector.extract_strided_slice %dot_general3A_502 {offsets = [192, 0], sizes = [64, 32], strides = [1, 1]} : vector<256x32xf32> to vector<64x32xf32>
    %concatenate3A_507 = tpu.concatenate %slice3A_503, %slice3A_504, %slice3A_505, %slice3A_506 in 1 : vector<64x32xf32>, vector<64x32xf32>, vector<64x32xf32>, vector<64x32xf32> -> vector<64x128xf32>
    %swap3A_508 = arith.constant 2240 : index
    %swap3A_509 = arith.constant 0 : index
    %swap3A_510 = vector.load %arg2[%swap3A_508, %swap3A_509] : memref<8192x128xf32, #tpu.memory_space<vmem>>, vector<64x128xf32>
    tpu.vector_store %arg2[%swap3A_508, %swap3A_509], %concatenate3A_507 {strides = array<i32>} : memref<8192x128xf32, #tpu.memory_space<vmem>>, vector<64x128xf32>,
    %get3A_511 = arith.constant 0 : index
    %get3A_512 = arith.constant 9216 : index
    %get3A_513 = vector.load %arg1[%get3A_511, %get3A_512] : memref<32x32768xf32, #tpu.memory_space<vmem>>, vector<32x256xf32>
    %dot_general3A_514 = arith.constant dense<0.000000e+00> : vector<256x32xf32>
    %dot_general3A_515 = tpu.matmul %convert_element_type3A_47, %get3A_513, %dot_general3A_514 {dimension_numbers = #tpu.dot_dimension_numbers<[1], [1], [0], [0], [0, 0, 1, 0], [], []>, transpose_lhs_hint = false} : vector<256x256xf32>, vector<32x256xf32>, vector<256x32xf32> -> vector<256x32xf32>
    %slice3A_516 = vector.extract_strided_slice %dot_general3A_515 {offsets = [0, 0], sizes = [64, 32], strides = [1, 1]} : vector<256x32xf32> to vector<64x32xf32>
    %slice3A_517 = vector.extract_strided_slice %dot_general3A_515 {offsets = [64, 0], sizes = [64, 32], strides = [1, 1]} : vector<256x32xf32> to vector<64x32xf32>
    %slice3A_518 = vector.extract_strided_slice %dot_general3A_515 {offsets = [128, 0], sizes = [64, 32], strides = [1, 1]} : vector<256x32xf32> to vector<64x32xf32>
    %slice3A_519 = vector.extract_strided_slice %dot_general3A_515 {offsets = [192, 0], sizes = [64, 32], strides = [1, 1]} : vector<256x32xf32> to vector<64x32xf32>
    %concatenate3A_520 = tpu.concatenate %slice3A_516, %slice3A_517, %slice3A_518, %slice3A_519 in 1 : vector<64x32xf32>, vector<64x32xf32>, vector<64x32xf32>, vector<64x32xf32> -> vector<64x128xf32>
    %swap3A_521 = arith.constant 2304 : index
    %swap3A_522 = arith.constant 0 : index
    %swap3A_523 = vector.load %arg2[%swap3A_521, %swap3A_522] : memref<8192x128xf32, #tpu.memory_space<vmem>>, vector<64x128xf32>
    tpu.vector_store %arg2[%swap3A_521, %swap3A_522], %concatenate3A_520 {strides = array<i32>} : memref<8192x128xf32, #tpu.memory_space<vmem>>, vector<64x128xf32>,
    %get3A_524 = arith.constant 0 : index
    %get3A_525 = arith.constant 9472 : index
    %get3A_526 = vector.load %arg1[%get3A_524, %get3A_525] : memref<32x32768xf32, #tpu.memory_space<vmem>>, vector<32x256xf32>
    %dot_general3A_527 = arith.constant dense<0.000000e+00> : vector<256x32xf32>
    %dot_general3A_528 = tpu.matmul %convert_element_type3A_47, %get3A_526, %dot_general3A_527 {dimension_numbers = #tpu.dot_dimension_numbers<[1], [1], [0], [0], [0, 0, 1, 0], [], []>, transpose_lhs_hint = false} : vector<256x256xf32>, vector<32x256xf32>, vector<256x32xf32> -> vector<256x32xf32>
    %slice3A_529 = vector.extract_strided_slice %dot_general3A_528 {offsets = [0, 0], sizes = [64, 32], strides = [1, 1]} : vector<256x32xf32> to vector<64x32xf32>
    %slice3A_530 = vector.extract_strided_slice %dot_general3A_528 {offsets = [64, 0], sizes = [64, 32], strides = [1, 1]} : vector<256x32xf32> to vector<64x32xf32>
    %slice3A_531 = vector.extract_strided_slice %dot_general3A_528 {offsets = [128, 0], sizes = [64, 32], strides = [1, 1]} : vector<256x32xf32> to vector<64x32xf32>
    %slice3A_532 = vector.extract_strided_slice %dot_general3A_528 {offsets = [192, 0], sizes = [64, 32], strides = [1, 1]} : vector<256x32xf32> to vector<64x32xf32>
    %concatenate3A_533 = tpu.concatenate %slice3A_529, %slice3A_530, %slice3A_531, %slice3A_532 in 1 : vector<64x32xf32>, vector<64x32xf32>, vector<64x32xf32>, vector<64x32xf32> -> vector<64x128xf32>
    %swap3A_534 = arith.constant 2368 : index
    %swap3A_535 = arith.constant 0 : index
    %swap3A_536 = vector.load %arg2[%swap3A_534, %swap3A_535] : memref<8192x128xf32, #tpu.memory_space<vmem>>, vector<64x128xf32>
    tpu.vector_store %arg2[%swap3A_534, %swap3A_535], %concatenate3A_533 {strides = array<i32>} : memref<8192x128xf32, #tpu.memory_space<vmem>>, vector<64x128xf32>,
    %get3A_537 = arith.constant 0 : index
    %get3A_538 = arith.constant 9728 : index
    %get3A_539 = vector.load %arg1[%get3A_537, %get3A_538] : memref<32x32768xf32, #tpu.memory_space<vmem>>, vector<32x256xf32>
    %dot_general3A_540 = arith.constant dense<0.000000e+00> : vector<256x32xf32>
    %dot_general3A_541 = tpu.matmul %convert_element_type3A_47, %get3A_539, %dot_general3A_540 {dimension_numbers = #tpu.dot_dimension_numbers<[1], [1], [0], [0], [0, 0, 1, 0], [], []>, transpose_lhs_hint = false} : vector<256x256xf32>, vector<32x256xf32>, vector<256x32xf32> -> vector<256x32xf32>
    %slice3A_542 = vector.extract_strided_slice %dot_general3A_541 {offsets = [0, 0], sizes = [64, 32], strides = [1, 1]} : vector<256x32xf32> to vector<64x32xf32>
    %slice3A_543 = vector.extract_strided_slice %dot_general3A_541 {offsets = [64, 0], sizes = [64, 32], strides = [1, 1]} : vector<256x32xf32> to vector<64x32xf32>
    %slice3A_544 = vector.extract_strided_slice %dot_general3A_541 {offsets = [128, 0], sizes = [64, 32], strides = [1, 1]} : vector<256x32xf32> to vector<64x32xf32>
    %slice3A_545 = vector.extract_strided_slice %dot_general3A_541 {offsets = [192, 0], sizes = [64, 32], strides = [1, 1]} : vector<256x32xf32> to vector<64x32xf32>
    %concatenate3A_546 = tpu.concatenate %slice3A_542, %slice3A_543, %slice3A_544, %slice3A_545 in 1 : vector<64x32xf32>, vector<64x32xf32>, vector<64x32xf32>, vector<64x32xf32> -> vector<64x128xf32>
    %swap3A_547 = arith.constant 2432 : index
    %swap3A_548 = arith.constant 0 : index
    %swap3A_549 = vector.load %arg2[%swap3A_547, %swap3A_548] : memref<8192x128xf32, #tpu.memory_space<vmem>>, vector<64x128xf32>
    tpu.vector_store %arg2[%swap3A_547, %swap3A_548], %concatenate3A_546 {strides = array<i32>} : memref<8192x128xf32, #tpu.memory_space<vmem>>, vector<64x128xf32>,
    %get3A_550 = arith.constant 0 : index
    %get3A_551 = arith.constant 9984 : index
    %get3A_552 = vector.load %arg1[%get3A_550, %get3A_551] : memref<32x32768xf32, #tpu.memory_space<vmem>>, vector<32x256xf32>
    %dot_general3A_553 = arith.constant dense<0.000000e+00> : vector<256x32xf32>
    %dot_general3A_554 = tpu.matmul %convert_element_type3A_47, %get3A_552, %dot_general3A_553 {dimension_numbers = #tpu.dot_dimension_numbers<[1], [1], [0], [0], [0, 0, 1, 0], [], []>, transpose_lhs_hint = false} : vector<256x256xf32>, vector<32x256xf32>, vector<256x32xf32> -> vector<256x32xf32>
    %slice3A_555 = vector.extract_strided_slice %dot_general3A_554 {offsets = [0, 0], sizes = [64, 32], strides = [1, 1]} : vector<256x32xf32> to vector<64x32xf32>
    %slice3A_556 = vector.extract_strided_slice %dot_general3A_554 {offsets = [64, 0], sizes = [64, 32], strides = [1, 1]} : vector<256x32xf32> to vector<64x32xf32>
    %slice3A_557 = vector.extract_strided_slice %dot_general3A_554 {offsets = [128, 0], sizes = [64, 32], strides = [1, 1]} : vector<256x32xf32> to vector<64x32xf32>
    %slice3A_558 = vector.extract_strided_slice %dot_general3A_554 {offsets = [192, 0], sizes = [64, 32], strides = [1, 1]} : vector<256x32xf32> to vector<64x32xf32>
    %concatenate3A_559 = tpu.concatenate %slice3A_555, %slice3A_556, %slice3A_557, %slice3A_558 in 1 : vector<64x32xf32>, vector<64x32xf32>, vector<64x32xf32>, vector<64x32xf32> -> vector<64x128xf32>
    %swap3A_560 = arith.constant 2496 : index
    %swap3A_561 = arith.constant 0 : index
    %swap3A_562 = vector.load %arg2[%swap3A_560, %swap3A_561] : memref<8192x128xf32, #tpu.memory_space<vmem>>, vector<64x128xf32>
    tpu.vector_store %arg2[%swap3A_560, %swap3A_561], %concatenate3A_559 {strides = array<i32>} : memref<8192x128xf32, #tpu.memory_space<vmem>>, vector<64x128xf32>,
    %get3A_563 = arith.constant 0 : index
    %get3A_564 = arith.constant 10240 : index
    %get3A_565 = vector.load %arg1[%get3A_563, %get3A_564] : memref<32x32768xf32, #tpu.memory_space<vmem>>, vector<32x256xf32>
    %dot_general3A_566 = arith.constant dense<0.000000e+00> : vector<256x32xf32>
    %dot_general3A_567 = tpu.matmul %convert_element_type3A_47, %get3A_565, %dot_general3A_566 {dimension_numbers = #tpu.dot_dimension_numbers<[1], [1], [0], [0], [0, 0, 1, 0], [], []>, transpose_lhs_hint = false} : vector<256x256xf32>, vector<32x256xf32>, vector<256x32xf32> -> vector<256x32xf32>
    %slice3A_568 = vector.extract_strided_slice %dot_general3A_567 {offsets = [0, 0], sizes = [64, 32], strides = [1, 1]} : vector<256x32xf32> to vector<64x32xf32>
    %slice3A_569 = vector.extract_strided_slice %dot_general3A_567 {offsets = [64, 0], sizes = [64, 32], strides = [1, 1]} : vector<256x32xf32> to vector<64x32xf32>
    %slice3A_570 = vector.extract_strided_slice %dot_general3A_567 {offsets = [128, 0], sizes = [64, 32], strides = [1, 1]} : vector<256x32xf32> to vector<64x32xf32>
    %slice3A_571 = vector.extract_strided_slice %dot_general3A_567 {offsets = [192, 0], sizes = [64, 32], strides = [1, 1]} : vector<256x32xf32> to vector<64x32xf32>
    %concatenate3A_572 = tpu.concatenate %slice3A_568, %slice3A_569, %slice3A_570, %slice3A_571 in 1 : vector<64x32xf32>, vector<64x32xf32>, vector<64x32xf32>, vector<64x32xf32> -> vector<64x128xf32>
    %swap3A_573 = arith.constant 2560 : index
    %swap3A_574 = arith.constant 0 : index
    %swap3A_575 = vector.load %arg2[%swap3A_573, %swap3A_574] : memref<8192x128xf32, #tpu.memory_space<vmem>>, vector<64x128xf32>
    tpu.vector_store %arg2[%swap3A_573, %swap3A_574], %concatenate3A_572 {strides = array<i32>} : memref<8192x128xf32, #tpu.memory_space<vmem>>, vector<64x128xf32>,
    %get3A_576 = arith.constant 0 : index
    %get3A_577 = arith.constant 10496 : index
    %get3A_578 = vector.load %arg1[%get3A_576, %get3A_577] : memref<32x32768xf32, #tpu.memory_space<vmem>>, vector<32x256xf32>
    %dot_general3A_579 = arith.constant dense<0.000000e+00> : vector<256x32xf32>
    %dot_general3A_580 = tpu.matmul %convert_element_type3A_47, %get3A_578, %dot_general3A_579 {dimension_numbers = #tpu.dot_dimension_numbers<[1], [1], [0], [0], [0, 0, 1, 0], [], []>, transpose_lhs_hint = false} : vector<256x256xf32>, vector<32x256xf32>, vector<256x32xf32> -> vector<256x32xf32>
    %slice3A_581 = vector.extract_strided_slice %dot_general3A_580 {offsets = [0, 0], sizes = [64, 32], strides = [1, 1]} : vector<256x32xf32> to vector<64x32xf32>
    %slice3A_582 = vector.extract_strided_slice %dot_general3A_580 {offsets = [64, 0], sizes = [64, 32], strides = [1, 1]} : vector<256x32xf32> to vector<64x32xf32>
    %slice3A_583 = vector.extract_strided_slice %dot_general3A_580 {offsets = [128, 0], sizes = [64, 32], strides = [1, 1]} : vector<256x32xf32> to vector<64x32xf32>
    %slice3A_584 = vector.extract_strided_slice %dot_general3A_580 {offsets = [192, 0], sizes = [64, 32], strides = [1, 1]} : vector<256x32xf32> to vector<64x32xf32>
    %concatenate3A_585 = tpu.concatenate %slice3A_581, %slice3A_582, %slice3A_583, %slice3A_584 in 1 : vector<64x32xf32>, vector<64x32xf32>, vector<64x32xf32>, vector<64x32xf32> -> vector<64x128xf32>
    %swap3A_586 = arith.constant 2624 : index
    %swap3A_587 = arith.constant 0 : index
    %swap3A_588 = vector.load %arg2[%swap3A_586, %swap3A_587] : memref<8192x128xf32, #tpu.memory_space<vmem>>, vector<64x128xf32>
    tpu.vector_store %arg2[%swap3A_586, %swap3A_587], %concatenate3A_585 {strides = array<i32>} : memref<8192x128xf32, #tpu.memory_space<vmem>>, vector<64x128xf32>,
    %get3A_589 = arith.constant 0 : index
    %get3A_590 = arith.constant 10752 : index
    %get3A_591 = vector.load %arg1[%get3A_589, %get3A_590] : memref<32x32768xf32, #tpu.memory_space<vmem>>, vector<32x256xf32>
    %dot_general3A_592 = arith.constant dense<0.000000e+00> : vector<256x32xf32>
    %dot_general3A_593 = tpu.matmul %convert_element_type3A_47, %get3A_591, %dot_general3A_592 {dimension_numbers = #tpu.dot_dimension_numbers<[1], [1], [0], [0], [0, 0, 1, 0], [], []>, transpose_lhs_hint = false} : vector<256x256xf32>, vector<32x256xf32>, vector<256x32xf32> -> vector<256x32xf32>
    %slice3A_594 = vector.extract_strided_slice %dot_general3A_593 {offsets = [0, 0], sizes = [64, 32], strides = [1, 1]} : vector<256x32xf32> to vector<64x32xf32>
    %slice3A_595 = vector.extract_strided_slice %dot_general3A_593 {offsets = [64, 0], sizes = [64, 32], strides = [1, 1]} : vector<256x32xf32> to vector<64x32xf32>
    %slice3A_596 = vector.extract_strided_slice %dot_general3A_593 {offsets = [128, 0], sizes = [64, 32], strides = [1, 1]} : vector<256x32xf32> to vector<64x32xf32>
    %slice3A_597 = vector.extract_strided_slice %dot_general3A_593 {offsets = [192, 0], sizes = [64, 32], strides = [1, 1]} : vector<256x32xf32> to vector<64x32xf32>
    %concatenate3A_598 = tpu.concatenate %slice3A_594, %slice3A_595, %slice3A_596, %slice3A_597 in 1 : vector<64x32xf32>, vector<64x32xf32>, vector<64x32xf32>, vector<64x32xf32> -> vector<64x128xf32>
    %swap3A_599 = arith.constant 2688 : index
    %swap3A_600 = arith.constant 0 : index
    %swap3A_601 = vector.load %arg2[%swap3A_599, %swap3A_600] : memref<8192x128xf32, #tpu.memory_space<vmem>>, vector<64x128xf32>
    tpu.vector_store %arg2[%swap3A_599, %swap3A_600], %concatenate3A_598 {strides = array<i32>} : memref<8192x128xf32, #tpu.memory_space<vmem>>, vector<64x128xf32>,
    %get3A_602 = arith.constant 0 : index
    %get3A_603 = arith.constant 11008 : index
    %get3A_604 = vector.load %arg1[%get3A_602, %get3A_603] : memref<32x32768xf32, #tpu.memory_space<vmem>>, vector<32x256xf32>
    %dot_general3A_605 = arith.constant dense<0.000000e+00> : vector<256x32xf32>
    %dot_general3A_606 = tpu.matmul %convert_element_type3A_47, %get3A_604, %dot_general3A_605 {dimension_numbers = #tpu.dot_dimension_numbers<[1], [1], [0], [0], [0, 0, 1, 0], [], []>, transpose_lhs_hint = false} : vector<256x256xf32>, vector<32x256xf32>, vector<256x32xf32> -> vector<256x32xf32>
    %slice3A_607 = vector.extract_strided_slice %dot_general3A_606 {offsets = [0, 0], sizes = [64, 32], strides = [1, 1]} : vector<256x32xf32> to vector<64x32xf32>
    %slice3A_608 = vector.extract_strided_slice %dot_general3A_606 {offsets = [64, 0], sizes = [64, 32], strides = [1, 1]} : vector<256x32xf32> to vector<64x32xf32>
    %slice3A_609 = vector.extract_strided_slice %dot_general3A_606 {offsets = [128, 0], sizes = [64, 32], strides = [1, 1]} : vector<256x32xf32> to vector<64x32xf32>
    %slice3A_610 = vector.extract_strided_slice %dot_general3A_606 {offsets = [192, 0], sizes = [64, 32], strides = [1, 1]} : vector<256x32xf32> to vector<64x32xf32>
    %concatenate3A_611 = tpu.concatenate %slice3A_607, %slice3A_608, %slice3A_609, %slice3A_610 in 1 : vector<64x32xf32>, vector<64x32xf32>, vector<64x32xf32>, vector<64x32xf32> -> vector<64x128xf32>
    %swap3A_612 = arith.constant 2752 : index
    %swap3A_613 = arith.constant 0 : index
    %swap3A_614 = vector.load %arg2[%swap3A_612, %swap3A_613] : memref<8192x128xf32, #tpu.memory_space<vmem>>, vector<64x128xf32>
    tpu.vector_store %arg2[%swap3A_612, %swap3A_613], %concatenate3A_611 {strides = array<i32>} : memref<8192x128xf32, #tpu.memory_space<vmem>>, vector<64x128xf32>,
    %get3A_615 = arith.constant 0 : index
    %get3A_616 = arith.constant 11264 : index
    %get3A_617 = vector.load %arg1[%get3A_615, %get3A_616] : memref<32x32768xf32, #tpu.memory_space<vmem>>, vector<32x256xf32>
    %dot_general3A_618 = arith.constant dense<0.000000e+00> : vector<256x32xf32>
    %dot_general3A_619 = tpu.matmul %convert_element_type3A_47, %get3A_617, %dot_general3A_618 {dimension_numbers = #tpu.dot_dimension_numbers<[1], [1], [0], [0], [0, 0, 1, 0], [], []>, transpose_lhs_hint = false} : vector<256x256xf32>, vector<32x256xf32>, vector<256x32xf32> -> vector<256x32xf32>
    %slice3A_620 = vector.extract_strided_slice %dot_general3A_619 {offsets = [0, 0], sizes = [64, 32], strides = [1, 1]} : vector<256x32xf32> to vector<64x32xf32>
    %slice3A_621 = vector.extract_strided_slice %dot_general3A_619 {offsets = [64, 0], sizes = [64, 32], strides = [1, 1]} : vector<256x32xf32> to vector<64x32xf32>
    %slice3A_622 = vector.extract_strided_slice %dot_general3A_619 {offsets = [128, 0], sizes = [64, 32], strides = [1, 1]} : vector<256x32xf32> to vector<64x32xf32>
    %slice3A_623 = vector.extract_strided_slice %dot_general3A_619 {offsets = [192, 0], sizes = [64, 32], strides = [1, 1]} : vector<256x32xf32> to vector<64x32xf32>
    %concatenate3A_624 = tpu.concatenate %slice3A_620, %slice3A_621, %slice3A_622, %slice3A_623 in 1 : vector<64x32xf32>, vector<64x32xf32>, vector<64x32xf32>, vector<64x32xf32> -> vector<64x128xf32>
    %swap3A_625 = arith.constant 2816 : index
    %swap3A_626 = arith.constant 0 : index
    %swap3A_627 = vector.load %arg2[%swap3A_625, %swap3A_626] : memref<8192x128xf32, #tpu.memory_space<vmem>>, vector<64x128xf32>
    tpu.vector_store %arg2[%swap3A_625, %swap3A_626], %concatenate3A_624 {strides = array<i32>} : memref<8192x128xf32, #tpu.memory_space<vmem>>, vector<64x128xf32>,
    %get3A_628 = arith.constant 0 : index
    %get3A_629 = arith.constant 11520 : index
    %get3A_630 = vector.load %arg1[%get3A_628, %get3A_629] : memref<32x32768xf32, #tpu.memory_space<vmem>>, vector<32x256xf32>
    %dot_general3A_631 = arith.constant dense<0.000000e+00> : vector<256x32xf32>
    %dot_general3A_632 = tpu.matmul %convert_element_type3A_47, %get3A_630, %dot_general3A_631 {dimension_numbers = #tpu.dot_dimension_numbers<[1], [1], [0], [0], [0, 0, 1, 0], [], []>, transpose_lhs_hint = false} : vector<256x256xf32>, vector<32x256xf32>, vector<256x32xf32> -> vector<256x32xf32>
    %slice3A_633 = vector.extract_strided_slice %dot_general3A_632 {offsets = [0, 0], sizes = [64, 32], strides = [1, 1]} : vector<256x32xf32> to vector<64x32xf32>
    %slice3A_634 = vector.extract_strided_slice %dot_general3A_632 {offsets = [64, 0], sizes = [64, 32], strides = [1, 1]} : vector<256x32xf32> to vector<64x32xf32>
    %slice3A_635 = vector.extract_strided_slice %dot_general3A_632 {offsets = [128, 0], sizes = [64, 32], strides = [1, 1]} : vector<256x32xf32> to vector<64x32xf32>
    %slice3A_636 = vector.extract_strided_slice %dot_general3A_632 {offsets = [192, 0], sizes = [64, 32], strides = [1, 1]} : vector<256x32xf32> to vector<64x32xf32>
    %concatenate3A_637 = tpu.concatenate %slice3A_633, %slice3A_634, %slice3A_635, %slice3A_636 in 1 : vector<64x32xf32>, vector<64x32xf32>, vector<64x32xf32>, vector<64x32xf32> -> vector<64x128xf32>
    %swap3A_638 = arith.constant 2880 : index
    %swap3A_639 = arith.constant 0 : index
    %swap3A_640 = vector.load %arg2[%swap3A_638, %swap3A_639] : memref<8192x128xf32, #tpu.memory_space<vmem>>, vector<64x128xf32>
    tpu.vector_store %arg2[%swap3A_638, %swap3A_639], %concatenate3A_637 {strides = array<i32>} : memref<8192x128xf32, #tpu.memory_space<vmem>>, vector<64x128xf32>,
    %get3A_641 = arith.constant 0 : index
    %get3A_642 = arith.constant 11776 : index
    %get3A_643 = vector.load %arg1[%get3A_641, %get3A_642] : memref<32x32768xf32, #tpu.memory_space<vmem>>, vector<32x256xf32>
    %dot_general3A_644 = arith.constant dense<0.000000e+00> : vector<256x32xf32>
    %dot_general3A_645 = tpu.matmul %convert_element_type3A_47, %get3A_643, %dot_general3A_644 {dimension_numbers = #tpu.dot_dimension_numbers<[1], [1], [0], [0], [0, 0, 1, 0], [], []>, transpose_lhs_hint = false} : vector<256x256xf32>, vector<32x256xf32>, vector<256x32xf32> -> vector<256x32xf32>
    %slice3A_646 = vector.extract_strided_slice %dot_general3A_645 {offsets = [0, 0], sizes = [64, 32], strides = [1, 1]} : vector<256x32xf32> to vector<64x32xf32>
    %slice3A_647 = vector.extract_strided_slice %dot_general3A_645 {offsets = [64, 0], sizes = [64, 32], strides = [1, 1]} : vector<256x32xf32> to vector<64x32xf32>
    %slice3A_648 = vector.extract_strided_slice %dot_general3A_645 {offsets = [128, 0], sizes = [64, 32], strides = [1, 1]} : vector<256x32xf32> to vector<64x32xf32>
    %slice3A_649 = vector.extract_strided_slice %dot_general3A_645 {offsets = [192, 0], sizes = [64, 32], strides = [1, 1]} : vector<256x32xf32> to vector<64x32xf32>
    %concatenate3A_650 = tpu.concatenate %slice3A_646, %slice3A_647, %slice3A_648, %slice3A_649 in 1 : vector<64x32xf32>, vector<64x32xf32>, vector<64x32xf32>, vector<64x32xf32> -> vector<64x128xf32>
    %swap3A_651 = arith.constant 2944 : index
    %swap3A_652 = arith.constant 0 : index
    %swap3A_653 = vector.load %arg2[%swap3A_651, %swap3A_652] : memref<8192x128xf32, #tpu.memory_space<vmem>>, vector<64x128xf32>
    tpu.vector_store %arg2[%swap3A_651, %swap3A_652], %concatenate3A_650 {strides = array<i32>} : memref<8192x128xf32, #tpu.memory_space<vmem>>, vector<64x128xf32>,
    %get3A_654 = arith.constant 0 : index
    %get3A_655 = arith.constant 12032 : index
    %get3A_656 = vector.load %arg1[%get3A_654, %get3A_655] : memref<32x32768xf32, #tpu.memory_space<vmem>>, vector<32x256xf32>
    %dot_general3A_657 = arith.constant dense<0.000000e+00> : vector<256x32xf32>
    %dot_general3A_658 = tpu.matmul %convert_element_type3A_47, %get3A_656, %dot_general3A_657 {dimension_numbers = #tpu.dot_dimension_numbers<[1], [1], [0], [0], [0, 0, 1, 0], [], []>, transpose_lhs_hint = false} : vector<256x256xf32>, vector<32x256xf32>, vector<256x32xf32> -> vector<256x32xf32>
    %slice3A_659 = vector.extract_strided_slice %dot_general3A_658 {offsets = [0, 0], sizes = [64, 32], strides = [1, 1]} : vector<256x32xf32> to vector<64x32xf32>
    %slice3A_660 = vector.extract_strided_slice %dot_general3A_658 {offsets = [64, 0], sizes = [64, 32], strides = [1, 1]} : vector<256x32xf32> to vector<64x32xf32>
    %slice3A_661 = vector.extract_strided_slice %dot_general3A_658 {offsets = [128, 0], sizes = [64, 32], strides = [1, 1]} : vector<256x32xf32> to vector<64x32xf32>
    %slice3A_662 = vector.extract_strided_slice %dot_general3A_658 {offsets = [192, 0], sizes = [64, 32], strides = [1, 1]} : vector<256x32xf32> to vector<64x32xf32>
    %concatenate3A_663 = tpu.concatenate %slice3A_659, %slice3A_660, %slice3A_661, %slice3A_662 in 1 : vector<64x32xf32>, vector<64x32xf32>, vector<64x32xf32>, vector<64x32xf32> -> vector<64x128xf32>
    %swap3A_664 = arith.constant 3008 : index
    %swap3A_665 = arith.constant 0 : index
    %swap3A_666 = vector.load %arg2[%swap3A_664, %swap3A_665] : memref<8192x128xf32, #tpu.memory_space<vmem>>, vector<64x128xf32>
    tpu.vector_store %arg2[%swap3A_664, %swap3A_665], %concatenate3A_663 {strides = array<i32>} : memref<8192x128xf32, #tpu.memory_space<vmem>>, vector<64x128xf32>,
    %get3A_667 = arith.constant 0 : index
    %get3A_668 = arith.constant 12288 : index
    %get3A_669 = vector.load %arg1[%get3A_667, %get3A_668] : memref<32x32768xf32, #tpu.memory_space<vmem>>, vector<32x256xf32>
    %dot_general3A_670 = arith.constant dense<0.000000e+00> : vector<256x32xf32>
    %dot_general3A_671 = tpu.matmul %convert_element_type3A_47, %get3A_669, %dot_general3A_670 {dimension_numbers = #tpu.dot_dimension_numbers<[1], [1], [0], [0], [0, 0, 1, 0], [], []>, transpose_lhs_hint = false} : vector<256x256xf32>, vector<32x256xf32>, vector<256x32xf32> -> vector<256x32xf32>
    %slice3A_672 = vector.extract_strided_slice %dot_general3A_671 {offsets = [0, 0], sizes = [64, 32], strides = [1, 1]} : vector<256x32xf32> to vector<64x32xf32>
    %slice3A_673 = vector.extract_strided_slice %dot_general3A_671 {offsets = [64, 0], sizes = [64, 32], strides = [1, 1]} : vector<256x32xf32> to vector<64x32xf32>
    %slice3A_674 = vector.extract_strided_slice %dot_general3A_671 {offsets = [128, 0], sizes = [64, 32], strides = [1, 1]} : vector<256x32xf32> to vector<64x32xf32>
    %slice3A_675 = vector.extract_strided_slice %dot_general3A_671 {offsets = [192, 0], sizes = [64, 32], strides = [1, 1]} : vector<256x32xf32> to vector<64x32xf32>
    %concatenate3A_676 = tpu.concatenate %slice3A_672, %slice3A_673, %slice3A_674, %slice3A_675 in 1 : vector<64x32xf32>, vector<64x32xf32>, vector<64x32xf32>, vector<64x32xf32> -> vector<64x128xf32>
    %swap3A_677 = arith.constant 3072 : index
    %swap3A_678 = arith.constant 0 : index
    %swap3A_679 = vector.load %arg2[%swap3A_677, %swap3A_678] : memref<8192x128xf32, #tpu.memory_space<vmem>>, vector<64x128xf32>
    tpu.vector_store %arg2[%swap3A_677, %swap3A_678], %concatenate3A_676 {strides = array<i32>} : memref<8192x128xf32, #tpu.memory_space<vmem>>, vector<64x128xf32>,
    %get3A_680 = arith.constant 0 : index
    %get3A_681 = arith.constant 12544 : index
    %get3A_682 = vector.load %arg1[%get3A_680, %get3A_681] : memref<32x32768xf32, #tpu.memory_space<vmem>>, vector<32x256xf32>
    %dot_general3A_683 = arith.constant dense<0.000000e+00> : vector<256x32xf32>
    %dot_general3A_684 = tpu.matmul %convert_element_type3A_47, %get3A_682, %dot_general3A_683 {dimension_numbers = #tpu.dot_dimension_numbers<[1], [1], [0], [0], [0, 0, 1, 0], [], []>, transpose_lhs_hint = false} : vector<256x256xf32>, vector<32x256xf32>, vector<256x32xf32> -> vector<256x32xf32>
    %slice3A_685 = vector.extract_strided_slice %dot_general3A_684 {offsets = [0, 0], sizes = [64, 32], strides = [1, 1]} : vector<256x32xf32> to vector<64x32xf32>
    %slice3A_686 = vector.extract_strided_slice %dot_general3A_684 {offsets = [64, 0], sizes = [64, 32], strides = [1, 1]} : vector<256x32xf32> to vector<64x32xf32>
    %slice3A_687 = vector.extract_strided_slice %dot_general3A_684 {offsets = [128, 0], sizes = [64, 32], strides = [1, 1]} : vector<256x32xf32> to vector<64x32xf32>
    %slice3A_688 = vector.extract_strided_slice %dot_general3A_684 {offsets = [192, 0], sizes = [64, 32], strides = [1, 1]} : vector<256x32xf32> to vector<64x32xf32>
    %concatenate3A_689 = tpu.concatenate %slice3A_685, %slice3A_686, %slice3A_687, %slice3A_688 in 1 : vector<64x32xf32>, vector<64x32xf32>, vector<64x32xf32>, vector<64x32xf32> -> vector<64x128xf32>
    %swap3A_690 = arith.constant 3136 : index
    %swap3A_691 = arith.constant 0 : index
    %swap3A_692 = vector.load %arg2[%swap3A_690, %swap3A_691] : memref<8192x128xf32, #tpu.memory_space<vmem>>, vector<64x128xf32>
    tpu.vector_store %arg2[%swap3A_690, %swap3A_691], %concatenate3A_689 {strides = array<i32>} : memref<8192x128xf32, #tpu.memory_space<vmem>>, vector<64x128xf32>,
    %get3A_693 = arith.constant 0 : index
    %get3A_694 = arith.constant 12800 : index
    %get3A_695 = vector.load %arg1[%get3A_693, %get3A_694] : memref<32x32768xf32, #tpu.memory_space<vmem>>, vector<32x256xf32>
    %dot_general3A_696 = arith.constant dense<0.000000e+00> : vector<256x32xf32>
    %dot_general3A_697 = tpu.matmul %convert_element_type3A_47, %get3A_695, %dot_general3A_696 {dimension_numbers = #tpu.dot_dimension_numbers<[1], [1], [0], [0], [0, 0, 1, 0], [], []>, transpose_lhs_hint = false} : vector<256x256xf32>, vector<32x256xf32>, vector<256x32xf32> -> vector<256x32xf32>
    %slice3A_698 = vector.extract_strided_slice %dot_general3A_697 {offsets = [0, 0], sizes = [64, 32], strides = [1, 1]} : vector<256x32xf32> to vector<64x32xf32>
    %slice3A_699 = vector.extract_strided_slice %dot_general3A_697 {offsets = [64, 0], sizes = [64, 32], strides = [1, 1]} : vector<256x32xf32> to vector<64x32xf32>
    %slice3A_700 = vector.extract_strided_slice %dot_general3A_697 {offsets = [128, 0], sizes = [64, 32], strides = [1, 1]} : vector<256x32xf32> to vector<64x32xf32>
    %slice3A_701 = vector.extract_strided_slice %dot_general3A_697 {offsets = [192, 0], sizes = [64, 32], strides = [1, 1]} : vector<256x32xf32> to vector<64x32xf32>
    %concatenate3A_702 = tpu.concatenate %slice3A_698, %slice3A_699, %slice3A_700, %slice3A_701 in 1 : vector<64x32xf32>, vector<64x32xf32>, vector<64x32xf32>, vector<64x32xf32> -> vector<64x128xf32>
    %swap3A_703 = arith.constant 3200 : index
    %swap3A_704 = arith.constant 0 : index
    %swap3A_705 = vector.load %arg2[%swap3A_703, %swap3A_704] : memref<8192x128xf32, #tpu.memory_space<vmem>>, vector<64x128xf32>
    tpu.vector_store %arg2[%swap3A_703, %swap3A_704], %concatenate3A_702 {strides = array<i32>} : memref<8192x128xf32, #tpu.memory_space<vmem>>, vector<64x128xf32>,
    %get3A_706 = arith.constant 0 : index
    %get3A_707 = arith.constant 13056 : index
    %get3A_708 = vector.load %arg1[%get3A_706, %get3A_707] : memref<32x32768xf32, #tpu.memory_space<vmem>>, vector<32x256xf32>
    %dot_general3A_709 = arith.constant dense<0.000000e+00> : vector<256x32xf32>
    %dot_general3A_710 = tpu.matmul %convert_element_type3A_47, %get3A_708, %dot_general3A_709 {dimension_numbers = #tpu.dot_dimension_numbers<[1], [1], [0], [0], [0, 0, 1, 0], [], []>, transpose_lhs_hint = false} : vector<256x256xf32>, vector<32x256xf32>, vector<256x32xf32> -> vector<256x32xf32>
    %slice3A_711 = vector.extract_strided_slice %dot_general3A_710 {offsets = [0, 0], sizes = [64, 32], strides = [1, 1]} : vector<256x32xf32> to vector<64x32xf32>
    %slice3A_712 = vector.extract_strided_slice %dot_general3A_710 {offsets = [64, 0], sizes = [64, 32], strides = [1, 1]} : vector<256x32xf32> to vector<64x32xf32>
    %slice3A_713 = vector.extract_strided_slice %dot_general3A_710 {offsets = [128, 0], sizes = [64, 32], strides = [1, 1]} : vector<256x32xf32> to vector<64x32xf32>
    %slice3A_714 = vector.extract_strided_slice %dot_general3A_710 {offsets = [192, 0], sizes = [64, 32], strides = [1, 1]} : vector<256x32xf32> to vector<64x32xf32>
    %concatenate3A_715 = tpu.concatenate %slice3A_711, %slice3A_712, %slice3A_713, %slice3A_714 in 1 : vector<64x32xf32>, vector<64x32xf32>, vector<64x32xf32>, vector<64x32xf32> -> vector<64x128xf32>
    %swap3A_716 = arith.constant 3264 : index
    %swap3A_717 = arith.constant 0 : index
    %swap3A_718 = vector.load %arg2[%swap3A_716, %swap3A_717] : memref<8192x128xf32, #tpu.memory_space<vmem>>, vector<64x128xf32>
    tpu.vector_store %arg2[%swap3A_716, %swap3A_717], %concatenate3A_715 {strides = array<i32>} : memref<8192x128xf32, #tpu.memory_space<vmem>>, vector<64x128xf32>,
    %get3A_719 = arith.constant 0 : index
    %get3A_720 = arith.constant 13312 : index
    %get3A_721 = vector.load %arg1[%get3A_719, %get3A_720] : memref<32x32768xf32, #tpu.memory_space<vmem>>, vector<32x256xf32>
    %dot_general3A_722 = arith.constant dense<0.000000e+00> : vector<256x32xf32>
    %dot_general3A_723 = tpu.matmul %convert_element_type3A_47, %get3A_721, %dot_general3A_722 {dimension_numbers = #tpu.dot_dimension_numbers<[1], [1], [0], [0], [0, 0, 1, 0], [], []>, transpose_lhs_hint = false} : vector<256x256xf32>, vector<32x256xf32>, vector<256x32xf32> -> vector<256x32xf32>
    %slice3A_724 = vector.extract_strided_slice %dot_general3A_723 {offsets = [0, 0], sizes = [64, 32], strides = [1, 1]} : vector<256x32xf32> to vector<64x32xf32>
    %slice3A_725 = vector.extract_strided_slice %dot_general3A_723 {offsets = [64, 0], sizes = [64, 32], strides = [1, 1]} : vector<256x32xf32> to vector<64x32xf32>
    %slice3A_726 = vector.extract_strided_slice %dot_general3A_723 {offsets = [128, 0], sizes = [64, 32], strides = [1, 1]} : vector<256x32xf32> to vector<64x32xf32>
    %slice3A_727 = vector.extract_strided_slice %dot_general3A_723 {offsets = [192, 0], sizes = [64, 32], strides = [1, 1]} : vector<256x32xf32> to vector<64x32xf32>
    %concatenate3A_728 = tpu.concatenate %slice3A_724, %slice3A_725, %slice3A_726, %slice3A_727 in 1 : vector<64x32xf32>, vector<64x32xf32>, vector<64x32xf32>, vector<64x32xf32> -> vector<64x128xf32>
    %swap3A_729 = arith.constant 3328 : index
    %swap3A_730 = arith.constant 0 : index
    %swap3A_731 = vector.load %arg2[%swap3A_729, %swap3A_730] : memref<8192x128xf32, #tpu.memory_space<vmem>>, vector<64x128xf32>
    tpu.vector_store %arg2[%swap3A_729, %swap3A_730], %concatenate3A_728 {strides = array<i32>} : memref<8192x128xf32, #tpu.memory_space<vmem>>, vector<64x128xf32>,
    %get3A_732 = arith.constant 0 : index
    %get3A_733 = arith.constant 13568 : index
    %get3A_734 = vector.load %arg1[%get3A_732, %get3A_733] : memref<32x32768xf32, #tpu.memory_space<vmem>>, vector<32x256xf32>
    %dot_general3A_735 = arith.constant dense<0.000000e+00> : vector<256x32xf32>
    %dot_general3A_736 = tpu.matmul %convert_element_type3A_47, %get3A_734, %dot_general3A_735 {dimension_numbers = #tpu.dot_dimension_numbers<[1], [1], [0], [0], [0, 0, 1, 0], [], []>, transpose_lhs_hint = false} : vector<256x256xf32>, vector<32x256xf32>, vector<256x32xf32> -> vector<256x32xf32>
    %slice3A_737 = vector.extract_strided_slice %dot_general3A_736 {offsets = [0, 0], sizes = [64, 32], strides = [1, 1]} : vector<256x32xf32> to vector<64x32xf32>
    %slice3A_738 = vector.extract_strided_slice %dot_general3A_736 {offsets = [64, 0], sizes = [64, 32], strides = [1, 1]} : vector<256x32xf32> to vector<64x32xf32>
    %slice3A_739 = vector.extract_strided_slice %dot_general3A_736 {offsets = [128, 0], sizes = [64, 32], strides = [1, 1]} : vector<256x32xf32> to vector<64x32xf32>
    %slice3A_740 = vector.extract_strided_slice %dot_general3A_736 {offsets = [192, 0], sizes = [64, 32], strides = [1, 1]} : vector<256x32xf32> to vector<64x32xf32>
    %concatenate3A_741 = tpu.concatenate %slice3A_737, %slice3A_738, %slice3A_739, %slice3A_740 in 1 : vector<64x32xf32>, vector<64x32xf32>, vector<64x32xf32>, vector<64x32xf32> -> vector<64x128xf32>
    %swap3A_742 = arith.constant 3392 : index
    %swap3A_743 = arith.constant 0 : index
    %swap3A_744 = vector.load %arg2[%swap3A_742, %swap3A_743] : memref<8192x128xf32, #tpu.memory_space<vmem>>, vector<64x128xf32>
    tpu.vector_store %arg2[%swap3A_742, %swap3A_743], %concatenate3A_741 {strides = array<i32>} : memref<8192x128xf32, #tpu.memory_space<vmem>>, vector<64x128xf32>,
    %get3A_745 = arith.constant 0 : index
    %get3A_746 = arith.constant 13824 : index
    %get3A_747 = vector.load %arg1[%get3A_745, %get3A_746] : memref<32x32768xf32, #tpu.memory_space<vmem>>, vector<32x256xf32>
    %dot_general3A_748 = arith.constant dense<0.000000e+00> : vector<256x32xf32>
    %dot_general3A_749 = tpu.matmul %convert_element_type3A_47, %get3A_747, %dot_general3A_748 {dimension_numbers = #tpu.dot_dimension_numbers<[1], [1], [0], [0], [0, 0, 1, 0], [], []>, transpose_lhs_hint = false} : vector<256x256xf32>, vector<32x256xf32>, vector<256x32xf32> -> vector<256x32xf32>
    %slice3A_750 = vector.extract_strided_slice %dot_general3A_749 {offsets = [0, 0], sizes = [64, 32], strides = [1, 1]} : vector<256x32xf32> to vector<64x32xf32>
    %slice3A_751 = vector.extract_strided_slice %dot_general3A_749 {offsets = [64, 0], sizes = [64, 32], strides = [1, 1]} : vector<256x32xf32> to vector<64x32xf32>
    %slice3A_752 = vector.extract_strided_slice %dot_general3A_749 {offsets = [128, 0], sizes = [64, 32], strides = [1, 1]} : vector<256x32xf32> to vector<64x32xf32>
    %slice3A_753 = vector.extract_strided_slice %dot_general3A_749 {offsets = [192, 0], sizes = [64, 32], strides = [1, 1]} : vector<256x32xf32> to vector<64x32xf32>
    %concatenate3A_754 = tpu.concatenate %slice3A_750, %slice3A_751, %slice3A_752, %slice3A_753 in 1 : vector<64x32xf32>, vector<64x32xf32>, vector<64x32xf32>, vector<64x32xf32> -> vector<64x128xf32>
    %swap3A_755 = arith.constant 3456 : index
    %swap3A_756 = arith.constant 0 : index
    %swap3A_757 = vector.load %arg2[%swap3A_755, %swap3A_756] : memref<8192x128xf32, #tpu.memory_space<vmem>>, vector<64x128xf32>
    tpu.vector_store %arg2[%swap3A_755, %swap3A_756], %concatenate3A_754 {strides = array<i32>} : memref<8192x128xf32, #tpu.memory_space<vmem>>, vector<64x128xf32>,
    %get3A_758 = arith.constant 0 : index
    %get3A_759 = arith.constant 14080 : index
    %get3A_760 = vector.load %arg1[%get3A_758, %get3A_759] : memref<32x32768xf32, #tpu.memory_space<vmem>>, vector<32x256xf32>
    %dot_general3A_761 = arith.constant dense<0.000000e+00> : vector<256x32xf32>
    %dot_general3A_762 = tpu.matmul %convert_element_type3A_47, %get3A_760, %dot_general3A_761 {dimension_numbers = #tpu.dot_dimension_numbers<[1], [1], [0], [0], [0, 0, 1, 0], [], []>, transpose_lhs_hint = false} : vector<256x256xf32>, vector<32x256xf32>, vector<256x32xf32> -> vector<256x32xf32>
    %slice3A_763 = vector.extract_strided_slice %dot_general3A_762 {offsets = [0, 0], sizes = [64, 32], strides = [1, 1]} : vector<256x32xf32> to vector<64x32xf32>
    %slice3A_764 = vector.extract_strided_slice %dot_general3A_762 {offsets = [64, 0], sizes = [64, 32], strides = [1, 1]} : vector<256x32xf32> to vector<64x32xf32>
    %slice3A_765 = vector.extract_strided_slice %dot_general3A_762 {offsets = [128, 0], sizes = [64, 32], strides = [1, 1]} : vector<256x32xf32> to vector<64x32xf32>
    %slice3A_766 = vector.extract_strided_slice %dot_general3A_762 {offsets = [192, 0], sizes = [64, 32], strides = [1, 1]} : vector<256x32xf32> to vector<64x32xf32>
    %concatenate3A_767 = tpu.concatenate %slice3A_763, %slice3A_764, %slice3A_765, %slice3A_766 in 1 : vector<64x32xf32>, vector<64x32xf32>, vector<64x32xf32>, vector<64x32xf32> -> vector<64x128xf32>
    %swap3A_768 = arith.constant 3520 : index
    %swap3A_769 = arith.constant 0 : index
    %swap3A_770 = vector.load %arg2[%swap3A_768, %swap3A_769] : memref<8192x128xf32, #tpu.memory_space<vmem>>, vector<64x128xf32>
    tpu.vector_store %arg2[%swap3A_768, %swap3A_769], %concatenate3A_767 {strides = array<i32>} : memref<8192x128xf32, #tpu.memory_space<vmem>>, vector<64x128xf32>,
    %get3A_771 = arith.constant 0 : index
    %get3A_772 = arith.constant 14336 : index
    %get3A_773 = vector.load %arg1[%get3A_771, %get3A_772] : memref<32x32768xf32, #tpu.memory_space<vmem>>, vector<32x256xf32>
    %dot_general3A_774 = arith.constant dense<0.000000e+00> : vector<256x32xf32>
    %dot_general3A_775 = tpu.matmul %convert_element_type3A_47, %get3A_773, %dot_general3A_774 {dimension_numbers = #tpu.dot_dimension_numbers<[1], [1], [0], [0], [0, 0, 1, 0], [], []>, transpose_lhs_hint = false} : vector<256x256xf32>, vector<32x256xf32>, vector<256x32xf32> -> vector<256x32xf32>
    %slice3A_776 = vector.extract_strided_slice %dot_general3A_775 {offsets = [0, 0], sizes = [64, 32], strides = [1, 1]} : vector<256x32xf32> to vector<64x32xf32>
    %slice3A_777 = vector.extract_strided_slice %dot_general3A_775 {offsets = [64, 0], sizes = [64, 32], strides = [1, 1]} : vector<256x32xf32> to vector<64x32xf32>
    %slice3A_778 = vector.extract_strided_slice %dot_general3A_775 {offsets = [128, 0], sizes = [64, 32], strides = [1, 1]} : vector<256x32xf32> to vector<64x32xf32>
    %slice3A_779 = vector.extract_strided_slice %dot_general3A_775 {offsets = [192, 0], sizes = [64, 32], strides = [1, 1]} : vector<256x32xf32> to vector<64x32xf32>
    %concatenate3A_780 = tpu.concatenate %slice3A_776, %slice3A_777, %slice3A_778, %slice3A_779 in 1 : vector<64x32xf32>, vector<64x32xf32>, vector<64x32xf32>, vector<64x32xf32> -> vector<64x128xf32>
    %swap3A_781 = arith.constant 3584 : index
    %swap3A_782 = arith.constant 0 : index
    %swap3A_783 = vector.load %arg2[%swap3A_781, %swap3A_782] : memref<8192x128xf32, #tpu.memory_space<vmem>>, vector<64x128xf32>
    tpu.vector_store %arg2[%swap3A_781, %swap3A_782], %concatenate3A_780 {strides = array<i32>} : memref<8192x128xf32, #tpu.memory_space<vmem>>, vector<64x128xf32>,
    %get3A_784 = arith.constant 0 : index
    %get3A_785 = arith.constant 14592 : index
    %get3A_786 = vector.load %arg1[%get3A_784, %get3A_785] : memref<32x32768xf32, #tpu.memory_space<vmem>>, vector<32x256xf32>
    %dot_general3A_787 = arith.constant dense<0.000000e+00> : vector<256x32xf32>
    %dot_general3A_788 = tpu.matmul %convert_element_type3A_47, %get3A_786, %dot_general3A_787 {dimension_numbers = #tpu.dot_dimension_numbers<[1], [1], [0], [0], [0, 0, 1, 0], [], []>, transpose_lhs_hint = false} : vector<256x256xf32>, vector<32x256xf32>, vector<256x32xf32> -> vector<256x32xf32>
    %slice3A_789 = vector.extract_strided_slice %dot_general3A_788 {offsets = [0, 0], sizes = [64, 32], strides = [1, 1]} : vector<256x32xf32> to vector<64x32xf32>
    %slice3A_790 = vector.extract_strided_slice %dot_general3A_788 {offsets = [64, 0], sizes = [64, 32], strides = [1, 1]} : vector<256x32xf32> to vector<64x32xf32>
    %slice3A_791 = vector.extract_strided_slice %dot_general3A_788 {offsets = [128, 0], sizes = [64, 32], strides = [1, 1]} : vector<256x32xf32> to vector<64x32xf32>
    %slice3A_792 = vector.extract_strided_slice %dot_general3A_788 {offsets = [192, 0], sizes = [64, 32], strides = [1, 1]} : vector<256x32xf32> to vector<64x32xf32>
    %concatenate3A_793 = tpu.concatenate %slice3A_789, %slice3A_790, %slice3A_791, %slice3A_792 in 1 : vector<64x32xf32>, vector<64x32xf32>, vector<64x32xf32>, vector<64x32xf32> -> vector<64x128xf32>
    %swap3A_794 = arith.constant 3648 : index
    %swap3A_795 = arith.constant 0 : index
    %swap3A_796 = vector.load %arg2[%swap3A_794, %swap3A_795] : memref<8192x128xf32, #tpu.memory_space<vmem>>, vector<64x128xf32>
    tpu.vector_store %arg2[%swap3A_794, %swap3A_795], %concatenate3A_793 {strides = array<i32>} : memref<8192x128xf32, #tpu.memory_space<vmem>>, vector<64x128xf32>,
    %get3A_797 = arith.constant 0 : index
    %get3A_798 = arith.constant 14848 : index
    %get3A_799 = vector.load %arg1[%get3A_797, %get3A_798] : memref<32x32768xf32, #tpu.memory_space<vmem>>, vector<32x256xf32>
    %dot_general3A_800 = arith.constant dense<0.000000e+00> : vector<256x32xf32>
    %dot_general3A_801 = tpu.matmul %convert_element_type3A_47, %get3A_799, %dot_general3A_800 {dimension_numbers = #tpu.dot_dimension_numbers<[1], [1], [0], [0], [0, 0, 1, 0], [], []>, transpose_lhs_hint = false} : vector<256x256xf32>, vector<32x256xf32>, vector<256x32xf32> -> vector<256x32xf32>
    %slice3A_802 = vector.extract_strided_slice %dot_general3A_801 {offsets = [0, 0], sizes = [64, 32], strides = [1, 1]} : vector<256x32xf32> to vector<64x32xf32>
    %slice3A_803 = vector.extract_strided_slice %dot_general3A_801 {offsets = [64, 0], sizes = [64, 32], strides = [1, 1]} : vector<256x32xf32> to vector<64x32xf32>
    %slice3A_804 = vector.extract_strided_slice %dot_general3A_801 {offsets = [128, 0], sizes = [64, 32], strides = [1, 1]} : vector<256x32xf32> to vector<64x32xf32>
    %slice3A_805 = vector.extract_strided_slice %dot_general3A_801 {offsets = [192, 0], sizes = [64, 32], strides = [1, 1]} : vector<256x32xf32> to vector<64x32xf32>
    %concatenate3A_806 = tpu.concatenate %slice3A_802, %slice3A_803, %slice3A_804, %slice3A_805 in 1 : vector<64x32xf32>, vector<64x32xf32>, vector<64x32xf32>, vector<64x32xf32> -> vector<64x128xf32>
    %swap3A_807 = arith.constant 3712 : index
    %swap3A_808 = arith.constant 0 : index
    %swap3A_809 = vector.load %arg2[%swap3A_807, %swap3A_808] : memref<8192x128xf32, #tpu.memory_space<vmem>>, vector<64x128xf32>
    tpu.vector_store %arg2[%swap3A_807, %swap3A_808], %concatenate3A_806 {strides = array<i32>} : memref<8192x128xf32, #tpu.memory_space<vmem>>, vector<64x128xf32>,
    %get3A_810 = arith.constant 0 : index
    %get3A_811 = arith.constant 15104 : index
    %get3A_812 = vector.load %arg1[%get3A_810, %get3A_811] : memref<32x32768xf32, #tpu.memory_space<vmem>>, vector<32x256xf32>
    %dot_general3A_813 = arith.constant dense<0.000000e+00> : vector<256x32xf32>
    %dot_general3A_814 = tpu.matmul %convert_element_type3A_47, %get3A_812, %dot_general3A_813 {dimension_numbers = #tpu.dot_dimension_numbers<[1], [1], [0], [0], [0, 0, 1, 0], [], []>, transpose_lhs_hint = false} : vector<256x256xf32>, vector<32x256xf32>, vector<256x32xf32> -> vector<256x32xf32>
    %slice3A_815 = vector.extract_strided_slice %dot_general3A_814 {offsets = [0, 0], sizes = [64, 32], strides = [1, 1]} : vector<256x32xf32> to vector<64x32xf32>
    %slice3A_816 = vector.extract_strided_slice %dot_general3A_814 {offsets = [64, 0], sizes = [64, 32], strides = [1, 1]} : vector<256x32xf32> to vector<64x32xf32>
    %slice3A_817 = vector.extract_strided_slice %dot_general3A_814 {offsets = [128, 0], sizes = [64, 32], strides = [1, 1]} : vector<256x32xf32> to vector<64x32xf32>
    %slice3A_818 = vector.extract_strided_slice %dot_general3A_814 {offsets = [192, 0], sizes = [64, 32], strides = [1, 1]} : vector<256x32xf32> to vector<64x32xf32>
    %concatenate3A_819 = tpu.concatenate %slice3A_815, %slice3A_816, %slice3A_817, %slice3A_818 in 1 : vector<64x32xf32>, vector<64x32xf32>, vector<64x32xf32>, vector<64x32xf32> -> vector<64x128xf32>
    %swap3A_820 = arith.constant 3776 : index
    %swap3A_821 = arith.constant 0 : index
    %swap3A_822 = vector.load %arg2[%swap3A_820, %swap3A_821] : memref<8192x128xf32, #tpu.memory_space<vmem>>, vector<64x128xf32>
    tpu.vector_store %arg2[%swap3A_820, %swap3A_821], %concatenate3A_819 {strides = array<i32>} : memref<8192x128xf32, #tpu.memory_space<vmem>>, vector<64x128xf32>,
    %get3A_823 = arith.constant 0 : index
    %get3A_824 = arith.constant 15360 : index
    %get3A_825 = vector.load %arg1[%get3A_823, %get3A_824] : memref<32x32768xf32, #tpu.memory_space<vmem>>, vector<32x256xf32>
    %dot_general3A_826 = arith.constant dense<0.000000e+00> : vector<256x32xf32>
    %dot_general3A_827 = tpu.matmul %convert_element_type3A_47, %get3A_825, %dot_general3A_826 {dimension_numbers = #tpu.dot_dimension_numbers<[1], [1], [0], [0], [0, 0, 1, 0], [], []>, transpose_lhs_hint = false} : vector<256x256xf32>, vector<32x256xf32>, vector<256x32xf32> -> vector<256x32xf32>
    %slice3A_828 = vector.extract_strided_slice %dot_general3A_827 {offsets = [0, 0], sizes = [64, 32], strides = [1, 1]} : vector<256x32xf32> to vector<64x32xf32>
    %slice3A_829 = vector.extract_strided_slice %dot_general3A_827 {offsets = [64, 0], sizes = [64, 32], strides = [1, 1]} : vector<256x32xf32> to vector<64x32xf32>
    %slice3A_830 = vector.extract_strided_slice %dot_general3A_827 {offsets = [128, 0], sizes = [64, 32], strides = [1, 1]} : vector<256x32xf32> to vector<64x32xf32>
    %slice3A_831 = vector.extract_strided_slice %dot_general3A_827 {offsets = [192, 0], sizes = [64, 32], strides = [1, 1]} : vector<256x32xf32> to vector<64x32xf32>
    %concatenate3A_832 = tpu.concatenate %slice3A_828, %slice3A_829, %slice3A_830, %slice3A_831 in 1 : vector<64x32xf32>, vector<64x32xf32>, vector<64x32xf32>, vector<64x32xf32> -> vector<64x128xf32>
    %swap3A_833 = arith.constant 3840 : index
    %swap3A_834 = arith.constant 0 : index
    %swap3A_835 = vector.load %arg2[%swap3A_833, %swap3A_834] : memref<8192x128xf32, #tpu.memory_space<vmem>>, vector<64x128xf32>
    tpu.vector_store %arg2[%swap3A_833, %swap3A_834], %concatenate3A_832 {strides = array<i32>} : memref<8192x128xf32, #tpu.memory_space<vmem>>, vector<64x128xf32>,
    %get3A_836 = arith.constant 0 : index
    %get3A_837 = arith.constant 15616 : index
    %get3A_838 = vector.load %arg1[%get3A_836, %get3A_837] : memref<32x32768xf32, #tpu.memory_space<vmem>>, vector<32x256xf32>
    %dot_general3A_839 = arith.constant dense<0.000000e+00> : vector<256x32xf32>
    %dot_general3A_840 = tpu.matmul %convert_element_type3A_47, %get3A_838, %dot_general3A_839 {dimension_numbers = #tpu.dot_dimension_numbers<[1], [1], [0], [0], [0, 0, 1, 0], [], []>, transpose_lhs_hint = false} : vector<256x256xf32>, vector<32x256xf32>, vector<256x32xf32> -> vector<256x32xf32>
    %slice3A_841 = vector.extract_strided_slice %dot_general3A_840 {offsets = [0, 0], sizes = [64, 32], strides = [1, 1]} : vector<256x32xf32> to vector<64x32xf32>
    %slice3A_842 = vector.extract_strided_slice %dot_general3A_840 {offsets = [64, 0], sizes = [64, 32], strides = [1, 1]} : vector<256x32xf32> to vector<64x32xf32>
    %slice3A_843 = vector.extract_strided_slice %dot_general3A_840 {offsets = [128, 0], sizes = [64, 32], strides = [1, 1]} : vector<256x32xf32> to vector<64x32xf32>
    %slice3A_844 = vector.extract_strided_slice %dot_general3A_840 {offsets = [192, 0], sizes = [64, 32], strides = [1, 1]} : vector<256x32xf32> to vector<64x32xf32>
    %concatenate3A_845 = tpu.concatenate %slice3A_841, %slice3A_842, %slice3A_843, %slice3A_844 in 1 : vector<64x32xf32>, vector<64x32xf32>, vector<64x32xf32>, vector<64x32xf32> -> vector<64x128xf32>
    %swap3A_846 = arith.constant 3904 : index
    %swap3A_847 = arith.constant 0 : index
    %swap3A_848 = vector.load %arg2[%swap3A_846, %swap3A_847] : memref<8192x128xf32, #tpu.memory_space<vmem>>, vector<64x128xf32>
    tpu.vector_store %arg2[%swap3A_846, %swap3A_847], %concatenate3A_845 {strides = array<i32>} : memref<8192x128xf32, #tpu.memory_space<vmem>>, vector<64x128xf32>,
    %get3A_849 = arith.constant 0 : index
    %get3A_850 = arith.constant 15872 : index
    %get3A_851 = vector.load %arg1[%get3A_849, %get3A_850] : memref<32x32768xf32, #tpu.memory_space<vmem>>, vector<32x256xf32>
    %dot_general3A_852 = arith.constant dense<0.000000e+00> : vector<256x32xf32>
    %dot_general3A_853 = tpu.matmul %convert_element_type3A_47, %get3A_851, %dot_general3A_852 {dimension_numbers = #tpu.dot_dimension_numbers<[1], [1], [0], [0], [0, 0, 1, 0], [], []>, transpose_lhs_hint = false} : vector<256x256xf32>, vector<32x256xf32>, vector<256x32xf32> -> vector<256x32xf32>
    %slice3A_854 = vector.extract_strided_slice %dot_general3A_853 {offsets = [0, 0], sizes = [64, 32], strides = [1, 1]} : vector<256x32xf32> to vector<64x32xf32>
    %slice3A_855 = vector.extract_strided_slice %dot_general3A_853 {offsets = [64, 0], sizes = [64, 32], strides = [1, 1]} : vector<256x32xf32> to vector<64x32xf32>
    %slice3A_856 = vector.extract_strided_slice %dot_general3A_853 {offsets = [128, 0], sizes = [64, 32], strides = [1, 1]} : vector<256x32xf32> to vector<64x32xf32>
    %slice3A_857 = vector.extract_strided_slice %dot_general3A_853 {offsets = [192, 0], sizes = [64, 32], strides = [1, 1]} : vector<256x32xf32> to vector<64x32xf32>
    %concatenate3A_858 = tpu.concatenate %slice3A_854, %slice3A_855, %slice3A_856, %slice3A_857 in 1 : vector<64x32xf32>, vector<64x32xf32>, vector<64x32xf32>, vector<64x32xf32> -> vector<64x128xf32>
    %swap3A_859 = arith.constant 3968 : index
    %swap3A_860 = arith.constant 0 : index
    %swap3A_861 = vector.load %arg2[%swap3A_859, %swap3A_860] : memref<8192x128xf32, #tpu.memory_space<vmem>>, vector<64x128xf32>
    tpu.vector_store %arg2[%swap3A_859, %swap3A_860], %concatenate3A_858 {strides = array<i32>} : memref<8192x128xf32, #tpu.memory_space<vmem>>, vector<64x128xf32>,
    %get3A_862 = arith.constant 0 : index
    %get3A_863 = arith.constant 16128 : index
    %get3A_864 = vector.load %arg1[%get3A_862, %get3A_863] : memref<32x32768xf32, #tpu.memory_space<vmem>>, vector<32x256xf32>
    %dot_general3A_865 = arith.constant dense<0.000000e+00> : vector<256x32xf32>
    %dot_general3A_866 = tpu.matmul %convert_element_type3A_47, %get3A_864, %dot_general3A_865 {dimension_numbers = #tpu.dot_dimension_numbers<[1], [1], [0], [0], [0, 0, 1, 0], [], []>, transpose_lhs_hint = false} : vector<256x256xf32>, vector<32x256xf32>, vector<256x32xf32> -> vector<256x32xf32>
    %slice3A_867 = vector.extract_strided_slice %dot_general3A_866 {offsets = [0, 0], sizes = [64, 32], strides = [1, 1]} : vector<256x32xf32> to vector<64x32xf32>
    %slice3A_868 = vector.extract_strided_slice %dot_general3A_866 {offsets = [64, 0], sizes = [64, 32], strides = [1, 1]} : vector<256x32xf32> to vector<64x32xf32>
    %slice3A_869 = vector.extract_strided_slice %dot_general3A_866 {offsets = [128, 0], sizes = [64, 32], strides = [1, 1]} : vector<256x32xf32> to vector<64x32xf32>
    %slice3A_870 = vector.extract_strided_slice %dot_general3A_866 {offsets = [192, 0], sizes = [64, 32], strides = [1, 1]} : vector<256x32xf32> to vector<64x32xf32>
    %concatenate3A_871 = tpu.concatenate %slice3A_867, %slice3A_868, %slice3A_869, %slice3A_870 in 1 : vector<64x32xf32>, vector<64x32xf32>, vector<64x32xf32>, vector<64x32xf32> -> vector<64x128xf32>
    %swap3A_872 = arith.constant 4032 : index
    %swap3A_873 = arith.constant 0 : index
    %swap3A_874 = vector.load %arg2[%swap3A_872, %swap3A_873] : memref<8192x128xf32, #tpu.memory_space<vmem>>, vector<64x128xf32>
    tpu.vector_store %arg2[%swap3A_872, %swap3A_873], %concatenate3A_871 {strides = array<i32>} : memref<8192x128xf32, #tpu.memory_space<vmem>>, vector<64x128xf32>,
    %get3A_875 = arith.constant 0 : index
    %get3A_876 = arith.constant 16384 : index
    %get3A_877 = vector.load %arg1[%get3A_875, %get3A_876] : memref<32x32768xf32, #tpu.memory_space<vmem>>, vector<32x256xf32>
    %dot_general3A_878 = arith.constant dense<0.000000e+00> : vector<256x32xf32>
    %dot_general3A_879 = tpu.matmul %convert_element_type3A_47, %get3A_877, %dot_general3A_878 {dimension_numbers = #tpu.dot_dimension_numbers<[1], [1], [0], [0], [0, 0, 1, 0], [], []>, transpose_lhs_hint = false} : vector<256x256xf32>, vector<32x256xf32>, vector<256x32xf32> -> vector<256x32xf32>
    %slice3A_880 = vector.extract_strided_slice %dot_general3A_879 {offsets = [0, 0], sizes = [64, 32], strides = [1, 1]} : vector<256x32xf32> to vector<64x32xf32>
    %slice3A_881 = vector.extract_strided_slice %dot_general3A_879 {offsets = [64, 0], sizes = [64, 32], strides = [1, 1]} : vector<256x32xf32> to vector<64x32xf32>
    %slice3A_882 = vector.extract_strided_slice %dot_general3A_879 {offsets = [128, 0], sizes = [64, 32], strides = [1, 1]} : vector<256x32xf32> to vector<64x32xf32>
    %slice3A_883 = vector.extract_strided_slice %dot_general3A_879 {offsets = [192, 0], sizes = [64, 32], strides = [1, 1]} : vector<256x32xf32> to vector<64x32xf32>
    %concatenate3A_884 = tpu.concatenate %slice3A_880, %slice3A_881, %slice3A_882, %slice3A_883 in 1 : vector<64x32xf32>, vector<64x32xf32>, vector<64x32xf32>, vector<64x32xf32> -> vector<64x128xf32>
    %swap3A_885 = arith.constant 4096 : index
    %swap3A_886 = arith.constant 0 : index
    %swap3A_887 = vector.load %arg2[%swap3A_885, %swap3A_886] : memref<8192x128xf32, #tpu.memory_space<vmem>>, vector<64x128xf32>
    tpu.vector_store %arg2[%swap3A_885, %swap3A_886], %concatenate3A_884 {strides = array<i32>} : memref<8192x128xf32, #tpu.memory_space<vmem>>, vector<64x128xf32>,
    %get3A_888 = arith.constant 0 : index
    %get3A_889 = arith.constant 16640 : index
    %get3A_890 = vector.load %arg1[%get3A_888, %get3A_889] : memref<32x32768xf32, #tpu.memory_space<vmem>>, vector<32x256xf32>
    %dot_general3A_891 = arith.constant dense<0.000000e+00> : vector<256x32xf32>
    %dot_general3A_892 = tpu.matmul %convert_element_type3A_47, %get3A_890, %dot_general3A_891 {dimension_numbers = #tpu.dot_dimension_numbers<[1], [1], [0], [0], [0, 0, 1, 0], [], []>, transpose_lhs_hint = false} : vector<256x256xf32>, vector<32x256xf32>, vector<256x32xf32> -> vector<256x32xf32>
    %slice3A_893 = vector.extract_strided_slice %dot_general3A_892 {offsets = [0, 0], sizes = [64, 32], strides = [1, 1]} : vector<256x32xf32> to vector<64x32xf32>
    %slice3A_894 = vector.extract_strided_slice %dot_general3A_892 {offsets = [64, 0], sizes = [64, 32], strides = [1, 1]} : vector<256x32xf32> to vector<64x32xf32>
    %slice3A_895 = vector.extract_strided_slice %dot_general3A_892 {offsets = [128, 0], sizes = [64, 32], strides = [1, 1]} : vector<256x32xf32> to vector<64x32xf32>
    %slice3A_896 = vector.extract_strided_slice %dot_general3A_892 {offsets = [192, 0], sizes = [64, 32], strides = [1, 1]} : vector<256x32xf32> to vector<64x32xf32>
    %concatenate3A_897 = tpu.concatenate %slice3A_893, %slice3A_894, %slice3A_895, %slice3A_896 in 1 : vector<64x32xf32>, vector<64x32xf32>, vector<64x32xf32>, vector<64x32xf32> -> vector<64x128xf32>
    %swap3A_898 = arith.constant 4160 : index
    %swap3A_899 = arith.constant 0 : index
    %swap3A_900 = vector.load %arg2[%swap3A_898, %swap3A_899] : memref<8192x128xf32, #tpu.memory_space<vmem>>, vector<64x128xf32>
    tpu.vector_store %arg2[%swap3A_898, %swap3A_899], %concatenate3A_897 {strides = array<i32>} : memref<8192x128xf32, #tpu.memory_space<vmem>>, vector<64x128xf32>,
    %get3A_901 = arith.constant 0 : index
    %get3A_902 = arith.constant 16896 : index
    %get3A_903 = vector.load %arg1[%get3A_901, %get3A_902] : memref<32x32768xf32, #tpu.memory_space<vmem>>, vector<32x256xf32>
    %dot_general3A_904 = arith.constant dense<0.000000e+00> : vector<256x32xf32>
    %dot_general3A_905 = tpu.matmul %convert_element_type3A_47, %get3A_903, %dot_general3A_904 {dimension_numbers = #tpu.dot_dimension_numbers<[1], [1], [0], [0], [0, 0, 1, 0], [], []>, transpose_lhs_hint = false} : vector<256x256xf32>, vector<32x256xf32>, vector<256x32xf32> -> vector<256x32xf32>
    %slice3A_906 = vector.extract_strided_slice %dot_general3A_905 {offsets = [0, 0], sizes = [64, 32], strides = [1, 1]} : vector<256x32xf32> to vector<64x32xf32>
    %slice3A_907 = vector.extract_strided_slice %dot_general3A_905 {offsets = [64, 0], sizes = [64, 32], strides = [1, 1]} : vector<256x32xf32> to vector<64x32xf32>
    %slice3A_908 = vector.extract_strided_slice %dot_general3A_905 {offsets = [128, 0], sizes = [64, 32], strides = [1, 1]} : vector<256x32xf32> to vector<64x32xf32>
    %slice3A_909 = vector.extract_strided_slice %dot_general3A_905 {offsets = [192, 0], sizes = [64, 32], strides = [1, 1]} : vector<256x32xf32> to vector<64x32xf32>
    %concatenate3A_910 = tpu.concatenate %slice3A_906, %slice3A_907, %slice3A_908, %slice3A_909 in 1 : vector<64x32xf32>, vector<64x32xf32>, vector<64x32xf32>, vector<64x32xf32> -> vector<64x128xf32>
    %swap3A_911 = arith.constant 4224 : index
    %swap3A_912 = arith.constant 0 : index
    %swap3A_913 = vector.load %arg2[%swap3A_911, %swap3A_912] : memref<8192x128xf32, #tpu.memory_space<vmem>>, vector<64x128xf32>
    tpu.vector_store %arg2[%swap3A_911, %swap3A_912], %concatenate3A_910 {strides = array<i32>} : memref<8192x128xf32, #tpu.memory_space<vmem>>, vector<64x128xf32>,
    %get3A_914 = arith.constant 0 : index
    %get3A_915 = arith.constant 17152 : index
    %get3A_916 = vector.load %arg1[%get3A_914, %get3A_915] : memref<32x32768xf32, #tpu.memory_space<vmem>>, vector<32x256xf32>
    %dot_general3A_917 = arith.constant dense<0.000000e+00> : vector<256x32xf32>
    %dot_general3A_918 = tpu.matmul %convert_element_type3A_47, %get3A_916, %dot_general3A_917 {dimension_numbers = #tpu.dot_dimension_numbers<[1], [1], [0], [0], [0, 0, 1, 0], [], []>, transpose_lhs_hint = false} : vector<256x256xf32>, vector<32x256xf32>, vector<256x32xf32> -> vector<256x32xf32>
    %slice3A_919 = vector.extract_strided_slice %dot_general3A_918 {offsets = [0, 0], sizes = [64, 32], strides = [1, 1]} : vector<256x32xf32> to vector<64x32xf32>
    %slice3A_920 = vector.extract_strided_slice %dot_general3A_918 {offsets = [64, 0], sizes = [64, 32], strides = [1, 1]} : vector<256x32xf32> to vector<64x32xf32>
    %slice3A_921 = vector.extract_strided_slice %dot_general3A_918 {offsets = [128, 0], sizes = [64, 32], strides = [1, 1]} : vector<256x32xf32> to vector<64x32xf32>
    %slice3A_922 = vector.extract_strided_slice %dot_general3A_918 {offsets = [192, 0], sizes = [64, 32], strides = [1, 1]} : vector<256x32xf32> to vector<64x32xf32>
    %concatenate3A_923 = tpu.concatenate %slice3A_919, %slice3A_920, %slice3A_921, %slice3A_922 in 1 : vector<64x32xf32>, vector<64x32xf32>, vector<64x32xf32>, vector<64x32xf32> -> vector<64x128xf32>
    %swap3A_924 = arith.constant 4288 : index
    %swap3A_925 = arith.constant 0 : index
    %swap3A_926 = vector.load %arg2[%swap3A_924, %swap3A_925] : memref<8192x128xf32, #tpu.memory_space<vmem>>, vector<64x128xf32>
    tpu.vector_store %arg2[%swap3A_924, %swap3A_925], %concatenate3A_923 {strides = array<i32>} : memref<8192x128xf32, #tpu.memory_space<vmem>>, vector<64x128xf32>,
    %get3A_927 = arith.constant 0 : index
    %get3A_928 = arith.constant 17408 : index
    %get3A_929 = vector.load %arg1[%get3A_927, %get3A_928] : memref<32x32768xf32, #tpu.memory_space<vmem>>, vector<32x256xf32>
    %dot_general3A_930 = arith.constant dense<0.000000e+00> : vector<256x32xf32>
    %dot_general3A_931 = tpu.matmul %convert_element_type3A_47, %get3A_929, %dot_general3A_930 {dimension_numbers = #tpu.dot_dimension_numbers<[1], [1], [0], [0], [0, 0, 1, 0], [], []>, transpose_lhs_hint = false} : vector<256x256xf32>, vector<32x256xf32>, vector<256x32xf32> -> vector<256x32xf32>
    %slice3A_932 = vector.extract_strided_slice %dot_general3A_931 {offsets = [0, 0], sizes = [64, 32], strides = [1, 1]} : vector<256x32xf32> to vector<64x32xf32>
    %slice3A_933 = vector.extract_strided_slice %dot_general3A_931 {offsets = [64, 0], sizes = [64, 32], strides = [1, 1]} : vector<256x32xf32> to vector<64x32xf32>
    %slice3A_934 = vector.extract_strided_slice %dot_general3A_931 {offsets = [128, 0], sizes = [64, 32], strides = [1, 1]} : vector<256x32xf32> to vector<64x32xf32>
    %slice3A_935 = vector.extract_strided_slice %dot_general3A_931 {offsets = [192, 0], sizes = [64, 32], strides = [1, 1]} : vector<256x32xf32> to vector<64x32xf32>
    %concatenate3A_936 = tpu.concatenate %slice3A_932, %slice3A_933, %slice3A_934, %slice3A_935 in 1 : vector<64x32xf32>, vector<64x32xf32>, vector<64x32xf32>, vector<64x32xf32> -> vector<64x128xf32>
    %swap3A_937 = arith.constant 4352 : index
    %swap3A_938 = arith.constant 0 : index
    %swap3A_939 = vector.load %arg2[%swap3A_937, %swap3A_938] : memref<8192x128xf32, #tpu.memory_space<vmem>>, vector<64x128xf32>
    tpu.vector_store %arg2[%swap3A_937, %swap3A_938], %concatenate3A_936 {strides = array<i32>} : memref<8192x128xf32, #tpu.memory_space<vmem>>, vector<64x128xf32>,
    %get3A_940 = arith.constant 0 : index
    %get3A_941 = arith.constant 17664 : index
    %get3A_942 = vector.load %arg1[%get3A_940, %get3A_941] : memref<32x32768xf32, #tpu.memory_space<vmem>>, vector<32x256xf32>
    %dot_general3A_943 = arith.constant dense<0.000000e+00> : vector<256x32xf32>
    %dot_general3A_944 = tpu.matmul %convert_element_type3A_47, %get3A_942, %dot_general3A_943 {dimension_numbers = #tpu.dot_dimension_numbers<[1], [1], [0], [0], [0, 0, 1, 0], [], []>, transpose_lhs_hint = false} : vector<256x256xf32>, vector<32x256xf32>, vector<256x32xf32> -> vector<256x32xf32>
    %slice3A_945 = vector.extract_strided_slice %dot_general3A_944 {offsets = [0, 0], sizes = [64, 32], strides = [1, 1]} : vector<256x32xf32> to vector<64x32xf32>
    %slice3A_946 = vector.extract_strided_slice %dot_general3A_944 {offsets = [64, 0], sizes = [64, 32], strides = [1, 1]} : vector<256x32xf32> to vector<64x32xf32>
    %slice3A_947 = vector.extract_strided_slice %dot_general3A_944 {offsets = [128, 0], sizes = [64, 32], strides = [1, 1]} : vector<256x32xf32> to vector<64x32xf32>
    %slice3A_948 = vector.extract_strided_slice %dot_general3A_944 {offsets = [192, 0], sizes = [64, 32], strides = [1, 1]} : vector<256x32xf32> to vector<64x32xf32>
    %concatenate3A_949 = tpu.concatenate %slice3A_945, %slice3A_946, %slice3A_947, %slice3A_948 in 1 : vector<64x32xf32>, vector<64x32xf32>, vector<64x32xf32>, vector<64x32xf32> -> vector<64x128xf32>
    %swap3A_950 = arith.constant 4416 : index
    %swap3A_951 = arith.constant 0 : index
    %swap3A_952 = vector.load %arg2[%swap3A_950, %swap3A_951] : memref<8192x128xf32, #tpu.memory_space<vmem>>, vector<64x128xf32>
    tpu.vector_store %arg2[%swap3A_950, %swap3A_951], %concatenate3A_949 {strides = array<i32>} : memref<8192x128xf32, #tpu.memory_space<vmem>>, vector<64x128xf32>,
    %get3A_953 = arith.constant 0 : index
    %get3A_954 = arith.constant 17920 : index
    %get3A_955 = vector.load %arg1[%get3A_953, %get3A_954] : memref<32x32768xf32, #tpu.memory_space<vmem>>, vector<32x256xf32>
    %dot_general3A_956 = arith.constant dense<0.000000e+00> : vector<256x32xf32>
    %dot_general3A_957 = tpu.matmul %convert_element_type3A_47, %get3A_955, %dot_general3A_956 {dimension_numbers = #tpu.dot_dimension_numbers<[1], [1], [0], [0], [0, 0, 1, 0], [], []>, transpose_lhs_hint = false} : vector<256x256xf32>, vector<32x256xf32>, vector<256x32xf32> -> vector<256x32xf32>
    %slice3A_958 = vector.extract_strided_slice %dot_general3A_957 {offsets = [0, 0], sizes = [64, 32], strides = [1, 1]} : vector<256x32xf32> to vector<64x32xf32>
    %slice3A_959 = vector.extract_strided_slice %dot_general3A_957 {offsets = [64, 0], sizes = [64, 32], strides = [1, 1]} : vector<256x32xf32> to vector<64x32xf32>
    %slice3A_960 = vector.extract_strided_slice %dot_general3A_957 {offsets = [128, 0], sizes = [64, 32], strides = [1, 1]} : vector<256x32xf32> to vector<64x32xf32>
    %slice3A_961 = vector.extract_strided_slice %dot_general3A_957 {offsets = [192, 0], sizes = [64, 32], strides = [1, 1]} : vector<256x32xf32> to vector<64x32xf32>
    %concatenate3A_962 = tpu.concatenate %slice3A_958, %slice3A_959, %slice3A_960, %slice3A_961 in 1 : vector<64x32xf32>, vector<64x32xf32>, vector<64x32xf32>, vector<64x32xf32> -> vector<64x128xf32>
    %swap3A_963 = arith.constant 4480 : index
    %swap3A_964 = arith.constant 0 : index
    %swap3A_965 = vector.load %arg2[%swap3A_963, %swap3A_964] : memref<8192x128xf32, #tpu.memory_space<vmem>>, vector<64x128xf32>
    tpu.vector_store %arg2[%swap3A_963, %swap3A_964], %concatenate3A_962 {strides = array<i32>} : memref<8192x128xf32, #tpu.memory_space<vmem>>, vector<64x128xf32>,
    %get3A_966 = arith.constant 0 : index
    %get3A_967 = arith.constant 18176 : index
    %get3A_968 = vector.load %arg1[%get3A_966, %get3A_967] : memref<32x32768xf32, #tpu.memory_space<vmem>>, vector<32x256xf32>
    %dot_general3A_969 = arith.constant dense<0.000000e+00> : vector<256x32xf32>
    %dot_general3A_970 = tpu.matmul %convert_element_type3A_47, %get3A_968, %dot_general3A_969 {dimension_numbers = #tpu.dot_dimension_numbers<[1], [1], [0], [0], [0, 0, 1, 0], [], []>, transpose_lhs_hint = false} : vector<256x256xf32>, vector<32x256xf32>, vector<256x32xf32> -> vector<256x32xf32>
    %slice3A_971 = vector.extract_strided_slice %dot_general3A_970 {offsets = [0, 0], sizes = [64, 32], strides = [1, 1]} : vector<256x32xf32> to vector<64x32xf32>
    %slice3A_972 = vector.extract_strided_slice %dot_general3A_970 {offsets = [64, 0], sizes = [64, 32], strides = [1, 1]} : vector<256x32xf32> to vector<64x32xf32>
    %slice3A_973 = vector.extract_strided_slice %dot_general3A_970 {offsets = [128, 0], sizes = [64, 32], strides = [1, 1]} : vector<256x32xf32> to vector<64x32xf32>
    %slice3A_974 = vector.extract_strided_slice %dot_general3A_970 {offsets = [192, 0], sizes = [64, 32], strides = [1, 1]} : vector<256x32xf32> to vector<64x32xf32>
    %concatenate3A_975 = tpu.concatenate %slice3A_971, %slice3A_972, %slice3A_973, %slice3A_974 in 1 : vector<64x32xf32>, vector<64x32xf32>, vector<64x32xf32>, vector<64x32xf32> -> vector<64x128xf32>
    %swap3A_976 = arith.constant 4544 : index
    %swap3A_977 = arith.constant 0 : index
    %swap3A_978 = vector.load %arg2[%swap3A_976, %swap3A_977] : memref<8192x128xf32, #tpu.memory_space<vmem>>, vector<64x128xf32>
    tpu.vector_store %arg2[%swap3A_976, %swap3A_977], %concatenate3A_975 {strides = array<i32>} : memref<8192x128xf32, #tpu.memory_space<vmem>>, vector<64x128xf32>,
    %get3A_979 = arith.constant 0 : index
    %get3A_980 = arith.constant 18432 : index
    %get3A_981 = vector.load %arg1[%get3A_979, %get3A_980] : memref<32x32768xf32, #tpu.memory_space<vmem>>, vector<32x256xf32>
    %dot_general3A_982 = arith.constant dense<0.000000e+00> : vector<256x32xf32>
    %dot_general3A_983 = tpu.matmul %convert_element_type3A_47, %get3A_981, %dot_general3A_982 {dimension_numbers = #tpu.dot_dimension_numbers<[1], [1], [0], [0], [0, 0, 1, 0], [], []>, transpose_lhs_hint = false} : vector<256x256xf32>, vector<32x256xf32>, vector<256x32xf32> -> vector<256x32xf32>
    %slice3A_984 = vector.extract_strided_slice %dot_general3A_983 {offsets = [0, 0], sizes = [64, 32], strides = [1, 1]} : vector<256x32xf32> to vector<64x32xf32>
    %slice3A_985 = vector.extract_strided_slice %dot_general3A_983 {offsets = [64, 0], sizes = [64, 32], strides = [1, 1]} : vector<256x32xf32> to vector<64x32xf32>
    %slice3A_986 = vector.extract_strided_slice %dot_general3A_983 {offsets = [128, 0], sizes = [64, 32], strides = [1, 1]} : vector<256x32xf32> to vector<64x32xf32>
    %slice3A_987 = vector.extract_strided_slice %dot_general3A_983 {offsets = [192, 0], sizes = [64, 32], strides = [1, 1]} : vector<256x32xf32> to vector<64x32xf32>
    %concatenate3A_988 = tpu.concatenate %slice3A_984, %slice3A_985, %slice3A_986, %slice3A_987 in 1 : vector<64x32xf32>, vector<64x32xf32>, vector<64x32xf32>, vector<64x32xf32> -> vector<64x128xf32>
    %swap3A_989 = arith.constant 4608 : index
    %swap3A_990 = arith.constant 0 : index
    %swap3A_991 = vector.load %arg2[%swap3A_989, %swap3A_990] : memref<8192x128xf32, #tpu.memory_space<vmem>>, vector<64x128xf32>
    tpu.vector_store %arg2[%swap3A_989, %swap3A_990], %concatenate3A_988 {strides = array<i32>} : memref<8192x128xf32, #tpu.memory_space<vmem>>, vector<64x128xf32>,
    %get3A_992 = arith.constant 0 : index
    %get3A_993 = arith.constant 18688 : index
    %get3A_994 = vector.load %arg1[%get3A_992, %get3A_993] : memref<32x32768xf32, #tpu.memory_space<vmem>>, vector<32x256xf32>
    %dot_general3A_995 = arith.constant dense<0.000000e+00> : vector<256x32xf32>
    %dot_general3A_996 = tpu.matmul %convert_element_type3A_47, %get3A_994, %dot_general3A_995 {dimension_numbers = #tpu.dot_dimension_numbers<[1], [1], [0], [0], [0, 0, 1, 0], [], []>, transpose_lhs_hint = false} : vector<256x256xf32>, vector<32x256xf32>, vector<256x32xf32> -> vector<256x32xf32>
    %slice3A_997 = vector.extract_strided_slice %dot_general3A_996 {offsets = [0, 0], sizes = [64, 32], strides = [1, 1]} : vector<256x32xf32> to vector<64x32xf32>
    %slice3A_998 = vector.extract_strided_slice %dot_general3A_996 {offsets = [64, 0], sizes = [64, 32], strides = [1, 1]} : vector<256x32xf32> to vector<64x32xf32>
    %slice3A_999 = vector.extract_strided_slice %dot_general3A_996 {offsets = [128, 0], sizes = [64, 32], strides = [1, 1]} : vector<256x32xf32> to vector<64x32xf32>
    %slice3A_1000 = vector.extract_strided_slice %dot_general3A_996 {offsets = [192, 0], sizes = [64, 32], strides = [1, 1]} : vector<256x32xf32> to vector<64x32xf32>
    %concatenate3A_1001 = tpu.concatenate %slice3A_997, %slice3A_998, %slice3A_999, %slice3A_1000 in 1 : vector<64x32xf32>, vector<64x32xf32>, vector<64x32xf32>, vector<64x32xf32> -> vector<64x128xf32>
    %swap3A_1002 = arith.constant 4672 : index
    %swap3A_1003 = arith.constant 0 : index
    %swap3A_1004 = vector.load %arg2[%swap3A_1002, %swap3A_1003] : memref<8192x128xf32, #tpu.memory_space<vmem>>, vector<64x128xf32>
    tpu.vector_store %arg2[%swap3A_1002, %swap3A_1003], %concatenate3A_1001 {strides = array<i32>} : memref<8192x128xf32, #tpu.memory_space<vmem>>, vector<64x128xf32>,
    %get3A_1005 = arith.constant 0 : index
    %get3A_1006 = arith.constant 18944 : index
    %get3A_1007 = vector.load %arg1[%get3A_1005, %get3A_1006] : memref<32x32768xf32, #tpu.memory_space<vmem>>, vector<32x256xf32>
    %dot_general3A_1008 = arith.constant dense<0.000000e+00> : vector<256x32xf32>
    %dot_general3A_1009 = tpu.matmul %convert_element_type3A_47, %get3A_1007, %dot_general3A_1008 {dimension_numbers = #tpu.dot_dimension_numbers<[1], [1], [0], [0], [0, 0, 1, 0], [], []>, transpose_lhs_hint = false} : vector<256x256xf32>, vector<32x256xf32>, vector<256x32xf32> -> vector<256x32xf32>
    %slice3A_1010 = vector.extract_strided_slice %dot_general3A_1009 {offsets = [0, 0], sizes = [64, 32], strides = [1, 1]} : vector<256x32xf32> to vector<64x32xf32>
    %slice3A_1011 = vector.extract_strided_slice %dot_general3A_1009 {offsets = [64, 0], sizes = [64, 32], strides = [1, 1]} : vector<256x32xf32> to vector<64x32xf32>
    %slice3A_1012 = vector.extract_strided_slice %dot_general3A_1009 {offsets = [128, 0], sizes = [64, 32], strides = [1, 1]} : vector<256x32xf32> to vector<64x32xf32>
    %slice3A_1013 = vector.extract_strided_slice %dot_general3A_1009 {offsets = [192, 0], sizes = [64, 32], strides = [1, 1]} : vector<256x32xf32> to vector<64x32xf32>
    %concatenate3A_1014 = tpu.concatenate %slice3A_1010, %slice3A_1011, %slice3A_1012, %slice3A_1013 in 1 : vector<64x32xf32>, vector<64x32xf32>, vector<64x32xf32>, vector<64x32xf32> -> vector<64x128xf32>
    %swap3A_1015 = arith.constant 4736 : index
    %swap3A_1016 = arith.constant 0 : index
    %swap3A_1017 = vector.load %arg2[%swap3A_1015, %swap3A_1016] : memref<8192x128xf32, #tpu.memory_space<vmem>>, vector<64x128xf32>
    tpu.vector_store %arg2[%swap3A_1015, %swap3A_1016], %concatenate3A_1014 {strides = array<i32>} : memref<8192x128xf32, #tpu.memory_space<vmem>>, vector<64x128xf32>,
    %get3A_1018 = arith.constant 0 : index
    %get3A_1019 = arith.constant 19200 : index
    %get3A_1020 = vector.load %arg1[%get3A_1018, %get3A_1019] : memref<32x32768xf32, #tpu.memory_space<vmem>>, vector<32x256xf32>
    %dot_general3A_1021 = arith.constant dense<0.000000e+00> : vector<256x32xf32>
    %dot_general3A_1022 = tpu.matmul %convert_element_type3A_47, %get3A_1020, %dot_general3A_1021 {dimension_numbers = #tpu.dot_dimension_numbers<[1], [1], [0], [0], [0, 0, 1, 0], [], []>, transpose_lhs_hint = false} : vector<256x256xf32>, vector<32x256xf32>, vector<256x32xf32> -> vector<256x32xf32>
    %slice3A_1023 = vector.extract_strided_slice %dot_general3A_1022 {offsets = [0, 0], sizes = [64, 32], strides = [1, 1]} : vector<256x32xf32> to vector<64x32xf32>
    %slice3A_1024 = vector.extract_strided_slice %dot_general3A_1022 {offsets = [64, 0], sizes = [64, 32], strides = [1, 1]} : vector<256x32xf32> to vector<64x32xf32>
    %slice3A_1025 = vector.extract_strided_slice %dot_general3A_1022 {offsets = [128, 0], sizes = [64, 32], strides = [1, 1]} : vector<256x32xf32> to vector<64x32xf32>
    %slice3A_1026 = vector.extract_strided_slice %dot_general3A_1022 {offsets = [192, 0], sizes = [64, 32], strides = [1, 1]} : vector<256x32xf32> to vector<64x32xf32>
    %concatenate3A_1027 = tpu.concatenate %slice3A_1023, %slice3A_1024, %slice3A_1025, %slice3A_1026 in 1 : vector<64x32xf32>, vector<64x32xf32>, vector<64x32xf32>, vector<64x32xf32> -> vector<64x128xf32>
    %swap3A_1028 = arith.constant 4800 : index
    %swap3A_1029 = arith.constant 0 : index
    %swap3A_1030 = vector.load %arg2[%swap3A_1028, %swap3A_1029] : memref<8192x128xf32, #tpu.memory_space<vmem>>, vector<64x128xf32>
    tpu.vector_store %arg2[%swap3A_1028, %swap3A_1029], %concatenate3A_1027 {strides = array<i32>} : memref<8192x128xf32, #tpu.memory_space<vmem>>, vector<64x128xf32>,
    %get3A_1031 = arith.constant 0 : index
    %get3A_1032 = arith.constant 19456 : index
    %get3A_1033 = vector.load %arg1[%get3A_1031, %get3A_1032] : memref<32x32768xf32, #tpu.memory_space<vmem>>, vector<32x256xf32>
    %dot_general3A_1034 = arith.constant dense<0.000000e+00> : vector<256x32xf32>
    %dot_general3A_1035 = tpu.matmul %convert_element_type3A_47, %get3A_1033, %dot_general3A_1034 {dimension_numbers = #tpu.dot_dimension_numbers<[1], [1], [0], [0], [0, 0, 1, 0], [], []>, transpose_lhs_hint = false} : vector<256x256xf32>, vector<32x256xf32>, vector<256x32xf32> -> vector<256x32xf32>
    %slice3A_1036 = vector.extract_strided_slice %dot_general3A_1035 {offsets = [0, 0], sizes = [64, 32], strides = [1, 1]} : vector<256x32xf32> to vector<64x32xf32>
    %slice3A_1037 = vector.extract_strided_slice %dot_general3A_1035 {offsets = [64, 0], sizes = [64, 32], strides = [1, 1]} : vector<256x32xf32> to vector<64x32xf32>
    %slice3A_1038 = vector.extract_strided_slice %dot_general3A_1035 {offsets = [128, 0], sizes = [64, 32], strides = [1, 1]} : vector<256x32xf32> to vector<64x32xf32>
    %slice3A_1039 = vector.extract_strided_slice %dot_general3A_1035 {offsets = [192, 0], sizes = [64, 32], strides = [1, 1]} : vector<256x32xf32> to vector<64x32xf32>
    %concatenate3A_1040 = tpu.concatenate %slice3A_1036, %slice3A_1037, %slice3A_1038, %slice3A_1039 in 1 : vector<64x32xf32>, vector<64x32xf32>, vector<64x32xf32>, vector<64x32xf32> -> vector<64x128xf32>
    %swap3A_1041 = arith.constant 4864 : index
    %swap3A_1042 = arith.constant 0 : index
    %swap3A_1043 = vector.load %arg2[%swap3A_1041, %swap3A_1042] : memref<8192x128xf32, #tpu.memory_space<vmem>>, vector<64x128xf32>
    tpu.vector_store %arg2[%swap3A_1041, %swap3A_1042], %concatenate3A_1040 {strides = array<i32>} : memref<8192x128xf32, #tpu.memory_space<vmem>>, vector<64x128xf32>,
    %get3A_1044 = arith.constant 0 : index
    %get3A_1045 = arith.constant 19712 : index
    %get3A_1046 = vector.load %arg1[%get3A_1044, %get3A_1045] : memref<32x32768xf32, #tpu.memory_space<vmem>>, vector<32x256xf32>
    %dot_general3A_1047 = arith.constant dense<0.000000e+00> : vector<256x32xf32>
    %dot_general3A_1048 = tpu.matmul %convert_element_type3A_47, %get3A_1046, %dot_general3A_1047 {dimension_numbers = #tpu.dot_dimension_numbers<[1], [1], [0], [0], [0, 0, 1, 0], [], []>, transpose_lhs_hint = false} : vector<256x256xf32>, vector<32x256xf32>, vector<256x32xf32> -> vector<256x32xf32>
    %slice3A_1049 = vector.extract_strided_slice %dot_general3A_1048 {offsets = [0, 0], sizes = [64, 32], strides = [1, 1]} : vector<256x32xf32> to vector<64x32xf32>
    %slice3A_1050 = vector.extract_strided_slice %dot_general3A_1048 {offsets = [64, 0], sizes = [64, 32], strides = [1, 1]} : vector<256x32xf32> to vector<64x32xf32>
    %slice3A_1051 = vector.extract_strided_slice %dot_general3A_1048 {offsets = [128, 0], sizes = [64, 32], strides = [1, 1]} : vector<256x32xf32> to vector<64x32xf32>
    %slice3A_1052 = vector.extract_strided_slice %dot_general3A_1048 {offsets = [192, 0], sizes = [64, 32], strides = [1, 1]} : vector<256x32xf32> to vector<64x32xf32>
    %concatenate3A_1053 = tpu.concatenate %slice3A_1049, %slice3A_1050, %slice3A_1051, %slice3A_1052 in 1 : vector<64x32xf32>, vector<64x32xf32>, vector<64x32xf32>, vector<64x32xf32> -> vector<64x128xf32>
    %swap3A_1054 = arith.constant 4928 : index
    %swap3A_1055 = arith.constant 0 : index
    %swap3A_1056 = vector.load %arg2[%swap3A_1054, %swap3A_1055] : memref<8192x128xf32, #tpu.memory_space<vmem>>, vector<64x128xf32>
    tpu.vector_store %arg2[%swap3A_1054, %swap3A_1055], %concatenate3A_1053 {strides = array<i32>} : memref<8192x128xf32, #tpu.memory_space<vmem>>, vector<64x128xf32>,
    %get3A_1057 = arith.constant 0 : index
    %get3A_1058 = arith.constant 19968 : index
    %get3A_1059 = vector.load %arg1[%get3A_1057, %get3A_1058] : memref<32x32768xf32, #tpu.memory_space<vmem>>, vector<32x256xf32>
    %dot_general3A_1060 = arith.constant dense<0.000000e+00> : vector<256x32xf32>
    %dot_general3A_1061 = tpu.matmul %convert_element_type3A_47, %get3A_1059, %dot_general3A_1060 {dimension_numbers = #tpu.dot_dimension_numbers<[1], [1], [0], [0], [0, 0, 1, 0], [], []>, transpose_lhs_hint = false} : vector<256x256xf32>, vector<32x256xf32>, vector<256x32xf32> -> vector<256x32xf32>
    %slice3A_1062 = vector.extract_strided_slice %dot_general3A_1061 {offsets = [0, 0], sizes = [64, 32], strides = [1, 1]} : vector<256x32xf32> to vector<64x32xf32>
    %slice3A_1063 = vector.extract_strided_slice %dot_general3A_1061 {offsets = [64, 0], sizes = [64, 32], strides = [1, 1]} : vector<256x32xf32> to vector<64x32xf32>
    %slice3A_1064 = vector.extract_strided_slice %dot_general3A_1061 {offsets = [128, 0], sizes = [64, 32], strides = [1, 1]} : vector<256x32xf32> to vector<64x32xf32>
    %slice3A_1065 = vector.extract_strided_slice %dot_general3A_1061 {offsets = [192, 0], sizes = [64, 32], strides = [1, 1]} : vector<256x32xf32> to vector<64x32xf32>
    %concatenate3A_1066 = tpu.concatenate %slice3A_1062, %slice3A_1063, %slice3A_1064, %slice3A_1065 in 1 : vector<64x32xf32>, vector<64x32xf32>, vector<64x32xf32>, vector<64x32xf32> -> vector<64x128xf32>
    %swap3A_1067 = arith.constant 4992 : index
    %swap3A_1068 = arith.constant 0 : index
    %swap3A_1069 = vector.load %arg2[%swap3A_1067, %swap3A_1068] : memref<8192x128xf32, #tpu.memory_space<vmem>>, vector<64x128xf32>
    tpu.vector_store %arg2[%swap3A_1067, %swap3A_1068], %concatenate3A_1066 {strides = array<i32>} : memref<8192x128xf32, #tpu.memory_space<vmem>>, vector<64x128xf32>,
    %get3A_1070 = arith.constant 0 : index
    %get3A_1071 = arith.constant 20224 : index
    %get3A_1072 = vector.load %arg1[%get3A_1070, %get3A_1071] : memref<32x32768xf32, #tpu.memory_space<vmem>>, vector<32x256xf32>
    %dot_general3A_1073 = arith.constant dense<0.000000e+00> : vector<256x32xf32>
    %dot_general3A_1074 = tpu.matmul %convert_element_type3A_47, %get3A_1072, %dot_general3A_1073 {dimension_numbers = #tpu.dot_dimension_numbers<[1], [1], [0], [0], [0, 0, 1, 0], [], []>, transpose_lhs_hint = false} : vector<256x256xf32>, vector<32x256xf32>, vector<256x32xf32> -> vector<256x32xf32>
    %slice3A_1075 = vector.extract_strided_slice %dot_general3A_1074 {offsets = [0, 0], sizes = [64, 32], strides = [1, 1]} : vector<256x32xf32> to vector<64x32xf32>
    %slice3A_1076 = vector.extract_strided_slice %dot_general3A_1074 {offsets = [64, 0], sizes = [64, 32], strides = [1, 1]} : vector<256x32xf32> to vector<64x32xf32>
    %slice3A_1077 = vector.extract_strided_slice %dot_general3A_1074 {offsets = [128, 0], sizes = [64, 32], strides = [1, 1]} : vector<256x32xf32> to vector<64x32xf32>
    %slice3A_1078 = vector.extract_strided_slice %dot_general3A_1074 {offsets = [192, 0], sizes = [64, 32], strides = [1, 1]} : vector<256x32xf32> to vector<64x32xf32>
    %concatenate3A_1079 = tpu.concatenate %slice3A_1075, %slice3A_1076, %slice3A_1077, %slice3A_1078 in 1 : vector<64x32xf32>, vector<64x32xf32>, vector<64x32xf32>, vector<64x32xf32> -> vector<64x128xf32>
    %swap3A_1080 = arith.constant 5056 : index
    %swap3A_1081 = arith.constant 0 : index
    %swap3A_1082 = vector.load %arg2[%swap3A_1080, %swap3A_1081] : memref<8192x128xf32, #tpu.memory_space<vmem>>, vector<64x128xf32>
    tpu.vector_store %arg2[%swap3A_1080, %swap3A_1081], %concatenate3A_1079 {strides = array<i32>} : memref<8192x128xf32, #tpu.memory_space<vmem>>, vector<64x128xf32>,
    %get3A_1083 = arith.constant 0 : index
    %get3A_1084 = arith.constant 20480 : index
    %get3A_1085 = vector.load %arg1[%get3A_1083, %get3A_1084] : memref<32x32768xf32, #tpu.memory_space<vmem>>, vector<32x256xf32>
    %dot_general3A_1086 = arith.constant dense<0.000000e+00> : vector<256x32xf32>
    %dot_general3A_1087 = tpu.matmul %convert_element_type3A_47, %get3A_1085, %dot_general3A_1086 {dimension_numbers = #tpu.dot_dimension_numbers<[1], [1], [0], [0], [0, 0, 1, 0], [], []>, transpose_lhs_hint = false} : vector<256x256xf32>, vector<32x256xf32>, vector<256x32xf32> -> vector<256x32xf32>
    %slice3A_1088 = vector.extract_strided_slice %dot_general3A_1087 {offsets = [0, 0], sizes = [64, 32], strides = [1, 1]} : vector<256x32xf32> to vector<64x32xf32>
    %slice3A_1089 = vector.extract_strided_slice %dot_general3A_1087 {offsets = [64, 0], sizes = [64, 32], strides = [1, 1]} : vector<256x32xf32> to vector<64x32xf32>
    %slice3A_1090 = vector.extract_strided_slice %dot_general3A_1087 {offsets = [128, 0], sizes = [64, 32], strides = [1, 1]} : vector<256x32xf32> to vector<64x32xf32>
    %slice3A_1091 = vector.extract_strided_slice %dot_general3A_1087 {offsets = [192, 0], sizes = [64, 32], strides = [1, 1]} : vector<256x32xf32> to vector<64x32xf32>
    %concatenate3A_1092 = tpu.concatenate %slice3A_1088, %slice3A_1089, %slice3A_1090, %slice3A_1091 in 1 : vector<64x32xf32>, vector<64x32xf32>, vector<64x32xf32>, vector<64x32xf32> -> vector<64x128xf32>
    %swap3A_1093 = arith.constant 5120 : index
    %swap3A_1094 = arith.constant 0 : index
    %swap3A_1095 = vector.load %arg2[%swap3A_1093, %swap3A_1094] : memref<8192x128xf32, #tpu.memory_space<vmem>>, vector<64x128xf32>
    tpu.vector_store %arg2[%swap3A_1093, %swap3A_1094], %concatenate3A_1092 {strides = array<i32>} : memref<8192x128xf32, #tpu.memory_space<vmem>>, vector<64x128xf32>,
    %get3A_1096 = arith.constant 0 : index
    %get3A_1097 = arith.constant 20736 : index
    %get3A_1098 = vector.load %arg1[%get3A_1096, %get3A_1097] : memref<32x32768xf32, #tpu.memory_space<vmem>>, vector<32x256xf32>
    %dot_general3A_1099 = arith.constant dense<0.000000e+00> : vector<256x32xf32>
    %dot_general3A_1100 = tpu.matmul %convert_element_type3A_47, %get3A_1098, %dot_general3A_1099 {dimension_numbers = #tpu.dot_dimension_numbers<[1], [1], [0], [0], [0, 0, 1, 0], [], []>, transpose_lhs_hint = false} : vector<256x256xf32>, vector<32x256xf32>, vector<256x32xf32> -> vector<256x32xf32>
    %slice3A_1101 = vector.extract_strided_slice %dot_general3A_1100 {offsets = [0, 0], sizes = [64, 32], strides = [1, 1]} : vector<256x32xf32> to vector<64x32xf32>
    %slice3A_1102 = vector.extract_strided_slice %dot_general3A_1100 {offsets = [64, 0], sizes = [64, 32], strides = [1, 1]} : vector<256x32xf32> to vector<64x32xf32>
    %slice3A_1103 = vector.extract_strided_slice %dot_general3A_1100 {offsets = [128, 0], sizes = [64, 32], strides = [1, 1]} : vector<256x32xf32> to vector<64x32xf32>
    %slice3A_1104 = vector.extract_strided_slice %dot_general3A_1100 {offsets = [192, 0], sizes = [64, 32], strides = [1, 1]} : vector<256x32xf32> to vector<64x32xf32>
    %concatenate3A_1105 = tpu.concatenate %slice3A_1101, %slice3A_1102, %slice3A_1103, %slice3A_1104 in 1 : vector<64x32xf32>, vector<64x32xf32>, vector<64x32xf32>, vector<64x32xf32> -> vector<64x128xf32>
    %swap3A_1106 = arith.constant 5184 : index
    %swap3A_1107 = arith.constant 0 : index
    %swap3A_1108 = vector.load %arg2[%swap3A_1106, %swap3A_1107] : memref<8192x128xf32, #tpu.memory_space<vmem>>, vector<64x128xf32>
    tpu.vector_store %arg2[%swap3A_1106, %swap3A_1107], %concatenate3A_1105 {strides = array<i32>} : memref<8192x128xf32, #tpu.memory_space<vmem>>, vector<64x128xf32>,
    %get3A_1109 = arith.constant 0 : index
    %get3A_1110 = arith.constant 20992 : index
    %get3A_1111 = vector.load %arg1[%get3A_1109, %get3A_1110] : memref<32x32768xf32, #tpu.memory_space<vmem>>, vector<32x256xf32>
    %dot_general3A_1112 = arith.constant dense<0.000000e+00> : vector<256x32xf32>
    %dot_general3A_1113 = tpu.matmul %convert_element_type3A_47, %get3A_1111, %dot_general3A_1112 {dimension_numbers = #tpu.dot_dimension_numbers<[1], [1], [0], [0], [0, 0, 1, 0], [], []>, transpose_lhs_hint = false} : vector<256x256xf32>, vector<32x256xf32>, vector<256x32xf32> -> vector<256x32xf32>
    %slice3A_1114 = vector.extract_strided_slice %dot_general3A_1113 {offsets = [0, 0], sizes = [64, 32], strides = [1, 1]} : vector<256x32xf32> to vector<64x32xf32>
    %slice3A_1115 = vector.extract_strided_slice %dot_general3A_1113 {offsets = [64, 0], sizes = [64, 32], strides = [1, 1]} : vector<256x32xf32> to vector<64x32xf32>
    %slice3A_1116 = vector.extract_strided_slice %dot_general3A_1113 {offsets = [128, 0], sizes = [64, 32], strides = [1, 1]} : vector<256x32xf32> to vector<64x32xf32>
    %slice3A_1117 = vector.extract_strided_slice %dot_general3A_1113 {offsets = [192, 0], sizes = [64, 32], strides = [1, 1]} : vector<256x32xf32> to vector<64x32xf32>
    %concatenate3A_1118 = tpu.concatenate %slice3A_1114, %slice3A_1115, %slice3A_1116, %slice3A_1117 in 1 : vector<64x32xf32>, vector<64x32xf32>, vector<64x32xf32>, vector<64x32xf32> -> vector<64x128xf32>
    %swap3A_1119 = arith.constant 5248 : index
    %swap3A_1120 = arith.constant 0 : index
    %swap3A_1121 = vector.load %arg2[%swap3A_1119, %swap3A_1120] : memref<8192x128xf32, #tpu.memory_space<vmem>>, vector<64x128xf32>
    tpu.vector_store %arg2[%swap3A_1119, %swap3A_1120], %concatenate3A_1118 {strides = array<i32>} : memref<8192x128xf32, #tpu.memory_space<vmem>>, vector<64x128xf32>,
    %get3A_1122 = arith.constant 0 : index
    %get3A_1123 = arith.constant 21248 : index
    %get3A_1124 = vector.load %arg1[%get3A_1122, %get3A_1123] : memref<32x32768xf32, #tpu.memory_space<vmem>>, vector<32x256xf32>
    %dot_general3A_1125 = arith.constant dense<0.000000e+00> : vector<256x32xf32>
    %dot_general3A_1126 = tpu.matmul %convert_element_type3A_47, %get3A_1124, %dot_general3A_1125 {dimension_numbers = #tpu.dot_dimension_numbers<[1], [1], [0], [0], [0, 0, 1, 0], [], []>, transpose_lhs_hint = false} : vector<256x256xf32>, vector<32x256xf32>, vector<256x32xf32> -> vector<256x32xf32>
    %slice3A_1127 = vector.extract_strided_slice %dot_general3A_1126 {offsets = [0, 0], sizes = [64, 32], strides = [1, 1]} : vector<256x32xf32> to vector<64x32xf32>
    %slice3A_1128 = vector.extract_strided_slice %dot_general3A_1126 {offsets = [64, 0], sizes = [64, 32], strides = [1, 1]} : vector<256x32xf32> to vector<64x32xf32>
    %slice3A_1129 = vector.extract_strided_slice %dot_general3A_1126 {offsets = [128, 0], sizes = [64, 32], strides = [1, 1]} : vector<256x32xf32> to vector<64x32xf32>
    %slice3A_1130 = vector.extract_strided_slice %dot_general3A_1126 {offsets = [192, 0], sizes = [64, 32], strides = [1, 1]} : vector<256x32xf32> to vector<64x32xf32>
    %concatenate3A_1131 = tpu.concatenate %slice3A_1127, %slice3A_1128, %slice3A_1129, %slice3A_1130 in 1 : vector<64x32xf32>, vector<64x32xf32>, vector<64x32xf32>, vector<64x32xf32> -> vector<64x128xf32>
    %swap3A_1132 = arith.constant 5312 : index
    %swap3A_1133 = arith.constant 0 : index
    %swap3A_1134 = vector.load %arg2[%swap3A_1132, %swap3A_1133] : memref<8192x128xf32, #tpu.memory_space<vmem>>, vector<64x128xf32>
    tpu.vector_store %arg2[%swap3A_1132, %swap3A_1133], %concatenate3A_1131 {strides = array<i32>} : memref<8192x128xf32, #tpu.memory_space<vmem>>, vector<64x128xf32>,
    %get3A_1135 = arith.constant 0 : index
    %get3A_1136 = arith.constant 21504 : index
    %get3A_1137 = vector.load %arg1[%get3A_1135, %get3A_1136] : memref<32x32768xf32, #tpu.memory_space<vmem>>, vector<32x256xf32>
    %dot_general3A_1138 = arith.constant dense<0.000000e+00> : vector<256x32xf32>
    %dot_general3A_1139 = tpu.matmul %convert_element_type3A_47, %get3A_1137, %dot_general3A_1138 {dimension_numbers = #tpu.dot_dimension_numbers<[1], [1], [0], [0], [0, 0, 1, 0], [], []>, transpose_lhs_hint = false} : vector<256x256xf32>, vector<32x256xf32>, vector<256x32xf32> -> vector<256x32xf32>
    %slice3A_1140 = vector.extract_strided_slice %dot_general3A_1139 {offsets = [0, 0], sizes = [64, 32], strides = [1, 1]} : vector<256x32xf32> to vector<64x32xf32>
    %slice3A_1141 = vector.extract_strided_slice %dot_general3A_1139 {offsets = [64, 0], sizes = [64, 32], strides = [1, 1]} : vector<256x32xf32> to vector<64x32xf32>
    %slice3A_1142 = vector.extract_strided_slice %dot_general3A_1139 {offsets = [128, 0], sizes = [64, 32], strides = [1, 1]} : vector<256x32xf32> to vector<64x32xf32>
    %slice3A_1143 = vector.extract_strided_slice %dot_general3A_1139 {offsets = [192, 0], sizes = [64, 32], strides = [1, 1]} : vector<256x32xf32> to vector<64x32xf32>
    %concatenate3A_1144 = tpu.concatenate %slice3A_1140, %slice3A_1141, %slice3A_1142, %slice3A_1143 in 1 : vector<64x32xf32>, vector<64x32xf32>, vector<64x32xf32>, vector<64x32xf32> -> vector<64x128xf32>
    %swap3A_1145 = arith.constant 5376 : index
    %swap3A_1146 = arith.constant 0 : index
    %swap3A_1147 = vector.load %arg2[%swap3A_1145, %swap3A_1146] : memref<8192x128xf32, #tpu.memory_space<vmem>>, vector<64x128xf32>
    tpu.vector_store %arg2[%swap3A_1145, %swap3A_1146], %concatenate3A_1144 {strides = array<i32>} : memref<8192x128xf32, #tpu.memory_space<vmem>>, vector<64x128xf32>,
    %get3A_1148 = arith.constant 0 : index
    %get3A_1149 = arith.constant 21760 : index
    %get3A_1150 = vector.load %arg1[%get3A_1148, %get3A_1149] : memref<32x32768xf32, #tpu.memory_space<vmem>>, vector<32x256xf32>
    %dot_general3A_1151 = arith.constant dense<0.000000e+00> : vector<256x32xf32>
    %dot_general3A_1152 = tpu.matmul %convert_element_type3A_47, %get3A_1150, %dot_general3A_1151 {dimension_numbers = #tpu.dot_dimension_numbers<[1], [1], [0], [0], [0, 0, 1, 0], [], []>, transpose_lhs_hint = false} : vector<256x256xf32>, vector<32x256xf32>, vector<256x32xf32> -> vector<256x32xf32>
    %slice3A_1153 = vector.extract_strided_slice %dot_general3A_1152 {offsets = [0, 0], sizes = [64, 32], strides = [1, 1]} : vector<256x32xf32> to vector<64x32xf32>
    %slice3A_1154 = vector.extract_strided_slice %dot_general3A_1152 {offsets = [64, 0], sizes = [64, 32], strides = [1, 1]} : vector<256x32xf32> to vector<64x32xf32>
    %slice3A_1155 = vector.extract_strided_slice %dot_general3A_1152 {offsets = [128, 0], sizes = [64, 32], strides = [1, 1]} : vector<256x32xf32> to vector<64x32xf32>
    %slice3A_1156 = vector.extract_strided_slice %dot_general3A_1152 {offsets = [192, 0], sizes = [64, 32], strides = [1, 1]} : vector<256x32xf32> to vector<64x32xf32>
    %concatenate3A_1157 = tpu.concatenate %slice3A_1153, %slice3A_1154, %slice3A_1155, %slice3A_1156 in 1 : vector<64x32xf32>, vector<64x32xf32>, vector<64x32xf32>, vector<64x32xf32> -> vector<64x128xf32>
    %swap3A_1158 = arith.constant 5440 : index
    %swap3A_1159 = arith.constant 0 : index
    %swap3A_1160 = vector.load %arg2[%swap3A_1158, %swap3A_1159] : memref<8192x128xf32, #tpu.memory_space<vmem>>, vector<64x128xf32>
    tpu.vector_store %arg2[%swap3A_1158, %swap3A_1159], %concatenate3A_1157 {strides = array<i32>} : memref<8192x128xf32, #tpu.memory_space<vmem>>, vector<64x128xf32>,
    %get3A_1161 = arith.constant 0 : index
    %get3A_1162 = arith.constant 22016 : index
    %get3A_1163 = vector.load %arg1[%get3A_1161, %get3A_1162] : memref<32x32768xf32, #tpu.memory_space<vmem>>, vector<32x256xf32>
    %dot_general3A_1164 = arith.constant dense<0.000000e+00> : vector<256x32xf32>
    %dot_general3A_1165 = tpu.matmul %convert_element_type3A_47, %get3A_1163, %dot_general3A_1164 {dimension_numbers = #tpu.dot_dimension_numbers<[1], [1], [0], [0], [0, 0, 1, 0], [], []>, transpose_lhs_hint = false} : vector<256x256xf32>, vector<32x256xf32>, vector<256x32xf32> -> vector<256x32xf32>
    %slice3A_1166 = vector.extract_strided_slice %dot_general3A_1165 {offsets = [0, 0], sizes = [64, 32], strides = [1, 1]} : vector<256x32xf32> to vector<64x32xf32>
    %slice3A_1167 = vector.extract_strided_slice %dot_general3A_1165 {offsets = [64, 0], sizes = [64, 32], strides = [1, 1]} : vector<256x32xf32> to vector<64x32xf32>
    %slice3A_1168 = vector.extract_strided_slice %dot_general3A_1165 {offsets = [128, 0], sizes = [64, 32], strides = [1, 1]} : vector<256x32xf32> to vector<64x32xf32>
    %slice3A_1169 = vector.extract_strided_slice %dot_general3A_1165 {offsets = [192, 0], sizes = [64, 32], strides = [1, 1]} : vector<256x32xf32> to vector<64x32xf32>
    %concatenate3A_1170 = tpu.concatenate %slice3A_1166, %slice3A_1167, %slice3A_1168, %slice3A_1169 in 1 : vector<64x32xf32>, vector<64x32xf32>, vector<64x32xf32>, vector<64x32xf32> -> vector<64x128xf32>
    %swap3A_1171 = arith.constant 5504 : index
    %swap3A_1172 = arith.constant 0 : index
    %swap3A_1173 = vector.load %arg2[%swap3A_1171, %swap3A_1172] : memref<8192x128xf32, #tpu.memory_space<vmem>>, vector<64x128xf32>
    tpu.vector_store %arg2[%swap3A_1171, %swap3A_1172], %concatenate3A_1170 {strides = array<i32>} : memref<8192x128xf32, #tpu.memory_space<vmem>>, vector<64x128xf32>,
    %get3A_1174 = arith.constant 0 : index
    %get3A_1175 = arith.constant 22272 : index
    %get3A_1176 = vector.load %arg1[%get3A_1174, %get3A_1175] : memref<32x32768xf32, #tpu.memory_space<vmem>>, vector<32x256xf32>
    %dot_general3A_1177 = arith.constant dense<0.000000e+00> : vector<256x32xf32>
    %dot_general3A_1178 = tpu.matmul %convert_element_type3A_47, %get3A_1176, %dot_general3A_1177 {dimension_numbers = #tpu.dot_dimension_numbers<[1], [1], [0], [0], [0, 0, 1, 0], [], []>, transpose_lhs_hint = false} : vector<256x256xf32>, vector<32x256xf32>, vector<256x32xf32> -> vector<256x32xf32>
    %slice3A_1179 = vector.extract_strided_slice %dot_general3A_1178 {offsets = [0, 0], sizes = [64, 32], strides = [1, 1]} : vector<256x32xf32> to vector<64x32xf32>
    %slice3A_1180 = vector.extract_strided_slice %dot_general3A_1178 {offsets = [64, 0], sizes = [64, 32], strides = [1, 1]} : vector<256x32xf32> to vector<64x32xf32>
    %slice3A_1181 = vector.extract_strided_slice %dot_general3A_1178 {offsets = [128, 0], sizes = [64, 32], strides = [1, 1]} : vector<256x32xf32> to vector<64x32xf32>
    %slice3A_1182 = vector.extract_strided_slice %dot_general3A_1178 {offsets = [192, 0], sizes = [64, 32], strides = [1, 1]} : vector<256x32xf32> to vector<64x32xf32>
    %concatenate3A_1183 = tpu.concatenate %slice3A_1179, %slice3A_1180, %slice3A_1181, %slice3A_1182 in 1 : vector<64x32xf32>, vector<64x32xf32>, vector<64x32xf32>, vector<64x32xf32> -> vector<64x128xf32>
    %swap3A_1184 = arith.constant 5568 : index
    %swap3A_1185 = arith.constant 0 : index
    %swap3A_1186 = vector.load %arg2[%swap3A_1184, %swap3A_1185] : memref<8192x128xf32, #tpu.memory_space<vmem>>, vector<64x128xf32>
    tpu.vector_store %arg2[%swap3A_1184, %swap3A_1185], %concatenate3A_1183 {strides = array<i32>} : memref<8192x128xf32, #tpu.memory_space<vmem>>, vector<64x128xf32>,
    %get3A_1187 = arith.constant 0 : index
    %get3A_1188 = arith.constant 22528 : index
    %get3A_1189 = vector.load %arg1[%get3A_1187, %get3A_1188] : memref<32x32768xf32, #tpu.memory_space<vmem>>, vector<32x256xf32>
    %dot_general3A_1190 = arith.constant dense<0.000000e+00> : vector<256x32xf32>
    %dot_general3A_1191 = tpu.matmul %convert_element_type3A_47, %get3A_1189, %dot_general3A_1190 {dimension_numbers = #tpu.dot_dimension_numbers<[1], [1], [0], [0], [0, 0, 1, 0], [], []>, transpose_lhs_hint = false} : vector<256x256xf32>, vector<32x256xf32>, vector<256x32xf32> -> vector<256x32xf32>
    %slice3A_1192 = vector.extract_strided_slice %dot_general3A_1191 {offsets = [0, 0], sizes = [64, 32], strides = [1, 1]} : vector<256x32xf32> to vector<64x32xf32>
    %slice3A_1193 = vector.extract_strided_slice %dot_general3A_1191 {offsets = [64, 0], sizes = [64, 32], strides = [1, 1]} : vector<256x32xf32> to vector<64x32xf32>
    %slice3A_1194 = vector.extract_strided_slice %dot_general3A_1191 {offsets = [128, 0], sizes = [64, 32], strides = [1, 1]} : vector<256x32xf32> to vector<64x32xf32>
    %slice3A_1195 = vector.extract_strided_slice %dot_general3A_1191 {offsets = [192, 0], sizes = [64, 32], strides = [1, 1]} : vector<256x32xf32> to vector<64x32xf32>
    %concatenate3A_1196 = tpu.concatenate %slice3A_1192, %slice3A_1193, %slice3A_1194, %slice3A_1195 in 1 : vector<64x32xf32>, vector<64x32xf32>, vector<64x32xf32>, vector<64x32xf32> -> vector<64x128xf32>
    %swap3A_1197 = arith.constant 5632 : index
    %swap3A_1198 = arith.constant 0 : index
    %swap3A_1199 = vector.load %arg2[%swap3A_1197, %swap3A_1198] : memref<8192x128xf32, #tpu.memory_space<vmem>>, vector<64x128xf32>
    tpu.vector_store %arg2[%swap3A_1197, %swap3A_1198], %concatenate3A_1196 {strides = array<i32>} : memref<8192x128xf32, #tpu.memory_space<vmem>>, vector<64x128xf32>,
    %get3A_1200 = arith.constant 0 : index
    %get3A_1201 = arith.constant 22784 : index
    %get3A_1202 = vector.load %arg1[%get3A_1200, %get3A_1201] : memref<32x32768xf32, #tpu.memory_space<vmem>>, vector<32x256xf32>
    %dot_general3A_1203 = arith.constant dense<0.000000e+00> : vector<256x32xf32>
    %dot_general3A_1204 = tpu.matmul %convert_element_type3A_47, %get3A_1202, %dot_general3A_1203 {dimension_numbers = #tpu.dot_dimension_numbers<[1], [1], [0], [0], [0, 0, 1, 0], [], []>, transpose_lhs_hint = false} : vector<256x256xf32>, vector<32x256xf32>, vector<256x32xf32> -> vector<256x32xf32>
    %slice3A_1205 = vector.extract_strided_slice %dot_general3A_1204 {offsets = [0, 0], sizes = [64, 32], strides = [1, 1]} : vector<256x32xf32> to vector<64x32xf32>
    %slice3A_1206 = vector.extract_strided_slice %dot_general3A_1204 {offsets = [64, 0], sizes = [64, 32], strides = [1, 1]} : vector<256x32xf32> to vector<64x32xf32>
    %slice3A_1207 = vector.extract_strided_slice %dot_general3A_1204 {offsets = [128, 0], sizes = [64, 32], strides = [1, 1]} : vector<256x32xf32> to vector<64x32xf32>
    %slice3A_1208 = vector.extract_strided_slice %dot_general3A_1204 {offsets = [192, 0], sizes = [64, 32], strides = [1, 1]} : vector<256x32xf32> to vector<64x32xf32>
    %concatenate3A_1209 = tpu.concatenate %slice3A_1205, %slice3A_1206, %slice3A_1207, %slice3A_1208 in 1 : vector<64x32xf32>, vector<64x32xf32>, vector<64x32xf32>, vector<64x32xf32> -> vector<64x128xf32>
    %swap3A_1210 = arith.constant 5696 : index
    %swap3A_1211 = arith.constant 0 : index
    %swap3A_1212 = vector.load %arg2[%swap3A_1210, %swap3A_1211] : memref<8192x128xf32, #tpu.memory_space<vmem>>, vector<64x128xf32>
    tpu.vector_store %arg2[%swap3A_1210, %swap3A_1211], %concatenate3A_1209 {strides = array<i32>} : memref<8192x128xf32, #tpu.memory_space<vmem>>, vector<64x128xf32>,
    %get3A_1213 = arith.constant 0 : index
    %get3A_1214 = arith.constant 23040 : index
    %get3A_1215 = vector.load %arg1[%get3A_1213, %get3A_1214] : memref<32x32768xf32, #tpu.memory_space<vmem>>, vector<32x256xf32>
    %dot_general3A_1216 = arith.constant dense<0.000000e+00> : vector<256x32xf32>
    %dot_general3A_1217 = tpu.matmul %convert_element_type3A_47, %get3A_1215, %dot_general3A_1216 {dimension_numbers = #tpu.dot_dimension_numbers<[1], [1], [0], [0], [0, 0, 1, 0], [], []>, transpose_lhs_hint = false} : vector<256x256xf32>, vector<32x256xf32>, vector<256x32xf32> -> vector<256x32xf32>
    %slice3A_1218 = vector.extract_strided_slice %dot_general3A_1217 {offsets = [0, 0], sizes = [64, 32], strides = [1, 1]} : vector<256x32xf32> to vector<64x32xf32>
    %slice3A_1219 = vector.extract_strided_slice %dot_general3A_1217 {offsets = [64, 0], sizes = [64, 32], strides = [1, 1]} : vector<256x32xf32> to vector<64x32xf32>
    %slice3A_1220 = vector.extract_strided_slice %dot_general3A_1217 {offsets = [128, 0], sizes = [64, 32], strides = [1, 1]} : vector<256x32xf32> to vector<64x32xf32>
    %slice3A_1221 = vector.extract_strided_slice %dot_general3A_1217 {offsets = [192, 0], sizes = [64, 32], strides = [1, 1]} : vector<256x32xf32> to vector<64x32xf32>
    %concatenate3A_1222 = tpu.concatenate %slice3A_1218, %slice3A_1219, %slice3A_1220, %slice3A_1221 in 1 : vector<64x32xf32>, vector<64x32xf32>, vector<64x32xf32>, vector<64x32xf32> -> vector<64x128xf32>
    %swap3A_1223 = arith.constant 5760 : index
    %swap3A_1224 = arith.constant 0 : index
    %swap3A_1225 = vector.load %arg2[%swap3A_1223, %swap3A_1224] : memref<8192x128xf32, #tpu.memory_space<vmem>>, vector<64x128xf32>
    tpu.vector_store %arg2[%swap3A_1223, %swap3A_1224], %concatenate3A_1222 {strides = array<i32>} : memref<8192x128xf32, #tpu.memory_space<vmem>>, vector<64x128xf32>,
    %get3A_1226 = arith.constant 0 : index
    %get3A_1227 = arith.constant 23296 : index
    %get3A_1228 = vector.load %arg1[%get3A_1226, %get3A_1227] : memref<32x32768xf32, #tpu.memory_space<vmem>>, vector<32x256xf32>
    %dot_general3A_1229 = arith.constant dense<0.000000e+00> : vector<256x32xf32>
    %dot_general3A_1230 = tpu.matmul %convert_element_type3A_47, %get3A_1228, %dot_general3A_1229 {dimension_numbers = #tpu.dot_dimension_numbers<[1], [1], [0], [0], [0, 0, 1, 0], [], []>, transpose_lhs_hint = false} : vector<256x256xf32>, vector<32x256xf32>, vector<256x32xf32> -> vector<256x32xf32>
    %slice3A_1231 = vector.extract_strided_slice %dot_general3A_1230 {offsets = [0, 0], sizes = [64, 32], strides = [1, 1]} : vector<256x32xf32> to vector<64x32xf32>
    %slice3A_1232 = vector.extract_strided_slice %dot_general3A_1230 {offsets = [64, 0], sizes = [64, 32], strides = [1, 1]} : vector<256x32xf32> to vector<64x32xf32>
    %slice3A_1233 = vector.extract_strided_slice %dot_general3A_1230 {offsets = [128, 0], sizes = [64, 32], strides = [1, 1]} : vector<256x32xf32> to vector<64x32xf32>
    %slice3A_1234 = vector.extract_strided_slice %dot_general3A_1230 {offsets = [192, 0], sizes = [64, 32], strides = [1, 1]} : vector<256x32xf32> to vector<64x32xf32>
    %concatenate3A_1235 = tpu.concatenate %slice3A_1231, %slice3A_1232, %slice3A_1233, %slice3A_1234 in 1 : vector<64x32xf32>, vector<64x32xf32>, vector<64x32xf32>, vector<64x32xf32> -> vector<64x128xf32>
    %swap3A_1236 = arith.constant 5824 : index
    %swap3A_1237 = arith.constant 0 : index
    %swap3A_1238 = vector.load %arg2[%swap3A_1236, %swap3A_1237] : memref<8192x128xf32, #tpu.memory_space<vmem>>, vector<64x128xf32>
    tpu.vector_store %arg2[%swap3A_1236, %swap3A_1237], %concatenate3A_1235 {strides = array<i32>} : memref<8192x128xf32, #tpu.memory_space<vmem>>, vector<64x128xf32>,
    %get3A_1239 = arith.constant 0 : index
    %get3A_1240 = arith.constant 23552 : index
    %get3A_1241 = vector.load %arg1[%get3A_1239, %get3A_1240] : memref<32x32768xf32, #tpu.memory_space<vmem>>, vector<32x256xf32>
    %dot_general3A_1242 = arith.constant dense<0.000000e+00> : vector<256x32xf32>
    %dot_general3A_1243 = tpu.matmul %convert_element_type3A_47, %get3A_1241, %dot_general3A_1242 {dimension_numbers = #tpu.dot_dimension_numbers<[1], [1], [0], [0], [0, 0, 1, 0], [], []>, transpose_lhs_hint = false} : vector<256x256xf32>, vector<32x256xf32>, vector<256x32xf32> -> vector<256x32xf32>
    %slice3A_1244 = vector.extract_strided_slice %dot_general3A_1243 {offsets = [0, 0], sizes = [64, 32], strides = [1, 1]} : vector<256x32xf32> to vector<64x32xf32>
    %slice3A_1245 = vector.extract_strided_slice %dot_general3A_1243 {offsets = [64, 0], sizes = [64, 32], strides = [1, 1]} : vector<256x32xf32> to vector<64x32xf32>
    %slice3A_1246 = vector.extract_strided_slice %dot_general3A_1243 {offsets = [128, 0], sizes = [64, 32], strides = [1, 1]} : vector<256x32xf32> to vector<64x32xf32>
    %slice3A_1247 = vector.extract_strided_slice %dot_general3A_1243 {offsets = [192, 0], sizes = [64, 32], strides = [1, 1]} : vector<256x32xf32> to vector<64x32xf32>
    %concatenate3A_1248 = tpu.concatenate %slice3A_1244, %slice3A_1245, %slice3A_1246, %slice3A_1247 in 1 : vector<64x32xf32>, vector<64x32xf32>, vector<64x32xf32>, vector<64x32xf32> -> vector<64x128xf32>
    %swap3A_1249 = arith.constant 5888 : index
    %swap3A_1250 = arith.constant 0 : index
    %swap3A_1251 = vector.load %arg2[%swap3A_1249, %swap3A_1250] : memref<8192x128xf32, #tpu.memory_space<vmem>>, vector<64x128xf32>
    tpu.vector_store %arg2[%swap3A_1249, %swap3A_1250], %concatenate3A_1248 {strides = array<i32>} : memref<8192x128xf32, #tpu.memory_space<vmem>>, vector<64x128xf32>,
    %get3A_1252 = arith.constant 0 : index
    %get3A_1253 = arith.constant 23808 : index
    %get3A_1254 = vector.load %arg1[%get3A_1252, %get3A_1253] : memref<32x32768xf32, #tpu.memory_space<vmem>>, vector<32x256xf32>
    %dot_general3A_1255 = arith.constant dense<0.000000e+00> : vector<256x32xf32>
    %dot_general3A_1256 = tpu.matmul %convert_element_type3A_47, %get3A_1254, %dot_general3A_1255 {dimension_numbers = #tpu.dot_dimension_numbers<[1], [1], [0], [0], [0, 0, 1, 0], [], []>, transpose_lhs_hint = false} : vector<256x256xf32>, vector<32x256xf32>, vector<256x32xf32> -> vector<256x32xf32>
    %slice3A_1257 = vector.extract_strided_slice %dot_general3A_1256 {offsets = [0, 0], sizes = [64, 32], strides = [1, 1]} : vector<256x32xf32> to vector<64x32xf32>
    %slice3A_1258 = vector.extract_strided_slice %dot_general3A_1256 {offsets = [64, 0], sizes = [64, 32], strides = [1, 1]} : vector<256x32xf32> to vector<64x32xf32>
    %slice3A_1259 = vector.extract_strided_slice %dot_general3A_1256 {offsets = [128, 0], sizes = [64, 32], strides = [1, 1]} : vector<256x32xf32> to vector<64x32xf32>
    %slice3A_1260 = vector.extract_strided_slice %dot_general3A_1256 {offsets = [192, 0], sizes = [64, 32], strides = [1, 1]} : vector<256x32xf32> to vector<64x32xf32>
    %concatenate3A_1261 = tpu.concatenate %slice3A_1257, %slice3A_1258, %slice3A_1259, %slice3A_1260 in 1 : vector<64x32xf32>, vector<64x32xf32>, vector<64x32xf32>, vector<64x32xf32> -> vector<64x128xf32>
    %swap3A_1262 = arith.constant 5952 : index
    %swap3A_1263 = arith.constant 0 : index
    %swap3A_1264 = vector.load %arg2[%swap3A_1262, %swap3A_1263] : memref<8192x128xf32, #tpu.memory_space<vmem>>, vector<64x128xf32>
    tpu.vector_store %arg2[%swap3A_1262, %swap3A_1263], %concatenate3A_1261 {strides = array<i32>} : memref<8192x128xf32, #tpu.memory_space<vmem>>, vector<64x128xf32>,
    %get3A_1265 = arith.constant 0 : index
    %get3A_1266 = arith.constant 24064 : index
    %get3A_1267 = vector.load %arg1[%get3A_1265, %get3A_1266] : memref<32x32768xf32, #tpu.memory_space<vmem>>, vector<32x256xf32>
    %dot_general3A_1268 = arith.constant dense<0.000000e+00> : vector<256x32xf32>
    %dot_general3A_1269 = tpu.matmul %convert_element_type3A_47, %get3A_1267, %dot_general3A_1268 {dimension_numbers = #tpu.dot_dimension_numbers<[1], [1], [0], [0], [0, 0, 1, 0], [], []>, transpose_lhs_hint = false} : vector<256x256xf32>, vector<32x256xf32>, vector<256x32xf32> -> vector<256x32xf32>
    %slice3A_1270 = vector.extract_strided_slice %dot_general3A_1269 {offsets = [0, 0], sizes = [64, 32], strides = [1, 1]} : vector<256x32xf32> to vector<64x32xf32>
    %slice3A_1271 = vector.extract_strided_slice %dot_general3A_1269 {offsets = [64, 0], sizes = [64, 32], strides = [1, 1]} : vector<256x32xf32> to vector<64x32xf32>
    %slice3A_1272 = vector.extract_strided_slice %dot_general3A_1269 {offsets = [128, 0], sizes = [64, 32], strides = [1, 1]} : vector<256x32xf32> to vector<64x32xf32>
    %slice3A_1273 = vector.extract_strided_slice %dot_general3A_1269 {offsets = [192, 0], sizes = [64, 32], strides = [1, 1]} : vector<256x32xf32> to vector<64x32xf32>
    %concatenate3A_1274 = tpu.concatenate %slice3A_1270, %slice3A_1271, %slice3A_1272, %slice3A_1273 in 1 : vector<64x32xf32>, vector<64x32xf32>, vector<64x32xf32>, vector<64x32xf32> -> vector<64x128xf32>
    %swap3A_1275 = arith.constant 6016 : index
    %swap3A_1276 = arith.constant 0 : index
    %swap3A_1277 = vector.load %arg2[%swap3A_1275, %swap3A_1276] : memref<8192x128xf32, #tpu.memory_space<vmem>>, vector<64x128xf32>
    tpu.vector_store %arg2[%swap3A_1275, %swap3A_1276], %concatenate3A_1274 {strides = array<i32>} : memref<8192x128xf32, #tpu.memory_space<vmem>>, vector<64x128xf32>,
    %get3A_1278 = arith.constant 0 : index
    %get3A_1279 = arith.constant 24320 : index
    %get3A_1280 = vector.load %arg1[%get3A_1278, %get3A_1279] : memref<32x32768xf32, #tpu.memory_space<vmem>>, vector<32x256xf32>
    %dot_general3A_1281 = arith.constant dense<0.000000e+00> : vector<256x32xf32>
    %dot_general3A_1282 = tpu.matmul %convert_element_type3A_47, %get3A_1280, %dot_general3A_1281 {dimension_numbers = #tpu.dot_dimension_numbers<[1], [1], [0], [0], [0, 0, 1, 0], [], []>, transpose_lhs_hint = false} : vector<256x256xf32>, vector<32x256xf32>, vector<256x32xf32> -> vector<256x32xf32>
    %slice3A_1283 = vector.extract_strided_slice %dot_general3A_1282 {offsets = [0, 0], sizes = [64, 32], strides = [1, 1]} : vector<256x32xf32> to vector<64x32xf32>
    %slice3A_1284 = vector.extract_strided_slice %dot_general3A_1282 {offsets = [64, 0], sizes = [64, 32], strides = [1, 1]} : vector<256x32xf32> to vector<64x32xf32>
    %slice3A_1285 = vector.extract_strided_slice %dot_general3A_1282 {offsets = [128, 0], sizes = [64, 32], strides = [1, 1]} : vector<256x32xf32> to vector<64x32xf32>
    %slice3A_1286 = vector.extract_strided_slice %dot_general3A_1282 {offsets = [192, 0], sizes = [64, 32], strides = [1, 1]} : vector<256x32xf32> to vector<64x32xf32>
    %concatenate3A_1287 = tpu.concatenate %slice3A_1283, %slice3A_1284, %slice3A_1285, %slice3A_1286 in 1 : vector<64x32xf32>, vector<64x32xf32>, vector<64x32xf32>, vector<64x32xf32> -> vector<64x128xf32>
    %swap3A_1288 = arith.constant 6080 : index
    %swap3A_1289 = arith.constant 0 : index
    %swap3A_1290 = vector.load %arg2[%swap3A_1288, %swap3A_1289] : memref<8192x128xf32, #tpu.memory_space<vmem>>, vector<64x128xf32>
    tpu.vector_store %arg2[%swap3A_1288, %swap3A_1289], %concatenate3A_1287 {strides = array<i32>} : memref<8192x128xf32, #tpu.memory_space<vmem>>, vector<64x128xf32>,
    %get3A_1291 = arith.constant 0 : index
    %get3A_1292 = arith.constant 24576 : index
    %get3A_1293 = vector.load %arg1[%get3A_1291, %get3A_1292] : memref<32x32768xf32, #tpu.memory_space<vmem>>, vector<32x256xf32>
    %dot_general3A_1294 = arith.constant dense<0.000000e+00> : vector<256x32xf32>
    %dot_general3A_1295 = tpu.matmul %convert_element_type3A_47, %get3A_1293, %dot_general3A_1294 {dimension_numbers = #tpu.dot_dimension_numbers<[1], [1], [0], [0], [0, 0, 1, 0], [], []>, transpose_lhs_hint = false} : vector<256x256xf32>, vector<32x256xf32>, vector<256x32xf32> -> vector<256x32xf32>
    %slice3A_1296 = vector.extract_strided_slice %dot_general3A_1295 {offsets = [0, 0], sizes = [64, 32], strides = [1, 1]} : vector<256x32xf32> to vector<64x32xf32>
    %slice3A_1297 = vector.extract_strided_slice %dot_general3A_1295 {offsets = [64, 0], sizes = [64, 32], strides = [1, 1]} : vector<256x32xf32> to vector<64x32xf32>
    %slice3A_1298 = vector.extract_strided_slice %dot_general3A_1295 {offsets = [128, 0], sizes = [64, 32], strides = [1, 1]} : vector<256x32xf32> to vector<64x32xf32>
    %slice3A_1299 = vector.extract_strided_slice %dot_general3A_1295 {offsets = [192, 0], sizes = [64, 32], strides = [1, 1]} : vector<256x32xf32> to vector<64x32xf32>
    %concatenate3A_1300 = tpu.concatenate %slice3A_1296, %slice3A_1297, %slice3A_1298, %slice3A_1299 in 1 : vector<64x32xf32>, vector<64x32xf32>, vector<64x32xf32>, vector<64x32xf32> -> vector<64x128xf32>
    %swap3A_1301 = arith.constant 6144 : index
    %swap3A_1302 = arith.constant 0 : index
    %swap3A_1303 = vector.load %arg2[%swap3A_1301, %swap3A_1302] : memref<8192x128xf32, #tpu.memory_space<vmem>>, vector<64x128xf32>
    tpu.vector_store %arg2[%swap3A_1301, %swap3A_1302], %concatenate3A_1300 {strides = array<i32>} : memref<8192x128xf32, #tpu.memory_space<vmem>>, vector<64x128xf32>,
    %get3A_1304 = arith.constant 0 : index
    %get3A_1305 = arith.constant 24832 : index
    %get3A_1306 = vector.load %arg1[%get3A_1304, %get3A_1305] : memref<32x32768xf32, #tpu.memory_space<vmem>>, vector<32x256xf32>
    %dot_general3A_1307 = arith.constant dense<0.000000e+00> : vector<256x32xf32>
    %dot_general3A_1308 = tpu.matmul %convert_element_type3A_47, %get3A_1306, %dot_general3A_1307 {dimension_numbers = #tpu.dot_dimension_numbers<[1], [1], [0], [0], [0, 0, 1, 0], [], []>, transpose_lhs_hint = false} : vector<256x256xf32>, vector<32x256xf32>, vector<256x32xf32> -> vector<256x32xf32>
    %slice3A_1309 = vector.extract_strided_slice %dot_general3A_1308 {offsets = [0, 0], sizes = [64, 32], strides = [1, 1]} : vector<256x32xf32> to vector<64x32xf32>
    %slice3A_1310 = vector.extract_strided_slice %dot_general3A_1308 {offsets = [64, 0], sizes = [64, 32], strides = [1, 1]} : vector<256x32xf32> to vector<64x32xf32>
    %slice3A_1311 = vector.extract_strided_slice %dot_general3A_1308 {offsets = [128, 0], sizes = [64, 32], strides = [1, 1]} : vector<256x32xf32> to vector<64x32xf32>
    %slice3A_1312 = vector.extract_strided_slice %dot_general3A_1308 {offsets = [192, 0], sizes = [64, 32], strides = [1, 1]} : vector<256x32xf32> to vector<64x32xf32>
    %concatenate3A_1313 = tpu.concatenate %slice3A_1309, %slice3A_1310, %slice3A_1311, %slice3A_1312 in 1 : vector<64x32xf32>, vector<64x32xf32>, vector<64x32xf32>, vector<64x32xf32> -> vector<64x128xf32>
    %swap3A_1314 = arith.constant 6208 : index
    %swap3A_1315 = arith.constant 0 : index
    %swap3A_1316 = vector.load %arg2[%swap3A_1314, %swap3A_1315] : memref<8192x128xf32, #tpu.memory_space<vmem>>, vector<64x128xf32>
    tpu.vector_store %arg2[%swap3A_1314, %swap3A_1315], %concatenate3A_1313 {strides = array<i32>} : memref<8192x128xf32, #tpu.memory_space<vmem>>, vector<64x128xf32>,
    %get3A_1317 = arith.constant 0 : index
    %get3A_1318 = arith.constant 25088 : index
    %get3A_1319 = vector.load %arg1[%get3A_1317, %get3A_1318] : memref<32x32768xf32, #tpu.memory_space<vmem>>, vector<32x256xf32>
    %dot_general3A_1320 = arith.constant dense<0.000000e+00> : vector<256x32xf32>
    %dot_general3A_1321 = tpu.matmul %convert_element_type3A_47, %get3A_1319, %dot_general3A_1320 {dimension_numbers = #tpu.dot_dimension_numbers<[1], [1], [0], [0], [0, 0, 1, 0], [], []>, transpose_lhs_hint = false} : vector<256x256xf32>, vector<32x256xf32>, vector<256x32xf32> -> vector<256x32xf32>
    %slice3A_1322 = vector.extract_strided_slice %dot_general3A_1321 {offsets = [0, 0], sizes = [64, 32], strides = [1, 1]} : vector<256x32xf32> to vector<64x32xf32>
    %slice3A_1323 = vector.extract_strided_slice %dot_general3A_1321 {offsets = [64, 0], sizes = [64, 32], strides = [1, 1]} : vector<256x32xf32> to vector<64x32xf32>
    %slice3A_1324 = vector.extract_strided_slice %dot_general3A_1321 {offsets = [128, 0], sizes = [64, 32], strides = [1, 1]} : vector<256x32xf32> to vector<64x32xf32>
    %slice3A_1325 = vector.extract_strided_slice %dot_general3A_1321 {offsets = [192, 0], sizes = [64, 32], strides = [1, 1]} : vector<256x32xf32> to vector<64x32xf32>
    %concatenate3A_1326 = tpu.concatenate %slice3A_1322, %slice3A_1323, %slice3A_1324, %slice3A_1325 in 1 : vector<64x32xf32>, vector<64x32xf32>, vector<64x32xf32>, vector<64x32xf32> -> vector<64x128xf32>
    %swap3A_1327 = arith.constant 6272 : index
    %swap3A_1328 = arith.constant 0 : index
    %swap3A_1329 = vector.load %arg2[%swap3A_1327, %swap3A_1328] : memref<8192x128xf32, #tpu.memory_space<vmem>>, vector<64x128xf32>
    tpu.vector_store %arg2[%swap3A_1327, %swap3A_1328], %concatenate3A_1326 {strides = array<i32>} : memref<8192x128xf32, #tpu.memory_space<vmem>>, vector<64x128xf32>,
    %get3A_1330 = arith.constant 0 : index
    %get3A_1331 = arith.constant 25344 : index
    %get3A_1332 = vector.load %arg1[%get3A_1330, %get3A_1331] : memref<32x32768xf32, #tpu.memory_space<vmem>>, vector<32x256xf32>
    %dot_general3A_1333 = arith.constant dense<0.000000e+00> : vector<256x32xf32>
    %dot_general3A_1334 = tpu.matmul %convert_element_type3A_47, %get3A_1332, %dot_general3A_1333 {dimension_numbers = #tpu.dot_dimension_numbers<[1], [1], [0], [0], [0, 0, 1, 0], [], []>, transpose_lhs_hint = false} : vector<256x256xf32>, vector<32x256xf32>, vector<256x32xf32> -> vector<256x32xf32>
    %slice3A_1335 = vector.extract_strided_slice %dot_general3A_1334 {offsets = [0, 0], sizes = [64, 32], strides = [1, 1]} : vector<256x32xf32> to vector<64x32xf32>
    %slice3A_1336 = vector.extract_strided_slice %dot_general3A_1334 {offsets = [64, 0], sizes = [64, 32], strides = [1, 1]} : vector<256x32xf32> to vector<64x32xf32>
    %slice3A_1337 = vector.extract_strided_slice %dot_general3A_1334 {offsets = [128, 0], sizes = [64, 32], strides = [1, 1]} : vector<256x32xf32> to vector<64x32xf32>
    %slice3A_1338 = vector.extract_strided_slice %dot_general3A_1334 {offsets = [192, 0], sizes = [64, 32], strides = [1, 1]} : vector<256x32xf32> to vector<64x32xf32>
    %concatenate3A_1339 = tpu.concatenate %slice3A_1335, %slice3A_1336, %slice3A_1337, %slice3A_1338 in 1 : vector<64x32xf32>, vector<64x32xf32>, vector<64x32xf32>, vector<64x32xf32> -> vector<64x128xf32>
    %swap3A_1340 = arith.constant 6336 : index
    %swap3A_1341 = arith.constant 0 : index
    %swap3A_1342 = vector.load %arg2[%swap3A_1340, %swap3A_1341] : memref<8192x128xf32, #tpu.memory_space<vmem>>, vector<64x128xf32>
    tpu.vector_store %arg2[%swap3A_1340, %swap3A_1341], %concatenate3A_1339 {strides = array<i32>} : memref<8192x128xf32, #tpu.memory_space<vmem>>, vector<64x128xf32>,
    %get3A_1343 = arith.constant 0 : index
    %get3A_1344 = arith.constant 25600 : index
    %get3A_1345 = vector.load %arg1[%get3A_1343, %get3A_1344] : memref<32x32768xf32, #tpu.memory_space<vmem>>, vector<32x256xf32>
    %dot_general3A_1346 = arith.constant dense<0.000000e+00> : vector<256x32xf32>
    %dot_general3A_1347 = tpu.matmul %convert_element_type3A_47, %get3A_1345, %dot_general3A_1346 {dimension_numbers = #tpu.dot_dimension_numbers<[1], [1], [0], [0], [0, 0, 1, 0], [], []>, transpose_lhs_hint = false} : vector<256x256xf32>, vector<32x256xf32>, vector<256x32xf32> -> vector<256x32xf32>
    %slice3A_1348 = vector.extract_strided_slice %dot_general3A_1347 {offsets = [0, 0], sizes = [64, 32], strides = [1, 1]} : vector<256x32xf32> to vector<64x32xf32>
    %slice3A_1349 = vector.extract_strided_slice %dot_general3A_1347 {offsets = [64, 0], sizes = [64, 32], strides = [1, 1]} : vector<256x32xf32> to vector<64x32xf32>
    %slice3A_1350 = vector.extract_strided_slice %dot_general3A_1347 {offsets = [128, 0], sizes = [64, 32], strides = [1, 1]} : vector<256x32xf32> to vector<64x32xf32>
    %slice3A_1351 = vector.extract_strided_slice %dot_general3A_1347 {offsets = [192, 0], sizes = [64, 32], strides = [1, 1]} : vector<256x32xf32> to vector<64x32xf32>
    %concatenate3A_1352 = tpu.concatenate %slice3A_1348, %slice3A_1349, %slice3A_1350, %slice3A_1351 in 1 : vector<64x32xf32>, vector<64x32xf32>, vector<64x32xf32>, vector<64x32xf32> -> vector<64x128xf32>
    %swap3A_1353 = arith.constant 6400 : index
    %swap3A_1354 = arith.constant 0 : index
    %swap3A_1355 = vector.load %arg2[%swap3A_1353, %swap3A_1354] : memref<8192x128xf32, #tpu.memory_space<vmem>>, vector<64x128xf32>
    tpu.vector_store %arg2[%swap3A_1353, %swap3A_1354], %concatenate3A_1352 {strides = array<i32>} : memref<8192x128xf32, #tpu.memory_space<vmem>>, vector<64x128xf32>,
    %get3A_1356 = arith.constant 0 : index
    %get3A_1357 = arith.constant 25856 : index
    %get3A_1358 = vector.load %arg1[%get3A_1356, %get3A_1357] : memref<32x32768xf32, #tpu.memory_space<vmem>>, vector<32x256xf32>
    %dot_general3A_1359 = arith.constant dense<0.000000e+00> : vector<256x32xf32>
    %dot_general3A_1360 = tpu.matmul %convert_element_type3A_47, %get3A_1358, %dot_general3A_1359 {dimension_numbers = #tpu.dot_dimension_numbers<[1], [1], [0], [0], [0, 0, 1, 0], [], []>, transpose_lhs_hint = false} : vector<256x256xf32>, vector<32x256xf32>, vector<256x32xf32> -> vector<256x32xf32>
    %slice3A_1361 = vector.extract_strided_slice %dot_general3A_1360 {offsets = [0, 0], sizes = [64, 32], strides = [1, 1]} : vector<256x32xf32> to vector<64x32xf32>
    %slice3A_1362 = vector.extract_strided_slice %dot_general3A_1360 {offsets = [64, 0], sizes = [64, 32], strides = [1, 1]} : vector<256x32xf32> to vector<64x32xf32>
    %slice3A_1363 = vector.extract_strided_slice %dot_general3A_1360 {offsets = [128, 0], sizes = [64, 32], strides = [1, 1]} : vector<256x32xf32> to vector<64x32xf32>
    %slice3A_1364 = vector.extract_strided_slice %dot_general3A_1360 {offsets = [192, 0], sizes = [64, 32], strides = [1, 1]} : vector<256x32xf32> to vector<64x32xf32>
    %concatenate3A_1365 = tpu.concatenate %slice3A_1361, %slice3A_1362, %slice3A_1363, %slice3A_1364 in 1 : vector<64x32xf32>, vector<64x32xf32>, vector<64x32xf32>, vector<64x32xf32> -> vector<64x128xf32>
    %swap3A_1366 = arith.constant 6464 : index
    %swap3A_1367 = arith.constant 0 : index
    %swap3A_1368 = vector.load %arg2[%swap3A_1366, %swap3A_1367] : memref<8192x128xf32, #tpu.memory_space<vmem>>, vector<64x128xf32>
    tpu.vector_store %arg2[%swap3A_1366, %swap3A_1367], %concatenate3A_1365 {strides = array<i32>} : memref<8192x128xf32, #tpu.memory_space<vmem>>, vector<64x128xf32>,
    %get3A_1369 = arith.constant 0 : index
    %get3A_1370 = arith.constant 26112 : index
    %get3A_1371 = vector.load %arg1[%get3A_1369, %get3A_1370] : memref<32x32768xf32, #tpu.memory_space<vmem>>, vector<32x256xf32>
    %dot_general3A_1372 = arith.constant dense<0.000000e+00> : vector<256x32xf32>
    %dot_general3A_1373 = tpu.matmul %convert_element_type3A_47, %get3A_1371, %dot_general3A_1372 {dimension_numbers = #tpu.dot_dimension_numbers<[1], [1], [0], [0], [0, 0, 1, 0], [], []>, transpose_lhs_hint = false} : vector<256x256xf32>, vector<32x256xf32>, vector<256x32xf32> -> vector<256x32xf32>
    %slice3A_1374 = vector.extract_strided_slice %dot_general3A_1373 {offsets = [0, 0], sizes = [64, 32], strides = [1, 1]} : vector<256x32xf32> to vector<64x32xf32>
    %slice3A_1375 = vector.extract_strided_slice %dot_general3A_1373 {offsets = [64, 0], sizes = [64, 32], strides = [1, 1]} : vector<256x32xf32> to vector<64x32xf32>
    %slice3A_1376 = vector.extract_strided_slice %dot_general3A_1373 {offsets = [128, 0], sizes = [64, 32], strides = [1, 1]} : vector<256x32xf32> to vector<64x32xf32>
    %slice3A_1377 = vector.extract_strided_slice %dot_general3A_1373 {offsets = [192, 0], sizes = [64, 32], strides = [1, 1]} : vector<256x32xf32> to vector<64x32xf32>
    %concatenate3A_1378 = tpu.concatenate %slice3A_1374, %slice3A_1375, %slice3A_1376, %slice3A_1377 in 1 : vector<64x32xf32>, vector<64x32xf32>, vector<64x32xf32>, vector<64x32xf32> -> vector<64x128xf32>
    %swap3A_1379 = arith.constant 6528 : index
    %swap3A_1380 = arith.constant 0 : index
    %swap3A_1381 = vector.load %arg2[%swap3A_1379, %swap3A_1380] : memref<8192x128xf32, #tpu.memory_space<vmem>>, vector<64x128xf32>
    tpu.vector_store %arg2[%swap3A_1379, %swap3A_1380], %concatenate3A_1378 {strides = array<i32>} : memref<8192x128xf32, #tpu.memory_space<vmem>>, vector<64x128xf32>,
    %get3A_1382 = arith.constant 0 : index
    %get3A_1383 = arith.constant 26368 : index
    %get3A_1384 = vector.load %arg1[%get3A_1382, %get3A_1383] : memref<32x32768xf32, #tpu.memory_space<vmem>>, vector<32x256xf32>
    %dot_general3A_1385 = arith.constant dense<0.000000e+00> : vector<256x32xf32>
    %dot_general3A_1386 = tpu.matmul %convert_element_type3A_47, %get3A_1384, %dot_general3A_1385 {dimension_numbers = #tpu.dot_dimension_numbers<[1], [1], [0], [0], [0, 0, 1, 0], [], []>, transpose_lhs_hint = false} : vector<256x256xf32>, vector<32x256xf32>, vector<256x32xf32> -> vector<256x32xf32>
    %slice3A_1387 = vector.extract_strided_slice %dot_general3A_1386 {offsets = [0, 0], sizes = [64, 32], strides = [1, 1]} : vector<256x32xf32> to vector<64x32xf32>
    %slice3A_1388 = vector.extract_strided_slice %dot_general3A_1386 {offsets = [64, 0], sizes = [64, 32], strides = [1, 1]} : vector<256x32xf32> to vector<64x32xf32>
    %slice3A_1389 = vector.extract_strided_slice %dot_general3A_1386 {offsets = [128, 0], sizes = [64, 32], strides = [1, 1]} : vector<256x32xf32> to vector<64x32xf32>
    %slice3A_1390 = vector.extract_strided_slice %dot_general3A_1386 {offsets = [192, 0], sizes = [64, 32], strides = [1, 1]} : vector<256x32xf32> to vector<64x32xf32>
    %concatenate3A_1391 = tpu.concatenate %slice3A_1387, %slice3A_1388, %slice3A_1389, %slice3A_1390 in 1 : vector<64x32xf32>, vector<64x32xf32>, vector<64x32xf32>, vector<64x32xf32> -> vector<64x128xf32>
    %swap3A_1392 = arith.constant 6592 : index
    %swap3A_1393 = arith.constant 0 : index
    %swap3A_1394 = vector.load %arg2[%swap3A_1392, %swap3A_1393] : memref<8192x128xf32, #tpu.memory_space<vmem>>, vector<64x128xf32>
    tpu.vector_store %arg2[%swap3A_1392, %swap3A_1393], %concatenate3A_1391 {strides = array<i32>} : memref<8192x128xf32, #tpu.memory_space<vmem>>, vector<64x128xf32>,
    %get3A_1395 = arith.constant 0 : index
    %get3A_1396 = arith.constant 26624 : index
    %get3A_1397 = vector.load %arg1[%get3A_1395, %get3A_1396] : memref<32x32768xf32, #tpu.memory_space<vmem>>, vector<32x256xf32>
    %dot_general3A_1398 = arith.constant dense<0.000000e+00> : vector<256x32xf32>
    %dot_general3A_1399 = tpu.matmul %convert_element_type3A_47, %get3A_1397, %dot_general3A_1398 {dimension_numbers = #tpu.dot_dimension_numbers<[1], [1], [0], [0], [0, 0, 1, 0], [], []>, transpose_lhs_hint = false} : vector<256x256xf32>, vector<32x256xf32>, vector<256x32xf32> -> vector<256x32xf32>
    %slice3A_1400 = vector.extract_strided_slice %dot_general3A_1399 {offsets = [0, 0], sizes = [64, 32], strides = [1, 1]} : vector<256x32xf32> to vector<64x32xf32>
    %slice3A_1401 = vector.extract_strided_slice %dot_general3A_1399 {offsets = [64, 0], sizes = [64, 32], strides = [1, 1]} : vector<256x32xf32> to vector<64x32xf32>
    %slice3A_1402 = vector.extract_strided_slice %dot_general3A_1399 {offsets = [128, 0], sizes = [64, 32], strides = [1, 1]} : vector<256x32xf32> to vector<64x32xf32>
    %slice3A_1403 = vector.extract_strided_slice %dot_general3A_1399 {offsets = [192, 0], sizes = [64, 32], strides = [1, 1]} : vector<256x32xf32> to vector<64x32xf32>
    %concatenate3A_1404 = tpu.concatenate %slice3A_1400, %slice3A_1401, %slice3A_1402, %slice3A_1403 in 1 : vector<64x32xf32>, vector<64x32xf32>, vector<64x32xf32>, vector<64x32xf32> -> vector<64x128xf32>
    %swap3A_1405 = arith.constant 6656 : index
    %swap3A_1406 = arith.constant 0 : index
    %swap3A_1407 = vector.load %arg2[%swap3A_1405, %swap3A_1406] : memref<8192x128xf32, #tpu.memory_space<vmem>>, vector<64x128xf32>
    tpu.vector_store %arg2[%swap3A_1405, %swap3A_1406], %concatenate3A_1404 {strides = array<i32>} : memref<8192x128xf32, #tpu.memory_space<vmem>>, vector<64x128xf32>,
    %get3A_1408 = arith.constant 0 : index
    %get3A_1409 = arith.constant 26880 : index
    %get3A_1410 = vector.load %arg1[%get3A_1408, %get3A_1409] : memref<32x32768xf32, #tpu.memory_space<vmem>>, vector<32x256xf32>
    %dot_general3A_1411 = arith.constant dense<0.000000e+00> : vector<256x32xf32>
    %dot_general3A_1412 = tpu.matmul %convert_element_type3A_47, %get3A_1410, %dot_general3A_1411 {dimension_numbers = #tpu.dot_dimension_numbers<[1], [1], [0], [0], [0, 0, 1, 0], [], []>, transpose_lhs_hint = false} : vector<256x256xf32>, vector<32x256xf32>, vector<256x32xf32> -> vector<256x32xf32>
    %slice3A_1413 = vector.extract_strided_slice %dot_general3A_1412 {offsets = [0, 0], sizes = [64, 32], strides = [1, 1]} : vector<256x32xf32> to vector<64x32xf32>
    %slice3A_1414 = vector.extract_strided_slice %dot_general3A_1412 {offsets = [64, 0], sizes = [64, 32], strides = [1, 1]} : vector<256x32xf32> to vector<64x32xf32>
    %slice3A_1415 = vector.extract_strided_slice %dot_general3A_1412 {offsets = [128, 0], sizes = [64, 32], strides = [1, 1]} : vector<256x32xf32> to vector<64x32xf32>
    %slice3A_1416 = vector.extract_strided_slice %dot_general3A_1412 {offsets = [192, 0], sizes = [64, 32], strides = [1, 1]} : vector<256x32xf32> to vector<64x32xf32>
    %concatenate3A_1417 = tpu.concatenate %slice3A_1413, %slice3A_1414, %slice3A_1415, %slice3A_1416 in 1 : vector<64x32xf32>, vector<64x32xf32>, vector<64x32xf32>, vector<64x32xf32> -> vector<64x128xf32>
    %swap3A_1418 = arith.constant 6720 : index
    %swap3A_1419 = arith.constant 0 : index
    %swap3A_1420 = vector.load %arg2[%swap3A_1418, %swap3A_1419] : memref<8192x128xf32, #tpu.memory_space<vmem>>, vector<64x128xf32>
    tpu.vector_store %arg2[%swap3A_1418, %swap3A_1419], %concatenate3A_1417 {strides = array<i32>} : memref<8192x128xf32, #tpu.memory_space<vmem>>, vector<64x128xf32>,
    %get3A_1421 = arith.constant 0 : index
    %get3A_1422 = arith.constant 27136 : index
    %get3A_1423 = vector.load %arg1[%get3A_1421, %get3A_1422] : memref<32x32768xf32, #tpu.memory_space<vmem>>, vector<32x256xf32>
    %dot_general3A_1424 = arith.constant dense<0.000000e+00> : vector<256x32xf32>
    %dot_general3A_1425 = tpu.matmul %convert_element_type3A_47, %get3A_1423, %dot_general3A_1424 {dimension_numbers = #tpu.dot_dimension_numbers<[1], [1], [0], [0], [0, 0, 1, 0], [], []>, transpose_lhs_hint = false} : vector<256x256xf32>, vector<32x256xf32>, vector<256x32xf32> -> vector<256x32xf32>
    %slice3A_1426 = vector.extract_strided_slice %dot_general3A_1425 {offsets = [0, 0], sizes = [64, 32], strides = [1, 1]} : vector<256x32xf32> to vector<64x32xf32>
    %slice3A_1427 = vector.extract_strided_slice %dot_general3A_1425 {offsets = [64, 0], sizes = [64, 32], strides = [1, 1]} : vector<256x32xf32> to vector<64x32xf32>
    %slice3A_1428 = vector.extract_strided_slice %dot_general3A_1425 {offsets = [128, 0], sizes = [64, 32], strides = [1, 1]} : vector<256x32xf32> to vector<64x32xf32>
    %slice3A_1429 = vector.extract_strided_slice %dot_general3A_1425 {offsets = [192, 0], sizes = [64, 32], strides = [1, 1]} : vector<256x32xf32> to vector<64x32xf32>
    %concatenate3A_1430 = tpu.concatenate %slice3A_1426, %slice3A_1427, %slice3A_1428, %slice3A_1429 in 1 : vector<64x32xf32>, vector<64x32xf32>, vector<64x32xf32>, vector<64x32xf32> -> vector<64x128xf32>
    %swap3A_1431 = arith.constant 6784 : index
    %swap3A_1432 = arith.constant 0 : index
    %swap3A_1433 = vector.load %arg2[%swap3A_1431, %swap3A_1432] : memref<8192x128xf32, #tpu.memory_space<vmem>>, vector<64x128xf32>
    tpu.vector_store %arg2[%swap3A_1431, %swap3A_1432], %concatenate3A_1430 {strides = array<i32>} : memref<8192x128xf32, #tpu.memory_space<vmem>>, vector<64x128xf32>,
    %get3A_1434 = arith.constant 0 : index
    %get3A_1435 = arith.constant 27392 : index
    %get3A_1436 = vector.load %arg1[%get3A_1434, %get3A_1435] : memref<32x32768xf32, #tpu.memory_space<vmem>>, vector<32x256xf32>
    %dot_general3A_1437 = arith.constant dense<0.000000e+00> : vector<256x32xf32>
    %dot_general3A_1438 = tpu.matmul %convert_element_type3A_47, %get3A_1436, %dot_general3A_1437 {dimension_numbers = #tpu.dot_dimension_numbers<[1], [1], [0], [0], [0, 0, 1, 0], [], []>, transpose_lhs_hint = false} : vector<256x256xf32>, vector<32x256xf32>, vector<256x32xf32> -> vector<256x32xf32>
    %slice3A_1439 = vector.extract_strided_slice %dot_general3A_1438 {offsets = [0, 0], sizes = [64, 32], strides = [1, 1]} : vector<256x32xf32> to vector<64x32xf32>
    %slice3A_1440 = vector.extract_strided_slice %dot_general3A_1438 {offsets = [64, 0], sizes = [64, 32], strides = [1, 1]} : vector<256x32xf32> to vector<64x32xf32>
    %slice3A_1441 = vector.extract_strided_slice %dot_general3A_1438 {offsets = [128, 0], sizes = [64, 32], strides = [1, 1]} : vector<256x32xf32> to vector<64x32xf32>
    %slice3A_1442 = vector.extract_strided_slice %dot_general3A_1438 {offsets = [192, 0], sizes = [64, 32], strides = [1, 1]} : vector<256x32xf32> to vector<64x32xf32>
    %concatenate3A_1443 = tpu.concatenate %slice3A_1439, %slice3A_1440, %slice3A_1441, %slice3A_1442 in 1 : vector<64x32xf32>, vector<64x32xf32>, vector<64x32xf32>, vector<64x32xf32> -> vector<64x128xf32>
    %swap3A_1444 = arith.constant 6848 : index
    %swap3A_1445 = arith.constant 0 : index
    %swap3A_1446 = vector.load %arg2[%swap3A_1444, %swap3A_1445] : memref<8192x128xf32, #tpu.memory_space<vmem>>, vector<64x128xf32>
    tpu.vector_store %arg2[%swap3A_1444, %swap3A_1445], %concatenate3A_1443 {strides = array<i32>} : memref<8192x128xf32, #tpu.memory_space<vmem>>, vector<64x128xf32>,
    %get3A_1447 = arith.constant 0 : index
    %get3A_1448 = arith.constant 27648 : index
    %get3A_1449 = vector.load %arg1[%get3A_1447, %get3A_1448] : memref<32x32768xf32, #tpu.memory_space<vmem>>, vector<32x256xf32>
    %dot_general3A_1450 = arith.constant dense<0.000000e+00> : vector<256x32xf32>
    %dot_general3A_1451 = tpu.matmul %convert_element_type3A_47, %get3A_1449, %dot_general3A_1450 {dimension_numbers = #tpu.dot_dimension_numbers<[1], [1], [0], [0], [0, 0, 1, 0], [], []>, transpose_lhs_hint = false} : vector<256x256xf32>, vector<32x256xf32>, vector<256x32xf32> -> vector<256x32xf32>
    %slice3A_1452 = vector.extract_strided_slice %dot_general3A_1451 {offsets = [0, 0], sizes = [64, 32], strides = [1, 1]} : vector<256x32xf32> to vector<64x32xf32>
    %slice3A_1453 = vector.extract_strided_slice %dot_general3A_1451 {offsets = [64, 0], sizes = [64, 32], strides = [1, 1]} : vector<256x32xf32> to vector<64x32xf32>
    %slice3A_1454 = vector.extract_strided_slice %dot_general3A_1451 {offsets = [128, 0], sizes = [64, 32], strides = [1, 1]} : vector<256x32xf32> to vector<64x32xf32>
    %slice3A_1455 = vector.extract_strided_slice %dot_general3A_1451 {offsets = [192, 0], sizes = [64, 32], strides = [1, 1]} : vector<256x32xf32> to vector<64x32xf32>
    %concatenate3A_1456 = tpu.concatenate %slice3A_1452, %slice3A_1453, %slice3A_1454, %slice3A_1455 in 1 : vector<64x32xf32>, vector<64x32xf32>, vector<64x32xf32>, vector<64x32xf32> -> vector<64x128xf32>
    %swap3A_1457 = arith.constant 6912 : index
    %swap3A_1458 = arith.constant 0 : index
    %swap3A_1459 = vector.load %arg2[%swap3A_1457, %swap3A_1458] : memref<8192x128xf32, #tpu.memory_space<vmem>>, vector<64x128xf32>
    tpu.vector_store %arg2[%swap3A_1457, %swap3A_1458], %concatenate3A_1456 {strides = array<i32>} : memref<8192x128xf32, #tpu.memory_space<vmem>>, vector<64x128xf32>,
    %get3A_1460 = arith.constant 0 : index
    %get3A_1461 = arith.constant 27904 : index
    %get3A_1462 = vector.load %arg1[%get3A_1460, %get3A_1461] : memref<32x32768xf32, #tpu.memory_space<vmem>>, vector<32x256xf32>
    %dot_general3A_1463 = arith.constant dense<0.000000e+00> : vector<256x32xf32>
    %dot_general3A_1464 = tpu.matmul %convert_element_type3A_47, %get3A_1462, %dot_general3A_1463 {dimension_numbers = #tpu.dot_dimension_numbers<[1], [1], [0], [0], [0, 0, 1, 0], [], []>, transpose_lhs_hint = false} : vector<256x256xf32>, vector<32x256xf32>, vector<256x32xf32> -> vector<256x32xf32>
    %slice3A_1465 = vector.extract_strided_slice %dot_general3A_1464 {offsets = [0, 0], sizes = [64, 32], strides = [1, 1]} : vector<256x32xf32> to vector<64x32xf32>
    %slice3A_1466 = vector.extract_strided_slice %dot_general3A_1464 {offsets = [64, 0], sizes = [64, 32], strides = [1, 1]} : vector<256x32xf32> to vector<64x32xf32>
    %slice3A_1467 = vector.extract_strided_slice %dot_general3A_1464 {offsets = [128, 0], sizes = [64, 32], strides = [1, 1]} : vector<256x32xf32> to vector<64x32xf32>
    %slice3A_1468 = vector.extract_strided_slice %dot_general3A_1464 {offsets = [192, 0], sizes = [64, 32], strides = [1, 1]} : vector<256x32xf32> to vector<64x32xf32>
    %concatenate3A_1469 = tpu.concatenate %slice3A_1465, %slice3A_1466, %slice3A_1467, %slice3A_1468 in 1 : vector<64x32xf32>, vector<64x32xf32>, vector<64x32xf32>, vector<64x32xf32> -> vector<64x128xf32>
    %swap3A_1470 = arith.constant 6976 : index
    %swap3A_1471 = arith.constant 0 : index
    %swap3A_1472 = vector.load %arg2[%swap3A_1470, %swap3A_1471] : memref<8192x128xf32, #tpu.memory_space<vmem>>, vector<64x128xf32>
    tpu.vector_store %arg2[%swap3A_1470, %swap3A_1471], %concatenate3A_1469 {strides = array<i32>} : memref<8192x128xf32, #tpu.memory_space<vmem>>, vector<64x128xf32>,
    %get3A_1473 = arith.constant 0 : index
    %get3A_1474 = arith.constant 28160 : index
    %get3A_1475 = vector.load %arg1[%get3A_1473, %get3A_1474] : memref<32x32768xf32, #tpu.memory_space<vmem>>, vector<32x256xf32>
    %dot_general3A_1476 = arith.constant dense<0.000000e+00> : vector<256x32xf32>
    %dot_general3A_1477 = tpu.matmul %convert_element_type3A_47, %get3A_1475, %dot_general3A_1476 {dimension_numbers = #tpu.dot_dimension_numbers<[1], [1], [0], [0], [0, 0, 1, 0], [], []>, transpose_lhs_hint = false} : vector<256x256xf32>, vector<32x256xf32>, vector<256x32xf32> -> vector<256x32xf32>
    %slice3A_1478 = vector.extract_strided_slice %dot_general3A_1477 {offsets = [0, 0], sizes = [64, 32], strides = [1, 1]} : vector<256x32xf32> to vector<64x32xf32>
    %slice3A_1479 = vector.extract_strided_slice %dot_general3A_1477 {offsets = [64, 0], sizes = [64, 32], strides = [1, 1]} : vector<256x32xf32> to vector<64x32xf32>
    %slice3A_1480 = vector.extract_strided_slice %dot_general3A_1477 {offsets = [128, 0], sizes = [64, 32], strides = [1, 1]} : vector<256x32xf32> to vector<64x32xf32>
    %slice3A_1481 = vector.extract_strided_slice %dot_general3A_1477 {offsets = [192, 0], sizes = [64, 32], strides = [1, 1]} : vector<256x32xf32> to vector<64x32xf32>
    %concatenate3A_1482 = tpu.concatenate %slice3A_1478, %slice3A_1479, %slice3A_1480, %slice3A_1481 in 1 : vector<64x32xf32>, vector<64x32xf32>, vector<64x32xf32>, vector<64x32xf32> -> vector<64x128xf32>
    %swap3A_1483 = arith.constant 7040 : index
    %swap3A_1484 = arith.constant 0 : index
    %swap3A_1485 = vector.load %arg2[%swap3A_1483, %swap3A_1484] : memref<8192x128xf32, #tpu.memory_space<vmem>>, vector<64x128xf32>
    tpu.vector_store %arg2[%swap3A_1483, %swap3A_1484], %concatenate3A_1482 {strides = array<i32>} : memref<8192x128xf32, #tpu.memory_space<vmem>>, vector<64x128xf32>,
    %get3A_1486 = arith.constant 0 : index
    %get3A_1487 = arith.constant 28416 : index
    %get3A_1488 = vector.load %arg1[%get3A_1486, %get3A_1487] : memref<32x32768xf32, #tpu.memory_space<vmem>>, vector<32x256xf32>
    %dot_general3A_1489 = arith.constant dense<0.000000e+00> : vector<256x32xf32>
    %dot_general3A_1490 = tpu.matmul %convert_element_type3A_47, %get3A_1488, %dot_general3A_1489 {dimension_numbers = #tpu.dot_dimension_numbers<[1], [1], [0], [0], [0, 0, 1, 0], [], []>, transpose_lhs_hint = false} : vector<256x256xf32>, vector<32x256xf32>, vector<256x32xf32> -> vector<256x32xf32>
    %slice3A_1491 = vector.extract_strided_slice %dot_general3A_1490 {offsets = [0, 0], sizes = [64, 32], strides = [1, 1]} : vector<256x32xf32> to vector<64x32xf32>
    %slice3A_1492 = vector.extract_strided_slice %dot_general3A_1490 {offsets = [64, 0], sizes = [64, 32], strides = [1, 1]} : vector<256x32xf32> to vector<64x32xf32>
    %slice3A_1493 = vector.extract_strided_slice %dot_general3A_1490 {offsets = [128, 0], sizes = [64, 32], strides = [1, 1]} : vector<256x32xf32> to vector<64x32xf32>
    %slice3A_1494 = vector.extract_strided_slice %dot_general3A_1490 {offsets = [192, 0], sizes = [64, 32], strides = [1, 1]} : vector<256x32xf32> to vector<64x32xf32>
    %concatenate3A_1495 = tpu.concatenate %slice3A_1491, %slice3A_1492, %slice3A_1493, %slice3A_1494 in 1 : vector<64x32xf32>, vector<64x32xf32>, vector<64x32xf32>, vector<64x32xf32> -> vector<64x128xf32>
    %swap3A_1496 = arith.constant 7104 : index
    %swap3A_1497 = arith.constant 0 : index
    %swap3A_1498 = vector.load %arg2[%swap3A_1496, %swap3A_1497] : memref<8192x128xf32, #tpu.memory_space<vmem>>, vector<64x128xf32>
    tpu.vector_store %arg2[%swap3A_1496, %swap3A_1497], %concatenate3A_1495 {strides = array<i32>} : memref<8192x128xf32, #tpu.memory_space<vmem>>, vector<64x128xf32>,
    %get3A_1499 = arith.constant 0 : index
    %get3A_1500 = arith.constant 28672 : index
    %get3A_1501 = vector.load %arg1[%get3A_1499, %get3A_1500] : memref<32x32768xf32, #tpu.memory_space<vmem>>, vector<32x256xf32>
    %dot_general3A_1502 = arith.constant dense<0.000000e+00> : vector<256x32xf32>
    %dot_general3A_1503 = tpu.matmul %convert_element_type3A_47, %get3A_1501, %dot_general3A_1502 {dimension_numbers = #tpu.dot_dimension_numbers<[1], [1], [0], [0], [0, 0, 1, 0], [], []>, transpose_lhs_hint = false} : vector<256x256xf32>, vector<32x256xf32>, vector<256x32xf32> -> vector<256x32xf32>
    %slice3A_1504 = vector.extract_strided_slice %dot_general3A_1503 {offsets = [0, 0], sizes = [64, 32], strides = [1, 1]} : vector<256x32xf32> to vector<64x32xf32>
    %slice3A_1505 = vector.extract_strided_slice %dot_general3A_1503 {offsets = [64, 0], sizes = [64, 32], strides = [1, 1]} : vector<256x32xf32> to vector<64x32xf32>
    %slice3A_1506 = vector.extract_strided_slice %dot_general3A_1503 {offsets = [128, 0], sizes = [64, 32], strides = [1, 1]} : vector<256x32xf32> to vector<64x32xf32>
    %slice3A_1507 = vector.extract_strided_slice %dot_general3A_1503 {offsets = [192, 0], sizes = [64, 32], strides = [1, 1]} : vector<256x32xf32> to vector<64x32xf32>
    %concatenate3A_1508 = tpu.concatenate %slice3A_1504, %slice3A_1505, %slice3A_1506, %slice3A_1507 in 1 : vector<64x32xf32>, vector<64x32xf32>, vector<64x32xf32>, vector<64x32xf32> -> vector<64x128xf32>
    %swap3A_1509 = arith.constant 7168 : index
    %swap3A_1510 = arith.constant 0 : index
    %swap3A_1511 = vector.load %arg2[%swap3A_1509, %swap3A_1510] : memref<8192x128xf32, #tpu.memory_space<vmem>>, vector<64x128xf32>
    tpu.vector_store %arg2[%swap3A_1509, %swap3A_1510], %concatenate3A_1508 {strides = array<i32>} : memref<8192x128xf32, #tpu.memory_space<vmem>>, vector<64x128xf32>,
    %get3A_1512 = arith.constant 0 : index
    %get3A_1513 = arith.constant 28928 : index
    %get3A_1514 = vector.load %arg1[%get3A_1512, %get3A_1513] : memref<32x32768xf32, #tpu.memory_space<vmem>>, vector<32x256xf32>
    %dot_general3A_1515 = arith.constant dense<0.000000e+00> : vector<256x32xf32>
    %dot_general3A_1516 = tpu.matmul %convert_element_type3A_47, %get3A_1514, %dot_general3A_1515 {dimension_numbers = #tpu.dot_dimension_numbers<[1], [1], [0], [0], [0, 0, 1, 0], [], []>, transpose_lhs_hint = false} : vector<256x256xf32>, vector<32x256xf32>, vector<256x32xf32> -> vector<256x32xf32>
    %slice3A_1517 = vector.extract_strided_slice %dot_general3A_1516 {offsets = [0, 0], sizes = [64, 32], strides = [1, 1]} : vector<256x32xf32> to vector<64x32xf32>
    %slice3A_1518 = vector.extract_strided_slice %dot_general3A_1516 {offsets = [64, 0], sizes = [64, 32], strides = [1, 1]} : vector<256x32xf32> to vector<64x32xf32>
    %slice3A_1519 = vector.extract_strided_slice %dot_general3A_1516 {offsets = [128, 0], sizes = [64, 32], strides = [1, 1]} : vector<256x32xf32> to vector<64x32xf32>
    %slice3A_1520 = vector.extract_strided_slice %dot_general3A_1516 {offsets = [192, 0], sizes = [64, 32], strides = [1, 1]} : vector<256x32xf32> to vector<64x32xf32>
    %concatenate3A_1521 = tpu.concatenate %slice3A_1517, %slice3A_1518, %slice3A_1519, %slice3A_1520 in 1 : vector<64x32xf32>, vector<64x32xf32>, vector<64x32xf32>, vector<64x32xf32> -> vector<64x128xf32>
    %swap3A_1522 = arith.constant 7232 : index
    %swap3A_1523 = arith.constant 0 : index
    %swap3A_1524 = vector.load %arg2[%swap3A_1522, %swap3A_1523] : memref<8192x128xf32, #tpu.memory_space<vmem>>, vector<64x128xf32>
    tpu.vector_store %arg2[%swap3A_1522, %swap3A_1523], %concatenate3A_1521 {strides = array<i32>} : memref<8192x128xf32, #tpu.memory_space<vmem>>, vector<64x128xf32>,
    %get3A_1525 = arith.constant 0 : index
    %get3A_1526 = arith.constant 29184 : index
    %get3A_1527 = vector.load %arg1[%get3A_1525, %get3A_1526] : memref<32x32768xf32, #tpu.memory_space<vmem>>, vector<32x256xf32>
    %dot_general3A_1528 = arith.constant dense<0.000000e+00> : vector<256x32xf32>
    %dot_general3A_1529 = tpu.matmul %convert_element_type3A_47, %get3A_1527, %dot_general3A_1528 {dimension_numbers = #tpu.dot_dimension_numbers<[1], [1], [0], [0], [0, 0, 1, 0], [], []>, transpose_lhs_hint = false} : vector<256x256xf32>, vector<32x256xf32>, vector<256x32xf32> -> vector<256x32xf32>
    %slice3A_1530 = vector.extract_strided_slice %dot_general3A_1529 {offsets = [0, 0], sizes = [64, 32], strides = [1, 1]} : vector<256x32xf32> to vector<64x32xf32>
    %slice3A_1531 = vector.extract_strided_slice %dot_general3A_1529 {offsets = [64, 0], sizes = [64, 32], strides = [1, 1]} : vector<256x32xf32> to vector<64x32xf32>
    %slice3A_1532 = vector.extract_strided_slice %dot_general3A_1529 {offsets = [128, 0], sizes = [64, 32], strides = [1, 1]} : vector<256x32xf32> to vector<64x32xf32>
    %slice3A_1533 = vector.extract_strided_slice %dot_general3A_1529 {offsets = [192, 0], sizes = [64, 32], strides = [1, 1]} : vector<256x32xf32> to vector<64x32xf32>
    %concatenate3A_1534 = tpu.concatenate %slice3A_1530, %slice3A_1531, %slice3A_1532, %slice3A_1533 in 1 : vector<64x32xf32>, vector<64x32xf32>, vector<64x32xf32>, vector<64x32xf32> -> vector<64x128xf32>
    %swap3A_1535 = arith.constant 7296 : index
    %swap3A_1536 = arith.constant 0 : index
    %swap3A_1537 = vector.load %arg2[%swap3A_1535, %swap3A_1536] : memref<8192x128xf32, #tpu.memory_space<vmem>>, vector<64x128xf32>
    tpu.vector_store %arg2[%swap3A_1535, %swap3A_1536], %concatenate3A_1534 {strides = array<i32>} : memref<8192x128xf32, #tpu.memory_space<vmem>>, vector<64x128xf32>,
    %get3A_1538 = arith.constant 0 : index
    %get3A_1539 = arith.constant 29440 : index
    %get3A_1540 = vector.load %arg1[%get3A_1538, %get3A_1539] : memref<32x32768xf32, #tpu.memory_space<vmem>>, vector<32x256xf32>
    %dot_general3A_1541 = arith.constant dense<0.000000e+00> : vector<256x32xf32>
    %dot_general3A_1542 = tpu.matmul %convert_element_type3A_47, %get3A_1540, %dot_general3A_1541 {dimension_numbers = #tpu.dot_dimension_numbers<[1], [1], [0], [0], [0, 0, 1, 0], [], []>, transpose_lhs_hint = false} : vector<256x256xf32>, vector<32x256xf32>, vector<256x32xf32> -> vector<256x32xf32>
    %slice3A_1543 = vector.extract_strided_slice %dot_general3A_1542 {offsets = [0, 0], sizes = [64, 32], strides = [1, 1]} : vector<256x32xf32> to vector<64x32xf32>
    %slice3A_1544 = vector.extract_strided_slice %dot_general3A_1542 {offsets = [64, 0], sizes = [64, 32], strides = [1, 1]} : vector<256x32xf32> to vector<64x32xf32>
    %slice3A_1545 = vector.extract_strided_slice %dot_general3A_1542 {offsets = [128, 0], sizes = [64, 32], strides = [1, 1]} : vector<256x32xf32> to vector<64x32xf32>
    %slice3A_1546 = vector.extract_strided_slice %dot_general3A_1542 {offsets = [192, 0], sizes = [64, 32], strides = [1, 1]} : vector<256x32xf32> to vector<64x32xf32>
    %concatenate3A_1547 = tpu.concatenate %slice3A_1543, %slice3A_1544, %slice3A_1545, %slice3A_1546 in 1 : vector<64x32xf32>, vector<64x32xf32>, vector<64x32xf32>, vector<64x32xf32> -> vector<64x128xf32>
    %swap3A_1548 = arith.constant 7360 : index
    %swap3A_1549 = arith.constant 0 : index
    %swap3A_1550 = vector.load %arg2[%swap3A_1548, %swap3A_1549] : memref<8192x128xf32, #tpu.memory_space<vmem>>, vector<64x128xf32>
    tpu.vector_store %arg2[%swap3A_1548, %swap3A_1549], %concatenate3A_1547 {strides = array<i32>} : memref<8192x128xf32, #tpu.memory_space<vmem>>, vector<64x128xf32>,
    %get3A_1551 = arith.constant 0 : index
    %get3A_1552 = arith.constant 29696 : index
    %get3A_1553 = vector.load %arg1[%get3A_1551, %get3A_1552] : memref<32x32768xf32, #tpu.memory_space<vmem>>, vector<32x256xf32>
    %dot_general3A_1554 = arith.constant dense<0.000000e+00> : vector<256x32xf32>
    %dot_general3A_1555 = tpu.matmul %convert_element_type3A_47, %get3A_1553, %dot_general3A_1554 {dimension_numbers = #tpu.dot_dimension_numbers<[1], [1], [0], [0], [0, 0, 1, 0], [], []>, transpose_lhs_hint = false} : vector<256x256xf32>, vector<32x256xf32>, vector<256x32xf32> -> vector<256x32xf32>
    %slice3A_1556 = vector.extract_strided_slice %dot_general3A_1555 {offsets = [0, 0], sizes = [64, 32], strides = [1, 1]} : vector<256x32xf32> to vector<64x32xf32>
    %slice3A_1557 = vector.extract_strided_slice %dot_general3A_1555 {offsets = [64, 0], sizes = [64, 32], strides = [1, 1]} : vector<256x32xf32> to vector<64x32xf32>
    %slice3A_1558 = vector.extract_strided_slice %dot_general3A_1555 {offsets = [128, 0], sizes = [64, 32], strides = [1, 1]} : vector<256x32xf32> to vector<64x32xf32>
    %slice3A_1559 = vector.extract_strided_slice %dot_general3A_1555 {offsets = [192, 0], sizes = [64, 32], strides = [1, 1]} : vector<256x32xf32> to vector<64x32xf32>
    %concatenate3A_1560 = tpu.concatenate %slice3A_1556, %slice3A_1557, %slice3A_1558, %slice3A_1559 in 1 : vector<64x32xf32>, vector<64x32xf32>, vector<64x32xf32>, vector<64x32xf32> -> vector<64x128xf32>
    %swap3A_1561 = arith.constant 7424 : index
    %swap3A_1562 = arith.constant 0 : index
    %swap3A_1563 = vector.load %arg2[%swap3A_1561, %swap3A_1562] : memref<8192x128xf32, #tpu.memory_space<vmem>>, vector<64x128xf32>
    tpu.vector_store %arg2[%swap3A_1561, %swap3A_1562], %concatenate3A_1560 {strides = array<i32>} : memref<8192x128xf32, #tpu.memory_space<vmem>>, vector<64x128xf32>,
    %get3A_1564 = arith.constant 0 : index
    %get3A_1565 = arith.constant 29952 : index
    %get3A_1566 = vector.load %arg1[%get3A_1564, %get3A_1565] : memref<32x32768xf32, #tpu.memory_space<vmem>>, vector<32x256xf32>
    %dot_general3A_1567 = arith.constant dense<0.000000e+00> : vector<256x32xf32>
    %dot_general3A_1568 = tpu.matmul %convert_element_type3A_47, %get3A_1566, %dot_general3A_1567 {dimension_numbers = #tpu.dot_dimension_numbers<[1], [1], [0], [0], [0, 0, 1, 0], [], []>, transpose_lhs_hint = false} : vector<256x256xf32>, vector<32x256xf32>, vector<256x32xf32> -> vector<256x32xf32>
    %slice3A_1569 = vector.extract_strided_slice %dot_general3A_1568 {offsets = [0, 0], sizes = [64, 32], strides = [1, 1]} : vector<256x32xf32> to vector<64x32xf32>
    %slice3A_1570 = vector.extract_strided_slice %dot_general3A_1568 {offsets = [64, 0], sizes = [64, 32], strides = [1, 1]} : vector<256x32xf32> to vector<64x32xf32>
    %slice3A_1571 = vector.extract_strided_slice %dot_general3A_1568 {offsets = [128, 0], sizes = [64, 32], strides = [1, 1]} : vector<256x32xf32> to vector<64x32xf32>
    %slice3A_1572 = vector.extract_strided_slice %dot_general3A_1568 {offsets = [192, 0], sizes = [64, 32], strides = [1, 1]} : vector<256x32xf32> to vector<64x32xf32>
    %concatenate3A_1573 = tpu.concatenate %slice3A_1569, %slice3A_1570, %slice3A_1571, %slice3A_1572 in 1 : vector<64x32xf32>, vector<64x32xf32>, vector<64x32xf32>, vector<64x32xf32> -> vector<64x128xf32>
    %swap3A_1574 = arith.constant 7488 : index
    %swap3A_1575 = arith.constant 0 : index
    %swap3A_1576 = vector.load %arg2[%swap3A_1574, %swap3A_1575] : memref<8192x128xf32, #tpu.memory_space<vmem>>, vector<64x128xf32>
    tpu.vector_store %arg2[%swap3A_1574, %swap3A_1575], %concatenate3A_1573 {strides = array<i32>} : memref<8192x128xf32, #tpu.memory_space<vmem>>, vector<64x128xf32>,
    %get3A_1577 = arith.constant 0 : index
    %get3A_1578 = arith.constant 30208 : index
    %get3A_1579 = vector.load %arg1[%get3A_1577, %get3A_1578] : memref<32x32768xf32, #tpu.memory_space<vmem>>, vector<32x256xf32>
    %dot_general3A_1580 = arith.constant dense<0.000000e+00> : vector<256x32xf32>
    %dot_general3A_1581 = tpu.matmul %convert_element_type3A_47, %get3A_1579, %dot_general3A_1580 {dimension_numbers = #tpu.dot_dimension_numbers<[1], [1], [0], [0], [0, 0, 1, 0], [], []>, transpose_lhs_hint = false} : vector<256x256xf32>, vector<32x256xf32>, vector<256x32xf32> -> vector<256x32xf32>
    %slice3A_1582 = vector.extract_strided_slice %dot_general3A_1581 {offsets = [0, 0], sizes = [64, 32], strides = [1, 1]} : vector<256x32xf32> to vector<64x32xf32>
    %slice3A_1583 = vector.extract_strided_slice %dot_general3A_1581 {offsets = [64, 0], sizes = [64, 32], strides = [1, 1]} : vector<256x32xf32> to vector<64x32xf32>
    %slice3A_1584 = vector.extract_strided_slice %dot_general3A_1581 {offsets = [128, 0], sizes = [64, 32], strides = [1, 1]} : vector<256x32xf32> to vector<64x32xf32>
    %slice3A_1585 = vector.extract_strided_slice %dot_general3A_1581 {offsets = [192, 0], sizes = [64, 32], strides = [1, 1]} : vector<256x32xf32> to vector<64x32xf32>
    %concatenate3A_1586 = tpu.concatenate %slice3A_1582, %slice3A_1583, %slice3A_1584, %slice3A_1585 in 1 : vector<64x32xf32>, vector<64x32xf32>, vector<64x32xf32>, vector<64x32xf32> -> vector<64x128xf32>
    %swap3A_1587 = arith.constant 7552 : index
    %swap3A_1588 = arith.constant 0 : index
    %swap3A_1589 = vector.load %arg2[%swap3A_1587, %swap3A_1588] : memref<8192x128xf32, #tpu.memory_space<vmem>>, vector<64x128xf32>
    tpu.vector_store %arg2[%swap3A_1587, %swap3A_1588], %concatenate3A_1586 {strides = array<i32>} : memref<8192x128xf32, #tpu.memory_space<vmem>>, vector<64x128xf32>,
    %get3A_1590 = arith.constant 0 : index
    %get3A_1591 = arith.constant 30464 : index
    %get3A_1592 = vector.load %arg1[%get3A_1590, %get3A_1591] : memref<32x32768xf32, #tpu.memory_space<vmem>>, vector<32x256xf32>
    %dot_general3A_1593 = arith.constant dense<0.000000e+00> : vector<256x32xf32>
    %dot_general3A_1594 = tpu.matmul %convert_element_type3A_47, %get3A_1592, %dot_general3A_1593 {dimension_numbers = #tpu.dot_dimension_numbers<[1], [1], [0], [0], [0, 0, 1, 0], [], []>, transpose_lhs_hint = false} : vector<256x256xf32>, vector<32x256xf32>, vector<256x32xf32> -> vector<256x32xf32>
    %slice3A_1595 = vector.extract_strided_slice %dot_general3A_1594 {offsets = [0, 0], sizes = [64, 32], strides = [1, 1]} : vector<256x32xf32> to vector<64x32xf32>
    %slice3A_1596 = vector.extract_strided_slice %dot_general3A_1594 {offsets = [64, 0], sizes = [64, 32], strides = [1, 1]} : vector<256x32xf32> to vector<64x32xf32>
    %slice3A_1597 = vector.extract_strided_slice %dot_general3A_1594 {offsets = [128, 0], sizes = [64, 32], strides = [1, 1]} : vector<256x32xf32> to vector<64x32xf32>
    %slice3A_1598 = vector.extract_strided_slice %dot_general3A_1594 {offsets = [192, 0], sizes = [64, 32], strides = [1, 1]} : vector<256x32xf32> to vector<64x32xf32>
    %concatenate3A_1599 = tpu.concatenate %slice3A_1595, %slice3A_1596, %slice3A_1597, %slice3A_1598 in 1 : vector<64x32xf32>, vector<64x32xf32>, vector<64x32xf32>, vector<64x32xf32> -> vector<64x128xf32>
    %swap3A_1600 = arith.constant 7616 : index
    %swap3A_1601 = arith.constant 0 : index
    %swap3A_1602 = vector.load %arg2[%swap3A_1600, %swap3A_1601] : memref<8192x128xf32, #tpu.memory_space<vmem>>, vector<64x128xf32>
    tpu.vector_store %arg2[%swap3A_1600, %swap3A_1601], %concatenate3A_1599 {strides = array<i32>} : memref<8192x128xf32, #tpu.memory_space<vmem>>, vector<64x128xf32>,
    %get3A_1603 = arith.constant 0 : index
    %get3A_1604 = arith.constant 30720 : index
    %get3A_1605 = vector.load %arg1[%get3A_1603, %get3A_1604] : memref<32x32768xf32, #tpu.memory_space<vmem>>, vector<32x256xf32>
    %dot_general3A_1606 = arith.constant dense<0.000000e+00> : vector<256x32xf32>
    %dot_general3A_1607 = tpu.matmul %convert_element_type3A_47, %get3A_1605, %dot_general3A_1606 {dimension_numbers = #tpu.dot_dimension_numbers<[1], [1], [0], [0], [0, 0, 1, 0], [], []>, transpose_lhs_hint = false} : vector<256x256xf32>, vector<32x256xf32>, vector<256x32xf32> -> vector<256x32xf32>
    %slice3A_1608 = vector.extract_strided_slice %dot_general3A_1607 {offsets = [0, 0], sizes = [64, 32], strides = [1, 1]} : vector<256x32xf32> to vector<64x32xf32>
    %slice3A_1609 = vector.extract_strided_slice %dot_general3A_1607 {offsets = [64, 0], sizes = [64, 32], strides = [1, 1]} : vector<256x32xf32> to vector<64x32xf32>
    %slice3A_1610 = vector.extract_strided_slice %dot_general3A_1607 {offsets = [128, 0], sizes = [64, 32], strides = [1, 1]} : vector<256x32xf32> to vector<64x32xf32>
    %slice3A_1611 = vector.extract_strided_slice %dot_general3A_1607 {offsets = [192, 0], sizes = [64, 32], strides = [1, 1]} : vector<256x32xf32> to vector<64x32xf32>
    %concatenate3A_1612 = tpu.concatenate %slice3A_1608, %slice3A_1609, %slice3A_1610, %slice3A_1611 in 1 : vector<64x32xf32>, vector<64x32xf32>, vector<64x32xf32>, vector<64x32xf32> -> vector<64x128xf32>
    %swap3A_1613 = arith.constant 7680 : index
    %swap3A_1614 = arith.constant 0 : index
    %swap3A_1615 = vector.load %arg2[%swap3A_1613, %swap3A_1614] : memref<8192x128xf32, #tpu.memory_space<vmem>>, vector<64x128xf32>
    tpu.vector_store %arg2[%swap3A_1613, %swap3A_1614], %concatenate3A_1612 {strides = array<i32>} : memref<8192x128xf32, #tpu.memory_space<vmem>>, vector<64x128xf32>,
    %get3A_1616 = arith.constant 0 : index
    %get3A_1617 = arith.constant 30976 : index
    %get3A_1618 = vector.load %arg1[%get3A_1616, %get3A_1617] : memref<32x32768xf32, #tpu.memory_space<vmem>>, vector<32x256xf32>
    %dot_general3A_1619 = arith.constant dense<0.000000e+00> : vector<256x32xf32>
    %dot_general3A_1620 = tpu.matmul %convert_element_type3A_47, %get3A_1618, %dot_general3A_1619 {dimension_numbers = #tpu.dot_dimension_numbers<[1], [1], [0], [0], [0, 0, 1, 0], [], []>, transpose_lhs_hint = false} : vector<256x256xf32>, vector<32x256xf32>, vector<256x32xf32> -> vector<256x32xf32>
    %slice3A_1621 = vector.extract_strided_slice %dot_general3A_1620 {offsets = [0, 0], sizes = [64, 32], strides = [1, 1]} : vector<256x32xf32> to vector<64x32xf32>
    %slice3A_1622 = vector.extract_strided_slice %dot_general3A_1620 {offsets = [64, 0], sizes = [64, 32], strides = [1, 1]} : vector<256x32xf32> to vector<64x32xf32>
    %slice3A_1623 = vector.extract_strided_slice %dot_general3A_1620 {offsets = [128, 0], sizes = [64, 32], strides = [1, 1]} : vector<256x32xf32> to vector<64x32xf32>
    %slice3A_1624 = vector.extract_strided_slice %dot_general3A_1620 {offsets = [192, 0], sizes = [64, 32], strides = [1, 1]} : vector<256x32xf32> to vector<64x32xf32>
    %concatenate3A_1625 = tpu.concatenate %slice3A_1621, %slice3A_1622, %slice3A_1623, %slice3A_1624 in 1 : vector<64x32xf32>, vector<64x32xf32>, vector<64x32xf32>, vector<64x32xf32> -> vector<64x128xf32>
    %swap3A_1626 = arith.constant 7744 : index
    %swap3A_1627 = arith.constant 0 : index
    %swap3A_1628 = vector.load %arg2[%swap3A_1626, %swap3A_1627] : memref<8192x128xf32, #tpu.memory_space<vmem>>, vector<64x128xf32>
    tpu.vector_store %arg2[%swap3A_1626, %swap3A_1627], %concatenate3A_1625 {strides = array<i32>} : memref<8192x128xf32, #tpu.memory_space<vmem>>, vector<64x128xf32>,
    %get3A_1629 = arith.constant 0 : index
    %get3A_1630 = arith.constant 31232 : index
    %get3A_1631 = vector.load %arg1[%get3A_1629, %get3A_1630] : memref<32x32768xf32, #tpu.memory_space<vmem>>, vector<32x256xf32>
    %dot_general3A_1632 = arith.constant dense<0.000000e+00> : vector<256x32xf32>
    %dot_general3A_1633 = tpu.matmul %convert_element_type3A_47, %get3A_1631, %dot_general3A_1632 {dimension_numbers = #tpu.dot_dimension_numbers<[1], [1], [0], [0], [0, 0, 1, 0], [], []>, transpose_lhs_hint = false} : vector<256x256xf32>, vector<32x256xf32>, vector<256x32xf32> -> vector<256x32xf32>
    %slice3A_1634 = vector.extract_strided_slice %dot_general3A_1633 {offsets = [0, 0], sizes = [64, 32], strides = [1, 1]} : vector<256x32xf32> to vector<64x32xf32>
    %slice3A_1635 = vector.extract_strided_slice %dot_general3A_1633 {offsets = [64, 0], sizes = [64, 32], strides = [1, 1]} : vector<256x32xf32> to vector<64x32xf32>
    %slice3A_1636 = vector.extract_strided_slice %dot_general3A_1633 {offsets = [128, 0], sizes = [64, 32], strides = [1, 1]} : vector<256x32xf32> to vector<64x32xf32>
    %slice3A_1637 = vector.extract_strided_slice %dot_general3A_1633 {offsets = [192, 0], sizes = [64, 32], strides = [1, 1]} : vector<256x32xf32> to vector<64x32xf32>
    %concatenate3A_1638 = tpu.concatenate %slice3A_1634, %slice3A_1635, %slice3A_1636, %slice3A_1637 in 1 : vector<64x32xf32>, vector<64x32xf32>, vector<64x32xf32>, vector<64x32xf32> -> vector<64x128xf32>
    %swap3A_1639 = arith.constant 7808 : index
    %swap3A_1640 = arith.constant 0 : index
    %swap3A_1641 = vector.load %arg2[%swap3A_1639, %swap3A_1640] : memref<8192x128xf32, #tpu.memory_space<vmem>>, vector<64x128xf32>
    tpu.vector_store %arg2[%swap3A_1639, %swap3A_1640], %concatenate3A_1638 {strides = array<i32>} : memref<8192x128xf32, #tpu.memory_space<vmem>>, vector<64x128xf32>,
    %get3A_1642 = arith.constant 0 : index
    %get3A_1643 = arith.constant 31488 : index
    %get3A_1644 = vector.load %arg1[%get3A_1642, %get3A_1643] : memref<32x32768xf32, #tpu.memory_space<vmem>>, vector<32x256xf32>
    %dot_general3A_1645 = arith.constant dense<0.000000e+00> : vector<256x32xf32>
    %dot_general3A_1646 = tpu.matmul %convert_element_type3A_47, %get3A_1644, %dot_general3A_1645 {dimension_numbers = #tpu.dot_dimension_numbers<[1], [1], [0], [0], [0, 0, 1, 0], [], []>, transpose_lhs_hint = false} : vector<256x256xf32>, vector<32x256xf32>, vector<256x32xf32> -> vector<256x32xf32>
    %slice3A_1647 = vector.extract_strided_slice %dot_general3A_1646 {offsets = [0, 0], sizes = [64, 32], strides = [1, 1]} : vector<256x32xf32> to vector<64x32xf32>
    %slice3A_1648 = vector.extract_strided_slice %dot_general3A_1646 {offsets = [64, 0], sizes = [64, 32], strides = [1, 1]} : vector<256x32xf32> to vector<64x32xf32>
    %slice3A_1649 = vector.extract_strided_slice %dot_general3A_1646 {offsets = [128, 0], sizes = [64, 32], strides = [1, 1]} : vector<256x32xf32> to vector<64x32xf32>
    %slice3A_1650 = vector.extract_strided_slice %dot_general3A_1646 {offsets = [192, 0], sizes = [64, 32], strides = [1, 1]} : vector<256x32xf32> to vector<64x32xf32>
    %concatenate3A_1651 = tpu.concatenate %slice3A_1647, %slice3A_1648, %slice3A_1649, %slice3A_1650 in 1 : vector<64x32xf32>, vector<64x32xf32>, vector<64x32xf32>, vector<64x32xf32> -> vector<64x128xf32>
    %swap3A_1652 = arith.constant 7872 : index
    %swap3A_1653 = arith.constant 0 : index
    %swap3A_1654 = vector.load %arg2[%swap3A_1652, %swap3A_1653] : memref<8192x128xf32, #tpu.memory_space<vmem>>, vector<64x128xf32>
    tpu.vector_store %arg2[%swap3A_1652, %swap3A_1653], %concatenate3A_1651 {strides = array<i32>} : memref<8192x128xf32, #tpu.memory_space<vmem>>, vector<64x128xf32>,
    %get3A_1655 = arith.constant 0 : index
    %get3A_1656 = arith.constant 31744 : index
    %get3A_1657 = vector.load %arg1[%get3A_1655, %get3A_1656] : memref<32x32768xf32, #tpu.memory_space<vmem>>, vector<32x256xf32>
    %dot_general3A_1658 = arith.constant dense<0.000000e+00> : vector<256x32xf32>
    %dot_general3A_1659 = tpu.matmul %convert_element_type3A_47, %get3A_1657, %dot_general3A_1658 {dimension_numbers = #tpu.dot_dimension_numbers<[1], [1], [0], [0], [0, 0, 1, 0], [], []>, transpose_lhs_hint = false} : vector<256x256xf32>, vector<32x256xf32>, vector<256x32xf32> -> vector<256x32xf32>
    %slice3A_1660 = vector.extract_strided_slice %dot_general3A_1659 {offsets = [0, 0], sizes = [64, 32], strides = [1, 1]} : vector<256x32xf32> to vector<64x32xf32>
    %slice3A_1661 = vector.extract_strided_slice %dot_general3A_1659 {offsets = [64, 0], sizes = [64, 32], strides = [1, 1]} : vector<256x32xf32> to vector<64x32xf32>
    %slice3A_1662 = vector.extract_strided_slice %dot_general3A_1659 {offsets = [128, 0], sizes = [64, 32], strides = [1, 1]} : vector<256x32xf32> to vector<64x32xf32>
    %slice3A_1663 = vector.extract_strided_slice %dot_general3A_1659 {offsets = [192, 0], sizes = [64, 32], strides = [1, 1]} : vector<256x32xf32> to vector<64x32xf32>
    %concatenate3A_1664 = tpu.concatenate %slice3A_1660, %slice3A_1661, %slice3A_1662, %slice3A_1663 in 1 : vector<64x32xf32>, vector<64x32xf32>, vector<64x32xf32>, vector<64x32xf32> -> vector<64x128xf32>
    %swap3A_1665 = arith.constant 7936 : index
    %swap3A_1666 = arith.constant 0 : index
    %swap3A_1667 = vector.load %arg2[%swap3A_1665, %swap3A_1666] : memref<8192x128xf32, #tpu.memory_space<vmem>>, vector<64x128xf32>
    tpu.vector_store %arg2[%swap3A_1665, %swap3A_1666], %concatenate3A_1664 {strides = array<i32>} : memref<8192x128xf32, #tpu.memory_space<vmem>>, vector<64x128xf32>,
    %get3A_1668 = arith.constant 0 : index
    %get3A_1669 = arith.constant 32000 : index
    %get3A_1670 = vector.load %arg1[%get3A_1668, %get3A_1669] : memref<32x32768xf32, #tpu.memory_space<vmem>>, vector<32x256xf32>
    %dot_general3A_1671 = arith.constant dense<0.000000e+00> : vector<256x32xf32>
    %dot_general3A_1672 = tpu.matmul %convert_element_type3A_47, %get3A_1670, %dot_general3A_1671 {dimension_numbers = #tpu.dot_dimension_numbers<[1], [1], [0], [0], [0, 0, 1, 0], [], []>, transpose_lhs_hint = false} : vector<256x256xf32>, vector<32x256xf32>, vector<256x32xf32> -> vector<256x32xf32>
    %slice3A_1673 = vector.extract_strided_slice %dot_general3A_1672 {offsets = [0, 0], sizes = [64, 32], strides = [1, 1]} : vector<256x32xf32> to vector<64x32xf32>
    %slice3A_1674 = vector.extract_strided_slice %dot_general3A_1672 {offsets = [64, 0], sizes = [64, 32], strides = [1, 1]} : vector<256x32xf32> to vector<64x32xf32>
    %slice3A_1675 = vector.extract_strided_slice %dot_general3A_1672 {offsets = [128, 0], sizes = [64, 32], strides = [1, 1]} : vector<256x32xf32> to vector<64x32xf32>
    %slice3A_1676 = vector.extract_strided_slice %dot_general3A_1672 {offsets = [192, 0], sizes = [64, 32], strides = [1, 1]} : vector<256x32xf32> to vector<64x32xf32>
    %concatenate3A_1677 = tpu.concatenate %slice3A_1673, %slice3A_1674, %slice3A_1675, %slice3A_1676 in 1 : vector<64x32xf32>, vector<64x32xf32>, vector<64x32xf32>, vector<64x32xf32> -> vector<64x128xf32>
    %swap3A_1678 = arith.constant 8000 : index
    %swap3A_1679 = arith.constant 0 : index
    %swap3A_1680 = vector.load %arg2[%swap3A_1678, %swap3A_1679] : memref<8192x128xf32, #tpu.memory_space<vmem>>, vector<64x128xf32>
    tpu.vector_store %arg2[%swap3A_1678, %swap3A_1679], %concatenate3A_1677 {strides = array<i32>} : memref<8192x128xf32, #tpu.memory_space<vmem>>, vector<64x128xf32>,
    %get3A_1681 = arith.constant 0 : index
    %get3A_1682 = arith.constant 32256 : index
    %get3A_1683 = vector.load %arg1[%get3A_1681, %get3A_1682] : memref<32x32768xf32, #tpu.memory_space<vmem>>, vector<32x256xf32>
    %dot_general3A_1684 = arith.constant dense<0.000000e+00> : vector<256x32xf32>
    %dot_general3A_1685 = tpu.matmul %convert_element_type3A_47, %get3A_1683, %dot_general3A_1684 {dimension_numbers = #tpu.dot_dimension_numbers<[1], [1], [0], [0], [0, 0, 1, 0], [], []>, transpose_lhs_hint = false} : vector<256x256xf32>, vector<32x256xf32>, vector<256x32xf32> -> vector<256x32xf32>
    %slice3A_1686 = vector.extract_strided_slice %dot_general3A_1685 {offsets = [0, 0], sizes = [64, 32], strides = [1, 1]} : vector<256x32xf32> to vector<64x32xf32>
    %slice3A_1687 = vector.extract_strided_slice %dot_general3A_1685 {offsets = [64, 0], sizes = [64, 32], strides = [1, 1]} : vector<256x32xf32> to vector<64x32xf32>
    %slice3A_1688 = vector.extract_strided_slice %dot_general3A_1685 {offsets = [128, 0], sizes = [64, 32], strides = [1, 1]} : vector<256x32xf32> to vector<64x32xf32>
    %slice3A_1689 = vector.extract_strided_slice %dot_general3A_1685 {offsets = [192, 0], sizes = [64, 32], strides = [1, 1]} : vector<256x32xf32> to vector<64x32xf32>
    %concatenate3A_1690 = tpu.concatenate %slice3A_1686, %slice3A_1687, %slice3A_1688, %slice3A_1689 in 1 : vector<64x32xf32>, vector<64x32xf32>, vector<64x32xf32>, vector<64x32xf32> -> vector<64x128xf32>
    %swap3A_1691 = arith.constant 8064 : index
    %swap3A_1692 = arith.constant 0 : index
    %swap3A_1693 = vector.load %arg2[%swap3A_1691, %swap3A_1692] : memref<8192x128xf32, #tpu.memory_space<vmem>>, vector<64x128xf32>
    tpu.vector_store %arg2[%swap3A_1691, %swap3A_1692], %concatenate3A_1690 {strides = array<i32>} : memref<8192x128xf32, #tpu.memory_space<vmem>>, vector<64x128xf32>,
    %get3A_1694 = arith.constant 0 : index
    %get3A_1695 = arith.constant 32512 : index
    %get3A_1696 = vector.load %arg1[%get3A_1694, %get3A_1695] : memref<32x32768xf32, #tpu.memory_space<vmem>>, vector<32x256xf32>
    %dot_general3A_1697 = arith.constant dense<0.000000e+00> : vector<256x32xf32>
    %dot_general3A_1698 = tpu.matmul %convert_element_type3A_47, %get3A_1696, %dot_general3A_1697 {dimension_numbers = #tpu.dot_dimension_numbers<[1], [1], [0], [0], [0, 0, 1, 0], [], []>, transpose_lhs_hint = false} : vector<256x256xf32>, vector<32x256xf32>, vector<256x32xf32> -> vector<256x32xf32>
    %slice3A_1699 = vector.extract_strided_slice %dot_general3A_1698 {offsets = [0, 0], sizes = [64, 32], strides = [1, 1]} : vector<256x32xf32> to vector<64x32xf32>
    %slice3A_1700 = vector.extract_strided_slice %dot_general3A_1698 {offsets = [64, 0], sizes = [64, 32], strides = [1, 1]} : vector<256x32xf32> to vector<64x32xf32>
    %slice3A_1701 = vector.extract_strided_slice %dot_general3A_1698 {offsets = [128, 0], sizes = [64, 32], strides = [1, 1]} : vector<256x32xf32> to vector<64x32xf32>
    %slice3A_1702 = vector.extract_strided_slice %dot_general3A_1698 {offsets = [192, 0], sizes = [64, 32], strides = [1, 1]} : vector<256x32xf32> to vector<64x32xf32>
    %concatenate3A_1703 = tpu.concatenate %slice3A_1699, %slice3A_1700, %slice3A_1701, %slice3A_1702 in 1 : vector<64x32xf32>, vector<64x32xf32>, vector<64x32xf32>, vector<64x32xf32> -> vector<64x128xf32>
    %swap3A_1704 = arith.constant 8128 : index
    %swap3A_1705 = arith.constant 0 : index
    %swap3A_1706 = vector.load %arg2[%swap3A_1704, %swap3A_1705] : memref<8192x128xf32, #tpu.memory_space<vmem>>, vector<64x128xf32>
    tpu.vector_store %arg2[%swap3A_1704, %swap3A_1705], %concatenate3A_1703 {strides = array<i32>} : memref<8192x128xf32, #tpu.memory_space<vmem>>, vector<64x128xf32>,
    return
  }
  func.func @transform_0(%arg0: i32) -> (i32, i32) {
    %c0_i32 = arith.constant 0 : i32
    %c0_i32_0 = arith.constant 0 : i32
    return %c0_i32, %arg0 : i32, i32
  }
  func.func @transform_1(%arg0: i32) -> (i32, i32) {
    %c0_i32 = arith.constant 0 : i32
    %c0_i32_0 = arith.constant 0 : i32
    return %arg0, %c0_i32 : i32, i32
  }
}

</mosaic_0001>

<sc_bundles>
// kernel: kernel.4.cloned.1.call-start
scs
__scs_entry_jumppad:
0x0: {  	(pc) =	sbr.rel $0x88, $3  }
0x1: {  	(tag) =	ssettag $0x0;
	lr =	simm.s32 $0x1  }
0x2: {  	[smem:$0x3F9F] =	sst lr;
	_ =	strace $0xD0000000  }
0x3: {  	_ = 	snop  }
0x4: {  	_ = 	snop  }
0x5: {  	_ = 	snop  }
0x6: {  	_ = 	snop  }
0x7: {  	_ = 	snop  }
__scs_overlays_trampoline_lowered:
0x8: {  	[smem:$0x3FAE] =	sst s0  }
0x9: {  	[smem:$0x3FAF] =	sst s1  }
0xa: {  	[smem:$0x3FB0] =	sst s2  }
0xb: {  	[smem:$0x3FB1] =	sst s3  }
0xc: {  	[smem:$0x3FB2] =	sst s4  }
0xd: {  	[smem:$0x3FB3] =	sst s5  }
0xe: {  	[smem:$0x3FB4] =	sst s6  }
0xf: {  	[smem:$0x3FB5] =	sst s7  }
0x10: {  	[smem:$0x3FB6] =	sst s8  }
0x11: {  	[smem:$0x3FB7] =	sst s9;
	s0 =	simm.s32 @!p0 $0x0  }
0x12: {  	s1 =	sld [smem:$0x3F9D];
	s0 =	simm.s32 @p0 $0x1  }
0x13: {  	[smem:$0x3FB8] =	sst s0;
	s0 =	simm.s32 @!p1 $0x0  }
0x14: {  	s2 =	sld [smem:$0x3F9C];
	s0 =	simm.s32 @p1 $0x1  }
0x15: {  	[smem:$0x3FB9] =	sst s0;
	s0 =	simm.s32 @!p2 $0x0  }
0x16: {  	s3 =	sld [smem:$0x3FDB];
	s0 =	simm.s32 @p2 $0x1  }
0x17: {  	s4 =	simm.s32 $0x1BF5;
	[smem:$0x3FBB] =	sst s0  }
0x18: {  	s0 =	sld [smem:$0x3F9E];
	_ =	swait.ge [sflag:s4], $0x0  }
0x19: {  	s7 =	sld [smem:$0x3F9F]  }
0x1a: {  	s8 =	sadd.s32 $0xFFFFE003, lr  }
0x1b: {  	s9 =	sadd.s32 $0xFFFFFEF7, lr;
	s5 =	simm.s32 $0xFFFFFFFF;
	p2 =	slt.u32 s8, $0xFFFFF086  }
0x1c: {  	p1 =	slt.u32 s9, $0xF7A;
	s5 =	simm.s32 @!p2 $0x0  }
0x1d: {  	s5 =	simm.s32 @p1 $0x1;
	p0 =	seq.s32 s7, s2  }
0x1e: {  	s7 =	smul.u32 @!p0 $0xF7A, s2;
	p2 =	seq.s32 @!p0 s5, $0x0  }
0x1f: {  	s9 =	smul.u32 $0xF7A, s1;
	s8 =	simm.s32 @!p0 $0x1BF5;
	p2 =	por !p2, p0  }
0x20: {  	[sflag:s8] =	ssyncset.s32 @!p0 $0xFFFFF086;
	s6 =	sadd.s32 @!p0 s3, s7;
	s7 =	simm.s32 @!p0 $0x108  }
0x21: {  	s3 =	sadd.s32 s3, s9;
	s6 =	sadd.s32 @!p0 $0x88, s6;
	s7 =	simm.s32 @p2 $0x1082  }
0x22: {  	[simem:s7], [sflag:s8] =	dma.local @!p0 [hbm:s6], $0xF7A  }
0x23: {  	s9 =	sor.u32 $0xD0000000, s2;
	s6 =	simm.s32 $0x108;
	_ =	swait.ge @!p0 [sflag:s8], $0x0  }
0x24: {  	s3 =	sadd.s32 $0x88, s3;
	s6 =	simm.s32 @!p1 $0x1082;
	[sflag:s4] =	ssyncset.s32 $0xFFFFF086  }
0x25: {  	[simem:s6], [sflag:s4] =	dma.local [hbm:s3], $0xF7A  }
0x26: {  	[smem:$0x3F9F] =	sst s1;
	(tag) =	ssettag s2;
	_ =	strace s9  }
0x27: {  	s1 =	sld [smem:$0x3FAF]  }
0x28: {  	s2 =	sld [smem:$0x3FB0]  }
0x29: {  	s4 =	sld [smem:$0x3FB2]  }
0x2a: {  	p0 =	seq.s32 s5, $0x0;
	s5 =	sld [smem:$0x3FB3]  }
0x2b: {  	s6 =	sld [smem:$0x3FB4]  }
0x2c: {  	s7 =	sld [smem:$0x3FB5]  }
0x2d: {  	s3 =	simm.s32 $0x108;
	s8 =	sld [smem:$0x3FB6]  }
0x2e: {  	s3 =	simm.s32 @!p0 $0x1082;
	s9 =	sld [smem:$0x3FB7]  }
0x2f: {  	lr =	sadd.s32 s0, s3;
	s0 =	sld [smem:$0x3FAE]  }
0x30: {  	s3 =	sld [smem:$0x3FB1]  }
0x31: {  	[smem:$0x3FBA] =	sst s10  }
0x32: {  	s10 =	sld [smem:$0x3FB8];
	_ =	sdelay $0x3  }
0x33: {  	p0 =	seq.s32 s10, $0x1;
	s10 =	sld [smem:$0x3FBA];
	_ =	sdelay $0x3  }
0x34: {  	[smem:$0x3FBA] =	sst s10  }
0x35: {  	s10 =	sld [smem:$0x3FB9];
	_ =	sdelay $0x3  }
0x36: {  	p1 =	seq.s32 s10, $0x1;
	s10 =	sld [smem:$0x3FBA];
	_ =	sdelay $0x3  }
0x37: {  	[smem:$0x3FBA] =	sst s10  }
0x38: {  	s10 =	sld [smem:$0x3FBB]  }
0x39: {  	_ = 	snop;
	(pc) =	sbr.ind lr, $3  }
0x3a: {  	_ = 	snop  }
0x3b: {  	_ = 	snop  }
0x3c: {  	p2 =	seq.s32 s10, $0x1;
	s10 =	sld [smem:$0x3FBA]  }
0x3d: {  	_ =	shalt  }
0x3e: {  	_ =	shalt  }
0x3f: {  	_ =	shalt  }
0x40: {  	_ =	shalt  }
0x41: {  	_ =	shalt  }
0x42: {  	_ =	shalt  }
0x43: {  	_ =	shalt  }
0x44: {  	_ =	shalt  }
0x45: {  	_ =	shalt  }
0x46: {  	_ =	shalt  }
0x47: {  	_ =	shalt  }
0x48: {  	_ =	shalt  }
0x49: {  	_ =	shalt  }
0x4a: {  	_ =	shalt  }
0x4b: {  	_ =	shalt  }
0x4c: {  	_ =	shalt  }
0x4d: {  	_ =	shalt  }
0x4e: {  	_ =	shalt  }
0x4f: {  	_ =	shalt  }
0x50: {  	_ =	shalt  }
0x51: {  	_ =	shalt  }
0x52: {  	_ =	shalt  }
0x53: {  	_ =	shalt  }
0x54: {  	_ =	shalt  }
0x55: {  	_ =	shalt  }
0x56: {  	_ =	shalt  }
0x57: {  	_ =	shalt  }
0x58: {  	_ =	shalt  }
0x59: {  	_ =	shalt  }
0x5a: {  	_ =	shalt  }
0x5b: {  	_ =	shalt  }
0x5c: {  	_ =	shalt  }
0x5d: {  	_ =	shalt  }
0x5e: {  	_ =	shalt  }
0x5f: {  	_ =	shalt  }
0x60: {  	_ =	shalt  }
0x61: {  	_ =	shalt  }
0x62: {  	_ =	shalt  }
0x63: {  	_ =	shalt  }
0x64: {  	_ =	shalt  }
0x65: {  	_ =	shalt  }
0x66: {  	_ =	shalt  }
0x67: {  	_ =	shalt  }
0x68: {  	_ =	shalt  }
0x69: {  	_ =	shalt  }
0x6a: {  	_ =	shalt  }
0x6b: {  	_ =	shalt  }
0x6c: {  	_ =	shalt  }
0x6d: {  	_ =	shalt  }
0x6e: {  	_ =	shalt  }
0x6f: {  	_ =	shalt  }
0x70: {  	_ =	shalt  }
0x71: {  	_ =	shalt  }
0x72: {  	_ =	shalt  }
0x73: {  	_ =	shalt  }
0x74: {  	_ =	shalt  }
0x75: {  	_ =	shalt  }
0x76: {  	_ =	shalt  }
0x77: {  	_ =	shalt  }
0x78: {  	_ =	shalt  }
0x79: {  	_ =	shalt  }
0x7a: {  	_ =	shalt  }
0x7b: {  	_ =	shalt  }
0x7c: {  	_ =	shalt  }
0x7d: {  	_ =	shalt  }
0x7e: {  	_ =	shalt  }
0x7f: {  	_ =	shalt  }
0x80: {  	_ =	shalt  }
0x81: {  	_ =	shalt  }
0x82: {  	_ =	shalt  }
0x83: {  	_ =	shalt  }
0x84: {  	_ =	shalt  }
0x85: {  	_ =	shalt  }
0x86: {  	_ =	shalt  }
0x87: {  	_ =	shalt  }
.Lfunc_end0:
.L_simem_size_0:
called_computation_lowered:
.L_overlay_start_0:
0x88: {  	s2 =	sld [smem:$0x3FD9]  }
0x89: {  	s3 =	sld [smem:$0x3FFE];
	_ =	sdelay $0x1  }
0x8a: {  	s1 =	srdreg.scid  }
0x8b: {  	s0 =	sand.u32 $0x1, s1  }
0x8c: {  	s17 =	sshll.u32 s0, $0xA;
	s2 =	sadd.s32 s3, s2  }
0x8d: {  	s2 =	sadd.s32 s2, s17  }
0x8e: {  	[smem:$0x3FC6] =	sst s2  }
0x8f: {  	_ = 	snop  }
0x90: {  	s2 =	sld [smem:$0x3FD0];
	(tm) =	ssettm $0x1  }
0x91: {  	s18 =	sld [smem:$0x3FFB];
	_ =	sdelay $0x3  }
0x92: {  	_ =	strace s18  }
0x93: {  	s3 =	sld [smem:$0x3FFC];
	_ =	sdelay $0x3  }
0x94: {  	_ =	strace s3  }
0x95: {  	s3 =	sld [smem:$0x3FFD];
	_ =	sdelay $0x3  }
0x96: {  	_ =	strace s3  }
0x97: {  	_ =	strace $0x8FFFFFFF  }
0x98: {  	s19 =	sld [smem:$0x3FDB];
	_ =	sdelay $0x1  }
0x99: {  	s4 =	simm.s32 $_scs_section_size  }
0x9a: {  	s5 =	simm.s32 $_size__tile_overlayer_lowered;
	s6 =	simm.s32 $_tile_overlayer_lowered  }
0x9b: {  	s22 =	simm.s32 $0x1BFF;
	s21 =	sshll.u32 s6, $0x1;
	s3 =	sadd.s32 s4, s19  }
0x9c: {  	s7 =	simm.s32 $0x0;
	s20 =	sshll.u32 s5, $0x1;
	s5 =	sadd.s32 s21, s3  }
0x9d: {  	[timem:s7], [sflag:s22] =	dma.local [hbm:s5], s20  }
0x9e: {  	_ =	swait.ge [sflag:s22], s20  }
0x9f: {  	s4 =	ssub.s32 $0x0, s20;
	[sflag:s22] =	ssyncset.done $0x0  }
0xa0: {  	[sflag:s22] =	ssyncadd.s32 s4;
	_ =	sdelay $0x1  }
0xa1: {  	s23 =	simm.s32 $0x1B8B  }
0xa2: {  	_ =	swait.ge [sflag:s23], $0x1  }
0xa3: {  	[sflag:s23] =	ssyncset.done $0x0  }
0xa4: {  	s25 =	simm.s32 $0x1B8E;
	s24 =	sld [smem:$0x3FFE];
	[sflag:s23] =	ssyncadd.s32 $0xFFFFFFFF  }
0xa5: {  	s26 =	simm.s32 $execute0_lowered;
	[smem:$0x3FD2] =	sst s25  }
0xa6: {  	s5 =	sshll.u32 s26, $0x1;
	_ =	strace $0x80000046;
	[dreg:$0x1] =	wrdreg $0xFFFFFFFF  }
0xa7: {  	s28 =	simm.s32 $_size_execute0_lowered;
	s3 =	sadd.s32 s3, s5;
	[dreg:$0x0] =	wrdreg $0x0  }
0xa8: {  	s5 =	sshll.u32 s28, $0x1;
	[dreg:$0x2] =	wrdreg s3  }
0xa9: {  	[dreg:$0x3] =	wrdreg s5  }
0xaa: {  	[dreg:$0x4] =	wrdreg $0xC0  }
0xab: {  	_ =	task [dreg:s7], $0x5FFFF  }
0xac: {  	[dreg:$0x1] =	wrdreg $0xFFFFFFFF  }
0xad: {  	[dreg:$0x0] =	wrdreg $0x60  }
0xae: {  	[dreg:$0x2] =	wrdreg s24  }
0xaf: {  	[dreg:$0x3] =	wrdreg s2  }
0xb0: {  	[dreg:$0x4] =	wrdreg $0x9  }
0xb1: {  	_ =	task.clear_ibuf [dreg:s7], $0x5FFFF;
	_ =	strace $0x90000046  }
0xb2: {  	s29 =	simm.s32 $0x9;
	_ =	strace $0x80000048  }
0xb3: {  	_ =	swait.ge [sflag:s29], $0x1  }
0xb4: {  	[sflag:s29] =	ssyncadd.s32 $0xFFFFFFFF  }
0xb5: {  	_ =	strace $0x90000048  }
0xb6: {  	_ =	sfence  }
0xb7: {  	s30 =	sld [smem:$0x0];
	_ =	sdelay $0x2  }
0xb8: {  	s31 =	sshll.u32 s1, $0xD;
	s1 =	sshrl.u32 s1, $0x2  }
0xb9: {  	s3 =	sand.u32 $0x4000, s31;
	s1 =	sadd.s32 s1, s30  }
0xba: {  	s0 =	sor.u32 s3, s0;
	s1 =	sshll.u32 s1, $0x11  }
0xbb: {  	s0 =	sor.u32 s1, s0  }
0xbc: {  	s0 =	sadd.s32 $0x8F2B, s0  }
0xbd: {  	[sflag:s0] =	ssyncadd.remote.s32 $0x1  }
0xbe: {  	_ =	sfence.sel $0xFFFF  }
0xbf: {  	[dreg:$0x0] =	wrdreg $0xFFFFFFFF;
	(pc) =	sbr.abs _section_cstart, $3  }
0xc0: {  	[dreg:$0x1] =	wrdreg $0xFFFFFFFF  }
0xc1: {  	_ =	task.clear_ibuf [dreg:s7], $0x2FFFF;
	_ =	strace $0x9FFFFFFF  }
0xc2: {  	(tm) =	ssettm $0x7FFFFFFF  }
0xc3: {  	_ =	shalt  }
tec
execute0_lowered:
.L_overlay_start_1:
0x0: {  	(tag) =	ssettag $0x1  }
0x1: {  	s2 =	stileid.u32;
	s4 =	rddreg [dreg:$0x0]  }
0x2: {  	s3 =	rddreg [dreg:$0x1];
	s20 =	sshll.u32 s2, $0x1;
	s2 =	simm.s32 $0x0  }
0x3: {  	s21 =	simm.s32 $0x1D00;
	[smem:$0x7FF] =	sst s2  }
0x4: {  	s22 =	simm.s32 $0x100;
	_ =	strace $0x80000047;
	[dreg:$0x5] =	wrdreg s21  }
0x5: {  	s23 =	simm.s32 $0x2D00;
	[dreg:$0x6] =	wrdreg s22  }
0x6: {  	s24 =	simm.s32 $0x180;
	[dreg:$0x7] =	wrdreg s23  }
0x7: {  	s25 =	simm.s32 $0x3D00;
	[dreg:$0x8] =	wrdreg s24  }
0x8: {  	s26 =	simm.s32 $0x200;
	[dreg:$0x9] =	wrdreg s25  }
0x9: {  	s6 =	simm.s32 $0x5D00;
	[dreg:$0xa] =	wrdreg s26  }
0xa: {  	s7 =	simm.s32 $0x300;
	[dreg:$0xd] =	wrdreg s6  }
0xb: {  	s8 =	simm.s32 $0x6D00;
	[dreg:$0xe] =	wrdreg s7  }
0xc: {  	s9 =	simm.s32 $0x380;
	[dreg:$0xf] =	wrdreg s8  }
0xd: {  	s10 =	simm.s32 $0x7D00;
	[dreg:$0x10] =	wrdreg s9  }
0xe: {  	s11 =	simm.s32 $0x400;
	[dreg:$0x11] =	wrdreg s10  }
0xf: {  	s12 =	simm.s32 $0x8D00;
	[dreg:$0x12] =	wrdreg s11  }
0x10: {  	s13 =	simm.s32 $0x480;
	[dreg:$0x13] =	wrdreg s12  }
0x11: {  	s14 =	simm.s32 $0x9D00;
	[dreg:$0x14] =	wrdreg s13  }
0x12: {  	s15 =	simm.s32 $0x500;
	[dreg:$0x15] =	wrdreg s14  }
0x13: {  	s16 =	simm.s32 $0xAD00;
	[dreg:$0x16] =	wrdreg s15  }
0x14: {  	s17 =	simm.s32 $0x580;
	[dreg:$0x17] =	wrdreg s16  }
0x15: {  	s0 =	srdreg.scid;
	s18 =	simm.s32 $0xBD00;
	[dreg:$0x18] =	wrdreg s17  }
0x16: {  	s19 =	simm.s32 $0x600;
	s1 =	sand.u32 $0x1, s0;
	[dreg:$0x19] =	wrdreg s18  }
0x17: {  	s0 =	sor.u32 s1, s20;
	s20 =	simm.s32 $0xCD00;
	[dreg:$0x1a] =	wrdreg s19  }
0x18: {  	s5 =	smul.u32 $0x1A0, s0;
	[dreg:$0x1b] =	wrdreg s20;
	s21 =	simm.s32 $0x680  }
0x19: {  	s0 =	smul.u32 $0x3400, s0;
	s22 =	simm.s32 $0xDD00;
	[dreg:$0x1c] =	wrdreg s21  }
0x1a: {  	s23 =	simm.s32 $0x700;
	[dreg:$0x1d] =	wrdreg s22  }
0x1b: {  	[dreg:$0x1e] =	wrdreg s23;
	s0 =	sadd.s32 s3, s0  }
0x1c: {  	s5 =	sadd.s32 s5, s4;
	s3 =	simm.s32 $0x4D00;
	[dreg:$0x4] =	wrdreg s0  }
0x1d: {  	s5 =	sadd.s32 $0x400, s5;
	[dreg:$0xb] =	wrdreg s3  }
0x1e: {  	[dreg:$0x3] =	wrdreg s5;
	s5 =	simm.s32 $0x280  }
0x1f: {  	[dreg:$0xc] =	wrdreg s5  }
0x20: {  	s3 =	simm.s32 $0x2;
	s5 =	rddreg [dreg:$0x3]  }
0x21: {  	[tilespmem:s2], [sflag:$0x2] =	stream.linear.gather [hbm4b:s5+s2], $0xD00, $0x38;
	[tilespmem:$0x1AD00] =	vst v63  }
0x22: {  	_ =	swait.ge [sflag:s3], $0xD00  }
0x23: {  	s0 =	rddreg [dreg:$0x1d]  }
0x24: {  	s7 =	rddreg [dreg:$0x1b]  }
0x25: {  	s8 =	rddreg [dreg:$0x19]  }
0x26: {  	s9 =	rddreg [dreg:$0x17]  }
0x27: {  	s10 =	rddreg [dreg:$0x15]  }
0x28: {  	s11 =	rddreg [dreg:$0x13]  }
0x29: {  	s12 =	rddreg [dreg:$0x11]  }
0x2a: {  	s13 =	rddreg [dreg:$0xf]  }
0x2b: {  	s14 =	rddreg [dreg:$0xd]  }
0x2c: {  	s6 =	simm.s32 $0x80;
	s15 =	rddreg [dreg:$0xb]  }
0x2d: {  	s5 =	sadd.s32 $0x3800, s4;
	s16 =	rddreg [dreg:$0x6];
	[sflag:s3] =	ssyncset.done $0x0  }
0x2e: {  	s4 =	simm.s32 $0xD00;
	s17 =	rddreg [dreg:$0x5];
	[sflag:s3] =	ssyncadd.s32 $0xFFFFF300  }
0x2f: {  	[tilespmem:s4], [sflag:$0x1] =	stream.indirect.gather [hbm4b:s5+s6], $0x20, s2, s6, $0xb8;
	[tilespmem:$0x1AD00] =	vst v63  }
0x30: {  	s18 =	rddreg [dreg:$0x7]  }
0x31: {  	[tilespmem:s17], [sflag:$0x1] =	stream.indirect.gather [hbm4b:s5+s6], $0x20, s6, s6, $0xb8;
	[tilespmem:$0x1AD00] =	vst v63  }
0x32: {  	s19 =	rddreg [dreg:$0x9]  }
0x33: {  	[tilespmem:s18], [sflag:$0x1] =	stream.indirect.gather [hbm4b:s5+s6], $0x20, s16, s6, $0xb8;
	[tilespmem:$0x1AD00] =	vst v63  }
0x34: {  	s24 =	rddreg [dreg:$0x8]  }
0x35: {  	[tilespmem:s19], [sflag:$0x1] =	stream.indirect.gather [hbm4b:s5+s6], $0x20, s24, s6, $0xb8;
	[tilespmem:$0x1AD00] =	vst v63  }
0x36: {  	s25 =	rddreg [dreg:$0xa]  }
0x37: {  	[tilespmem:s15], [sflag:$0x1] =	stream.indirect.gather [hbm4b:s5+s6], $0x20, s25, s6, $0xb8;
	[tilespmem:$0x1AD00] =	vst v63  }
0x38: {  	s26 =	rddreg [dreg:$0xc]  }
0x39: {  	[tilespmem:s14], [sflag:$0x1] =	stream.indirect.gather [hbm4b:s5+s6], $0x20, s26, s6, $0xb8;
	[tilespmem:$0x1AD00] =	vst v63  }
0x3a: {  	s16 =	rddreg [dreg:$0xe]  }
0x3b: {  	[tilespmem:s13], [sflag:$0x1] =	stream.indirect.gather [hbm4b:s5+s6], $0x20, s16, s6, $0xb8;
	[tilespmem:$0x1AD00] =	vst v63  }
0x3c: {  	s18 =	rddreg [dreg:$0x10]  }
0x3d: {  	[tilespmem:s12], [sflag:$0x1] =	stream.indirect.gather [hbm4b:s5+s6], $0x20, s18, s6, $0xb8;
	[tilespmem:$0x1AD00] =	vst v63  }
0x3e: {  	s19 =	rddreg [dreg:$0x12]  }
0x3f: {  	[tilespmem:s11], [sflag:$0x1] =	stream.indirect.gather [hbm4b:s5+s6], $0x20, s19, s6, $0xb8;
	[tilespmem:$0x1AD00] =	vst v63  }
0x40: {  	s20 =	rddreg [dreg:$0x14]  }
0x41: {  	[tilespmem:s10], [sflag:$0x1] =	stream.indirect.gather [hbm4b:s5+s6], $0x20, s20, s6, $0xb8;
	[tilespmem:$0x1AD00] =	vst v63  }
0x42: {  	s21 =	rddreg [dreg:$0x16]  }
0x43: {  	[tilespmem:s9], [sflag:$0x1] =	stream.indirect.gather [hbm4b:s5+s6], $0x20, s21, s6, $0xb8;
	[tilespmem:$0x1AD00] =	vst v63  }
0x44: {  	s22 =	rddreg [dreg:$0x18]  }
0x45: {  	[tilespmem:s8], [sflag:$0x1] =	stream.indirect.gather [hbm4b:s5+s6], $0x20, s22, s6, $0xb8;
	[tilespmem:$0x1AD00] =	vst v63  }
0x46: {  	s23 =	rddreg [dreg:$0x1a]  }
0x47: {  	[tilespmem:s7], [sflag:$0x1] =	stream.indirect.gather [hbm4b:s5+s6], $0x20, s23, s6, $0xb8;
	[tilespmem:$0x1AD00] =	vst v63  }
0x48: {  	s24 =	rddreg [dreg:$0x1c]  }
0x49: {  	[tilespmem:s0], [sflag:$0x1] =	stream.indirect.gather [hbm4b:s5+s6], $0x20, s24, s6, $0xb8;
	[tilespmem:$0x1AD00] =	vst v63  }
0x4a: {  	s25 =	rddreg [dreg:$0x1e];
	s26 =	simm.s32 $0xED00  }
0x4b: {  	[tilespmem:s26], [sflag:$0x1] =	stream.indirect.gather [hbm4b:s5+s6], $0x20, s25, s6, $0xb8;
	[tilespmem:$0x1AD00] =	vst v63  }
0x4c: {  	s8 =	simm.s32 $0xFD00;
	s7 =	simm.s32 $0x780  }
0x4d: {  	[tilespmem:s8], [sflag:$0x1] =	stream.indirect.gather [hbm4b:s5+s6], $0x20, s7, s6, $0xb8;
	[tilespmem:$0x1AD00] =	vst v63  }
0x4e: {  	s10 =	simm.s32 $0x10D00;
	s9 =	simm.s32 $0x800  }
0x4f: {  	[tilespmem:s10], [sflag:$0x1] =	stream.indirect.gather [hbm4b:s5+s6], $0x20, s9, s6, $0xb8;
	[tilespmem:$0x1AD00] =	vst v63  }
0x50: {  	s12 =	simm.s32 $0x11D00;
	s11 =	simm.s32 $0x880  }
0x51: {  	[tilespmem:s12], [sflag:$0x1] =	stream.indirect.gather [hbm4b:s5+s6], $0x20, s11, s6, $0xb8;
	[tilespmem:$0x1AD00] =	vst v63  }
0x52: {  	s14 =	simm.s32 $0x12D00;
	s13 =	simm.s32 $0x900  }
0x53: {  	[tilespmem:s14], [sflag:$0x1] =	stream.indirect.gather [hbm4b:s5+s6], $0x20, s13, s6, $0xb8;
	[tilespmem:$0x1AD00] =	vst v63  }
0x54: {  	s15 =	simm.s32 $0x980;
	s16 =	simm.s32 $0x13D00  }
0x55: {  	[tilespmem:s16], [sflag:$0x1] =	stream.indirect.gather [hbm4b:s5+s6], $0x20, s15, s6, $0xb8;
	[tilespmem:$0x1AD00] =	vst v63  }
0x56: {  	s17 =	simm.s32 $0xA00;
	s18 =	simm.s32 $0x14D00  }
0x57: {  	[tilespmem:s18], [sflag:$0x1] =	stream.indirect.gather [hbm4b:s5+s6], $0x20, s17, s6, $0xb8;
	[tilespmem:$0x1AD00] =	vst v63  }
0x58: {  	s20 =	simm.s32 $0xA80;
	s21 =	simm.s32 $0x15D00  }
0x59: {  	[tilespmem:s21], [sflag:$0x1] =	stream.indirect.gather [hbm4b:s5+s6], $0x20, s20, s6, $0xb8;
	[tilespmem:$0x1AD00] =	vst v63  }
0x5a: {  	s22 =	simm.s32 $0xB00;
	s23 =	simm.s32 $0x16D00  }
0x5b: {  	[tilespmem:s23], [sflag:$0x1] =	stream.indirect.gather [hbm4b:s5+s6], $0x20, s22, s6, $0xb8;
	[tilespmem:$0x1AD00] =	vst v63  }
0x5c: {  	s25 =	simm.s32 $0xB80;
	s26 =	simm.s32 $0x17D00  }
0x5d: {  	[tilespmem:s26], [sflag:$0x1] =	stream.indirect.gather [hbm4b:s5+s6], $0x20, s25, s6, $0xb8;
	[tilespmem:$0x1AD00] =	vst v63  }
0x5e: {  	s28 =	simm.s32 $0xC00;
	s29 =	simm.s32 $0x18D00  }
0x5f: {  	[tilespmem:s29], [sflag:$0x1] =	stream.indirect.gather [hbm4b:s5+s6], $0x20, s28, s6, $0xb8;
	[tilespmem:$0x1AD00] =	vst v63  }
0x60: {  	s30 =	simm.s32 $0xC80;
	s31 =	simm.s32 $0x19D00;
	s24 =	simm.s32 $0x1  }
0x61: {  	[tilespmem:s31], [sflag:$0x1] =	stream.indirect.gather [hbm4b:s5+s6], $0x20, s30, s6, $0xb8;
	[tilespmem:$0x1AD00] =	vst v63  }
0x62: {  	_ =	swait.ge [sflag:s24], $0x1000  }
0x63: {  	[sflag:s24] =	ssyncset.done $0x0  }
0x64: {  	[sflag:s24] =	ssyncadd.s32 $0xFFFFF000  }
0x65: {  	_ =	swait.ge [sflag:s24], $0x1000  }
0x66: {  	[sflag:s24] =	ssyncset.done $0x0  }
0x67: {  	[sflag:s24] =	ssyncadd.s32 $0xFFFFF000  }
0x68: {  	_ =	swait.ge [sflag:s24], $0x1000  }
0x69: {  	[sflag:s24] =	ssyncset.done $0x0  }
0x6a: {  	[sflag:s24] =	ssyncadd.s32 $0xFFFFF000  }
0x6b: {  	_ =	swait.ge [sflag:s24], $0x1000  }
0x6c: {  	[sflag:s24] =	ssyncset.done $0x0  }
0x6d: {  	[sflag:s24] =	ssyncadd.s32 $0xFFFFF000  }
0x6e: {  	_ =	swait.ge [sflag:s24], $0x1000  }
0x6f: {  	[sflag:s24] =	ssyncset.done $0x0  }
0x70: {  	[sflag:s24] =	ssyncadd.s32 $0xFFFFF000  }
0x71: {  	_ =	swait.ge [sflag:s24], $0x1000  }
0x72: {  	[sflag:s24] =	ssyncset.done $0x0  }
0x73: {  	[sflag:s24] =	ssyncadd.s32 $0xFFFFF000  }
0x74: {  	_ =	swait.ge [sflag:s24], $0x1000  }
0x75: {  	[sflag:s24] =	ssyncset.done $0x0  }
0x76: {  	[sflag:s24] =	ssyncadd.s32 $0xFFFFF000  }
0x77: {  	_ =	swait.ge [sflag:s24], $0x1000  }
0x78: {  	[sflag:s24] =	ssyncset.done $0x0  }
0x79: {  	[sflag:s24] =	ssyncadd.s32 $0xFFFFF000  }
0x7a: {  	_ =	swait.ge [sflag:s24], $0x1000  }
0x7b: {  	[sflag:s24] =	ssyncset.done $0x0  }
0x7c: {  	[sflag:s24] =	ssyncadd.s32 $0xFFFFF000  }
0x7d: {  	_ =	swait.ge [sflag:s24], $0x1000  }
0x7e: {  	[sflag:s24] =	ssyncset.done $0x0  }
0x7f: {  	[sflag:s24] =	ssyncadd.s32 $0xFFFFF000  }
0x80: {  	_ =	swait.ge [sflag:s24], $0x1000  }
0x81: {  	[sflag:s24] =	ssyncset.done $0x0  }
0x82: {  	[sflag:s24] =	ssyncadd.s32 $0xFFFFF000  }
0x83: {  	_ =	swait.ge [sflag:s24], $0x1000  }
0x84: {  	[sflag:s24] =	ssyncset.done $0x0  }
0x85: {  	[sflag:s24] =	ssyncadd.s32 $0xFFFFF000  }
0x86: {  	_ =	swait.ge [sflag:s24], $0x1000  }
0x87: {  	[sflag:s24] =	ssyncset.done $0x0  }
0x88: {  	[sflag:s24] =	ssyncadd.s32 $0xFFFFF000  }
0x89: {  	_ =	swait.ge [sflag:s24], $0x1000  }
0x8a: {  	[sflag:s24] =	ssyncset.done $0x0  }
0x8b: {  	[sflag:s24] =	ssyncadd.s32 $0xFFFFF000  }
0x8c: {  	_ =	swait.ge [sflag:s24], $0x1000  }
0x8d: {  	[sflag:s24] =	ssyncset.done $0x0  }
0x8e: {  	[sflag:s24] =	ssyncadd.s32 $0xFFFFF000  }
0x8f: {  	_ =	swait.ge [sflag:s24], $0x1000  }
0x90: {  	[sflag:s24] =	ssyncset.done $0x0  }
0x91: {  	[sflag:s24] =	ssyncadd.s32 $0xFFFFF000  }
0x92: {  	_ =	swait.ge [sflag:s24], $0x1000  }
0x93: {  	[sflag:s24] =	ssyncset.done $0x0  }
0x94: {  	[sflag:s24] =	ssyncadd.s32 $0xFFFFF000  }
0x95: {  	_ =	swait.ge [sflag:s24], $0x1000  }
0x96: {  	[sflag:s24] =	ssyncset.done $0x0  }
0x97: {  	[sflag:s24] =	ssyncadd.s32 $0xFFFFF000  }
0x98: {  	_ =	swait.ge [sflag:s24], $0x1000  }
0x99: {  	[sflag:s24] =	ssyncset.done $0x0  }
0x9a: {  	[sflag:s24] =	ssyncadd.s32 $0xFFFFF000  }
0x9b: {  	_ =	swait.ge [sflag:s24], $0x1000  }
0x9c: {  	[sflag:s24] =	ssyncset.done $0x0  }
0x9d: {  	[sflag:s24] =	ssyncadd.s32 $0xFFFFF000  }
0x9e: {  	s19 =	ssub.s32 $0x2, s1;
	_ =	swait.ge [sflag:s24], $0x1000  }
0x9f: {  	s1 =	sshrl.u32 s19, $0x1;
	[sflag:s24] =	ssyncset.done $0x0  }
0xa0: {  	s0 =	ssub.s32 s19, s1;
	[sflag:s24] =	ssyncadd.s32 $0xFFFFF000  }
0xa1: {  	s0 =	smax.u32 s0, $0x1;
	_ =	swait.ge [sflag:s24], $0x1000  }
0xa2: {  	p0 =	sne.s32 s0, $0x1;
	[sflag:s24] =	ssyncset.done $0x0  }
.Ltmp0:
0xa3: {  	[sflag:s24] =	ssyncadd.s32 $0xFFFFF000;
	(pc) =	sbr.rel @!p0 .LBB2_2-.Ltmp0, $4  }
0xa4: {  	_ =	swait.ge [sflag:s24], $0x1000  }
0xa5: {  	[sflag:s24] =	ssyncset.done $0x0  }
0xa6: {  	[sflag:s24] =	ssyncadd.s32 $0xFFFFF000  }
0xa7: {  	s1 =	sadd.s32 $0xFFFFFFFF, s0;
	_ =	swait.ge [sflag:s24], $0x1000  }
.LBB2_1:
0xa8: {  	[sflag:s24] =	ssyncset.done $0x0  }
0xa9: {  	[sflag:s24] =	ssyncadd.s32 $0xFFFFF000  }
0xaa: {  	_ =	swait.ge [sflag:s24], $0x1000  }
0xab: {  	[sflag:s24] =	ssyncset.done $0x0  }
0xac: {  	[sflag:s24] =	ssyncadd.s32 $0xFFFFF000  }
0xad: {  	_ =	swait.ge [sflag:s24], $0x1000  }
0xae: {  	[sflag:s24] =	ssyncset.done $0x0  }
0xaf: {  	s0 =	rddreg [dreg:$0x4];
	[sflag:s24] =	ssyncadd.s32 $0xFFFFF000  }
0xb0: {  	[hbm4b:s0+s2] =	stream.linear.scatter [tilespmem:s4], [sflag:$0x2], $0x1A000, $0x38;
	[tilespmem:$0x1AD00] =	vst v63  }
0xb1: {  	_ =	swait.ge [sflag:s3], $0x1A000  }
0xb2: {  	[sflag:s3] =	ssyncset.done $0x0  }
0xb3: {  	s17 =	rddreg [dreg:$0x3];
	[sflag:s3] =	ssyncadd.s32 $0xFFFE6000  }
0xb4: {  	[tilespmem:s2], [sflag:$0x2] =	stream.linear.gather [hbm4b:s17+s2], $0xD00, $0x38;
	[tilespmem:$0x1AD00] =	vst v63  }
0xb5: {  	_ =	swait.ge [sflag:s3], $0xD00  }
0xb6: {  	s0 =	rddreg [dreg:$0x1d]  }
0xb7: {  	s7 =	rddreg [dreg:$0x1b]  }
0xb8: {  	s8 =	rddreg [dreg:$0x19]  }
0xb9: {  	s9 =	rddreg [dreg:$0x17]  }
0xba: {  	s10 =	rddreg [dreg:$0x15]  }
0xbb: {  	s11 =	rddreg [dreg:$0x13]  }
0xbc: {  	s12 =	rddreg [dreg:$0x11]  }
0xbd: {  	s13 =	rddreg [dreg:$0xf]  }
0xbe: {  	s14 =	rddreg [dreg:$0xd]  }
0xbf: {  	s15 =	rddreg [dreg:$0xb]  }
0xc0: {  	s16 =	rddreg [dreg:$0x6];
	[sflag:s3] =	ssyncset.done $0x0  }
0xc1: {  	s17 =	rddreg [dreg:$0x5];
	[sflag:s3] =	ssyncadd.s32 $0xFFFFF300  }
0xc2: {  	[tilespmem:s4], [sflag:$0x1] =	stream.indirect.gather [hbm4b:s5+s6], $0x20, s2, s6, $0xb8;
	[tilespmem:$0x1AD00] =	vst v63  }
0xc3: {  	s18 =	rddreg [dreg:$0x7]  }
0xc4: {  	[tilespmem:s17], [sflag:$0x1] =	stream.indirect.gather [hbm4b:s5+s6], $0x20, s6, s6, $0xb8;
	[tilespmem:$0x1AD00] =	vst v63  }
0xc5: {  	s19 =	rddreg [dreg:$0x9]  }
0xc6: {  	[tilespmem:s18], [sflag:$0x1] =	stream.indirect.gather [hbm4b:s5+s6], $0x20, s16, s6, $0xb8;
	[tilespmem:$0x1AD00] =	vst v63  }
0xc7: {  	s17 =	rddreg [dreg:$0x8]  }
0xc8: {  	[tilespmem:s19], [sflag:$0x1] =	stream.indirect.gather [hbm4b:s5+s6], $0x20, s17, s6, $0xb8;
	[tilespmem:$0x1AD00] =	vst v63  }
0xc9: {  	s18 =	rddreg [dreg:$0xa]  }
0xca: {  	[tilespmem:s15], [sflag:$0x1] =	stream.indirect.gather [hbm4b:s5+s6], $0x20, s18, s6, $0xb8;
	[tilespmem:$0x1AD00] =	vst v63  }
0xcb: {  	s19 =	rddreg [dreg:$0xc]  }
0xcc: {  	[tilespmem:s14], [sflag:$0x1] =	stream.indirect.gather [hbm4b:s5+s6], $0x20, s19, s6, $0xb8;
	[tilespmem:$0x1AD00] =	vst v63  }
0xcd: {  	s16 =	rddreg [dreg:$0xe]  }
0xce: {  	[tilespmem:s13], [sflag:$0x1] =	stream.indirect.gather [hbm4b:s5+s6], $0x20, s16, s6, $0xb8;
	[tilespmem:$0x1AD00] =	vst v63  }
0xcf: {  	s17 =	rddreg [dreg:$0x10]  }
0xd0: {  	[tilespmem:s12], [sflag:$0x1] =	stream.indirect.gather [hbm4b:s5+s6], $0x20, s17, s6, $0xb8;
	[tilespmem:$0x1AD00] =	vst v63  }
0xd1: {  	s18 =	rddreg [dreg:$0x12]  }
0xd2: {  	[tilespmem:s11], [sflag:$0x1] =	stream.indirect.gather [hbm4b:s5+s6], $0x20, s18, s6, $0xb8;
	[tilespmem:$0x1AD00] =	vst v63  }
0xd3: {  	s19 =	rddreg [dreg:$0x14]  }
0xd4: {  	[tilespmem:s10], [sflag:$0x1] =	stream.indirect.gather [hbm4b:s5+s6], $0x20, s19, s6, $0xb8;
	[tilespmem:$0x1AD00] =	vst v63  }
0xd5: {  	s14 =	rddreg [dreg:$0x16]  }
0xd6: {  	[tilespmem:s9], [sflag:$0x1] =	stream.indirect.gather [hbm4b:s5+s6], $0x20, s14, s6, $0xb8;
	[tilespmem:$0x1AD00] =	vst v63  }
0xd7: {  	s15 =	rddreg [dreg:$0x18]  }
0xd8: {  	[tilespmem:s8], [sflag:$0x1] =	stream.indirect.gather [hbm4b:s5+s6], $0x20, s15, s6, $0xb8;
	[tilespmem:$0x1AD00] =	vst v63  }
0xd9: {  	s16 =	rddreg [dreg:$0x1a]  }
0xda: {  	[tilespmem:s7], [sflag:$0x1] =	stream.indirect.gather [hbm4b:s5+s6], $0x20, s16, s6, $0xb8;
	[tilespmem:$0x1AD00] =	vst v63  }
0xdb: {  	s17 =	rddreg [dreg:$0x1c]  }
0xdc: {  	[tilespmem:s0], [sflag:$0x1] =	stream.indirect.gather [hbm4b:s5+s6], $0x20, s17, s6, $0xb8;
	[tilespmem:$0x1AD00] =	vst v63  }
0xdd: {  	s18 =	rddreg [dreg:$0x1e];
	s19 =	simm.s32 $0xED00  }
0xde: {  	[tilespmem:s19], [sflag:$0x1] =	stream.indirect.gather [hbm4b:s5+s6], $0x20, s18, s6, $0xb8;
	[tilespmem:$0x1AD00] =	vst v63  }
0xdf: {  	s9 =	simm.s32 $0xFD00;
	s8 =	simm.s32 $0x780  }
0xe0: {  	[tilespmem:s9], [sflag:$0x1] =	stream.indirect.gather [hbm4b:s5+s6], $0x20, s8, s6, $0xb8;
	[tilespmem:$0x1AD00] =	vst v63  }
0xe1: {  	s11 =	simm.s32 $0x10D00;
	s10 =	simm.s32 $0x800  }
0xe2: {  	[tilespmem:s11], [sflag:$0x1] =	stream.indirect.gather [hbm4b:s5+s6], $0x20, s10, s6, $0xb8;
	[tilespmem:$0x1AD00] =	vst v63  }
0xe3: {  	s13 =	simm.s32 $0x11D00;
	s12 =	simm.s32 $0x880  }
0xe4: {  	[tilespmem:s13], [sflag:$0x1] =	stream.indirect.gather [hbm4b:s5+s6], $0x20, s12, s6, $0xb8;
	[tilespmem:$0x1AD00] =	vst v63  }
0xe5: {  	s14 =	simm.s32 $0x900;
	s15 =	simm.s32 $0x12D00  }
0xe6: {  	[tilespmem:s15], [sflag:$0x1] =	stream.indirect.gather [hbm4b:s5+s6], $0x20, s14, s6, $0xb8;
	[tilespmem:$0x1AD00] =	vst v63  }
0xe7: {  	s16 =	simm.s32 $0x980;
	s17 =	simm.s32 $0x13D00  }
0xe8: {  	[tilespmem:s17], [sflag:$0x1] =	stream.indirect.gather [hbm4b:s5+s6], $0x20, s16, s6, $0xb8;
	[tilespmem:$0x1AD00] =	vst v63  }
0xe9: {  	s18 =	simm.s32 $0xA00;
	s19 =	simm.s32 $0x14D00  }
0xea: {  	[tilespmem:s19], [sflag:$0x1] =	stream.indirect.gather [hbm4b:s5+s6], $0x20, s18, s6, $0xb8;
	[tilespmem:$0x1AD00] =	vst v63  }
0xeb: {  	_ = 	snop  }
0xec: {  	[tilespmem:s21], [sflag:$0x1] =	stream.indirect.gather [hbm4b:s5+s6], $0x20, s20, s6, $0xb8;
	[tilespmem:$0x1AD00] =	vst v63  }
0xed: {  	_ = 	snop  }
0xee: {  	[tilespmem:s23], [sflag:$0x1] =	stream.indirect.gather [hbm4b:s5+s6], $0x20, s22, s6, $0xb8;
	[tilespmem:$0x1AD00] =	vst v63  }
0xef: {  	_ = 	snop  }
0xf0: {  	[tilespmem:s26], [sflag:$0x1] =	stream.indirect.gather [hbm4b:s5+s6], $0x20, s25, s6, $0xb8;
	[tilespmem:$0x1AD00] =	vst v63  }
0xf1: {  	_ = 	snop  }
0xf2: {  	[tilespmem:s29], [sflag:$0x1] =	stream.indirect.gather [hbm4b:s5+s6], $0x20, s28, s6, $0xb8;
	[tilespmem:$0x1AD00] =	vst v63  }
0xf3: {  	_ = 	snop  }
0xf4: {  	[tilespmem:s31], [sflag:$0x1] =	stream.indirect.gather [hbm4b:s5+s6], $0x20, s30, s6, $0xb8;
	[tilespmem:$0x1AD00] =	vst v63  }
0xf5: {  	_ =	swait.ge [sflag:s24], $0x1000  }
0xf6: {  	[sflag:s24] =	ssyncset.done $0x0  }
0xf7: {  	[sflag:s24] =	ssyncadd.s32 $0xFFFFF000  }
0xf8: {  	_ =	swait.ge [sflag:s24], $0x1000  }
0xf9: {  	[sflag:s24] =	ssyncset.done $0x0  }
0xfa: {  	[sflag:s24] =	ssyncadd.s32 $0xFFFFF000  }
0xfb: {  	_ =	swait.ge [sflag:s24], $0x1000  }
0xfc: {  	[sflag:s24] =	ssyncset.done $0x0  }
0xfd: {  	[sflag:s24] =	ssyncadd.s32 $0xFFFFF000  }
0xfe: {  	_ =	swait.ge [sflag:s24], $0x1000  }
0xff: {  	[sflag:s24] =	ssyncset.done $0x0  }
0x100: {  	[sflag:s24] =	ssyncadd.s32 $0xFFFFF000  }
0x101: {  	_ =	swait.ge [sflag:s24], $0x1000  }
0x102: {  	[sflag:s24] =	ssyncset.done $0x0  }
0x103: {  	[sflag:s24] =	ssyncadd.s32 $0xFFFFF000  }
0x104: {  	_ =	swait.ge [sflag:s24], $0x1000  }
0x105: {  	[sflag:s24] =	ssyncset.done $0x0  }
0x106: {  	[sflag:s24] =	ssyncadd.s32 $0xFFFFF000  }
0x107: {  	_ =	swait.ge [sflag:s24], $0x1000  }
0x108: {  	[sflag:s24] =	ssyncset.done $0x0  }
0x109: {  	[sflag:s24] =	ssyncadd.s32 $0xFFFFF000  }
0x10a: {  	_ =	swait.ge [sflag:s24], $0x1000  }
0x10b: {  	[sflag:s24] =	ssyncset.done $0x0  }
0x10c: {  	[sflag:s24] =	ssyncadd.s32 $0xFFFFF000  }
0x10d: {  	_ =	swait.ge [sflag:s24], $0x1000  }
0x10e: {  	[sflag:s24] =	ssyncset.done $0x0  }
0x10f: {  	[sflag:s24] =	ssyncadd.s32 $0xFFFFF000  }
0x110: {  	_ =	swait.ge [sflag:s24], $0x1000  }
0x111: {  	[sflag:s24] =	ssyncset.done $0x0  }
0x112: {  	[sflag:s24] =	ssyncadd.s32 $0xFFFFF000  }
0x113: {  	_ =	swait.ge [sflag:s24], $0x1000  }
0x114: {  	[sflag:s24] =	ssyncset.done $0x0  }
0x115: {  	[sflag:s24] =	ssyncadd.s32 $0xFFFFF000  }
0x116: {  	_ =	swait.ge [sflag:s24], $0x1000  }
0x117: {  	[sflag:s24] =	ssyncset.done $0x0  }
0x118: {  	[sflag:s24] =	ssyncadd.s32 $0xFFFFF000  }
0x119: {  	_ =	swait.ge [sflag:s24], $0x1000  }
0x11a: {  	[sflag:s24] =	ssyncset.done $0x0  }
0x11b: {  	[sflag:s24] =	ssyncadd.s32 $0xFFFFF000  }
0x11c: {  	_ =	swait.ge [sflag:s24], $0x1000  }
0x11d: {  	[sflag:s24] =	ssyncset.done $0x0  }
0x11e: {  	[sflag:s24] =	ssyncadd.s32 $0xFFFFF000  }
0x11f: {  	_ =	swait.ge [sflag:s24], $0x1000  }
0x120: {  	[sflag:s24] =	ssyncset.done $0x0  }
0x121: {  	[sflag:s24] =	ssyncadd.s32 $0xFFFFF000  }
0x122: {  	_ =	swait.ge [sflag:s24], $0x1000  }
0x123: {  	[sflag:s24] =	ssyncset.done $0x0  }
0x124: {  	[sflag:s24] =	ssyncadd.s32 $0xFFFFF000  }
0x125: {  	_ =	swait.ge [sflag:s24], $0x1000  }
0x126: {  	[sflag:s24] =	ssyncset.done $0x0  }
0x127: {  	[sflag:s24] =	ssyncadd.s32 $0xFFFFF000  }
0x128: {  	_ =	swait.ge [sflag:s24], $0x1000  }
0x129: {  	[sflag:s24] =	ssyncset.done $0x0  }
0x12a: {  	[sflag:s24] =	ssyncadd.s32 $0xFFFFF000  }
0x12b: {  	_ =	swait.ge [sflag:s24], $0x1000  }
0x12c: {  	[sflag:s24] =	ssyncset.done $0x0  }
0x12d: {  	[sflag:s24] =	ssyncadd.s32 $0xFFFFF000  }
0x12e: {  	_ =	swait.ge [sflag:s24], $0x1000  }
0x12f: {  	[sflag:s24] =	ssyncset.done $0x0  }
0x130: {  	[sflag:s24] =	ssyncadd.s32 $0xFFFFF000  }
0x131: {  	_ =	swait.ge [sflag:s24], $0x1000  }
0x132: {  	[sflag:s24] =	ssyncset.done $0x0  }
0x133: {  	[sflag:s24] =	ssyncadd.s32 $0xFFFFF000  }
0x134: {  	_ =	swait.ge [sflag:s24], $0x1000  }
0x135: {  	p0 =	sne.s32 s1, $0x1;
	[sflag:s24] =	ssyncset.done $0x0  }
.Ltmp1:
0x136: {  	[sflag:s24] =	ssyncadd.s32 $0xFFFFF000;
	(pc) =	sbr.rel @p0 .LBB2_1-.Ltmp1, $4  }
0x137: {  	_ =	swait.ge [sflag:s24], $0x1000  }
0x138: {  	[sflag:s24] =	ssyncset.done $0x0  }
0x139: {  	[sflag:s24] =	ssyncadd.s32 $0xFFFFF000  }
0x13a: {  	s1 =	sadd.s32 $0xFFFFFFFF, s1;
	_ =	swait.ge [sflag:s24], $0x1000  }
.LBB2_2:
0x13b: {  	[sflag:s24] =	ssyncset.done $0x0  }
0x13c: {  	[sflag:s24] =	ssyncadd.s32 $0xFFFFF000  }
0x13d: {  	_ =	swait.ge [sflag:s24], $0x1000  }
0x13e: {  	[sflag:s24] =	ssyncset.done $0x0  }
0x13f: {  	[sflag:s24] =	ssyncadd.s32 $0xFFFFF000  }
0x140: {  	_ =	swait.ge [sflag:s24], $0x1000  }
0x141: {  	[sflag:s24] =	ssyncset.done $0x0  }
0x142: {  	s0 =	rddreg [dreg:$0x4];
	[sflag:s24] =	ssyncadd.s32 $0xFFFFF000  }
0x143: {  	[hbm4b:s0+s2] =	stream.linear.scatter [tilespmem:s4], [sflag:$0x2], $0x1A000, $0x38;
	[tilespmem:$0x1AD00] =	vst v63  }
0x144: {  	_ =	swait.ge [sflag:s3], $0x1A000  }
0x145: {  	[sflag:s3] =	ssyncset.done $0x0  }
0x146: {  	[sflag:s3] =	ssyncadd.s32 $0xFFFE6000  }
0x147: {  	_ =	sfence.sel $0x180000  }
0x148: {  	[bflag:$0x0] =	sbarrier.arrive $0xFFFF  }
0x149: {  	_ =	strace $0x90000047  }
0x14a: {  	s31 =	stileid.u32;
	[bflag:$0x2] =	sbarrier.arrive $0xFFFF  }
0x14b: {  	p0 =	sne.s32 s31, $0x0;
	s0 =	rddreg [dreg:$0x2]  }
0x14c: {  	s0 =	sadd.s32 @!p0 $0x100000, s0  }
0x14d: {  	[sflag:s0] =	ssyncadd.tile.s32 @!p0 $0x1;
	_ =	shalt  }
.Lfunc_end2:
_tile_overlayer_lowered:
.L_overlay_start_2:
0x14e: {  	(tag) =	ssettag $0x2  }
0x14f: {  	s0 =	rddreg [dreg:$0x0];
	s2 =	stileid.u32  }
0x150: {  	s1 =	rddreg [dreg:$0x1];
	p0 =	sne.s32 s2, $0x0  }
0x151: {  	s3 =	rddreg [dreg:$0x2];
	[bflag:$0x3] =	sbarrier.arrive $0xFFFF;
	s2 =	simm.s32 @!p0 $0x1C02  }
0x152: {  	[timem:s3], [sflag:s2] =	dma.local @!p0 [hbm:s0], s1  }
0x153: {  	s0 =	simm.s32 @!p0 $0x2  }
0x154: {  	_ =	swait.ge @!p0 [sflag:s0], s1  }
0x155: {  	s1 =	ssub.s32 @!p0 $0x0, s1;
	[sflag:s0] =	ssyncset.done @!p0 $0x0  }
0x156: {  	[sflag:s0] =	ssyncadd.s32 @!p0 s1  }
0x157: {  	[bflag:$0x3] =	sbarrier.arrive $0xFFFF  }
0x158: {  	_ =	shalt  }

</sc_bundles>
